<compile_context>
chip_gen: v7x
topology: tpu7x:2x2x1
jax: 0.10.2.dev20260603
libtpu: 0.0.44.dev20260713+nightly
codegen_flags: <defaults>
</compile_context>

<pallas_src>
import functools

import jax
import jax.numpy as jnp
from jax import lax
from jax.experimental import pallas as pl
from jax.experimental.pallas import tpu as pltpu
from jax.experimental.pallas import tpu_sc as plsc

_N_FIELDS = 26
_VOCAB = 100000
_EMBED_DIM = 32
_BATCH = 16384

_NC = 2
_NS = 16
_LANES = 16

_N_OUT_ROWS = _N_FIELDS * _EMBED_DIM
_RT = 8
_BLK = _RT * _VOCAB
_N_ROUNDS = _N_OUT_ROWS // _RT // _NC
_CHUNK = _BLK // _NS
_BPS = _BATCH // _NS
_QS = _BPS // 128


def _sc_gather(idx3, tab1):
    mesh = plsc.VectorSubcoreMesh(core_axis_name="c", subcore_axis_name="s")

    @functools.partial(
        pl.kernel,
        mesh=mesh,
        out_type=jax.ShapeDtypeStruct((_N_OUT_ROWS, _BATCH), jnp.float32),
        scratch_types=[
            pltpu.VMEM((_QS, 128), jnp.int32),
            pltpu.VMEM((_RT, _QS, 128), jnp.int32),
            pltpu.VMEM((_RT, _BPS), jnp.float32),
            pltpu.VMEM_SHARED((2 * _BLK,), jnp.float32),
            pltpu.SemaphoreType.DMA,
            pltpu.SemaphoreType.DMA,
        ],
    )
    def k(idx_hbm, tab_hbm, out_hbm, idxv, eidx, rows_v, sh, gsem, ssem):
        c = lax.axis_index("c")
        s = lax.axis_index("s")
        rt0 = _N_ROUNDS * c

        _PCH = 6400
        _NPC = _BLK // _PCH
        _KMAX = (_NPC + _NS - 1) // _NS

        def stage(m, buf):
            for kk in range(_KMAX):
                p = kk * _NS + s

                @pl.when(p < _NPC)
                def _():
                    pltpu.async_copy(
                        tab_hbm.at[pl.ds((rt0 + m) * _BLK + p * _PCH,
                                         _PCH)],
                        sh.at[pl.ds(buf * _BLK + p * _PCH, _PCH)], ssem)

        def drain_stage(buf):
            for kk in range(_KMAX):
                p = kk * _NS + s

                @pl.when(p < _NPC)
                def _():
                    pltpu.make_async_copy(
                        tab_hbm.at[pl.ds(0, _PCH)],
                        sh.at[pl.ds(buf * _BLK + p * _PCH, _PCH)],
                        ssem).wait()

        def do_round(m, buf):
            rt = rt0 + m
            f = lax.div(rt * _RT, _EMBED_DIM)
            pltpu.sync_copy(idx_hbm.at[f, pl.ds(_QS * s, _QS)], idxv)
            sbase = buf * _BLK

            def fire_row(ld, c2):
                base = sbase + ld * _VOCAB
                for q in range(_QS):
                    for l in range(128 // _LANES):
                        sl = pl.ds(l * _LANES, _LANES)
                        eidx[ld, q, sl] = idxv[q, sl] + base
                    pltpu.async_copy(sh.at[eidx.at[ld, q]],
                                     rows_v.at[ld, pl.ds(q * 128, 128)],
                                     gsem)
                return c2

            lax.fori_loop(0, _RT, fire_row, 0, unroll=False)
            pltpu.make_async_copy(
                out_hbm.at[pl.ds(0, _RT), pl.ds(0, _BPS)], rows_v,
                gsem).wait()

            def write_row(ld, c2):
                pltpu.sync_copy(rows_v.at[ld],
                                out_hbm.at[rt * _RT + ld,
                                           pl.ds(_BPS * s, _BPS)])
                return c2

            lax.fori_loop(0, _RT, write_row, 0, unroll=False)

        stage(0, 0)
        drain_stage(0)
        plsc.subcore_barrier()

        def pair(mm, carry):
            for d in range(2):
                m = mm + d
                buf = d
                @pl.when(m + 1 < _N_ROUNDS)
                def _():
                    stage(m + 1, 1 - buf)
                do_round(m, buf)
                @pl.when(m + 1 < _N_ROUNDS)
                def _():
                    drain_stage(1 - buf)
                plsc.subcore_barrier()
            return carry

        lax.fori_loop(0, _N_ROUNDS // 2, lambda i, u: pair(2 * i, u), 0,
                      unroll=False)

    return k(idx3, tab1)


def kernel(inputs, tables):
    idx3 = inputs.astype(jnp.int32).T.reshape(_N_FIELDS, _BATCH // 128, 128)
    tab1 = jnp.transpose(tables, (0, 2, 1)).reshape(-1)
    out = _sc_gather(idx3, tab1)
    return out.T.reshape(_BATCH, _N_FIELDS * _EMBED_DIM)

# --- scband reference (transcript-rebuilt; emitter-appended) ---
"""Pipeline reference for scband-multi-embedding-27084063768779 (READ-ONLY COPY).

The authoritative reference and input builder live on the scoring server;
editing this copy changes nothing except your own understanding.
"""

import jax, jax.numpy as jnp
import numpy as np

N_FIELDS = 26
VOCAB = 100000
EMBED_DIM = 32
BATCH = 16384

def setup_inputs(seed: int = 0) -> dict:
    key = jax.random.key(seed)
    k_idx, k_tab = jax.random.split(key)
    inputs = jax.random.randint(k_idx, (BATCH, N_FIELDS), 0, VOCAB, dtype=jnp.int64 if jax.config.jax_enable_x64 else jnp.int32)
    # One embedding table per field; all fields share vocab size here, so stack into one param tensor
    tables = jax.random.normal(k_tab, (N_FIELDS, VOCAB, EMBED_DIM), dtype=jnp.float32) * 0.05
    return {"inputs": inputs, "tables": tables}

def reference(inputs, tables):
    # Faithful translation of MultiEmbedding.call: per-field embedding lookup, concat on last axis
    outs = []
    for i in range(N_FIELDS):
        outs.append(jnp.take(tables[i], inputs[..., i], axis=0))
    return jnp.concatenate(outs, axis=-1)

if __name__ == "__main__":
    import jax
    _d = setup_inputs()
    print(jax.jit(kernel)(*tuple(_d.values())))

</pallas_src>

<mosaic_0001>
#map = affine_map<(d0, d1) -> (0, 0, 0)>
#map1 = affine_map<(d0, d1) -> (0)>
#map2 = affine_map<(d0, d1) -> (0, 0)>
module attributes {stable_mosaic.version = 14 : i64} {
  func.func @k(%arg0: i32, %arg1: i32, %arg2: memref<26x128x128xi32, #tpu.memory_space<hbm>>, %arg3: memref<83200000xf32, #tpu.memory_space<hbm>>, %arg4: memref<832x16384xf32, #tpu.memory_space<hbm>>, %arg5: memref<8x128xi32, #tpu.memory_space<vmem>>, %arg6: memref<8x8x128xi32, #tpu.memory_space<vmem>>, %arg7: memref<8x1024xf32, #tpu.memory_space<vmem>>, %arg8: memref<1600000xf32, #tpu.memory_space<vmem_shared>>, %arg9: memref<!tpu.dma_semaphore, #tpu.memory_space<semaphore_mem>>, %arg10: memref<!tpu.dma_semaphore, #tpu.memory_space<semaphore_mem>>) attributes {dimension_semantics = [#tpu.dimension_semantics<core_parallel>, #tpu.dimension_semantics<subcore_parallel>], iteration_bounds = array<i64: 2, 16>, scalar_prefetch = 0 : i64, scratch_operands = 6 : i64, tpu.core_type = #tpu.core_type<sc_vector_subcore>, window_params = [{transform_indices = #map}, {transform_indices = #map1}, {transform_indices = #map2}]} {
    %mul3A = arith.constant 52 : i32
    %mul3A_0 = arith.muli %mul3A, %arg0 : i32
    %add3A = arith.constant 0 : i32
    %add3A_1 = arith.addi %add3A, %arg1 : i32
    %lt3A = arith.constant 125 : i32
    %lt3A_2 = arith.cmpi slt, %add3A_1, %lt3A : i32
    %convert_element_type3A = arith.extui %lt3A_2 : i1 to i32
    %cond3A = arith.constant 0 : i32
    %cond3A_3 = arith.cmpi ne, %convert_element_type3A, %cond3A : i32
    scf.if %cond3A_3 {
      %add3A_114 = arith.constant 0 : i32
      %add3A_115 = arith.addi %mul3A_0, %add3A_114 : i32
      %mul3A_116 = arith.constant 800000 : i32
      %mul3A_117 = arith.muli %add3A_115, %mul3A_116 : i32
      %mul3A_118 = arith.constant 6400 : i32
      %mul3A_119 = arith.muli %add3A_1, %mul3A_118 : i32
      %add3A_120 = arith.addi %mul3A_117, %mul3A_119 : i32
      %mul3A_121 = arith.constant 6400 : i32
      %mul3A_122 = arith.muli %add3A_1, %mul3A_121 : i32
      %add3A_123 = arith.constant 0 : i32
      %add3A_124 = arith.addi %add3A_123, %mul3A_122 : i32
      %dma_start3A = tpu.memref_slice %arg8[%add3A_124] : memref<1600000xf32, #tpu.memory_space<vmem_shared>> -> memref<6400xf32, #tpu.memory_space<vmem_shared>>
      %dma_start3A_125 = tpu.memref_slice %arg3[%add3A_120] : memref<83200000xf32, #tpu.memory_space<hbm>> -> memref<6400xf32, #tpu.memory_space<hbm>>
      tpu.enqueue_dma source(%dma_start3A_125 : memref<6400xf32, #tpu.memory_space<hbm>>) target(%dma_start3A : memref<6400xf32, #tpu.memory_space<vmem_shared>>) target_semaphore(%arg10 : memref<!tpu.dma_semaphore, #tpu.memory_space<semaphore_mem>>)
    } else {
    }
    %add3A_4 = arith.constant 16 : i32
    %add3A_5 = arith.addi %add3A_4, %arg1 : i32
    %lt3A_6 = arith.constant 125 : i32
    %lt3A_7 = arith.cmpi slt, %add3A_5, %lt3A_6 : i32
    %convert_element_type3A_8 = arith.extui %lt3A_7 : i1 to i32
    %cond3A_9 = arith.constant 0 : i32
    %cond3A_10 = arith.cmpi ne, %convert_element_type3A_8, %cond3A_9 : i32
    scf.if %cond3A_10 {
      %add3A_114 = arith.constant 0 : i32
      %add3A_115 = arith.addi %mul3A_0, %add3A_114 : i32
      %mul3A_116 = arith.constant 800000 : i32
      %mul3A_117 = arith.muli %add3A_115, %mul3A_116 : i32
      %mul3A_118 = arith.constant 6400 : i32
      %mul3A_119 = arith.muli %add3A_5, %mul3A_118 : i32
      %add3A_120 = arith.addi %mul3A_117, %mul3A_119 : i32
      %mul3A_121 = arith.constant 6400 : i32
      %mul3A_122 = arith.muli %add3A_5, %mul3A_121 : i32
      %add3A_123 = arith.constant 0 : i32
      %add3A_124 = arith.addi %add3A_123, %mul3A_122 : i32
      %dma_start3A = tpu.memref_slice %arg8[%add3A_124] : memref<1600000xf32, #tpu.memory_space<vmem_shared>> -> memref<6400xf32, #tpu.memory_space<vmem_shared>>
      %dma_start3A_125 = tpu.memref_slice %arg3[%add3A_120] : memref<83200000xf32, #tpu.memory_space<hbm>> -> memref<6400xf32, #tpu.memory_space<hbm>>
      tpu.enqueue_dma source(%dma_start3A_125 : memref<6400xf32, #tpu.memory_space<hbm>>) target(%dma_start3A : memref<6400xf32, #tpu.memory_space<vmem_shared>>) target_semaphore(%arg10 : memref<!tpu.dma_semaphore, #tpu.memory_space<semaphore_mem>>)
    } else {
    }
    %add3A_11 = arith.constant 32 : i32
    %add3A_12 = arith.addi %add3A_11, %arg1 : i32
    %lt3A_13 = arith.constant 125 : i32
    %lt3A_14 = arith.cmpi slt, %add3A_12, %lt3A_13 : i32
    %convert_element_type3A_15 = arith.extui %lt3A_14 : i1 to i32
    %cond3A_16 = arith.constant 0 : i32
    %cond3A_17 = arith.cmpi ne, %convert_element_type3A_15, %cond3A_16 : i32
    scf.if %cond3A_17 {
      %add3A_114 = arith.constant 0 : i32
      %add3A_115 = arith.addi %mul3A_0, %add3A_114 : i32
      %mul3A_116 = arith.constant 800000 : i32
      %mul3A_117 = arith.muli %add3A_115, %mul3A_116 : i32
      %mul3A_118 = arith.constant 6400 : i32
      %mul3A_119 = arith.muli %add3A_12, %mul3A_118 : i32
      %add3A_120 = arith.addi %mul3A_117, %mul3A_119 : i32
      %mul3A_121 = arith.constant 6400 : i32
      %mul3A_122 = arith.muli %add3A_12, %mul3A_121 : i32
      %add3A_123 = arith.constant 0 : i32
      %add3A_124 = arith.addi %add3A_123, %mul3A_122 : i32
      %dma_start3A = tpu.memref_slice %arg8[%add3A_124] : memref<1600000xf32, #tpu.memory_space<vmem_shared>> -> memref<6400xf32, #tpu.memory_space<vmem_shared>>
      %dma_start3A_125 = tpu.memref_slice %arg3[%add3A_120] : memref<83200000xf32, #tpu.memory_space<hbm>> -> memref<6400xf32, #tpu.memory_space<hbm>>
      tpu.enqueue_dma source(%dma_start3A_125 : memref<6400xf32, #tpu.memory_space<hbm>>) target(%dma_start3A : memref<6400xf32, #tpu.memory_space<vmem_shared>>) target_semaphore(%arg10 : memref<!tpu.dma_semaphore, #tpu.memory_space<semaphore_mem>>)
    } else {
    }
    %add3A_18 = arith.constant 48 : i32
    %add3A_19 = arith.addi %add3A_18, %arg1 : i32
    %lt3A_20 = arith.constant 125 : i32
    %lt3A_21 = arith.cmpi slt, %add3A_19, %lt3A_20 : i32
    %convert_element_type3A_22 = arith.extui %lt3A_21 : i1 to i32
    %cond3A_23 = arith.constant 0 : i32
    %cond3A_24 = arith.cmpi ne, %convert_element_type3A_22, %cond3A_23 : i32
    scf.if %cond3A_24 {
      %add3A_114 = arith.constant 0 : i32
      %add3A_115 = arith.addi %mul3A_0, %add3A_114 : i32
      %mul3A_116 = arith.constant 800000 : i32
      %mul3A_117 = arith.muli %add3A_115, %mul3A_116 : i32
      %mul3A_118 = arith.constant 6400 : i32
      %mul3A_119 = arith.muli %add3A_19, %mul3A_118 : i32
      %add3A_120 = arith.addi %mul3A_117, %mul3A_119 : i32
      %mul3A_121 = arith.constant 6400 : i32
      %mul3A_122 = arith.muli %add3A_19, %mul3A_121 : i32
      %add3A_123 = arith.constant 0 : i32
      %add3A_124 = arith.addi %add3A_123, %mul3A_122 : i32
      %dma_start3A = tpu.memref_slice %arg8[%add3A_124] : memref<1600000xf32, #tpu.memory_space<vmem_shared>> -> memref<6400xf32, #tpu.memory_space<vmem_shared>>
      %dma_start3A_125 = tpu.memref_slice %arg3[%add3A_120] : memref<83200000xf32, #tpu.memory_space<hbm>> -> memref<6400xf32, #tpu.memory_space<hbm>>
      tpu.enqueue_dma source(%dma_start3A_125 : memref<6400xf32, #tpu.memory_space<hbm>>) target(%dma_start3A : memref<6400xf32, #tpu.memory_space<vmem_shared>>) target_semaphore(%arg10 : memref<!tpu.dma_semaphore, #tpu.memory_space<semaphore_mem>>)
    } else {
    }
    %add3A_25 = arith.constant 64 : i32
    %add3A_26 = arith.addi %add3A_25, %arg1 : i32
    %lt3A_27 = arith.constant 125 : i32
    %lt3A_28 = arith.cmpi slt, %add3A_26, %lt3A_27 : i32
    %convert_element_type3A_29 = arith.extui %lt3A_28 : i1 to i32
    %cond3A_30 = arith.constant 0 : i32
    %cond3A_31 = arith.cmpi ne, %convert_element_type3A_29, %cond3A_30 : i32
    scf.if %cond3A_31 {
      %add3A_114 = arith.constant 0 : i32
      %add3A_115 = arith.addi %mul3A_0, %add3A_114 : i32
      %mul3A_116 = arith.constant 800000 : i32
      %mul3A_117 = arith.muli %add3A_115, %mul3A_116 : i32
      %mul3A_118 = arith.constant 6400 : i32
      %mul3A_119 = arith.muli %add3A_26, %mul3A_118 : i32
      %add3A_120 = arith.addi %mul3A_117, %mul3A_119 : i32
      %mul3A_121 = arith.constant 6400 : i32
      %mul3A_122 = arith.muli %add3A_26, %mul3A_121 : i32
      %add3A_123 = arith.constant 0 : i32
      %add3A_124 = arith.addi %add3A_123, %mul3A_122 : i32
      %dma_start3A = tpu.memref_slice %arg8[%add3A_124] : memref<1600000xf32, #tpu.memory_space<vmem_shared>> -> memref<6400xf32, #tpu.memory_space<vmem_shared>>
      %dma_start3A_125 = tpu.memref_slice %arg3[%add3A_120] : memref<83200000xf32, #tpu.memory_space<hbm>> -> memref<6400xf32, #tpu.memory_space<hbm>>
      tpu.enqueue_dma source(%dma_start3A_125 : memref<6400xf32, #tpu.memory_space<hbm>>) target(%dma_start3A : memref<6400xf32, #tpu.memory_space<vmem_shared>>) target_semaphore(%arg10 : memref<!tpu.dma_semaphore, #tpu.memory_space<semaphore_mem>>)
    } else {
    }
    %add3A_32 = arith.constant 80 : i32
    %add3A_33 = arith.addi %add3A_32, %arg1 : i32
    %lt3A_34 = arith.constant 125 : i32
    %lt3A_35 = arith.cmpi slt, %add3A_33, %lt3A_34 : i32
    %convert_element_type3A_36 = arith.extui %lt3A_35 : i1 to i32
    %cond3A_37 = arith.constant 0 : i32
    %cond3A_38 = arith.cmpi ne, %convert_element_type3A_36, %cond3A_37 : i32
    scf.if %cond3A_38 {
      %add3A_114 = arith.constant 0 : i32
      %add3A_115 = arith.addi %mul3A_0, %add3A_114 : i32
      %mul3A_116 = arith.constant 800000 : i32
      %mul3A_117 = arith.muli %add3A_115, %mul3A_116 : i32
      %mul3A_118 = arith.constant 6400 : i32
      %mul3A_119 = arith.muli %add3A_33, %mul3A_118 : i32
      %add3A_120 = arith.addi %mul3A_117, %mul3A_119 : i32
      %mul3A_121 = arith.constant 6400 : i32
      %mul3A_122 = arith.muli %add3A_33, %mul3A_121 : i32
      %add3A_123 = arith.constant 0 : i32
      %add3A_124 = arith.addi %add3A_123, %mul3A_122 : i32
      %dma_start3A = tpu.memref_slice %arg8[%add3A_124] : memref<1600000xf32, #tpu.memory_space<vmem_shared>> -> memref<6400xf32, #tpu.memory_space<vmem_shared>>
      %dma_start3A_125 = tpu.memref_slice %arg3[%add3A_120] : memref<83200000xf32, #tpu.memory_space<hbm>> -> memref<6400xf32, #tpu.memory_space<hbm>>
      tpu.enqueue_dma source(%dma_start3A_125 : memref<6400xf32, #tpu.memory_space<hbm>>) target(%dma_start3A : memref<6400xf32, #tpu.memory_space<vmem_shared>>) target_semaphore(%arg10 : memref<!tpu.dma_semaphore, #tpu.memory_space<semaphore_mem>>)
    } else {
    }
    %add3A_39 = arith.constant 96 : i32
    %add3A_40 = arith.addi %add3A_39, %arg1 : i32
    %lt3A_41 = arith.constant 125 : i32
    %lt3A_42 = arith.cmpi slt, %add3A_40, %lt3A_41 : i32
    %convert_element_type3A_43 = arith.extui %lt3A_42 : i1 to i32
    %cond3A_44 = arith.constant 0 : i32
    %cond3A_45 = arith.cmpi ne, %convert_element_type3A_43, %cond3A_44 : i32
    scf.if %cond3A_45 {
      %add3A_114 = arith.constant 0 : i32
      %add3A_115 = arith.addi %mul3A_0, %add3A_114 : i32
      %mul3A_116 = arith.constant 800000 : i32
      %mul3A_117 = arith.muli %add3A_115, %mul3A_116 : i32
      %mul3A_118 = arith.constant 6400 : i32
      %mul3A_119 = arith.muli %add3A_40, %mul3A_118 : i32
      %add3A_120 = arith.addi %mul3A_117, %mul3A_119 : i32
      %mul3A_121 = arith.constant 6400 : i32
      %mul3A_122 = arith.muli %add3A_40, %mul3A_121 : i32
      %add3A_123 = arith.constant 0 : i32
      %add3A_124 = arith.addi %add3A_123, %mul3A_122 : i32
      %dma_start3A = tpu.memref_slice %arg8[%add3A_124] : memref<1600000xf32, #tpu.memory_space<vmem_shared>> -> memref<6400xf32, #tpu.memory_space<vmem_shared>>
      %dma_start3A_125 = tpu.memref_slice %arg3[%add3A_120] : memref<83200000xf32, #tpu.memory_space<hbm>> -> memref<6400xf32, #tpu.memory_space<hbm>>
      tpu.enqueue_dma source(%dma_start3A_125 : memref<6400xf32, #tpu.memory_space<hbm>>) target(%dma_start3A : memref<6400xf32, #tpu.memory_space<vmem_shared>>) target_semaphore(%arg10 : memref<!tpu.dma_semaphore, #tpu.memory_space<semaphore_mem>>)
    } else {
    }
    %add3A_46 = arith.constant 112 : i32
    %add3A_47 = arith.addi %add3A_46, %arg1 : i32
    %lt3A_48 = arith.constant 125 : i32
    %lt3A_49 = arith.cmpi slt, %add3A_47, %lt3A_48 : i32
    %convert_element_type3A_50 = arith.extui %lt3A_49 : i1 to i32
    %cond3A_51 = arith.constant 0 : i32
    %cond3A_52 = arith.cmpi ne, %convert_element_type3A_50, %cond3A_51 : i32
    scf.if %cond3A_52 {
      %add3A_114 = arith.constant 0 : i32
      %add3A_115 = arith.addi %mul3A_0, %add3A_114 : i32
      %mul3A_116 = arith.constant 800000 : i32
      %mul3A_117 = arith.muli %add3A_115, %mul3A_116 : i32
      %mul3A_118 = arith.constant 6400 : i32
      %mul3A_119 = arith.muli %add3A_47, %mul3A_118 : i32
      %add3A_120 = arith.addi %mul3A_117, %mul3A_119 : i32
      %mul3A_121 = arith.constant 6400 : i32
      %mul3A_122 = arith.muli %add3A_47, %mul3A_121 : i32
      %add3A_123 = arith.constant 0 : i32
      %add3A_124 = arith.addi %add3A_123, %mul3A_122 : i32
      %dma_start3A = tpu.memref_slice %arg8[%add3A_124] : memref<1600000xf32, #tpu.memory_space<vmem_shared>> -> memref<6400xf32, #tpu.memory_space<vmem_shared>>
      %dma_start3A_125 = tpu.memref_slice %arg3[%add3A_120] : memref<83200000xf32, #tpu.memory_space<hbm>> -> memref<6400xf32, #tpu.memory_space<hbm>>
      tpu.enqueue_dma source(%dma_start3A_125 : memref<6400xf32, #tpu.memory_space<hbm>>) target(%dma_start3A : memref<6400xf32, #tpu.memory_space<vmem_shared>>) target_semaphore(%arg10 : memref<!tpu.dma_semaphore, #tpu.memory_space<semaphore_mem>>)
    } else {
    }
    %add3A_53 = arith.constant 0 : i32
    %add3A_54 = arith.addi %add3A_53, %arg1 : i32
    %lt3A_55 = arith.constant 125 : i32
    %lt3A_56 = arith.cmpi slt, %add3A_54, %lt3A_55 : i32
    %convert_element_type3A_57 = arith.extui %lt3A_56 : i1 to i32
    %cond3A_58 = arith.constant 0 : i32
    %cond3A_59 = arith.cmpi ne, %convert_element_type3A_57, %cond3A_58 : i32
    scf.if %cond3A_59 {
      %mul3A_114 = arith.constant 6400 : i32
      %mul3A_115 = arith.muli %add3A_54, %mul3A_114 : i32
      %add3A_116 = arith.constant 0 : i32
      %add3A_117 = arith.addi %add3A_116, %mul3A_115 : i32
      %dma_wait3A = tpu.memref_slice %arg8[%add3A_117] : memref<1600000xf32, #tpu.memory_space<vmem_shared>> -> memref<6400xf32, #tpu.memory_space<vmem_shared>>
      %dma_wait3A_118 = arith.constant 0 : i32
      %dma_wait3A_119 = tpu.memref_slice %arg3[%dma_wait3A_118] : memref<83200000xf32, #tpu.memory_space<hbm>> -> memref<6400xf32, #tpu.memory_space<hbm>>
      tpu.wait_dma2 semaphore(%arg10 : memref<!tpu.dma_semaphore, #tpu.memory_space<semaphore_mem>>) src(%dma_wait3A_119 : memref<6400xf32, #tpu.memory_space<hbm>>) dst(%dma_wait3A : memref<6400xf32, #tpu.memory_space<vmem_shared>>)
    } else {
    }
    %add3A_60 = arith.constant 16 : i32
    %add3A_61 = arith.addi %add3A_60, %arg1 : i32
    %lt3A_62 = arith.constant 125 : i32
    %lt3A_63 = arith.cmpi slt, %add3A_61, %lt3A_62 : i32
    %convert_element_type3A_64 = arith.extui %lt3A_63 : i1 to i32
    %cond3A_65 = arith.constant 0 : i32
    %cond3A_66 = arith.cmpi ne, %convert_element_type3A_64, %cond3A_65 : i32
    scf.if %cond3A_66 {
      %mul3A_114 = arith.constant 6400 : i32
      %mul3A_115 = arith.muli %add3A_61, %mul3A_114 : i32
      %add3A_116 = arith.constant 0 : i32
      %add3A_117 = arith.addi %add3A_116, %mul3A_115 : i32
      %dma_wait3A = tpu.memref_slice %arg8[%add3A_117] : memref<1600000xf32, #tpu.memory_space<vmem_shared>> -> memref<6400xf32, #tpu.memory_space<vmem_shared>>
      %dma_wait3A_118 = arith.constant 0 : i32
      %dma_wait3A_119 = tpu.memref_slice %arg3[%dma_wait3A_118] : memref<83200000xf32, #tpu.memory_space<hbm>> -> memref<6400xf32, #tpu.memory_space<hbm>>
      tpu.wait_dma2 semaphore(%arg10 : memref<!tpu.dma_semaphore, #tpu.memory_space<semaphore_mem>>) src(%dma_wait3A_119 : memref<6400xf32, #tpu.memory_space<hbm>>) dst(%dma_wait3A : memref<6400xf32, #tpu.memory_space<vmem_shared>>)
    } else {
    }
    %add3A_67 = arith.constant 32 : i32
    %add3A_68 = arith.addi %add3A_67, %arg1 : i32
    %lt3A_69 = arith.constant 125 : i32
    %lt3A_70 = arith.cmpi slt, %add3A_68, %lt3A_69 : i32
    %convert_element_type3A_71 = arith.extui %lt3A_70 : i1 to i32
    %cond3A_72 = arith.constant 0 : i32
    %cond3A_73 = arith.cmpi ne, %convert_element_type3A_71, %cond3A_72 : i32
    scf.if %cond3A_73 {
      %mul3A_114 = arith.constant 6400 : i32
      %mul3A_115 = arith.muli %add3A_68, %mul3A_114 : i32
      %add3A_116 = arith.constant 0 : i32
      %add3A_117 = arith.addi %add3A_116, %mul3A_115 : i32
      %dma_wait3A = tpu.memref_slice %arg8[%add3A_117] : memref<1600000xf32, #tpu.memory_space<vmem_shared>> -> memref<6400xf32, #tpu.memory_space<vmem_shared>>
      %dma_wait3A_118 = arith.constant 0 : i32
      %dma_wait3A_119 = tpu.memref_slice %arg3[%dma_wait3A_118] : memref<83200000xf32, #tpu.memory_space<hbm>> -> memref<6400xf32, #tpu.memory_space<hbm>>
      tpu.wait_dma2 semaphore(%arg10 : memref<!tpu.dma_semaphore, #tpu.memory_space<semaphore_mem>>) src(%dma_wait3A_119 : memref<6400xf32, #tpu.memory_space<hbm>>) dst(%dma_wait3A : memref<6400xf32, #tpu.memory_space<vmem_shared>>)
    } else {
    }
    %add3A_74 = arith.constant 48 : i32
    %add3A_75 = arith.addi %add3A_74, %arg1 : i32
    %lt3A_76 = arith.constant 125 : i32
    %lt3A_77 = arith.cmpi slt, %add3A_75, %lt3A_76 : i32
    %convert_element_type3A_78 = arith.extui %lt3A_77 : i1 to i32
    %cond3A_79 = arith.constant 0 : i32
    %cond3A_80 = arith.cmpi ne, %convert_element_type3A_78, %cond3A_79 : i32
    scf.if %cond3A_80 {
      %mul3A_114 = arith.constant 6400 : i32
      %mul3A_115 = arith.muli %add3A_75, %mul3A_114 : i32
      %add3A_116 = arith.constant 0 : i32
      %add3A_117 = arith.addi %add3A_116, %mul3A_115 : i32
      %dma_wait3A = tpu.memref_slice %arg8[%add3A_117] : memref<1600000xf32, #tpu.memory_space<vmem_shared>> -> memref<6400xf32, #tpu.memory_space<vmem_shared>>
      %dma_wait3A_118 = arith.constant 0 : i32
      %dma_wait3A_119 = tpu.memref_slice %arg3[%dma_wait3A_118] : memref<83200000xf32, #tpu.memory_space<hbm>> -> memref<6400xf32, #tpu.memory_space<hbm>>
      tpu.wait_dma2 semaphore(%arg10 : memref<!tpu.dma_semaphore, #tpu.memory_space<semaphore_mem>>) src(%dma_wait3A_119 : memref<6400xf32, #tpu.memory_space<hbm>>) dst(%dma_wait3A : memref<6400xf32, #tpu.memory_space<vmem_shared>>)
    } else {
    }
    %add3A_81 = arith.constant 64 : i32
    %add3A_82 = arith.addi %add3A_81, %arg1 : i32
    %lt3A_83 = arith.constant 125 : i32
    %lt3A_84 = arith.cmpi slt, %add3A_82, %lt3A_83 : i32
    %convert_element_type3A_85 = arith.extui %lt3A_84 : i1 to i32
    %cond3A_86 = arith.constant 0 : i32
    %cond3A_87 = arith.cmpi ne, %convert_element_type3A_85, %cond3A_86 : i32
    scf.if %cond3A_87 {
      %mul3A_114 = arith.constant 6400 : i32
      %mul3A_115 = arith.muli %add3A_82, %mul3A_114 : i32
      %add3A_116 = arith.constant 0 : i32
      %add3A_117 = arith.addi %add3A_116, %mul3A_115 : i32
      %dma_wait3A = tpu.memref_slice %arg8[%add3A_117] : memref<1600000xf32, #tpu.memory_space<vmem_shared>> -> memref<6400xf32, #tpu.memory_space<vmem_shared>>
      %dma_wait3A_118 = arith.constant 0 : i32
      %dma_wait3A_119 = tpu.memref_slice %arg3[%dma_wait3A_118] : memref<83200000xf32, #tpu.memory_space<hbm>> -> memref<6400xf32, #tpu.memory_space<hbm>>
      tpu.wait_dma2 semaphore(%arg10 : memref<!tpu.dma_semaphore, #tpu.memory_space<semaphore_mem>>) src(%dma_wait3A_119 : memref<6400xf32, #tpu.memory_space<hbm>>) dst(%dma_wait3A : memref<6400xf32, #tpu.memory_space<vmem_shared>>)
    } else {
    }
    %add3A_88 = arith.constant 80 : i32
    %add3A_89 = arith.addi %add3A_88, %arg1 : i32
    %lt3A_90 = arith.constant 125 : i32
    %lt3A_91 = arith.cmpi slt, %add3A_89, %lt3A_90 : i32
    %convert_element_type3A_92 = arith.extui %lt3A_91 : i1 to i32
    %cond3A_93 = arith.constant 0 : i32
    %cond3A_94 = arith.cmpi ne, %convert_element_type3A_92, %cond3A_93 : i32
    scf.if %cond3A_94 {
      %mul3A_114 = arith.constant 6400 : i32
      %mul3A_115 = arith.muli %add3A_89, %mul3A_114 : i32
      %add3A_116 = arith.constant 0 : i32
      %add3A_117 = arith.addi %add3A_116, %mul3A_115 : i32
      %dma_wait3A = tpu.memref_slice %arg8[%add3A_117] : memref<1600000xf32, #tpu.memory_space<vmem_shared>> -> memref<6400xf32, #tpu.memory_space<vmem_shared>>
      %dma_wait3A_118 = arith.constant 0 : i32
      %dma_wait3A_119 = tpu.memref_slice %arg3[%dma_wait3A_118] : memref<83200000xf32, #tpu.memory_space<hbm>> -> memref<6400xf32, #tpu.memory_space<hbm>>
      tpu.wait_dma2 semaphore(%arg10 : memref<!tpu.dma_semaphore, #tpu.memory_space<semaphore_mem>>) src(%dma_wait3A_119 : memref<6400xf32, #tpu.memory_space<hbm>>) dst(%dma_wait3A : memref<6400xf32, #tpu.memory_space<vmem_shared>>)
    } else {
    }
    %add3A_95 = arith.constant 96 : i32
    %add3A_96 = arith.addi %add3A_95, %arg1 : i32
    %lt3A_97 = arith.constant 125 : i32
    %lt3A_98 = arith.cmpi slt, %add3A_96, %lt3A_97 : i32
    %convert_element_type3A_99 = arith.extui %lt3A_98 : i1 to i32
    %cond3A_100 = arith.constant 0 : i32
    %cond3A_101 = arith.cmpi ne, %convert_element_type3A_99, %cond3A_100 : i32
    scf.if %cond3A_101 {
      %mul3A_114 = arith.constant 6400 : i32
      %mul3A_115 = arith.muli %add3A_96, %mul3A_114 : i32
      %add3A_116 = arith.constant 0 : i32
      %add3A_117 = arith.addi %add3A_116, %mul3A_115 : i32
      %dma_wait3A = tpu.memref_slice %arg8[%add3A_117] : memref<1600000xf32, #tpu.memory_space<vmem_shared>> -> memref<6400xf32, #tpu.memory_space<vmem_shared>>
      %dma_wait3A_118 = arith.constant 0 : i32
      %dma_wait3A_119 = tpu.memref_slice %arg3[%dma_wait3A_118] : memref<83200000xf32, #tpu.memory_space<hbm>> -> memref<6400xf32, #tpu.memory_space<hbm>>
      tpu.wait_dma2 semaphore(%arg10 : memref<!tpu.dma_semaphore, #tpu.memory_space<semaphore_mem>>) src(%dma_wait3A_119 : memref<6400xf32, #tpu.memory_space<hbm>>) dst(%dma_wait3A : memref<6400xf32, #tpu.memory_space<vmem_shared>>)
    } else {
    }
    %add3A_102 = arith.constant 112 : i32
    %add3A_103 = arith.addi %add3A_102, %arg1 : i32
    %lt3A_104 = arith.constant 125 : i32
    %lt3A_105 = arith.cmpi slt, %add3A_103, %lt3A_104 : i32
    %convert_element_type3A_106 = arith.extui %lt3A_105 : i1 to i32
    %cond3A_107 = arith.constant 0 : i32
    %cond3A_108 = arith.cmpi ne, %convert_element_type3A_106, %cond3A_107 : i32
    scf.if %cond3A_108 {
      %mul3A_114 = arith.constant 6400 : i32
      %mul3A_115 = arith.muli %add3A_103, %mul3A_114 : i32
      %add3A_116 = arith.constant 0 : i32
      %add3A_117 = arith.addi %add3A_116, %mul3A_115 : i32
      %dma_wait3A = tpu.memref_slice %arg8[%add3A_117] : memref<1600000xf32, #tpu.memory_space<vmem_shared>> -> memref<6400xf32, #tpu.memory_space<vmem_shared>>
      %dma_wait3A_118 = arith.constant 0 : i32
      %dma_wait3A_119 = tpu.memref_slice %arg3[%dma_wait3A_118] : memref<83200000xf32, #tpu.memory_space<hbm>> -> memref<6400xf32, #tpu.memory_space<hbm>>
      tpu.wait_dma2 semaphore(%arg10 : memref<!tpu.dma_semaphore, #tpu.memory_space<semaphore_mem>>) src(%dma_wait3A_119 : memref<6400xf32, #tpu.memory_space<hbm>>) dst(%dma_wait3A : memref<6400xf32, #tpu.memory_space<vmem_shared>>)
    } else {
    }
    %barrier3A = arith.constant 0 : index
    tpu.barrier barrier_id(%barrier3A)
    %scan3A = arith.constant 0 : i32
    %scan3A_109 = arith.constant 0 : i32
    %scan3A_110 = arith.constant 26 : i32
    %scan3A_111 = arith.addi %scan3A_109, %scan3A_110 : i32
    %scan3A_112 = arith.constant 1 : i32
    scf.for %scan3A_114 = %scan3A_109 to %scan3A_111 step %scan3A_112  : i32 {
      %mul3A_115 = arith.constant 2 : i32
      %mul3A_116 = arith.muli %mul3A_115, %scan3A_114 : i32
      %add3A_117 = arith.constant 0 : i32
      %add3A_118 = arith.addi %mul3A_116, %add3A_117 : i32
      %add3A_119 = arith.constant 1 : i32
      %add3A_120 = arith.addi %add3A_118, %add3A_119 : i32
      %lt3A_121 = arith.constant 52 : i32
      %lt3A_122 = arith.cmpi slt, %add3A_120, %lt3A_121 : i32
      %convert_element_type3A_123 = arith.extui %lt3A_122 : i1 to i32
      %cond3A_124 = arith.constant 0 : i32
      %cond3A_125 = arith.cmpi ne, %convert_element_type3A_123, %cond3A_124 : i32
      scf.if %cond3A_125 {
        %add3A_199 = arith.constant 1 : i32
        %add3A_200 = arith.addi %add3A_118, %add3A_199 : i32
        %add3A_201 = arith.constant 0 : i32
        %add3A_202 = arith.addi %add3A_201, %arg1 : i32
        %lt3A_203 = arith.constant 125 : i32
        %lt3A_204 = arith.cmpi slt, %add3A_202, %lt3A_203 : i32
        %convert_element_type3A_205 = arith.extui %lt3A_204 : i1 to i32
        %cond3A_206 = arith.constant 0 : i32
        %cond3A_207 = arith.cmpi ne, %convert_element_type3A_205, %cond3A_206 : i32
        scf.if %cond3A_207 {
          %add3A_257 = arith.addi %mul3A_0, %add3A_200 : i32
          %mul3A_258 = arith.constant 800000 : i32
          %mul3A_259 = arith.muli %add3A_257, %mul3A_258 : i32
          %mul3A_260 = arith.constant 6400 : i32
          %mul3A_261 = arith.muli %add3A_202, %mul3A_260 : i32
          %add3A_262 = arith.addi %mul3A_259, %mul3A_261 : i32
          %mul3A_263 = arith.constant 6400 : i32
          %mul3A_264 = arith.muli %add3A_202, %mul3A_263 : i32
          %add3A_265 = arith.constant 800000 : i32
          %add3A_266 = arith.addi %add3A_265, %mul3A_264 : i32
          %dma_start3A = tpu.memref_slice %arg8[%add3A_266] : memref<1600000xf32, #tpu.memory_space<vmem_shared>> -> memref<6400xf32, #tpu.memory_space<vmem_shared>>
          %dma_start3A_267 = tpu.memref_slice %arg3[%add3A_262] : memref<83200000xf32, #tpu.memory_space<hbm>> -> memref<6400xf32, #tpu.memory_space<hbm>>
          tpu.enqueue_dma source(%dma_start3A_267 : memref<6400xf32, #tpu.memory_space<hbm>>) target(%dma_start3A : memref<6400xf32, #tpu.memory_space<vmem_shared>>) target_semaphore(%arg10 : memref<!tpu.dma_semaphore, #tpu.memory_space<semaphore_mem>>)
        } else {
        }
        %add3A_208 = arith.constant 16 : i32
        %add3A_209 = arith.addi %add3A_208, %arg1 : i32
        %lt3A_210 = arith.constant 125 : i32
        %lt3A_211 = arith.cmpi slt, %add3A_209, %lt3A_210 : i32
        %convert_element_type3A_212 = arith.extui %lt3A_211 : i1 to i32
        %cond3A_213 = arith.constant 0 : i32
        %cond3A_214 = arith.cmpi ne, %convert_element_type3A_212, %cond3A_213 : i32
        scf.if %cond3A_214 {
          %add3A_257 = arith.addi %mul3A_0, %add3A_200 : i32
          %mul3A_258 = arith.constant 800000 : i32
          %mul3A_259 = arith.muli %add3A_257, %mul3A_258 : i32
          %mul3A_260 = arith.constant 6400 : i32
          %mul3A_261 = arith.muli %add3A_209, %mul3A_260 : i32
          %add3A_262 = arith.addi %mul3A_259, %mul3A_261 : i32
          %mul3A_263 = arith.constant 6400 : i32
          %mul3A_264 = arith.muli %add3A_209, %mul3A_263 : i32
          %add3A_265 = arith.constant 800000 : i32
          %add3A_266 = arith.addi %add3A_265, %mul3A_264 : i32
          %dma_start3A = tpu.memref_slice %arg8[%add3A_266] : memref<1600000xf32, #tpu.memory_space<vmem_shared>> -> memref<6400xf32, #tpu.memory_space<vmem_shared>>
          %dma_start3A_267 = tpu.memref_slice %arg3[%add3A_262] : memref<83200000xf32, #tpu.memory_space<hbm>> -> memref<6400xf32, #tpu.memory_space<hbm>>
          tpu.enqueue_dma source(%dma_start3A_267 : memref<6400xf32, #tpu.memory_space<hbm>>) target(%dma_start3A : memref<6400xf32, #tpu.memory_space<vmem_shared>>) target_semaphore(%arg10 : memref<!tpu.dma_semaphore, #tpu.memory_space<semaphore_mem>>)
        } else {
        }
        %add3A_215 = arith.constant 32 : i32
        %add3A_216 = arith.addi %add3A_215, %arg1 : i32
        %lt3A_217 = arith.constant 125 : i32
        %lt3A_218 = arith.cmpi slt, %add3A_216, %lt3A_217 : i32
        %convert_element_type3A_219 = arith.extui %lt3A_218 : i1 to i32
        %cond3A_220 = arith.constant 0 : i32
        %cond3A_221 = arith.cmpi ne, %convert_element_type3A_219, %cond3A_220 : i32
        scf.if %cond3A_221 {
          %add3A_257 = arith.addi %mul3A_0, %add3A_200 : i32
          %mul3A_258 = arith.constant 800000 : i32
          %mul3A_259 = arith.muli %add3A_257, %mul3A_258 : i32
          %mul3A_260 = arith.constant 6400 : i32
          %mul3A_261 = arith.muli %add3A_216, %mul3A_260 : i32
          %add3A_262 = arith.addi %mul3A_259, %mul3A_261 : i32
          %mul3A_263 = arith.constant 6400 : i32
          %mul3A_264 = arith.muli %add3A_216, %mul3A_263 : i32
          %add3A_265 = arith.constant 800000 : i32
          %add3A_266 = arith.addi %add3A_265, %mul3A_264 : i32
          %dma_start3A = tpu.memref_slice %arg8[%add3A_266] : memref<1600000xf32, #tpu.memory_space<vmem_shared>> -> memref<6400xf32, #tpu.memory_space<vmem_shared>>
          %dma_start3A_267 = tpu.memref_slice %arg3[%add3A_262] : memref<83200000xf32, #tpu.memory_space<hbm>> -> memref<6400xf32, #tpu.memory_space<hbm>>
          tpu.enqueue_dma source(%dma_start3A_267 : memref<6400xf32, #tpu.memory_space<hbm>>) target(%dma_start3A : memref<6400xf32, #tpu.memory_space<vmem_shared>>) target_semaphore(%arg10 : memref<!tpu.dma_semaphore, #tpu.memory_space<semaphore_mem>>)
        } else {
        }
        %add3A_222 = arith.constant 48 : i32
        %add3A_223 = arith.addi %add3A_222, %arg1 : i32
        %lt3A_224 = arith.constant 125 : i32
        %lt3A_225 = arith.cmpi slt, %add3A_223, %lt3A_224 : i32
        %convert_element_type3A_226 = arith.extui %lt3A_225 : i1 to i32
        %cond3A_227 = arith.constant 0 : i32
        %cond3A_228 = arith.cmpi ne, %convert_element_type3A_226, %cond3A_227 : i32
        scf.if %cond3A_228 {
          %add3A_257 = arith.addi %mul3A_0, %add3A_200 : i32
          %mul3A_258 = arith.constant 800000 : i32
          %mul3A_259 = arith.muli %add3A_257, %mul3A_258 : i32
          %mul3A_260 = arith.constant 6400 : i32
          %mul3A_261 = arith.muli %add3A_223, %mul3A_260 : i32
          %add3A_262 = arith.addi %mul3A_259, %mul3A_261 : i32
          %mul3A_263 = arith.constant 6400 : i32
          %mul3A_264 = arith.muli %add3A_223, %mul3A_263 : i32
          %add3A_265 = arith.constant 800000 : i32
          %add3A_266 = arith.addi %add3A_265, %mul3A_264 : i32
          %dma_start3A = tpu.memref_slice %arg8[%add3A_266] : memref<1600000xf32, #tpu.memory_space<vmem_shared>> -> memref<6400xf32, #tpu.memory_space<vmem_shared>>
          %dma_start3A_267 = tpu.memref_slice %arg3[%add3A_262] : memref<83200000xf32, #tpu.memory_space<hbm>> -> memref<6400xf32, #tpu.memory_space<hbm>>
          tpu.enqueue_dma source(%dma_start3A_267 : memref<6400xf32, #tpu.memory_space<hbm>>) target(%dma_start3A : memref<6400xf32, #tpu.memory_space<vmem_shared>>) target_semaphore(%arg10 : memref<!tpu.dma_semaphore, #tpu.memory_space<semaphore_mem>>)
        } else {
        }
        %add3A_229 = arith.constant 64 : i32
        %add3A_230 = arith.addi %add3A_229, %arg1 : i32
        %lt3A_231 = arith.constant 125 : i32
        %lt3A_232 = arith.cmpi slt, %add3A_230, %lt3A_231 : i32
        %convert_element_type3A_233 = arith.extui %lt3A_232 : i1 to i32
        %cond3A_234 = arith.constant 0 : i32
        %cond3A_235 = arith.cmpi ne, %convert_element_type3A_233, %cond3A_234 : i32
        scf.if %cond3A_235 {
          %add3A_257 = arith.addi %mul3A_0, %add3A_200 : i32
          %mul3A_258 = arith.constant 800000 : i32
          %mul3A_259 = arith.muli %add3A_257, %mul3A_258 : i32
          %mul3A_260 = arith.constant 6400 : i32
          %mul3A_261 = arith.muli %add3A_230, %mul3A_260 : i32
          %add3A_262 = arith.addi %mul3A_259, %mul3A_261 : i32
          %mul3A_263 = arith.constant 6400 : i32
          %mul3A_264 = arith.muli %add3A_230, %mul3A_263 : i32
          %add3A_265 = arith.constant 800000 : i32
          %add3A_266 = arith.addi %add3A_265, %mul3A_264 : i32
          %dma_start3A = tpu.memref_slice %arg8[%add3A_266] : memref<1600000xf32, #tpu.memory_space<vmem_shared>> -> memref<6400xf32, #tpu.memory_space<vmem_shared>>
          %dma_start3A_267 = tpu.memref_slice %arg3[%add3A_262] : memref<83200000xf32, #tpu.memory_space<hbm>> -> memref<6400xf32, #tpu.memory_space<hbm>>
          tpu.enqueue_dma source(%dma_start3A_267 : memref<6400xf32, #tpu.memory_space<hbm>>) target(%dma_start3A : memref<6400xf32, #tpu.memory_space<vmem_shared>>) target_semaphore(%arg10 : memref<!tpu.dma_semaphore, #tpu.memory_space<semaphore_mem>>)
        } else {
        }
        %add3A_236 = arith.constant 80 : i32
        %add3A_237 = arith.addi %add3A_236, %arg1 : i32
        %lt3A_238 = arith.constant 125 : i32
        %lt3A_239 = arith.cmpi slt, %add3A_237, %lt3A_238 : i32
        %convert_element_type3A_240 = arith.extui %lt3A_239 : i1 to i32
        %cond3A_241 = arith.constant 0 : i32
        %cond3A_242 = arith.cmpi ne, %convert_element_type3A_240, %cond3A_241 : i32
        scf.if %cond3A_242 {
          %add3A_257 = arith.addi %mul3A_0, %add3A_200 : i32
          %mul3A_258 = arith.constant 800000 : i32
          %mul3A_259 = arith.muli %add3A_257, %mul3A_258 : i32
          %mul3A_260 = arith.constant 6400 : i32
          %mul3A_261 = arith.muli %add3A_237, %mul3A_260 : i32
          %add3A_262 = arith.addi %mul3A_259, %mul3A_261 : i32
          %mul3A_263 = arith.constant 6400 : i32
          %mul3A_264 = arith.muli %add3A_237, %mul3A_263 : i32
          %add3A_265 = arith.constant 800000 : i32
          %add3A_266 = arith.addi %add3A_265, %mul3A_264 : i32
          %dma_start3A = tpu.memref_slice %arg8[%add3A_266] : memref<1600000xf32, #tpu.memory_space<vmem_shared>> -> memref<6400xf32, #tpu.memory_space<vmem_shared>>
          %dma_start3A_267 = tpu.memref_slice %arg3[%add3A_262] : memref<83200000xf32, #tpu.memory_space<hbm>> -> memref<6400xf32, #tpu.memory_space<hbm>>
          tpu.enqueue_dma source(%dma_start3A_267 : memref<6400xf32, #tpu.memory_space<hbm>>) target(%dma_start3A : memref<6400xf32, #tpu.memory_space<vmem_shared>>) target_semaphore(%arg10 : memref<!tpu.dma_semaphore, #tpu.memory_space<semaphore_mem>>)
        } else {
        }
        %add3A_243 = arith.constant 96 : i32
        %add3A_244 = arith.addi %add3A_243, %arg1 : i32
        %lt3A_245 = arith.constant 125 : i32
        %lt3A_246 = arith.cmpi slt, %add3A_244, %lt3A_245 : i32
        %convert_element_type3A_247 = arith.extui %lt3A_246 : i1 to i32
        %cond3A_248 = arith.constant 0 : i32
        %cond3A_249 = arith.cmpi ne, %convert_element_type3A_247, %cond3A_248 : i32
        scf.if %cond3A_249 {
          %add3A_257 = arith.addi %mul3A_0, %add3A_200 : i32
          %mul3A_258 = arith.constant 800000 : i32
          %mul3A_259 = arith.muli %add3A_257, %mul3A_258 : i32
          %mul3A_260 = arith.constant 6400 : i32
          %mul3A_261 = arith.muli %add3A_244, %mul3A_260 : i32
          %add3A_262 = arith.addi %mul3A_259, %mul3A_261 : i32
          %mul3A_263 = arith.constant 6400 : i32
          %mul3A_264 = arith.muli %add3A_244, %mul3A_263 : i32
          %add3A_265 = arith.constant 800000 : i32
          %add3A_266 = arith.addi %add3A_265, %mul3A_264 : i32
          %dma_start3A = tpu.memref_slice %arg8[%add3A_266] : memref<1600000xf32, #tpu.memory_space<vmem_shared>> -> memref<6400xf32, #tpu.memory_space<vmem_shared>>
          %dma_start3A_267 = tpu.memref_slice %arg3[%add3A_262] : memref<83200000xf32, #tpu.memory_space<hbm>> -> memref<6400xf32, #tpu.memory_space<hbm>>
          tpu.enqueue_dma source(%dma_start3A_267 : memref<6400xf32, #tpu.memory_space<hbm>>) target(%dma_start3A : memref<6400xf32, #tpu.memory_space<vmem_shared>>) target_semaphore(%arg10 : memref<!tpu.dma_semaphore, #tpu.memory_space<semaphore_mem>>)
        } else {
        }
        %add3A_250 = arith.constant 112 : i32
        %add3A_251 = arith.addi %add3A_250, %arg1 : i32
        %lt3A_252 = arith.constant 125 : i32
        %lt3A_253 = arith.cmpi slt, %add3A_251, %lt3A_252 : i32
        %convert_element_type3A_254 = arith.extui %lt3A_253 : i1 to i32
        %cond3A_255 = arith.constant 0 : i32
        %cond3A_256 = arith.cmpi ne, %convert_element_type3A_254, %cond3A_255 : i32
        scf.if %cond3A_256 {
          %add3A_257 = arith.addi %mul3A_0, %add3A_200 : i32
          %mul3A_258 = arith.constant 800000 : i32
          %mul3A_259 = arith.muli %add3A_257, %mul3A_258 : i32
          %mul3A_260 = arith.constant 6400 : i32
          %mul3A_261 = arith.muli %add3A_251, %mul3A_260 : i32
          %add3A_262 = arith.addi %mul3A_259, %mul3A_261 : i32
          %mul3A_263 = arith.constant 6400 : i32
          %mul3A_264 = arith.muli %add3A_251, %mul3A_263 : i32
          %add3A_265 = arith.constant 800000 : i32
          %add3A_266 = arith.addi %add3A_265, %mul3A_264 : i32
          %dma_start3A = tpu.memref_slice %arg8[%add3A_266] : memref<1600000xf32, #tpu.memory_space<vmem_shared>> -> memref<6400xf32, #tpu.memory_space<vmem_shared>>
          %dma_start3A_267 = tpu.memref_slice %arg3[%add3A_262] : memref<83200000xf32, #tpu.memory_space<hbm>> -> memref<6400xf32, #tpu.memory_space<hbm>>
          tpu.enqueue_dma source(%dma_start3A_267 : memref<6400xf32, #tpu.memory_space<hbm>>) target(%dma_start3A : memref<6400xf32, #tpu.memory_space<vmem_shared>>) target_semaphore(%arg10 : memref<!tpu.dma_semaphore, #tpu.memory_space<semaphore_mem>>)
        } else {
        }
      } else {
      }
      %add3A_126 = arith.addi %mul3A_0, %add3A_118 : i32
      %mul3A_127 = arith.constant 8 : i32
      %mul3A_128 = arith.muli %add3A_126, %mul3A_127 : i32
      %div3A = arith.constant 32 : i32
      %div3A_129 = arith.divsi %mul3A_128, %div3A : i32
      %mul3A_130 = arith.constant 8 : i32
      %mul3A_131 = arith.muli %mul3A_130, %arg1 : i32
      "tpu.region"() ({
        %run_scoped3A = tpu.sem_alloc : memref<!tpu.dma_semaphore, #tpu.memory_space<semaphore_mem>>
        %dma_start3A = arith.constant 0 : i32
        %dma_start3A_199 = tpu.memref_slice %arg2[%div3A_129, %mul3A_131, %dma_start3A] : memref<26x128x128xi32, #tpu.memory_space<hbm>> -> memref<1x8x128xi32, #tpu.memory_space<hbm>>
        %dma_start3A_200 = tpu.memref_squeeze %dma_start3A_199 : memref<1x8x128xi32, #tpu.memory_space<hbm>> -> memref<8x128xi32, #tpu.memory_space<hbm>>
        %dma_start3A_201 = arith.constant 0 : i32
        %dma_start3A_202 = tpu.memref_slice %arg2[%div3A_129, %mul3A_131, %dma_start3A_201] : memref<26x128x128xi32, #tpu.memory_space<hbm>> -> memref<1x8x128xi32, #tpu.memory_space<hbm>>
        %dma_start3A_203 = tpu.memref_squeeze %dma_start3A_202 : memref<1x8x128xi32, #tpu.memory_space<hbm>> -> memref<8x128xi32, #tpu.memory_space<hbm>>
        tpu.enqueue_dma source(%dma_start3A_203 : memref<8x128xi32, #tpu.memory_space<hbm>>) target(%arg5 : memref<8x128xi32, #tpu.memory_space<vmem>>) target_semaphore(%run_scoped3A : memref<!tpu.dma_semaphore, #tpu.memory_space<semaphore_mem>>)
        %dma_wait3A_204 = arith.constant 0 : i32
        %dma_wait3A_205 = tpu.memref_slice %arg2[%div3A_129, %mul3A_131, %dma_wait3A_204] : memref<26x128x128xi32, #tpu.memory_space<hbm>> -> memref<1x8x128xi32, #tpu.memory_space<hbm>>
        %dma_wait3A_206 = tpu.memref_squeeze %dma_wait3A_205 : memref<1x8x128xi32, #tpu.memory_space<hbm>> -> memref<8x128xi32, #tpu.memory_space<hbm>>
        %dma_wait3A_207 = arith.constant 0 : i32
        %dma_wait3A_208 = tpu.memref_slice %arg2[%div3A_129, %mul3A_131, %dma_wait3A_207] : memref<26x128x128xi32, #tpu.memory_space<hbm>> -> memref<1x8x128xi32, #tpu.memory_space<hbm>>
        %dma_wait3A_209 = tpu.memref_squeeze %dma_wait3A_208 : memref<1x8x128xi32, #tpu.memory_space<hbm>> -> memref<8x128xi32, #tpu.memory_space<hbm>>
        tpu.wait_dma2 semaphore(%run_scoped3A : memref<!tpu.dma_semaphore, #tpu.memory_space<semaphore_mem>>) src(%dma_wait3A_209 : memref<8x128xi32, #tpu.memory_space<hbm>>) dst(%arg5 : memref<8x128xi32, #tpu.memory_space<vmem>>)
        tpu.yield
      }) : () -> ()
      %scan3A_132 = arith.constant 0 : i32
      %scan3A_133 = arith.constant 0 : i32
      %scan3A_134 = arith.constant 8 : i32
      %scan3A_135 = arith.addi %scan3A_133, %scan3A_134 : i32
      %scan3A_136 = arith.constant 1 : i32
      scf.for %scan3A_199 = %scan3A_133 to %scan3A_135 step %scan3A_136  : i32 {
        %mul3A_200 = arith.constant 100000 : i32
        %mul3A_201 = arith.muli %scan3A_199, %mul3A_200 : i32
        %add3A_202 = arith.constant 0 : i32
        %add3A_203 = arith.addi %add3A_202, %mul3A_201 : i32
        %get3A = arith.constant 0 : i32
        %get3A_204 = arith.index_cast %get3A : i32 to index
        %get3A_205 = arith.constant 0 : index
        %get3A_206 = tpu.vector_load %arg5[%get3A_204, %get3A_205] {strides = array<i32>} : memref<8x128xi32, #tpu.memory_space<vmem>>, vector<1x16xi32>,
        %get3A_207 = vector.shape_cast %get3A_206 : vector<1x16xi32> to vector<16xi32>
        %add3A_208 = vector.broadcast %add3A_203 : i32 to vector<16xi32>
        %add3A_209 = arith.addi %get3A_207, %add3A_208 : vector<16xi32>
        %swap3A = arith.constant 0 : i32
        %swap3A_210 = arith.index_cast %scan3A_199 : i32 to index
        %swap3A_211 = arith.index_cast %swap3A : i32 to index
        %swap3A_212 = arith.constant 0 : index
        %swap3A_213 = tpu.vector_load %arg6[%swap3A_210, %swap3A_211, %swap3A_212] {strides = array<i32>} : memref<8x8x128xi32, #tpu.memory_space<vmem>>, vector<1x1x16xi32>,
        %swap3A_214 = vector.shape_cast %swap3A_213 : vector<1x1x16xi32> to vector<16xi32>
        %swap3A_215 = vector.shape_cast %add3A_209 : vector<16xi32> to vector<1x1x16xi32>
        tpu.vector_store %arg6[%swap3A_210, %swap3A_211, %swap3A_212], %swap3A_215 {strides = array<i32>} : memref<8x8x128xi32, #tpu.memory_space<vmem>>, vector<1x1x16xi32>,
        %get3A_216 = arith.constant 0 : i32
        %get3A_217 = arith.index_cast %get3A_216 : i32 to index
        %get3A_218 = arith.constant 16 : index
        %get3A_219 = tpu.vector_load %arg5[%get3A_217, %get3A_218] {strides = array<i32>} : memref<8x128xi32, #tpu.memory_space<vmem>>, vector<1x16xi32>,
        %get3A_220 = vector.shape_cast %get3A_219 : vector<1x16xi32> to vector<16xi32>
        %add3A_221 = vector.broadcast %add3A_203 : i32 to vector<16xi32>
        %add3A_222 = arith.addi %get3A_220, %add3A_221 : vector<16xi32>
        %swap3A_223 = arith.constant 0 : i32
        %swap3A_224 = arith.index_cast %scan3A_199 : i32 to index
        %swap3A_225 = arith.index_cast %swap3A_223 : i32 to index
        %swap3A_226 = arith.constant 16 : index
        %swap3A_227 = tpu.vector_load %arg6[%swap3A_224, %swap3A_225, %swap3A_226] {strides = array<i32>} : memref<8x8x128xi32, #tpu.memory_space<vmem>>, vector<1x1x16xi32>,
        %swap3A_228 = vector.shape_cast %swap3A_227 : vector<1x1x16xi32> to vector<16xi32>
        %swap3A_229 = vector.shape_cast %add3A_222 : vector<16xi32> to vector<1x1x16xi32>
        tpu.vector_store %arg6[%swap3A_224, %swap3A_225, %swap3A_226], %swap3A_229 {strides = array<i32>} : memref<8x8x128xi32, #tpu.memory_space<vmem>>, vector<1x1x16xi32>,
        %get3A_230 = arith.constant 0 : i32
        %get3A_231 = arith.index_cast %get3A_230 : i32 to index
        %get3A_232 = arith.constant 32 : index
        %get3A_233 = tpu.vector_load %arg5[%get3A_231, %get3A_232] {strides = array<i32>} : memref<8x128xi32, #tpu.memory_space<vmem>>, vector<1x16xi32>,
        %get3A_234 = vector.shape_cast %get3A_233 : vector<1x16xi32> to vector<16xi32>
        %add3A_235 = vector.broadcast %add3A_203 : i32 to vector<16xi32>
        %add3A_236 = arith.addi %get3A_234, %add3A_235 : vector<16xi32>
        %swap3A_237 = arith.constant 0 : i32
        %swap3A_238 = arith.index_cast %scan3A_199 : i32 to index
        %swap3A_239 = arith.index_cast %swap3A_237 : i32 to index
        %swap3A_240 = arith.constant 32 : index
        %swap3A_241 = tpu.vector_load %arg6[%swap3A_238, %swap3A_239, %swap3A_240] {strides = array<i32>} : memref<8x8x128xi32, #tpu.memory_space<vmem>>, vector<1x1x16xi32>,
        %swap3A_242 = vector.shape_cast %swap3A_241 : vector<1x1x16xi32> to vector<16xi32>
        %swap3A_243 = vector.shape_cast %add3A_236 : vector<16xi32> to vector<1x1x16xi32>
        tpu.vector_store %arg6[%swap3A_238, %swap3A_239, %swap3A_240], %swap3A_243 {strides = array<i32>} : memref<8x8x128xi32, #tpu.memory_space<vmem>>, vector<1x1x16xi32>,
        %get3A_244 = arith.constant 0 : i32
        %get3A_245 = arith.index_cast %get3A_244 : i32 to index
        %get3A_246 = arith.constant 48 : index
        %get3A_247 = tpu.vector_load %arg5[%get3A_245, %get3A_246] {strides = array<i32>} : memref<8x128xi32, #tpu.memory_space<vmem>>, vector<1x16xi32>,
        %get3A_248 = vector.shape_cast %get3A_247 : vector<1x16xi32> to vector<16xi32>
        %add3A_249 = vector.broadcast %add3A_203 : i32 to vector<16xi32>
        %add3A_250 = arith.addi %get3A_248, %add3A_249 : vector<16xi32>
        %swap3A_251 = arith.constant 0 : i32
        %swap3A_252 = arith.index_cast %scan3A_199 : i32 to index
        %swap3A_253 = arith.index_cast %swap3A_251 : i32 to index
        %swap3A_254 = arith.constant 48 : index
        %swap3A_255 = tpu.vector_load %arg6[%swap3A_252, %swap3A_253, %swap3A_254] {strides = array<i32>} : memref<8x8x128xi32, #tpu.memory_space<vmem>>, vector<1x1x16xi32>,
        %swap3A_256 = vector.shape_cast %swap3A_255 : vector<1x1x16xi32> to vector<16xi32>
        %swap3A_257 = vector.shape_cast %add3A_250 : vector<16xi32> to vector<1x1x16xi32>
        tpu.vector_store %arg6[%swap3A_252, %swap3A_253, %swap3A_254], %swap3A_257 {strides = array<i32>} : memref<8x8x128xi32, #tpu.memory_space<vmem>>, vector<1x1x16xi32>,
        %get3A_258 = arith.constant 0 : i32
        %get3A_259 = arith.index_cast %get3A_258 : i32 to index
        %get3A_260 = arith.constant 64 : index
        %get3A_261 = tpu.vector_load %arg5[%get3A_259, %get3A_260] {strides = array<i32>} : memref<8x128xi32, #tpu.memory_space<vmem>>, vector<1x16xi32>,
        %get3A_262 = vector.shape_cast %get3A_261 : vector<1x16xi32> to vector<16xi32>
        %add3A_263 = vector.broadcast %add3A_203 : i32 to vector<16xi32>
        %add3A_264 = arith.addi %get3A_262, %add3A_263 : vector<16xi32>
        %swap3A_265 = arith.constant 0 : i32
        %swap3A_266 = arith.index_cast %scan3A_199 : i32 to index
        %swap3A_267 = arith.index_cast %swap3A_265 : i32 to index
        %swap3A_268 = arith.constant 64 : index
        %swap3A_269 = tpu.vector_load %arg6[%swap3A_266, %swap3A_267, %swap3A_268] {strides = array<i32>} : memref<8x8x128xi32, #tpu.memory_space<vmem>>, vector<1x1x16xi32>,
        %swap3A_270 = vector.shape_cast %swap3A_269 : vector<1x1x16xi32> to vector<16xi32>
        %swap3A_271 = vector.shape_cast %add3A_264 : vector<16xi32> to vector<1x1x16xi32>
        tpu.vector_store %arg6[%swap3A_266, %swap3A_267, %swap3A_268], %swap3A_271 {strides = array<i32>} : memref<8x8x128xi32, #tpu.memory_space<vmem>>, vector<1x1x16xi32>,
        %get3A_272 = arith.constant 0 : i32
        %get3A_273 = arith.index_cast %get3A_272 : i32 to index
        %get3A_274 = arith.constant 80 : index
        %get3A_275 = tpu.vector_load %arg5[%get3A_273, %get3A_274] {strides = array<i32>} : memref<8x128xi32, #tpu.memory_space<vmem>>, vector<1x16xi32>,
        %get3A_276 = vector.shape_cast %get3A_275 : vector<1x16xi32> to vector<16xi32>
        %add3A_277 = vector.broadcast %add3A_203 : i32 to vector<16xi32>
        %add3A_278 = arith.addi %get3A_276, %add3A_277 : vector<16xi32>
        %swap3A_279 = arith.constant 0 : i32
        %swap3A_280 = arith.index_cast %scan3A_199 : i32 to index
        %swap3A_281 = arith.index_cast %swap3A_279 : i32 to index
        %swap3A_282 = arith.constant 80 : index
        %swap3A_283 = tpu.vector_load %arg6[%swap3A_280, %swap3A_281, %swap3A_282] {strides = array<i32>} : memref<8x8x128xi32, #tpu.memory_space<vmem>>, vector<1x1x16xi32>,
        %swap3A_284 = vector.shape_cast %swap3A_283 : vector<1x1x16xi32> to vector<16xi32>
        %swap3A_285 = vector.shape_cast %add3A_278 : vector<16xi32> to vector<1x1x16xi32>
        tpu.vector_store %arg6[%swap3A_280, %swap3A_281, %swap3A_282], %swap3A_285 {strides = array<i32>} : memref<8x8x128xi32, #tpu.memory_space<vmem>>, vector<1x1x16xi32>,
        %get3A_286 = arith.constant 0 : i32
        %get3A_287 = arith.index_cast %get3A_286 : i32 to index
        %get3A_288 = arith.constant 96 : index
        %get3A_289 = tpu.vector_load %arg5[%get3A_287, %get3A_288] {strides = array<i32>} : memref<8x128xi32, #tpu.memory_space<vmem>>, vector<1x16xi32>,
        %get3A_290 = vector.shape_cast %get3A_289 : vector<1x16xi32> to vector<16xi32>
        %add3A_291 = vector.broadcast %add3A_203 : i32 to vector<16xi32>
        %add3A_292 = arith.addi %get3A_290, %add3A_291 : vector<16xi32>
        %swap3A_293 = arith.constant 0 : i32
        %swap3A_294 = arith.index_cast %scan3A_199 : i32 to index
        %swap3A_295 = arith.index_cast %swap3A_293 : i32 to index
        %swap3A_296 = arith.constant 96 : index
        %swap3A_297 = tpu.vector_load %arg6[%swap3A_294, %swap3A_295, %swap3A_296] {strides = array<i32>} : memref<8x8x128xi32, #tpu.memory_space<vmem>>, vector<1x1x16xi32>,
        %swap3A_298 = vector.shape_cast %swap3A_297 : vector<1x1x16xi32> to vector<16xi32>
        %swap3A_299 = vector.shape_cast %add3A_292 : vector<16xi32> to vector<1x1x16xi32>
        tpu.vector_store %arg6[%swap3A_294, %swap3A_295, %swap3A_296], %swap3A_299 {strides = array<i32>} : memref<8x8x128xi32, #tpu.memory_space<vmem>>, vector<1x1x16xi32>,
        %get3A_300 = arith.constant 0 : i32
        %get3A_301 = arith.index_cast %get3A_300 : i32 to index
        %get3A_302 = arith.constant 112 : index
        %get3A_303 = tpu.vector_load %arg5[%get3A_301, %get3A_302] {strides = array<i32>} : memref<8x128xi32, #tpu.memory_space<vmem>>, vector<1x16xi32>,
        %get3A_304 = vector.shape_cast %get3A_303 : vector<1x16xi32> to vector<16xi32>
        %add3A_305 = vector.broadcast %add3A_203 : i32 to vector<16xi32>
        %add3A_306 = arith.addi %get3A_304, %add3A_305 : vector<16xi32>
        %swap3A_307 = arith.constant 0 : i32
        %swap3A_308 = arith.index_cast %scan3A_199 : i32 to index
        %swap3A_309 = arith.index_cast %swap3A_307 : i32 to index
        %swap3A_310 = arith.constant 112 : index
        %swap3A_311 = tpu.vector_load %arg6[%swap3A_308, %swap3A_309, %swap3A_310] {strides = array<i32>} : memref<8x8x128xi32, #tpu.memory_space<vmem>>, vector<1x1x16xi32>,
        %swap3A_312 = vector.shape_cast %swap3A_311 : vector<1x1x16xi32> to vector<16xi32>
        %swap3A_313 = vector.shape_cast %add3A_306 : vector<16xi32> to vector<1x1x16xi32>
        tpu.vector_store %arg6[%swap3A_308, %swap3A_309, %swap3A_310], %swap3A_313 {strides = array<i32>} : memref<8x8x128xi32, #tpu.memory_space<vmem>>, vector<1x1x16xi32>,
        %dma_start3A = arith.constant 0 : i32
        %dma_start3A_314 = arith.constant 0 : i32
        %dma_start3A_315 = tpu.memref_slice %arg7[%scan3A_199, %dma_start3A_314] : memref<8x1024xf32, #tpu.memory_space<vmem>> -> memref<1x128xf32, #tpu.memory_space<vmem>>
        %dma_start3A_316 = tpu.memref_squeeze %dma_start3A_315 : memref<1x128xf32, #tpu.memory_space<vmem>> -> memref<128xf32, #tpu.memory_space<vmem>>
        %dma_start3A_317 = arith.constant 0 : i32
        %dma_start3A_318 = tpu.memref_slice %arg6[%scan3A_199, %dma_start3A, %dma_start3A_317] : memref<8x8x128xi32, #tpu.memory_space<vmem>> -> memref<1x1x128xi32, #tpu.memory_space<vmem>>
        %dma_start3A_319 = tpu.memref_squeeze %dma_start3A_318 : memref<1x1x128xi32, #tpu.memory_space<vmem>> -> memref<128xi32, #tpu.memory_space<vmem>>
        %dma_start3A_320 = arith.constant 0 : i32
        %dma_start3A_321 = tpu.memref_slice %arg8[%dma_start3A_320] : memref<1600000xf32, #tpu.memory_space<vmem_shared>> -> memref<1600000xf32, #tpu.memory_space<vmem_shared>>
        tpu.enqueue_indirect_dma source(%dma_start3A_321 : memref<1600000xf32, #tpu.memory_space<vmem_shared>>) target(%dma_start3A_316 : memref<128xf32, #tpu.memory_space<vmem>>) offsets(%dma_start3A_319 : memref<128xi32, #tpu.memory_space<vmem>>) semaphore(%arg9 : memref<!tpu.dma_semaphore, #tpu.memory_space<semaphore_mem>>)
        %get3A_322 = arith.constant 1 : i32
        %get3A_323 = arith.index_cast %get3A_322 : i32 to index
        %get3A_324 = arith.constant 0 : index
        %get3A_325 = tpu.vector_load %arg5[%get3A_323, %get3A_324] {strides = array<i32>} : memref<8x128xi32, #tpu.memory_space<vmem>>, vector<1x16xi32>,
        %get3A_326 = vector.shape_cast %get3A_325 : vector<1x16xi32> to vector<16xi32>
        %add3A_327 = vector.broadcast %add3A_203 : i32 to vector<16xi32>
        %add3A_328 = arith.addi %get3A_326, %add3A_327 : vector<16xi32>
        %swap3A_329 = arith.constant 1 : i32
        %swap3A_330 = arith.index_cast %scan3A_199 : i32 to index
        %swap3A_331 = arith.index_cast %swap3A_329 : i32 to index
        %swap3A_332 = arith.constant 0 : index
        %swap3A_333 = tpu.vector_load %arg6[%swap3A_330, %swap3A_331, %swap3A_332] {strides = array<i32>} : memref<8x8x128xi32, #tpu.memory_space<vmem>>, vector<1x1x16xi32>,
        %swap3A_334 = vector.shape_cast %swap3A_333 : vector<1x1x16xi32> to vector<16xi32>
        %swap3A_335 = vector.shape_cast %add3A_328 : vector<16xi32> to vector<1x1x16xi32>
        tpu.vector_store %arg6[%swap3A_330, %swap3A_331, %swap3A_332], %swap3A_335 {strides = array<i32>} : memref<8x8x128xi32, #tpu.memory_space<vmem>>, vector<1x1x16xi32>,
        %get3A_336 = arith.constant 1 : i32
        %get3A_337 = arith.index_cast %get3A_336 : i32 to index
        %get3A_338 = arith.constant 16 : index
        %get3A_339 = tpu.vector_load %arg5[%get3A_337, %get3A_338] {strides = array<i32>} : memref<8x128xi32, #tpu.memory_space<vmem>>, vector<1x16xi32>,
        %get3A_340 = vector.shape_cast %get3A_339 : vector<1x16xi32> to vector<16xi32>
        %add3A_341 = vector.broadcast %add3A_203 : i32 to vector<16xi32>
        %add3A_342 = arith.addi %get3A_340, %add3A_341 : vector<16xi32>
        %swap3A_343 = arith.constant 1 : i32
        %swap3A_344 = arith.index_cast %scan3A_199 : i32 to index
        %swap3A_345 = arith.index_cast %swap3A_343 : i32 to index
        %swap3A_346 = arith.constant 16 : index
        %swap3A_347 = tpu.vector_load %arg6[%swap3A_344, %swap3A_345, %swap3A_346] {strides = array<i32>} : memref<8x8x128xi32, #tpu.memory_space<vmem>>, vector<1x1x16xi32>,
        %swap3A_348 = vector.shape_cast %swap3A_347 : vector<1x1x16xi32> to vector<16xi32>
        %swap3A_349 = vector.shape_cast %add3A_342 : vector<16xi32> to vector<1x1x16xi32>
        tpu.vector_store %arg6[%swap3A_344, %swap3A_345, %swap3A_346], %swap3A_349 {strides = array<i32>} : memref<8x8x128xi32, #tpu.memory_space<vmem>>, vector<1x1x16xi32>,
        %get3A_350 = arith.constant 1 : i32
        %get3A_351 = arith.index_cast %get3A_350 : i32 to index
        %get3A_352 = arith.constant 32 : index
        %get3A_353 = tpu.vector_load %arg5[%get3A_351, %get3A_352] {strides = array<i32>} : memref<8x128xi32, #tpu.memory_space<vmem>>, vector<1x16xi32>,
        %get3A_354 = vector.shape_cast %get3A_353 : vector<1x16xi32> to vector<16xi32>
        %add3A_355 = vector.broadcast %add3A_203 : i32 to vector<16xi32>
        %add3A_356 = arith.addi %get3A_354, %add3A_355 : vector<16xi32>
        %swap3A_357 = arith.constant 1 : i32
        %swap3A_358 = arith.index_cast %scan3A_199 : i32 to index
        %swap3A_359 = arith.index_cast %swap3A_357 : i32 to index
        %swap3A_360 = arith.constant 32 : index
        %swap3A_361 = tpu.vector_load %arg6[%swap3A_358, %swap3A_359, %swap3A_360] {strides = array<i32>} : memref<8x8x128xi32, #tpu.memory_space<vmem>>, vector<1x1x16xi32>,
        %swap3A_362 = vector.shape_cast %swap3A_361 : vector<1x1x16xi32> to vector<16xi32>
        %swap3A_363 = vector.shape_cast %add3A_356 : vector<16xi32> to vector<1x1x16xi32>
        tpu.vector_store %arg6[%swap3A_358, %swap3A_359, %swap3A_360], %swap3A_363 {strides = array<i32>} : memref<8x8x128xi32, #tpu.memory_space<vmem>>, vector<1x1x16xi32>,
        %get3A_364 = arith.constant 1 : i32
        %get3A_365 = arith.index_cast %get3A_364 : i32 to index
        %get3A_366 = arith.constant 48 : index
        %get3A_367 = tpu.vector_load %arg5[%get3A_365, %get3A_366] {strides = array<i32>} : memref<8x128xi32, #tpu.memory_space<vmem>>, vector<1x16xi32>,
        %get3A_368 = vector.shape_cast %get3A_367 : vector<1x16xi32> to vector<16xi32>
        %add3A_369 = vector.broadcast %add3A_203 : i32 to vector<16xi32>
        %add3A_370 = arith.addi %get3A_368, %add3A_369 : vector<16xi32>
        %swap3A_371 = arith.constant 1 : i32
        %swap3A_372 = arith.index_cast %scan3A_199 : i32 to index
        %swap3A_373 = arith.index_cast %swap3A_371 : i32 to index
        %swap3A_374 = arith.constant 48 : index
        %swap3A_375 = tpu.vector_load %arg6[%swap3A_372, %swap3A_373, %swap3A_374] {strides = array<i32>} : memref<8x8x128xi32, #tpu.memory_space<vmem>>, vector<1x1x16xi32>,
        %swap3A_376 = vector.shape_cast %swap3A_375 : vector<1x1x16xi32> to vector<16xi32>
        %swap3A_377 = vector.shape_cast %add3A_370 : vector<16xi32> to vector<1x1x16xi32>
        tpu.vector_store %arg6[%swap3A_372, %swap3A_373, %swap3A_374], %swap3A_377 {strides = array<i32>} : memref<8x8x128xi32, #tpu.memory_space<vmem>>, vector<1x1x16xi32>,
        %get3A_378 = arith.constant 1 : i32
        %get3A_379 = arith.index_cast %get3A_378 : i32 to index
        %get3A_380 = arith.constant 64 : index
        %get3A_381 = tpu.vector_load %arg5[%get3A_379, %get3A_380] {strides = array<i32>} : memref<8x128xi32, #tpu.memory_space<vmem>>, vector<1x16xi32>,
        %get3A_382 = vector.shape_cast %get3A_381 : vector<1x16xi32> to vector<16xi32>
        %add3A_383 = vector.broadcast %add3A_203 : i32 to vector<16xi32>
        %add3A_384 = arith.addi %get3A_382, %add3A_383 : vector<16xi32>
        %swap3A_385 = arith.constant 1 : i32
        %swap3A_386 = arith.index_cast %scan3A_199 : i32 to index
        %swap3A_387 = arith.index_cast %swap3A_385 : i32 to index
        %swap3A_388 = arith.constant 64 : index
        %swap3A_389 = tpu.vector_load %arg6[%swap3A_386, %swap3A_387, %swap3A_388] {strides = array<i32>} : memref<8x8x128xi32, #tpu.memory_space<vmem>>, vector<1x1x16xi32>,
        %swap3A_390 = vector.shape_cast %swap3A_389 : vector<1x1x16xi32> to vector<16xi32>
        %swap3A_391 = vector.shape_cast %add3A_384 : vector<16xi32> to vector<1x1x16xi32>
        tpu.vector_store %arg6[%swap3A_386, %swap3A_387, %swap3A_388], %swap3A_391 {strides = array<i32>} : memref<8x8x128xi32, #tpu.memory_space<vmem>>, vector<1x1x16xi32>,
        %get3A_392 = arith.constant 1 : i32
        %get3A_393 = arith.index_cast %get3A_392 : i32 to index
        %get3A_394 = arith.constant 80 : index
        %get3A_395 = tpu.vector_load %arg5[%get3A_393, %get3A_394] {strides = array<i32>} : memref<8x128xi32, #tpu.memory_space<vmem>>, vector<1x16xi32>,
        %get3A_396 = vector.shape_cast %get3A_395 : vector<1x16xi32> to vector<16xi32>
        %add3A_397 = vector.broadcast %add3A_203 : i32 to vector<16xi32>
        %add3A_398 = arith.addi %get3A_396, %add3A_397 : vector<16xi32>
        %swap3A_399 = arith.constant 1 : i32
        %swap3A_400 = arith.index_cast %scan3A_199 : i32 to index
        %swap3A_401 = arith.index_cast %swap3A_399 : i32 to index
        %swap3A_402 = arith.constant 80 : index
        %swap3A_403 = tpu.vector_load %arg6[%swap3A_400, %swap3A_401, %swap3A_402] {strides = array<i32>} : memref<8x8x128xi32, #tpu.memory_space<vmem>>, vector<1x1x16xi32>,
        %swap3A_404 = vector.shape_cast %swap3A_403 : vector<1x1x16xi32> to vector<16xi32>
        %swap3A_405 = vector.shape_cast %add3A_398 : vector<16xi32> to vector<1x1x16xi32>
        tpu.vector_store %arg6[%swap3A_400, %swap3A_401, %swap3A_402], %swap3A_405 {strides = array<i32>} : memref<8x8x128xi32, #tpu.memory_space<vmem>>, vector<1x1x16xi32>,
        %get3A_406 = arith.constant 1 : i32
        %get3A_407 = arith.index_cast %get3A_406 : i32 to index
        %get3A_408 = arith.constant 96 : index
        %get3A_409 = tpu.vector_load %arg5[%get3A_407, %get3A_408] {strides = array<i32>} : memref<8x128xi32, #tpu.memory_space<vmem>>, vector<1x16xi32>,
        %get3A_410 = vector.shape_cast %get3A_409 : vector<1x16xi32> to vector<16xi32>
        %add3A_411 = vector.broadcast %add3A_203 : i32 to vector<16xi32>
        %add3A_412 = arith.addi %get3A_410, %add3A_411 : vector<16xi32>
        %swap3A_413 = arith.constant 1 : i32
        %swap3A_414 = arith.index_cast %scan3A_199 : i32 to index
        %swap3A_415 = arith.index_cast %swap3A_413 : i32 to index
        %swap3A_416 = arith.constant 96 : index
        %swap3A_417 = tpu.vector_load %arg6[%swap3A_414, %swap3A_415, %swap3A_416] {strides = array<i32>} : memref<8x8x128xi32, #tpu.memory_space<vmem>>, vector<1x1x16xi32>,
        %swap3A_418 = vector.shape_cast %swap3A_417 : vector<1x1x16xi32> to vector<16xi32>
        %swap3A_419 = vector.shape_cast %add3A_412 : vector<16xi32> to vector<1x1x16xi32>
        tpu.vector_store %arg6[%swap3A_414, %swap3A_415, %swap3A_416], %swap3A_419 {strides = array<i32>} : memref<8x8x128xi32, #tpu.memory_space<vmem>>, vector<1x1x16xi32>,
        %get3A_420 = arith.constant 1 : i32
        %get3A_421 = arith.index_cast %get3A_420 : i32 to index
        %get3A_422 = arith.constant 112 : index
        %get3A_423 = tpu.vector_load %arg5[%get3A_421, %get3A_422] {strides = array<i32>} : memref<8x128xi32, #tpu.memory_space<vmem>>, vector<1x16xi32>,
        %get3A_424 = vector.shape_cast %get3A_423 : vector<1x16xi32> to vector<16xi32>
        %add3A_425 = vector.broadcast %add3A_203 : i32 to vector<16xi32>
        %add3A_426 = arith.addi %get3A_424, %add3A_425 : vector<16xi32>
        %swap3A_427 = arith.constant 1 : i32
        %swap3A_428 = arith.index_cast %scan3A_199 : i32 to index
        %swap3A_429 = arith.index_cast %swap3A_427 : i32 to index
        %swap3A_430 = arith.constant 112 : index
        %swap3A_431 = tpu.vector_load %arg6[%swap3A_428, %swap3A_429, %swap3A_430] {strides = array<i32>} : memref<8x8x128xi32, #tpu.memory_space<vmem>>, vector<1x1x16xi32>,
        %swap3A_432 = vector.shape_cast %swap3A_431 : vector<1x1x16xi32> to vector<16xi32>
        %swap3A_433 = vector.shape_cast %add3A_426 : vector<16xi32> to vector<1x1x16xi32>
        tpu.vector_store %arg6[%swap3A_428, %swap3A_429, %swap3A_430], %swap3A_433 {strides = array<i32>} : memref<8x8x128xi32, #tpu.memory_space<vmem>>, vector<1x1x16xi32>,
        %dma_start3A_434 = arith.constant 1 : i32
        %dma_start3A_435 = arith.constant 128 : i32
        %dma_start3A_436 = tpu.memref_slice %arg7[%scan3A_199, %dma_start3A_435] : memref<8x1024xf32, #tpu.memory_space<vmem>> -> memref<1x128xf32, #tpu.memory_space<vmem>>
        %dma_start3A_437 = tpu.memref_squeeze %dma_start3A_436 : memref<1x128xf32, #tpu.memory_space<vmem>> -> memref<128xf32, #tpu.memory_space<vmem>>
        %dma_start3A_438 = arith.constant 0 : i32
        %dma_start3A_439 = tpu.memref_slice %arg6[%scan3A_199, %dma_start3A_434, %dma_start3A_438] : memref<8x8x128xi32, #tpu.memory_space<vmem>> -> memref<1x1x128xi32, #tpu.memory_space<vmem>>
        %dma_start3A_440 = tpu.memref_squeeze %dma_start3A_439 : memref<1x1x128xi32, #tpu.memory_space<vmem>> -> memref<128xi32, #tpu.memory_space<vmem>>
        %dma_start3A_441 = arith.constant 0 : i32
        %dma_start3A_442 = tpu.memref_slice %arg8[%dma_start3A_441] : memref<1600000xf32, #tpu.memory_space<vmem_shared>> -> memref<1600000xf32, #tpu.memory_space<vmem_shared>>
        tpu.enqueue_indirect_dma source(%dma_start3A_442 : memref<1600000xf32, #tpu.memory_space<vmem_shared>>) target(%dma_start3A_437 : memref<128xf32, #tpu.memory_space<vmem>>) offsets(%dma_start3A_440 : memref<128xi32, #tpu.memory_space<vmem>>) semaphore(%arg9 : memref<!tpu.dma_semaphore, #tpu.memory_space<semaphore_mem>>)
        %get3A_443 = arith.constant 2 : i32
        %get3A_444 = arith.index_cast %get3A_443 : i32 to index
        %get3A_445 = arith.constant 0 : index
        %get3A_446 = tpu.vector_load %arg5[%get3A_444, %get3A_445] {strides = array<i32>} : memref<8x128xi32, #tpu.memory_space<vmem>>, vector<1x16xi32>,
        %get3A_447 = vector.shape_cast %get3A_446 : vector<1x16xi32> to vector<16xi32>
        %add3A_448 = vector.broadcast %add3A_203 : i32 to vector<16xi32>
        %add3A_449 = arith.addi %get3A_447, %add3A_448 : vector<16xi32>
        %swap3A_450 = arith.constant 2 : i32
        %swap3A_451 = arith.index_cast %scan3A_199 : i32 to index
        %swap3A_452 = arith.index_cast %swap3A_450 : i32 to index
        %swap3A_453 = arith.constant 0 : index
        %swap3A_454 = tpu.vector_load %arg6[%swap3A_451, %swap3A_452, %swap3A_453] {strides = array<i32>} : memref<8x8x128xi32, #tpu.memory_space<vmem>>, vector<1x1x16xi32>,
        %swap3A_455 = vector.shape_cast %swap3A_454 : vector<1x1x16xi32> to vector<16xi32>
        %swap3A_456 = vector.shape_cast %add3A_449 : vector<16xi32> to vector<1x1x16xi32>
        tpu.vector_store %arg6[%swap3A_451, %swap3A_452, %swap3A_453], %swap3A_456 {strides = array<i32>} : memref<8x8x128xi32, #tpu.memory_space<vmem>>, vector<1x1x16xi32>,
        %get3A_457 = arith.constant 2 : i32
        %get3A_458 = arith.index_cast %get3A_457 : i32 to index
        %get3A_459 = arith.constant 16 : index
        %get3A_460 = tpu.vector_load %arg5[%get3A_458, %get3A_459] {strides = array<i32>} : memref<8x128xi32, #tpu.memory_space<vmem>>, vector<1x16xi32>,
        %get3A_461 = vector.shape_cast %get3A_460 : vector<1x16xi32> to vector<16xi32>
        %add3A_462 = vector.broadcast %add3A_203 : i32 to vector<16xi32>
        %add3A_463 = arith.addi %get3A_461, %add3A_462 : vector<16xi32>
        %swap3A_464 = arith.constant 2 : i32
        %swap3A_465 = arith.index_cast %scan3A_199 : i32 to index
        %swap3A_466 = arith.index_cast %swap3A_464 : i32 to index
        %swap3A_467 = arith.constant 16 : index
        %swap3A_468 = tpu.vector_load %arg6[%swap3A_465, %swap3A_466, %swap3A_467] {strides = array<i32>} : memref<8x8x128xi32, #tpu.memory_space<vmem>>, vector<1x1x16xi32>,
        %swap3A_469 = vector.shape_cast %swap3A_468 : vector<1x1x16xi32> to vector<16xi32>
        %swap3A_470 = vector.shape_cast %add3A_463 : vector<16xi32> to vector<1x1x16xi32>
        tpu.vector_store %arg6[%swap3A_465, %swap3A_466, %swap3A_467], %swap3A_470 {strides = array<i32>} : memref<8x8x128xi32, #tpu.memory_space<vmem>>, vector<1x1x16xi32>,
        %get3A_471 = arith.constant 2 : i32
        %get3A_472 = arith.index_cast %get3A_471 : i32 to index
        %get3A_473 = arith.constant 32 : index
        %get3A_474 = tpu.vector_load %arg5[%get3A_472, %get3A_473] {strides = array<i32>} : memref<8x128xi32, #tpu.memory_space<vmem>>, vector<1x16xi32>,
        %get3A_475 = vector.shape_cast %get3A_474 : vector<1x16xi32> to vector<16xi32>
        %add3A_476 = vector.broadcast %add3A_203 : i32 to vector<16xi32>
        %add3A_477 = arith.addi %get3A_475, %add3A_476 : vector<16xi32>
        %swap3A_478 = arith.constant 2 : i32
        %swap3A_479 = arith.index_cast %scan3A_199 : i32 to index
        %swap3A_480 = arith.index_cast %swap3A_478 : i32 to index
        %swap3A_481 = arith.constant 32 : index
        %swap3A_482 = tpu.vector_load %arg6[%swap3A_479, %swap3A_480, %swap3A_481] {strides = array<i32>} : memref<8x8x128xi32, #tpu.memory_space<vmem>>, vector<1x1x16xi32>,
        %swap3A_483 = vector.shape_cast %swap3A_482 : vector<1x1x16xi32> to vector<16xi32>
        %swap3A_484 = vector.shape_cast %add3A_477 : vector<16xi32> to vector<1x1x16xi32>
        tpu.vector_store %arg6[%swap3A_479, %swap3A_480, %swap3A_481], %swap3A_484 {strides = array<i32>} : memref<8x8x128xi32, #tpu.memory_space<vmem>>, vector<1x1x16xi32>,
        %get3A_485 = arith.constant 2 : i32
        %get3A_486 = arith.index_cast %get3A_485 : i32 to index
        %get3A_487 = arith.constant 48 : index
        %get3A_488 = tpu.vector_load %arg5[%get3A_486, %get3A_487] {strides = array<i32>} : memref<8x128xi32, #tpu.memory_space<vmem>>, vector<1x16xi32>,
        %get3A_489 = vector.shape_cast %get3A_488 : vector<1x16xi32> to vector<16xi32>
        %add3A_490 = vector.broadcast %add3A_203 : i32 to vector<16xi32>
        %add3A_491 = arith.addi %get3A_489, %add3A_490 : vector<16xi32>
        %swap3A_492 = arith.constant 2 : i32
        %swap3A_493 = arith.index_cast %scan3A_199 : i32 to index
        %swap3A_494 = arith.index_cast %swap3A_492 : i32 to index
        %swap3A_495 = arith.constant 48 : index
        %swap3A_496 = tpu.vector_load %arg6[%swap3A_493, %swap3A_494, %swap3A_495] {strides = array<i32>} : memref<8x8x128xi32, #tpu.memory_space<vmem>>, vector<1x1x16xi32>,
        %swap3A_497 = vector.shape_cast %swap3A_496 : vector<1x1x16xi32> to vector<16xi32>
        %swap3A_498 = vector.shape_cast %add3A_491 : vector<16xi32> to vector<1x1x16xi32>
        tpu.vector_store %arg6[%swap3A_493, %swap3A_494, %swap3A_495], %swap3A_498 {strides = array<i32>} : memref<8x8x128xi32, #tpu.memory_space<vmem>>, vector<1x1x16xi32>,
        %get3A_499 = arith.constant 2 : i32
        %get3A_500 = arith.index_cast %get3A_499 : i32 to index
        %get3A_501 = arith.constant 64 : index
        %get3A_502 = tpu.vector_load %arg5[%get3A_500, %get3A_501] {strides = array<i32>} : memref<8x128xi32, #tpu.memory_space<vmem>>, vector<1x16xi32>,
        %get3A_503 = vector.shape_cast %get3A_502 : vector<1x16xi32> to vector<16xi32>
        %add3A_504 = vector.broadcast %add3A_203 : i32 to vector<16xi32>
        %add3A_505 = arith.addi %get3A_503, %add3A_504 : vector<16xi32>
        %swap3A_506 = arith.constant 2 : i32
        %swap3A_507 = arith.index_cast %scan3A_199 : i32 to index
        %swap3A_508 = arith.index_cast %swap3A_506 : i32 to index
        %swap3A_509 = arith.constant 64 : index
        %swap3A_510 = tpu.vector_load %arg6[%swap3A_507, %swap3A_508, %swap3A_509] {strides = array<i32>} : memref<8x8x128xi32, #tpu.memory_space<vmem>>, vector<1x1x16xi32>,
        %swap3A_511 = vector.shape_cast %swap3A_510 : vector<1x1x16xi32> to vector<16xi32>
        %swap3A_512 = vector.shape_cast %add3A_505 : vector<16xi32> to vector<1x1x16xi32>
        tpu.vector_store %arg6[%swap3A_507, %swap3A_508, %swap3A_509], %swap3A_512 {strides = array<i32>} : memref<8x8x128xi32, #tpu.memory_space<vmem>>, vector<1x1x16xi32>,
        %get3A_513 = arith.constant 2 : i32
        %get3A_514 = arith.index_cast %get3A_513 : i32 to index
        %get3A_515 = arith.constant 80 : index
        %get3A_516 = tpu.vector_load %arg5[%get3A_514, %get3A_515] {strides = array<i32>} : memref<8x128xi32, #tpu.memory_space<vmem>>, vector<1x16xi32>,
        %get3A_517 = vector.shape_cast %get3A_516 : vector<1x16xi32> to vector<16xi32>
        %add3A_518 = vector.broadcast %add3A_203 : i32 to vector<16xi32>
        %add3A_519 = arith.addi %get3A_517, %add3A_518 : vector<16xi32>
        %swap3A_520 = arith.constant 2 : i32
        %swap3A_521 = arith.index_cast %scan3A_199 : i32 to index
        %swap3A_522 = arith.index_cast %swap3A_520 : i32 to index
        %swap3A_523 = arith.constant 80 : index
        %swap3A_524 = tpu.vector_load %arg6[%swap3A_521, %swap3A_522, %swap3A_523] {strides = array<i32>} : memref<8x8x128xi32, #tpu.memory_space<vmem>>, vector<1x1x16xi32>,
        %swap3A_525 = vector.shape_cast %swap3A_524 : vector<1x1x16xi32> to vector<16xi32>
        %swap3A_526 = vector.shape_cast %add3A_519 : vector<16xi32> to vector<1x1x16xi32>
        tpu.vector_store %arg6[%swap3A_521, %swap3A_522, %swap3A_523], %swap3A_526 {strides = array<i32>} : memref<8x8x128xi32, #tpu.memory_space<vmem>>, vector<1x1x16xi32>,
        %get3A_527 = arith.constant 2 : i32
        %get3A_528 = arith.index_cast %get3A_527 : i32 to index
        %get3A_529 = arith.constant 96 : index
        %get3A_530 = tpu.vector_load %arg5[%get3A_528, %get3A_529] {strides = array<i32>} : memref<8x128xi32, #tpu.memory_space<vmem>>, vector<1x16xi32>,
        %get3A_531 = vector.shape_cast %get3A_530 : vector<1x16xi32> to vector<16xi32>
        %add3A_532 = vector.broadcast %add3A_203 : i32 to vector<16xi32>
        %add3A_533 = arith.addi %get3A_531, %add3A_532 : vector<16xi32>
        %swap3A_534 = arith.constant 2 : i32
        %swap3A_535 = arith.index_cast %scan3A_199 : i32 to index
        %swap3A_536 = arith.index_cast %swap3A_534 : i32 to index
        %swap3A_537 = arith.constant 96 : index
        %swap3A_538 = tpu.vector_load %arg6[%swap3A_535, %swap3A_536, %swap3A_537] {strides = array<i32>} : memref<8x8x128xi32, #tpu.memory_space<vmem>>, vector<1x1x16xi32>,
        %swap3A_539 = vector.shape_cast %swap3A_538 : vector<1x1x16xi32> to vector<16xi32>
        %swap3A_540 = vector.shape_cast %add3A_533 : vector<16xi32> to vector<1x1x16xi32>
        tpu.vector_store %arg6[%swap3A_535, %swap3A_536, %swap3A_537], %swap3A_540 {strides = array<i32>} : memref<8x8x128xi32, #tpu.memory_space<vmem>>, vector<1x1x16xi32>,
        %get3A_541 = arith.constant 2 : i32
        %get3A_542 = arith.index_cast %get3A_541 : i32 to index
        %get3A_543 = arith.constant 112 : index
        %get3A_544 = tpu.vector_load %arg5[%get3A_542, %get3A_543] {strides = array<i32>} : memref<8x128xi32, #tpu.memory_space<vmem>>, vector<1x16xi32>,
        %get3A_545 = vector.shape_cast %get3A_544 : vector<1x16xi32> to vector<16xi32>
        %add3A_546 = vector.broadcast %add3A_203 : i32 to vector<16xi32>
        %add3A_547 = arith.addi %get3A_545, %add3A_546 : vector<16xi32>
        %swap3A_548 = arith.constant 2 : i32
        %swap3A_549 = arith.index_cast %scan3A_199 : i32 to index
        %swap3A_550 = arith.index_cast %swap3A_548 : i32 to index
        %swap3A_551 = arith.constant 112 : index
        %swap3A_552 = tpu.vector_load %arg6[%swap3A_549, %swap3A_550, %swap3A_551] {strides = array<i32>} : memref<8x8x128xi32, #tpu.memory_space<vmem>>, vector<1x1x16xi32>,
        %swap3A_553 = vector.shape_cast %swap3A_552 : vector<1x1x16xi32> to vector<16xi32>
        %swap3A_554 = vector.shape_cast %add3A_547 : vector<16xi32> to vector<1x1x16xi32>
        tpu.vector_store %arg6[%swap3A_549, %swap3A_550, %swap3A_551], %swap3A_554 {strides = array<i32>} : memref<8x8x128xi32, #tpu.memory_space<vmem>>, vector<1x1x16xi32>,
        %dma_start3A_555 = arith.constant 2 : i32
        %dma_start3A_556 = arith.constant 256 : i32
        %dma_start3A_557 = tpu.memref_slice %arg7[%scan3A_199, %dma_start3A_556] : memref<8x1024xf32, #tpu.memory_space<vmem>> -> memref<1x128xf32, #tpu.memory_space<vmem>>
        %dma_start3A_558 = tpu.memref_squeeze %dma_start3A_557 : memref<1x128xf32, #tpu.memory_space<vmem>> -> memref<128xf32, #tpu.memory_space<vmem>>
        %dma_start3A_559 = arith.constant 0 : i32
        %dma_start3A_560 = tpu.memref_slice %arg6[%scan3A_199, %dma_start3A_555, %dma_start3A_559] : memref<8x8x128xi32, #tpu.memory_space<vmem>> -> memref<1x1x128xi32, #tpu.memory_space<vmem>>
        %dma_start3A_561 = tpu.memref_squeeze %dma_start3A_560 : memref<1x1x128xi32, #tpu.memory_space<vmem>> -> memref<128xi32, #tpu.memory_space<vmem>>
        %dma_start3A_562 = arith.constant 0 : i32
        %dma_start3A_563 = tpu.memref_slice %arg8[%dma_start3A_562] : memref<1600000xf32, #tpu.memory_space<vmem_shared>> -> memref<1600000xf32, #tpu.memory_space<vmem_shared>>
        tpu.enqueue_indirect_dma source(%dma_start3A_563 : memref<1600000xf32, #tpu.memory_space<vmem_shared>>) target(%dma_start3A_558 : memref<128xf32, #tpu.memory_space<vmem>>) offsets(%dma_start3A_561 : memref<128xi32, #tpu.memory_space<vmem>>) semaphore(%arg9 : memref<!tpu.dma_semaphore, #tpu.memory_space<semaphore_mem>>)
        %get3A_564 = arith.constant 3 : i32
        %get3A_565 = arith.index_cast %get3A_564 : i32 to index
        %get3A_566 = arith.constant 0 : index
        %get3A_567 = tpu.vector_load %arg5[%get3A_565, %get3A_566] {strides = array<i32>} : memref<8x128xi32, #tpu.memory_space<vmem>>, vector<1x16xi32>,
        %get3A_568 = vector.shape_cast %get3A_567 : vector<1x16xi32> to vector<16xi32>
        %add3A_569 = vector.broadcast %add3A_203 : i32 to vector<16xi32>
        %add3A_570 = arith.addi %get3A_568, %add3A_569 : vector<16xi32>
        %swap3A_571 = arith.constant 3 : i32
        %swap3A_572 = arith.index_cast %scan3A_199 : i32 to index
        %swap3A_573 = arith.index_cast %swap3A_571 : i32 to index
        %swap3A_574 = arith.constant 0 : index
        %swap3A_575 = tpu.vector_load %arg6[%swap3A_572, %swap3A_573, %swap3A_574] {strides = array<i32>} : memref<8x8x128xi32, #tpu.memory_space<vmem>>, vector<1x1x16xi32>,
        %swap3A_576 = vector.shape_cast %swap3A_575 : vector<1x1x16xi32> to vector<16xi32>
        %swap3A_577 = vector.shape_cast %add3A_570 : vector<16xi32> to vector<1x1x16xi32>
        tpu.vector_store %arg6[%swap3A_572, %swap3A_573, %swap3A_574], %swap3A_577 {strides = array<i32>} : memref<8x8x128xi32, #tpu.memory_space<vmem>>, vector<1x1x16xi32>,
        %get3A_578 = arith.constant 3 : i32
        %get3A_579 = arith.index_cast %get3A_578 : i32 to index
        %get3A_580 = arith.constant 16 : index
        %get3A_581 = tpu.vector_load %arg5[%get3A_579, %get3A_580] {strides = array<i32>} : memref<8x128xi32, #tpu.memory_space<vmem>>, vector<1x16xi32>,
        %get3A_582 = vector.shape_cast %get3A_581 : vector<1x16xi32> to vector<16xi32>
        %add3A_583 = vector.broadcast %add3A_203 : i32 to vector<16xi32>
        %add3A_584 = arith.addi %get3A_582, %add3A_583 : vector<16xi32>
        %swap3A_585 = arith.constant 3 : i32
        %swap3A_586 = arith.index_cast %scan3A_199 : i32 to index
        %swap3A_587 = arith.index_cast %swap3A_585 : i32 to index
        %swap3A_588 = arith.constant 16 : index
        %swap3A_589 = tpu.vector_load %arg6[%swap3A_586, %swap3A_587, %swap3A_588] {strides = array<i32>} : memref<8x8x128xi32, #tpu.memory_space<vmem>>, vector<1x1x16xi32>,
        %swap3A_590 = vector.shape_cast %swap3A_589 : vector<1x1x16xi32> to vector<16xi32>
        %swap3A_591 = vector.shape_cast %add3A_584 : vector<16xi32> to vector<1x1x16xi32>
        tpu.vector_store %arg6[%swap3A_586, %swap3A_587, %swap3A_588], %swap3A_591 {strides = array<i32>} : memref<8x8x128xi32, #tpu.memory_space<vmem>>, vector<1x1x16xi32>,
        %get3A_592 = arith.constant 3 : i32
        %get3A_593 = arith.index_cast %get3A_592 : i32 to index
        %get3A_594 = arith.constant 32 : index
        %get3A_595 = tpu.vector_load %arg5[%get3A_593, %get3A_594] {strides = array<i32>} : memref<8x128xi32, #tpu.memory_space<vmem>>, vector<1x16xi32>,
        %get3A_596 = vector.shape_cast %get3A_595 : vector<1x16xi32> to vector<16xi32>
        %add3A_597 = vector.broadcast %add3A_203 : i32 to vector<16xi32>
        %add3A_598 = arith.addi %get3A_596, %add3A_597 : vector<16xi32>
        %swap3A_599 = arith.constant 3 : i32
        %swap3A_600 = arith.index_cast %scan3A_199 : i32 to index
        %swap3A_601 = arith.index_cast %swap3A_599 : i32 to index
        %swap3A_602 = arith.constant 32 : index
        %swap3A_603 = tpu.vector_load %arg6[%swap3A_600, %swap3A_601, %swap3A_602] {strides = array<i32>} : memref<8x8x128xi32, #tpu.memory_space<vmem>>, vector<1x1x16xi32>,
        %swap3A_604 = vector.shape_cast %swap3A_603 : vector<1x1x16xi32> to vector<16xi32>
        %swap3A_605 = vector.shape_cast %add3A_598 : vector<16xi32> to vector<1x1x16xi32>
        tpu.vector_store %arg6[%swap3A_600, %swap3A_601, %swap3A_602], %swap3A_605 {strides = array<i32>} : memref<8x8x128xi32, #tpu.memory_space<vmem>>, vector<1x1x16xi32>,
        %get3A_606 = arith.constant 3 : i32
        %get3A_607 = arith.index_cast %get3A_606 : i32 to index
        %get3A_608 = arith.constant 48 : index
        %get3A_609 = tpu.vector_load %arg5[%get3A_607, %get3A_608] {strides = array<i32>} : memref<8x128xi32, #tpu.memory_space<vmem>>, vector<1x16xi32>,
        %get3A_610 = vector.shape_cast %get3A_609 : vector<1x16xi32> to vector<16xi32>
        %add3A_611 = vector.broadcast %add3A_203 : i32 to vector<16xi32>
        %add3A_612 = arith.addi %get3A_610, %add3A_611 : vector<16xi32>
        %swap3A_613 = arith.constant 3 : i32
        %swap3A_614 = arith.index_cast %scan3A_199 : i32 to index
        %swap3A_615 = arith.index_cast %swap3A_613 : i32 to index
        %swap3A_616 = arith.constant 48 : index
        %swap3A_617 = tpu.vector_load %arg6[%swap3A_614, %swap3A_615, %swap3A_616] {strides = array<i32>} : memref<8x8x128xi32, #tpu.memory_space<vmem>>, vector<1x1x16xi32>,
        %swap3A_618 = vector.shape_cast %swap3A_617 : vector<1x1x16xi32> to vector<16xi32>
        %swap3A_619 = vector.shape_cast %add3A_612 : vector<16xi32> to vector<1x1x16xi32>
        tpu.vector_store %arg6[%swap3A_614, %swap3A_615, %swap3A_616], %swap3A_619 {strides = array<i32>} : memref<8x8x128xi32, #tpu.memory_space<vmem>>, vector<1x1x16xi32>,
        %get3A_620 = arith.constant 3 : i32
        %get3A_621 = arith.index_cast %get3A_620 : i32 to index
        %get3A_622 = arith.constant 64 : index
        %get3A_623 = tpu.vector_load %arg5[%get3A_621, %get3A_622] {strides = array<i32>} : memref<8x128xi32, #tpu.memory_space<vmem>>, vector<1x16xi32>,
        %get3A_624 = vector.shape_cast %get3A_623 : vector<1x16xi32> to vector<16xi32>
        %add3A_625 = vector.broadcast %add3A_203 : i32 to vector<16xi32>
        %add3A_626 = arith.addi %get3A_624, %add3A_625 : vector<16xi32>
        %swap3A_627 = arith.constant 3 : i32
        %swap3A_628 = arith.index_cast %scan3A_199 : i32 to index
        %swap3A_629 = arith.index_cast %swap3A_627 : i32 to index
        %swap3A_630 = arith.constant 64 : index
        %swap3A_631 = tpu.vector_load %arg6[%swap3A_628, %swap3A_629, %swap3A_630] {strides = array<i32>} : memref<8x8x128xi32, #tpu.memory_space<vmem>>, vector<1x1x16xi32>,
        %swap3A_632 = vector.shape_cast %swap3A_631 : vector<1x1x16xi32> to vector<16xi32>
        %swap3A_633 = vector.shape_cast %add3A_626 : vector<16xi32> to vector<1x1x16xi32>
        tpu.vector_store %arg6[%swap3A_628, %swap3A_629, %swap3A_630], %swap3A_633 {strides = array<i32>} : memref<8x8x128xi32, #tpu.memory_space<vmem>>, vector<1x1x16xi32>,
        %get3A_634 = arith.constant 3 : i32
        %get3A_635 = arith.index_cast %get3A_634 : i32 to index
        %get3A_636 = arith.constant 80 : index
        %get3A_637 = tpu.vector_load %arg5[%get3A_635, %get3A_636] {strides = array<i32>} : memref<8x128xi32, #tpu.memory_space<vmem>>, vector<1x16xi32>,
        %get3A_638 = vector.shape_cast %get3A_637 : vector<1x16xi32> to vector<16xi32>
        %add3A_639 = vector.broadcast %add3A_203 : i32 to vector<16xi32>
        %add3A_640 = arith.addi %get3A_638, %add3A_639 : vector<16xi32>
        %swap3A_641 = arith.constant 3 : i32
        %swap3A_642 = arith.index_cast %scan3A_199 : i32 to index
        %swap3A_643 = arith.index_cast %swap3A_641 : i32 to index
        %swap3A_644 = arith.constant 80 : index
        %swap3A_645 = tpu.vector_load %arg6[%swap3A_642, %swap3A_643, %swap3A_644] {strides = array<i32>} : memref<8x8x128xi32, #tpu.memory_space<vmem>>, vector<1x1x16xi32>,
        %swap3A_646 = vector.shape_cast %swap3A_645 : vector<1x1x16xi32> to vector<16xi32>
        %swap3A_647 = vector.shape_cast %add3A_640 : vector<16xi32> to vector<1x1x16xi32>
        tpu.vector_store %arg6[%swap3A_642, %swap3A_643, %swap3A_644], %swap3A_647 {strides = array<i32>} : memref<8x8x128xi32, #tpu.memory_space<vmem>>, vector<1x1x16xi32>,
        %get3A_648 = arith.constant 3 : i32
        %get3A_649 = arith.index_cast %get3A_648 : i32 to index
        %get3A_650 = arith.constant 96 : index
        %get3A_651 = tpu.vector_load %arg5[%get3A_649, %get3A_650] {strides = array<i32>} : memref<8x128xi32, #tpu.memory_space<vmem>>, vector<1x16xi32>,
        %get3A_652 = vector.shape_cast %get3A_651 : vector<1x16xi32> to vector<16xi32>
        %add3A_653 = vector.broadcast %add3A_203 : i32 to vector<16xi32>
        %add3A_654 = arith.addi %get3A_652, %add3A_653 : vector<16xi32>
        %swap3A_655 = arith.constant 3 : i32
        %swap3A_656 = arith.index_cast %scan3A_199 : i32 to index
        %swap3A_657 = arith.index_cast %swap3A_655 : i32 to index
        %swap3A_658 = arith.constant 96 : index
        %swap3A_659 = tpu.vector_load %arg6[%swap3A_656, %swap3A_657, %swap3A_658] {strides = array<i32>} : memref<8x8x128xi32, #tpu.memory_space<vmem>>, vector<1x1x16xi32>,
        %swap3A_660 = vector.shape_cast %swap3A_659 : vector<1x1x16xi32> to vector<16xi32>
        %swap3A_661 = vector.shape_cast %add3A_654 : vector<16xi32> to vector<1x1x16xi32>
        tpu.vector_store %arg6[%swap3A_656, %swap3A_657, %swap3A_658], %swap3A_661 {strides = array<i32>} : memref<8x8x128xi32, #tpu.memory_space<vmem>>, vector<1x1x16xi32>,
        %get3A_662 = arith.constant 3 : i32
        %get3A_663 = arith.index_cast %get3A_662 : i32 to index
        %get3A_664 = arith.constant 112 : index
        %get3A_665 = tpu.vector_load %arg5[%get3A_663, %get3A_664] {strides = array<i32>} : memref<8x128xi32, #tpu.memory_space<vmem>>, vector<1x16xi32>,
        %get3A_666 = vector.shape_cast %get3A_665 : vector<1x16xi32> to vector<16xi32>
        %add3A_667 = vector.broadcast %add3A_203 : i32 to vector<16xi32>
        %add3A_668 = arith.addi %get3A_666, %add3A_667 : vector<16xi32>
        %swap3A_669 = arith.constant 3 : i32
        %swap3A_670 = arith.index_cast %scan3A_199 : i32 to index
        %swap3A_671 = arith.index_cast %swap3A_669 : i32 to index
        %swap3A_672 = arith.constant 112 : index
        %swap3A_673 = tpu.vector_load %arg6[%swap3A_670, %swap3A_671, %swap3A_672] {strides = array<i32>} : memref<8x8x128xi32, #tpu.memory_space<vmem>>, vector<1x1x16xi32>,
        %swap3A_674 = vector.shape_cast %swap3A_673 : vector<1x1x16xi32> to vector<16xi32>
        %swap3A_675 = vector.shape_cast %add3A_668 : vector<16xi32> to vector<1x1x16xi32>
        tpu.vector_store %arg6[%swap3A_670, %swap3A_671, %swap3A_672], %swap3A_675 {strides = array<i32>} : memref<8x8x128xi32, #tpu.memory_space<vmem>>, vector<1x1x16xi32>,
        %dma_start3A_676 = arith.constant 3 : i32
        %dma_start3A_677 = arith.constant 384 : i32
        %dma_start3A_678 = tpu.memref_slice %arg7[%scan3A_199, %dma_start3A_677] : memref<8x1024xf32, #tpu.memory_space<vmem>> -> memref<1x128xf32, #tpu.memory_space<vmem>>
        %dma_start3A_679 = tpu.memref_squeeze %dma_start3A_678 : memref<1x128xf32, #tpu.memory_space<vmem>> -> memref<128xf32, #tpu.memory_space<vmem>>
        %dma_start3A_680 = arith.constant 0 : i32
        %dma_start3A_681 = tpu.memref_slice %arg6[%scan3A_199, %dma_start3A_676, %dma_start3A_680] : memref<8x8x128xi32, #tpu.memory_space<vmem>> -> memref<1x1x128xi32, #tpu.memory_space<vmem>>
        %dma_start3A_682 = tpu.memref_squeeze %dma_start3A_681 : memref<1x1x128xi32, #tpu.memory_space<vmem>> -> memref<128xi32, #tpu.memory_space<vmem>>
        %dma_start3A_683 = arith.constant 0 : i32
        %dma_start3A_684 = tpu.memref_slice %arg8[%dma_start3A_683] : memref<1600000xf32, #tpu.memory_space<vmem_shared>> -> memref<1600000xf32, #tpu.memory_space<vmem_shared>>
        tpu.enqueue_indirect_dma source(%dma_start3A_684 : memref<1600000xf32, #tpu.memory_space<vmem_shared>>) target(%dma_start3A_679 : memref<128xf32, #tpu.memory_space<vmem>>) offsets(%dma_start3A_682 : memref<128xi32, #tpu.memory_space<vmem>>) semaphore(%arg9 : memref<!tpu.dma_semaphore, #tpu.memory_space<semaphore_mem>>)
        %get3A_685 = arith.constant 4 : i32
        %get3A_686 = arith.index_cast %get3A_685 : i32 to index
        %get3A_687 = arith.constant 0 : index
        %get3A_688 = tpu.vector_load %arg5[%get3A_686, %get3A_687] {strides = array<i32>} : memref<8x128xi32, #tpu.memory_space<vmem>>, vector<1x16xi32>,
        %get3A_689 = vector.shape_cast %get3A_688 : vector<1x16xi32> to vector<16xi32>
        %add3A_690 = vector.broadcast %add3A_203 : i32 to vector<16xi32>
        %add3A_691 = arith.addi %get3A_689, %add3A_690 : vector<16xi32>
        %swap3A_692 = arith.constant 4 : i32
        %swap3A_693 = arith.index_cast %scan3A_199 : i32 to index
        %swap3A_694 = arith.index_cast %swap3A_692 : i32 to index
        %swap3A_695 = arith.constant 0 : index
        %swap3A_696 = tpu.vector_load %arg6[%swap3A_693, %swap3A_694, %swap3A_695] {strides = array<i32>} : memref<8x8x128xi32, #tpu.memory_space<vmem>>, vector<1x1x16xi32>,
        %swap3A_697 = vector.shape_cast %swap3A_696 : vector<1x1x16xi32> to vector<16xi32>
        %swap3A_698 = vector.shape_cast %add3A_691 : vector<16xi32> to vector<1x1x16xi32>
        tpu.vector_store %arg6[%swap3A_693, %swap3A_694, %swap3A_695], %swap3A_698 {strides = array<i32>} : memref<8x8x128xi32, #tpu.memory_space<vmem>>, vector<1x1x16xi32>,
        %get3A_699 = arith.constant 4 : i32
        %get3A_700 = arith.index_cast %get3A_699 : i32 to index
        %get3A_701 = arith.constant 16 : index
        %get3A_702 = tpu.vector_load %arg5[%get3A_700, %get3A_701] {strides = array<i32>} : memref<8x128xi32, #tpu.memory_space<vmem>>, vector<1x16xi32>,
        %get3A_703 = vector.shape_cast %get3A_702 : vector<1x16xi32> to vector<16xi32>
        %add3A_704 = vector.broadcast %add3A_203 : i32 to vector<16xi32>
        %add3A_705 = arith.addi %get3A_703, %add3A_704 : vector<16xi32>
        %swap3A_706 = arith.constant 4 : i32
        %swap3A_707 = arith.index_cast %scan3A_199 : i32 to index
        %swap3A_708 = arith.index_cast %swap3A_706 : i32 to index
        %swap3A_709 = arith.constant 16 : index
        %swap3A_710 = tpu.vector_load %arg6[%swap3A_707, %swap3A_708, %swap3A_709] {strides = array<i32>} : memref<8x8x128xi32, #tpu.memory_space<vmem>>, vector<1x1x16xi32>,
        %swap3A_711 = vector.shape_cast %swap3A_710 : vector<1x1x16xi32> to vector<16xi32>
        %swap3A_712 = vector.shape_cast %add3A_705 : vector<16xi32> to vector<1x1x16xi32>
        tpu.vector_store %arg6[%swap3A_707, %swap3A_708, %swap3A_709], %swap3A_712 {strides = array<i32>} : memref<8x8x128xi32, #tpu.memory_space<vmem>>, vector<1x1x16xi32>,
        %get3A_713 = arith.constant 4 : i32
        %get3A_714 = arith.index_cast %get3A_713 : i32 to index
        %get3A_715 = arith.constant 32 : index
        %get3A_716 = tpu.vector_load %arg5[%get3A_714, %get3A_715] {strides = array<i32>} : memref<8x128xi32, #tpu.memory_space<vmem>>, vector<1x16xi32>,
        %get3A_717 = vector.shape_cast %get3A_716 : vector<1x16xi32> to vector<16xi32>
        %add3A_718 = vector.broadcast %add3A_203 : i32 to vector<16xi32>
        %add3A_719 = arith.addi %get3A_717, %add3A_718 : vector<16xi32>
        %swap3A_720 = arith.constant 4 : i32
        %swap3A_721 = arith.index_cast %scan3A_199 : i32 to index
        %swap3A_722 = arith.index_cast %swap3A_720 : i32 to index
        %swap3A_723 = arith.constant 32 : index
        %swap3A_724 = tpu.vector_load %arg6[%swap3A_721, %swap3A_722, %swap3A_723] {strides = array<i32>} : memref<8x8x128xi32, #tpu.memory_space<vmem>>, vector<1x1x16xi32>,
        %swap3A_725 = vector.shape_cast %swap3A_724 : vector<1x1x16xi32> to vector<16xi32>
        %swap3A_726 = vector.shape_cast %add3A_719 : vector<16xi32> to vector<1x1x16xi32>
        tpu.vector_store %arg6[%swap3A_721, %swap3A_722, %swap3A_723], %swap3A_726 {strides = array<i32>} : memref<8x8x128xi32, #tpu.memory_space<vmem>>, vector<1x1x16xi32>,
        %get3A_727 = arith.constant 4 : i32
        %get3A_728 = arith.index_cast %get3A_727 : i32 to index
        %get3A_729 = arith.constant 48 : index
        %get3A_730 = tpu.vector_load %arg5[%get3A_728, %get3A_729] {strides = array<i32>} : memref<8x128xi32, #tpu.memory_space<vmem>>, vector<1x16xi32>,
        %get3A_731 = vector.shape_cast %get3A_730 : vector<1x16xi32> to vector<16xi32>
        %add3A_732 = vector.broadcast %add3A_203 : i32 to vector<16xi32>
        %add3A_733 = arith.addi %get3A_731, %add3A_732 : vector<16xi32>
        %swap3A_734 = arith.constant 4 : i32
        %swap3A_735 = arith.index_cast %scan3A_199 : i32 to index
        %swap3A_736 = arith.index_cast %swap3A_734 : i32 to index
        %swap3A_737 = arith.constant 48 : index
        %swap3A_738 = tpu.vector_load %arg6[%swap3A_735, %swap3A_736, %swap3A_737] {strides = array<i32>} : memref<8x8x128xi32, #tpu.memory_space<vmem>>, vector<1x1x16xi32>,
        %swap3A_739 = vector.shape_cast %swap3A_738 : vector<1x1x16xi32> to vector<16xi32>
        %swap3A_740 = vector.shape_cast %add3A_733 : vector<16xi32> to vector<1x1x16xi32>
        tpu.vector_store %arg6[%swap3A_735, %swap3A_736, %swap3A_737], %swap3A_740 {strides = array<i32>} : memref<8x8x128xi32, #tpu.memory_space<vmem>>, vector<1x1x16xi32>,
        %get3A_741 = arith.constant 4 : i32
        %get3A_742 = arith.index_cast %get3A_741 : i32 to index
        %get3A_743 = arith.constant 64 : index
        %get3A_744 = tpu.vector_load %arg5[%get3A_742, %get3A_743] {strides = array<i32>} : memref<8x128xi32, #tpu.memory_space<vmem>>, vector<1x16xi32>,
        %get3A_745 = vector.shape_cast %get3A_744 : vector<1x16xi32> to vector<16xi32>
        %add3A_746 = vector.broadcast %add3A_203 : i32 to vector<16xi32>
        %add3A_747 = arith.addi %get3A_745, %add3A_746 : vector<16xi32>
        %swap3A_748 = arith.constant 4 : i32
        %swap3A_749 = arith.index_cast %scan3A_199 : i32 to index
        %swap3A_750 = arith.index_cast %swap3A_748 : i32 to index
        %swap3A_751 = arith.constant 64 : index
        %swap3A_752 = tpu.vector_load %arg6[%swap3A_749, %swap3A_750, %swap3A_751] {strides = array<i32>} : memref<8x8x128xi32, #tpu.memory_space<vmem>>, vector<1x1x16xi32>,
        %swap3A_753 = vector.shape_cast %swap3A_752 : vector<1x1x16xi32> to vector<16xi32>
        %swap3A_754 = vector.shape_cast %add3A_747 : vector<16xi32> to vector<1x1x16xi32>
        tpu.vector_store %arg6[%swap3A_749, %swap3A_750, %swap3A_751], %swap3A_754 {strides = array<i32>} : memref<8x8x128xi32, #tpu.memory_space<vmem>>, vector<1x1x16xi32>,
        %get3A_755 = arith.constant 4 : i32
        %get3A_756 = arith.index_cast %get3A_755 : i32 to index
        %get3A_757 = arith.constant 80 : index
        %get3A_758 = tpu.vector_load %arg5[%get3A_756, %get3A_757] {strides = array<i32>} : memref<8x128xi32, #tpu.memory_space<vmem>>, vector<1x16xi32>,
        %get3A_759 = vector.shape_cast %get3A_758 : vector<1x16xi32> to vector<16xi32>
        %add3A_760 = vector.broadcast %add3A_203 : i32 to vector<16xi32>
        %add3A_761 = arith.addi %get3A_759, %add3A_760 : vector<16xi32>
        %swap3A_762 = arith.constant 4 : i32
        %swap3A_763 = arith.index_cast %scan3A_199 : i32 to index
        %swap3A_764 = arith.index_cast %swap3A_762 : i32 to index
        %swap3A_765 = arith.constant 80 : index
        %swap3A_766 = tpu.vector_load %arg6[%swap3A_763, %swap3A_764, %swap3A_765] {strides = array<i32>} : memref<8x8x128xi32, #tpu.memory_space<vmem>>, vector<1x1x16xi32>,
        %swap3A_767 = vector.shape_cast %swap3A_766 : vector<1x1x16xi32> to vector<16xi32>
        %swap3A_768 = vector.shape_cast %add3A_761 : vector<16xi32> to vector<1x1x16xi32>
        tpu.vector_store %arg6[%swap3A_763, %swap3A_764, %swap3A_765], %swap3A_768 {strides = array<i32>} : memref<8x8x128xi32, #tpu.memory_space<vmem>>, vector<1x1x16xi32>,
        %get3A_769 = arith.constant 4 : i32
        %get3A_770 = arith.index_cast %get3A_769 : i32 to index
        %get3A_771 = arith.constant 96 : index
        %get3A_772 = tpu.vector_load %arg5[%get3A_770, %get3A_771] {strides = array<i32>} : memref<8x128xi32, #tpu.memory_space<vmem>>, vector<1x16xi32>,
        %get3A_773 = vector.shape_cast %get3A_772 : vector<1x16xi32> to vector<16xi32>
        %add3A_774 = vector.broadcast %add3A_203 : i32 to vector<16xi32>
        %add3A_775 = arith.addi %get3A_773, %add3A_774 : vector<16xi32>
        %swap3A_776 = arith.constant 4 : i32
        %swap3A_777 = arith.index_cast %scan3A_199 : i32 to index
        %swap3A_778 = arith.index_cast %swap3A_776 : i32 to index
        %swap3A_779 = arith.constant 96 : index
        %swap3A_780 = tpu.vector_load %arg6[%swap3A_777, %swap3A_778, %swap3A_779] {strides = array<i32>} : memref<8x8x128xi32, #tpu.memory_space<vmem>>, vector<1x1x16xi32>,
        %swap3A_781 = vector.shape_cast %swap3A_780 : vector<1x1x16xi32> to vector<16xi32>
        %swap3A_782 = vector.shape_cast %add3A_775 : vector<16xi32> to vector<1x1x16xi32>
        tpu.vector_store %arg6[%swap3A_777, %swap3A_778, %swap3A_779], %swap3A_782 {strides = array<i32>} : memref<8x8x128xi32, #tpu.memory_space<vmem>>, vector<1x1x16xi32>,
        %get3A_783 = arith.constant 4 : i32
        %get3A_784 = arith.index_cast %get3A_783 : i32 to index
        %get3A_785 = arith.constant 112 : index
        %get3A_786 = tpu.vector_load %arg5[%get3A_784, %get3A_785] {strides = array<i32>} : memref<8x128xi32, #tpu.memory_space<vmem>>, vector<1x16xi32>,
        %get3A_787 = vector.shape_cast %get3A_786 : vector<1x16xi32> to vector<16xi32>
        %add3A_788 = vector.broadcast %add3A_203 : i32 to vector<16xi32>
        %add3A_789 = arith.addi %get3A_787, %add3A_788 : vector<16xi32>
        %swap3A_790 = arith.constant 4 : i32
        %swap3A_791 = arith.index_cast %scan3A_199 : i32 to index
        %swap3A_792 = arith.index_cast %swap3A_790 : i32 to index
        %swap3A_793 = arith.constant 112 : index
        %swap3A_794 = tpu.vector_load %arg6[%swap3A_791, %swap3A_792, %swap3A_793] {strides = array<i32>} : memref<8x8x128xi32, #tpu.memory_space<vmem>>, vector<1x1x16xi32>,
        %swap3A_795 = vector.shape_cast %swap3A_794 : vector<1x1x16xi32> to vector<16xi32>
        %swap3A_796 = vector.shape_cast %add3A_789 : vector<16xi32> to vector<1x1x16xi32>
        tpu.vector_store %arg6[%swap3A_791, %swap3A_792, %swap3A_793], %swap3A_796 {strides = array<i32>} : memref<8x8x128xi32, #tpu.memory_space<vmem>>, vector<1x1x16xi32>,
        %dma_start3A_797 = arith.constant 4 : i32
        %dma_start3A_798 = arith.constant 512 : i32
        %dma_start3A_799 = tpu.memref_slice %arg7[%scan3A_199, %dma_start3A_798] : memref<8x1024xf32, #tpu.memory_space<vmem>> -> memref<1x128xf32, #tpu.memory_space<vmem>>
        %dma_start3A_800 = tpu.memref_squeeze %dma_start3A_799 : memref<1x128xf32, #tpu.memory_space<vmem>> -> memref<128xf32, #tpu.memory_space<vmem>>
        %dma_start3A_801 = arith.constant 0 : i32
        %dma_start3A_802 = tpu.memref_slice %arg6[%scan3A_199, %dma_start3A_797, %dma_start3A_801] : memref<8x8x128xi32, #tpu.memory_space<vmem>> -> memref<1x1x128xi32, #tpu.memory_space<vmem>>
        %dma_start3A_803 = tpu.memref_squeeze %dma_start3A_802 : memref<1x1x128xi32, #tpu.memory_space<vmem>> -> memref<128xi32, #tpu.memory_space<vmem>>
        %dma_start3A_804 = arith.constant 0 : i32
        %dma_start3A_805 = tpu.memref_slice %arg8[%dma_start3A_804] : memref<1600000xf32, #tpu.memory_space<vmem_shared>> -> memref<1600000xf32, #tpu.memory_space<vmem_shared>>
        tpu.enqueue_indirect_dma source(%dma_start3A_805 : memref<1600000xf32, #tpu.memory_space<vmem_shared>>) target(%dma_start3A_800 : memref<128xf32, #tpu.memory_space<vmem>>) offsets(%dma_start3A_803 : memref<128xi32, #tpu.memory_space<vmem>>) semaphore(%arg9 : memref<!tpu.dma_semaphore, #tpu.memory_space<semaphore_mem>>)
        %get3A_806 = arith.constant 5 : i32
        %get3A_807 = arith.index_cast %get3A_806 : i32 to index
        %get3A_808 = arith.constant 0 : index
        %get3A_809 = tpu.vector_load %arg5[%get3A_807, %get3A_808] {strides = array<i32>} : memref<8x128xi32, #tpu.memory_space<vmem>>, vector<1x16xi32>,
        %get3A_810 = vector.shape_cast %get3A_809 : vector<1x16xi32> to vector<16xi32>
        %add3A_811 = vector.broadcast %add3A_203 : i32 to vector<16xi32>
        %add3A_812 = arith.addi %get3A_810, %add3A_811 : vector<16xi32>
        %swap3A_813 = arith.constant 5 : i32
        %swap3A_814 = arith.index_cast %scan3A_199 : i32 to index
        %swap3A_815 = arith.index_cast %swap3A_813 : i32 to index
        %swap3A_816 = arith.constant 0 : index
        %swap3A_817 = tpu.vector_load %arg6[%swap3A_814, %swap3A_815, %swap3A_816] {strides = array<i32>} : memref<8x8x128xi32, #tpu.memory_space<vmem>>, vector<1x1x16xi32>,
        %swap3A_818 = vector.shape_cast %swap3A_817 : vector<1x1x16xi32> to vector<16xi32>
        %swap3A_819 = vector.shape_cast %add3A_812 : vector<16xi32> to vector<1x1x16xi32>
        tpu.vector_store %arg6[%swap3A_814, %swap3A_815, %swap3A_816], %swap3A_819 {strides = array<i32>} : memref<8x8x128xi32, #tpu.memory_space<vmem>>, vector<1x1x16xi32>,
        %get3A_820 = arith.constant 5 : i32
        %get3A_821 = arith.index_cast %get3A_820 : i32 to index
        %get3A_822 = arith.constant 16 : index
        %get3A_823 = tpu.vector_load %arg5[%get3A_821, %get3A_822] {strides = array<i32>} : memref<8x128xi32, #tpu.memory_space<vmem>>, vector<1x16xi32>,
        %get3A_824 = vector.shape_cast %get3A_823 : vector<1x16xi32> to vector<16xi32>
        %add3A_825 = vector.broadcast %add3A_203 : i32 to vector<16xi32>
        %add3A_826 = arith.addi %get3A_824, %add3A_825 : vector<16xi32>
        %swap3A_827 = arith.constant 5 : i32
        %swap3A_828 = arith.index_cast %scan3A_199 : i32 to index
        %swap3A_829 = arith.index_cast %swap3A_827 : i32 to index
        %swap3A_830 = arith.constant 16 : index
        %swap3A_831 = tpu.vector_load %arg6[%swap3A_828, %swap3A_829, %swap3A_830] {strides = array<i32>} : memref<8x8x128xi32, #tpu.memory_space<vmem>>, vector<1x1x16xi32>,
        %swap3A_832 = vector.shape_cast %swap3A_831 : vector<1x1x16xi32> to vector<16xi32>
        %swap3A_833 = vector.shape_cast %add3A_826 : vector<16xi32> to vector<1x1x16xi32>
        tpu.vector_store %arg6[%swap3A_828, %swap3A_829, %swap3A_830], %swap3A_833 {strides = array<i32>} : memref<8x8x128xi32, #tpu.memory_space<vmem>>, vector<1x1x16xi32>,
        %get3A_834 = arith.constant 5 : i32
        %get3A_835 = arith.index_cast %get3A_834 : i32 to index
        %get3A_836 = arith.constant 32 : index
        %get3A_837 = tpu.vector_load %arg5[%get3A_835, %get3A_836] {strides = array<i32>} : memref<8x128xi32, #tpu.memory_space<vmem>>, vector<1x16xi32>,
        %get3A_838 = vector.shape_cast %get3A_837 : vector<1x16xi32> to vector<16xi32>
        %add3A_839 = vector.broadcast %add3A_203 : i32 to vector<16xi32>
        %add3A_840 = arith.addi %get3A_838, %add3A_839 : vector<16xi32>
        %swap3A_841 = arith.constant 5 : i32
        %swap3A_842 = arith.index_cast %scan3A_199 : i32 to index
        %swap3A_843 = arith.index_cast %swap3A_841 : i32 to index
        %swap3A_844 = arith.constant 32 : index
        %swap3A_845 = tpu.vector_load %arg6[%swap3A_842, %swap3A_843, %swap3A_844] {strides = array<i32>} : memref<8x8x128xi32, #tpu.memory_space<vmem>>, vector<1x1x16xi32>,
        %swap3A_846 = vector.shape_cast %swap3A_845 : vector<1x1x16xi32> to vector<16xi32>
        %swap3A_847 = vector.shape_cast %add3A_840 : vector<16xi32> to vector<1x1x16xi32>
        tpu.vector_store %arg6[%swap3A_842, %swap3A_843, %swap3A_844], %swap3A_847 {strides = array<i32>} : memref<8x8x128xi32, #tpu.memory_space<vmem>>, vector<1x1x16xi32>,
        %get3A_848 = arith.constant 5 : i32
        %get3A_849 = arith.index_cast %get3A_848 : i32 to index
        %get3A_850 = arith.constant 48 : index
        %get3A_851 = tpu.vector_load %arg5[%get3A_849, %get3A_850] {strides = array<i32>} : memref<8x128xi32, #tpu.memory_space<vmem>>, vector<1x16xi32>,
        %get3A_852 = vector.shape_cast %get3A_851 : vector<1x16xi32> to vector<16xi32>
        %add3A_853 = vector.broadcast %add3A_203 : i32 to vector<16xi32>
        %add3A_854 = arith.addi %get3A_852, %add3A_853 : vector<16xi32>
        %swap3A_855 = arith.constant 5 : i32
        %swap3A_856 = arith.index_cast %scan3A_199 : i32 to index
        %swap3A_857 = arith.index_cast %swap3A_855 : i32 to index
        %swap3A_858 = arith.constant 48 : index
        %swap3A_859 = tpu.vector_load %arg6[%swap3A_856, %swap3A_857, %swap3A_858] {strides = array<i32>} : memref<8x8x128xi32, #tpu.memory_space<vmem>>, vector<1x1x16xi32>,
        %swap3A_860 = vector.shape_cast %swap3A_859 : vector<1x1x16xi32> to vector<16xi32>
        %swap3A_861 = vector.shape_cast %add3A_854 : vector<16xi32> to vector<1x1x16xi32>
        tpu.vector_store %arg6[%swap3A_856, %swap3A_857, %swap3A_858], %swap3A_861 {strides = array<i32>} : memref<8x8x128xi32, #tpu.memory_space<vmem>>, vector<1x1x16xi32>,
        %get3A_862 = arith.constant 5 : i32
        %get3A_863 = arith.index_cast %get3A_862 : i32 to index
        %get3A_864 = arith.constant 64 : index
        %get3A_865 = tpu.vector_load %arg5[%get3A_863, %get3A_864] {strides = array<i32>} : memref<8x128xi32, #tpu.memory_space<vmem>>, vector<1x16xi32>,
        %get3A_866 = vector.shape_cast %get3A_865 : vector<1x16xi32> to vector<16xi32>
        %add3A_867 = vector.broadcast %add3A_203 : i32 to vector<16xi32>
        %add3A_868 = arith.addi %get3A_866, %add3A_867 : vector<16xi32>
        %swap3A_869 = arith.constant 5 : i32
        %swap3A_870 = arith.index_cast %scan3A_199 : i32 to index
        %swap3A_871 = arith.index_cast %swap3A_869 : i32 to index
        %swap3A_872 = arith.constant 64 : index
        %swap3A_873 = tpu.vector_load %arg6[%swap3A_870, %swap3A_871, %swap3A_872] {strides = array<i32>} : memref<8x8x128xi32, #tpu.memory_space<vmem>>, vector<1x1x16xi32>,
        %swap3A_874 = vector.shape_cast %swap3A_873 : vector<1x1x16xi32> to vector<16xi32>
        %swap3A_875 = vector.shape_cast %add3A_868 : vector<16xi32> to vector<1x1x16xi32>
        tpu.vector_store %arg6[%swap3A_870, %swap3A_871, %swap3A_872], %swap3A_875 {strides = array<i32>} : memref<8x8x128xi32, #tpu.memory_space<vmem>>, vector<1x1x16xi32>,
        %get3A_876 = arith.constant 5 : i32
        %get3A_877 = arith.index_cast %get3A_876 : i32 to index
        %get3A_878 = arith.constant 80 : index
        %get3A_879 = tpu.vector_load %arg5[%get3A_877, %get3A_878] {strides = array<i32>} : memref<8x128xi32, #tpu.memory_space<vmem>>, vector<1x16xi32>,
        %get3A_880 = vector.shape_cast %get3A_879 : vector<1x16xi32> to vector<16xi32>
        %add3A_881 = vector.broadcast %add3A_203 : i32 to vector<16xi32>
        %add3A_882 = arith.addi %get3A_880, %add3A_881 : vector<16xi32>
        %swap3A_883 = arith.constant 5 : i32
        %swap3A_884 = arith.index_cast %scan3A_199 : i32 to index
        %swap3A_885 = arith.index_cast %swap3A_883 : i32 to index
        %swap3A_886 = arith.constant 80 : index
        %swap3A_887 = tpu.vector_load %arg6[%swap3A_884, %swap3A_885, %swap3A_886] {strides = array<i32>} : memref<8x8x128xi32, #tpu.memory_space<vmem>>, vector<1x1x16xi32>,
        %swap3A_888 = vector.shape_cast %swap3A_887 : vector<1x1x16xi32> to vector<16xi32>
        %swap3A_889 = vector.shape_cast %add3A_882 : vector<16xi32> to vector<1x1x16xi32>
        tpu.vector_store %arg6[%swap3A_884, %swap3A_885, %swap3A_886], %swap3A_889 {strides = array<i32>} : memref<8x8x128xi32, #tpu.memory_space<vmem>>, vector<1x1x16xi32>,
        %get3A_890 = arith.constant 5 : i32
        %get3A_891 = arith.index_cast %get3A_890 : i32 to index
        %get3A_892 = arith.constant 96 : index
        %get3A_893 = tpu.vector_load %arg5[%get3A_891, %get3A_892] {strides = array<i32>} : memref<8x128xi32, #tpu.memory_space<vmem>>, vector<1x16xi32>,
        %get3A_894 = vector.shape_cast %get3A_893 : vector<1x16xi32> to vector<16xi32>
        %add3A_895 = vector.broadcast %add3A_203 : i32 to vector<16xi32>
        %add3A_896 = arith.addi %get3A_894, %add3A_895 : vector<16xi32>
        %swap3A_897 = arith.constant 5 : i32
        %swap3A_898 = arith.index_cast %scan3A_199 : i32 to index
        %swap3A_899 = arith.index_cast %swap3A_897 : i32 to index
        %swap3A_900 = arith.constant 96 : index
        %swap3A_901 = tpu.vector_load %arg6[%swap3A_898, %swap3A_899, %swap3A_900] {strides = array<i32>} : memref<8x8x128xi32, #tpu.memory_space<vmem>>, vector<1x1x16xi32>,
        %swap3A_902 = vector.shape_cast %swap3A_901 : vector<1x1x16xi32> to vector<16xi32>
        %swap3A_903 = vector.shape_cast %add3A_896 : vector<16xi32> to vector<1x1x16xi32>
        tpu.vector_store %arg6[%swap3A_898, %swap3A_899, %swap3A_900], %swap3A_903 {strides = array<i32>} : memref<8x8x128xi32, #tpu.memory_space<vmem>>, vector<1x1x16xi32>,
        %get3A_904 = arith.constant 5 : i32
        %get3A_905 = arith.index_cast %get3A_904 : i32 to index
        %get3A_906 = arith.constant 112 : index
        %get3A_907 = tpu.vector_load %arg5[%get3A_905, %get3A_906] {strides = array<i32>} : memref<8x128xi32, #tpu.memory_space<vmem>>, vector<1x16xi32>,
        %get3A_908 = vector.shape_cast %get3A_907 : vector<1x16xi32> to vector<16xi32>
        %add3A_909 = vector.broadcast %add3A_203 : i32 to vector<16xi32>
        %add3A_910 = arith.addi %get3A_908, %add3A_909 : vector<16xi32>
        %swap3A_911 = arith.constant 5 : i32
        %swap3A_912 = arith.index_cast %scan3A_199 : i32 to index
        %swap3A_913 = arith.index_cast %swap3A_911 : i32 to index
        %swap3A_914 = arith.constant 112 : index
        %swap3A_915 = tpu.vector_load %arg6[%swap3A_912, %swap3A_913, %swap3A_914] {strides = array<i32>} : memref<8x8x128xi32, #tpu.memory_space<vmem>>, vector<1x1x16xi32>,
        %swap3A_916 = vector.shape_cast %swap3A_915 : vector<1x1x16xi32> to vector<16xi32>
        %swap3A_917 = vector.shape_cast %add3A_910 : vector<16xi32> to vector<1x1x16xi32>
        tpu.vector_store %arg6[%swap3A_912, %swap3A_913, %swap3A_914], %swap3A_917 {strides = array<i32>} : memref<8x8x128xi32, #tpu.memory_space<vmem>>, vector<1x1x16xi32>,
        %dma_start3A_918 = arith.constant 5 : i32
        %dma_start3A_919 = arith.constant 640 : i32
        %dma_start3A_920 = tpu.memref_slice %arg7[%scan3A_199, %dma_start3A_919] : memref<8x1024xf32, #tpu.memory_space<vmem>> -> memref<1x128xf32, #tpu.memory_space<vmem>>
        %dma_start3A_921 = tpu.memref_squeeze %dma_start3A_920 : memref<1x128xf32, #tpu.memory_space<vmem>> -> memref<128xf32, #tpu.memory_space<vmem>>
        %dma_start3A_922 = arith.constant 0 : i32
        %dma_start3A_923 = tpu.memref_slice %arg6[%scan3A_199, %dma_start3A_918, %dma_start3A_922] : memref<8x8x128xi32, #tpu.memory_space<vmem>> -> memref<1x1x128xi32, #tpu.memory_space<vmem>>
        %dma_start3A_924 = tpu.memref_squeeze %dma_start3A_923 : memref<1x1x128xi32, #tpu.memory_space<vmem>> -> memref<128xi32, #tpu.memory_space<vmem>>
        %dma_start3A_925 = arith.constant 0 : i32
        %dma_start3A_926 = tpu.memref_slice %arg8[%dma_start3A_925] : memref<1600000xf32, #tpu.memory_space<vmem_shared>> -> memref<1600000xf32, #tpu.memory_space<vmem_shared>>
        tpu.enqueue_indirect_dma source(%dma_start3A_926 : memref<1600000xf32, #tpu.memory_space<vmem_shared>>) target(%dma_start3A_921 : memref<128xf32, #tpu.memory_space<vmem>>) offsets(%dma_start3A_924 : memref<128xi32, #tpu.memory_space<vmem>>) semaphore(%arg9 : memref<!tpu.dma_semaphore, #tpu.memory_space<semaphore_mem>>)
        %get3A_927 = arith.constant 6 : i32
        %get3A_928 = arith.index_cast %get3A_927 : i32 to index
        %get3A_929 = arith.constant 0 : index
        %get3A_930 = tpu.vector_load %arg5[%get3A_928, %get3A_929] {strides = array<i32>} : memref<8x128xi32, #tpu.memory_space<vmem>>, vector<1x16xi32>,
        %get3A_931 = vector.shape_cast %get3A_930 : vector<1x16xi32> to vector<16xi32>
        %add3A_932 = vector.broadcast %add3A_203 : i32 to vector<16xi32>
        %add3A_933 = arith.addi %get3A_931, %add3A_932 : vector<16xi32>
        %swap3A_934 = arith.constant 6 : i32
        %swap3A_935 = arith.index_cast %scan3A_199 : i32 to index
        %swap3A_936 = arith.index_cast %swap3A_934 : i32 to index
        %swap3A_937 = arith.constant 0 : index
        %swap3A_938 = tpu.vector_load %arg6[%swap3A_935, %swap3A_936, %swap3A_937] {strides = array<i32>} : memref<8x8x128xi32, #tpu.memory_space<vmem>>, vector<1x1x16xi32>,
        %swap3A_939 = vector.shape_cast %swap3A_938 : vector<1x1x16xi32> to vector<16xi32>
        %swap3A_940 = vector.shape_cast %add3A_933 : vector<16xi32> to vector<1x1x16xi32>
        tpu.vector_store %arg6[%swap3A_935, %swap3A_936, %swap3A_937], %swap3A_940 {strides = array<i32>} : memref<8x8x128xi32, #tpu.memory_space<vmem>>, vector<1x1x16xi32>,
        %get3A_941 = arith.constant 6 : i32
        %get3A_942 = arith.index_cast %get3A_941 : i32 to index
        %get3A_943 = arith.constant 16 : index
        %get3A_944 = tpu.vector_load %arg5[%get3A_942, %get3A_943] {strides = array<i32>} : memref<8x128xi32, #tpu.memory_space<vmem>>, vector<1x16xi32>,
        %get3A_945 = vector.shape_cast %get3A_944 : vector<1x16xi32> to vector<16xi32>
        %add3A_946 = vector.broadcast %add3A_203 : i32 to vector<16xi32>
        %add3A_947 = arith.addi %get3A_945, %add3A_946 : vector<16xi32>
        %swap3A_948 = arith.constant 6 : i32
        %swap3A_949 = arith.index_cast %scan3A_199 : i32 to index
        %swap3A_950 = arith.index_cast %swap3A_948 : i32 to index
        %swap3A_951 = arith.constant 16 : index
        %swap3A_952 = tpu.vector_load %arg6[%swap3A_949, %swap3A_950, %swap3A_951] {strides = array<i32>} : memref<8x8x128xi32, #tpu.memory_space<vmem>>, vector<1x1x16xi32>,
        %swap3A_953 = vector.shape_cast %swap3A_952 : vector<1x1x16xi32> to vector<16xi32>
        %swap3A_954 = vector.shape_cast %add3A_947 : vector<16xi32> to vector<1x1x16xi32>
        tpu.vector_store %arg6[%swap3A_949, %swap3A_950, %swap3A_951], %swap3A_954 {strides = array<i32>} : memref<8x8x128xi32, #tpu.memory_space<vmem>>, vector<1x1x16xi32>,
        %get3A_955 = arith.constant 6 : i32
        %get3A_956 = arith.index_cast %get3A_955 : i32 to index
        %get3A_957 = arith.constant 32 : index
        %get3A_958 = tpu.vector_load %arg5[%get3A_956, %get3A_957] {strides = array<i32>} : memref<8x128xi32, #tpu.memory_space<vmem>>, vector<1x16xi32>,
        %get3A_959 = vector.shape_cast %get3A_958 : vector<1x16xi32> to vector<16xi32>
        %add3A_960 = vector.broadcast %add3A_203 : i32 to vector<16xi32>
        %add3A_961 = arith.addi %get3A_959, %add3A_960 : vector<16xi32>
        %swap3A_962 = arith.constant 6 : i32
        %swap3A_963 = arith.index_cast %scan3A_199 : i32 to index
        %swap3A_964 = arith.index_cast %swap3A_962 : i32 to index
        %swap3A_965 = arith.constant 32 : index
        %swap3A_966 = tpu.vector_load %arg6[%swap3A_963, %swap3A_964, %swap3A_965] {strides = array<i32>} : memref<8x8x128xi32, #tpu.memory_space<vmem>>, vector<1x1x16xi32>,
        %swap3A_967 = vector.shape_cast %swap3A_966 : vector<1x1x16xi32> to vector<16xi32>
        %swap3A_968 = vector.shape_cast %add3A_961 : vector<16xi32> to vector<1x1x16xi32>
        tpu.vector_store %arg6[%swap3A_963, %swap3A_964, %swap3A_965], %swap3A_968 {strides = array<i32>} : memref<8x8x128xi32, #tpu.memory_space<vmem>>, vector<1x1x16xi32>,
        %get3A_969 = arith.constant 6 : i32
        %get3A_970 = arith.index_cast %get3A_969 : i32 to index
        %get3A_971 = arith.constant 48 : index
        %get3A_972 = tpu.vector_load %arg5[%get3A_970, %get3A_971] {strides = array<i32>} : memref<8x128xi32, #tpu.memory_space<vmem>>, vector<1x16xi32>,
        %get3A_973 = vector.shape_cast %get3A_972 : vector<1x16xi32> to vector<16xi32>
        %add3A_974 = vector.broadcast %add3A_203 : i32 to vector<16xi32>
        %add3A_975 = arith.addi %get3A_973, %add3A_974 : vector<16xi32>
        %swap3A_976 = arith.constant 6 : i32
        %swap3A_977 = arith.index_cast %scan3A_199 : i32 to index
        %swap3A_978 = arith.index_cast %swap3A_976 : i32 to index
        %swap3A_979 = arith.constant 48 : index
        %swap3A_980 = tpu.vector_load %arg6[%swap3A_977, %swap3A_978, %swap3A_979] {strides = array<i32>} : memref<8x8x128xi32, #tpu.memory_space<vmem>>, vector<1x1x16xi32>,
        %swap3A_981 = vector.shape_cast %swap3A_980 : vector<1x1x16xi32> to vector<16xi32>
        %swap3A_982 = vector.shape_cast %add3A_975 : vector<16xi32> to vector<1x1x16xi32>
        tpu.vector_store %arg6[%swap3A_977, %swap3A_978, %swap3A_979], %swap3A_982 {strides = array<i32>} : memref<8x8x128xi32, #tpu.memory_space<vmem>>, vector<1x1x16xi32>,
        %get3A_983 = arith.constant 6 : i32
        %get3A_984 = arith.index_cast %get3A_983 : i32 to index
        %get3A_985 = arith.constant 64 : index
        %get3A_986 = tpu.vector_load %arg5[%get3A_984, %get3A_985] {strides = array<i32>} : memref<8x128xi32, #tpu.memory_space<vmem>>, vector<1x16xi32>,
        %get3A_987 = vector.shape_cast %get3A_986 : vector<1x16xi32> to vector<16xi32>
        %add3A_988 = vector.broadcast %add3A_203 : i32 to vector<16xi32>
        %add3A_989 = arith.addi %get3A_987, %add3A_988 : vector<16xi32>
        %swap3A_990 = arith.constant 6 : i32
        %swap3A_991 = arith.index_cast %scan3A_199 : i32 to index
        %swap3A_992 = arith.index_cast %swap3A_990 : i32 to index
        %swap3A_993 = arith.constant 64 : index
        %swap3A_994 = tpu.vector_load %arg6[%swap3A_991, %swap3A_992, %swap3A_993] {strides = array<i32>} : memref<8x8x128xi32, #tpu.memory_space<vmem>>, vector<1x1x16xi32>,
        %swap3A_995 = vector.shape_cast %swap3A_994 : vector<1x1x16xi32> to vector<16xi32>
        %swap3A_996 = vector.shape_cast %add3A_989 : vector<16xi32> to vector<1x1x16xi32>
        tpu.vector_store %arg6[%swap3A_991, %swap3A_992, %swap3A_993], %swap3A_996 {strides = array<i32>} : memref<8x8x128xi32, #tpu.memory_space<vmem>>, vector<1x1x16xi32>,
        %get3A_997 = arith.constant 6 : i32
        %get3A_998 = arith.index_cast %get3A_997 : i32 to index
        %get3A_999 = arith.constant 80 : index
        %get3A_1000 = tpu.vector_load %arg5[%get3A_998, %get3A_999] {strides = array<i32>} : memref<8x128xi32, #tpu.memory_space<vmem>>, vector<1x16xi32>,
        %get3A_1001 = vector.shape_cast %get3A_1000 : vector<1x16xi32> to vector<16xi32>
        %add3A_1002 = vector.broadcast %add3A_203 : i32 to vector<16xi32>
        %add3A_1003 = arith.addi %get3A_1001, %add3A_1002 : vector<16xi32>
        %swap3A_1004 = arith.constant 6 : i32
        %swap3A_1005 = arith.index_cast %scan3A_199 : i32 to index
        %swap3A_1006 = arith.index_cast %swap3A_1004 : i32 to index
        %swap3A_1007 = arith.constant 80 : index
        %swap3A_1008 = tpu.vector_load %arg6[%swap3A_1005, %swap3A_1006, %swap3A_1007] {strides = array<i32>} : memref<8x8x128xi32, #tpu.memory_space<vmem>>, vector<1x1x16xi32>,
        %swap3A_1009 = vector.shape_cast %swap3A_1008 : vector<1x1x16xi32> to vector<16xi32>
        %swap3A_1010 = vector.shape_cast %add3A_1003 : vector<16xi32> to vector<1x1x16xi32>
        tpu.vector_store %arg6[%swap3A_1005, %swap3A_1006, %swap3A_1007], %swap3A_1010 {strides = array<i32>} : memref<8x8x128xi32, #tpu.memory_space<vmem>>, vector<1x1x16xi32>,
        %get3A_1011 = arith.constant 6 : i32
        %get3A_1012 = arith.index_cast %get3A_1011 : i32 to index
        %get3A_1013 = arith.constant 96 : index
        %get3A_1014 = tpu.vector_load %arg5[%get3A_1012, %get3A_1013] {strides = array<i32>} : memref<8x128xi32, #tpu.memory_space<vmem>>, vector<1x16xi32>,
        %get3A_1015 = vector.shape_cast %get3A_1014 : vector<1x16xi32> to vector<16xi32>
        %add3A_1016 = vector.broadcast %add3A_203 : i32 to vector<16xi32>
        %add3A_1017 = arith.addi %get3A_1015, %add3A_1016 : vector<16xi32>
        %swap3A_1018 = arith.constant 6 : i32
        %swap3A_1019 = arith.index_cast %scan3A_199 : i32 to index
        %swap3A_1020 = arith.index_cast %swap3A_1018 : i32 to index
        %swap3A_1021 = arith.constant 96 : index
        %swap3A_1022 = tpu.vector_load %arg6[%swap3A_1019, %swap3A_1020, %swap3A_1021] {strides = array<i32>} : memref<8x8x128xi32, #tpu.memory_space<vmem>>, vector<1x1x16xi32>,
        %swap3A_1023 = vector.shape_cast %swap3A_1022 : vector<1x1x16xi32> to vector<16xi32>
        %swap3A_1024 = vector.shape_cast %add3A_1017 : vector<16xi32> to vector<1x1x16xi32>
        tpu.vector_store %arg6[%swap3A_1019, %swap3A_1020, %swap3A_1021], %swap3A_1024 {strides = array<i32>} : memref<8x8x128xi32, #tpu.memory_space<vmem>>, vector<1x1x16xi32>,
        %get3A_1025 = arith.constant 6 : i32
        %get3A_1026 = arith.index_cast %get3A_1025 : i32 to index
        %get3A_1027 = arith.constant 112 : index
        %get3A_1028 = tpu.vector_load %arg5[%get3A_1026, %get3A_1027] {strides = array<i32>} : memref<8x128xi32, #tpu.memory_space<vmem>>, vector<1x16xi32>,
        %get3A_1029 = vector.shape_cast %get3A_1028 : vector<1x16xi32> to vector<16xi32>
        %add3A_1030 = vector.broadcast %add3A_203 : i32 to vector<16xi32>
        %add3A_1031 = arith.addi %get3A_1029, %add3A_1030 : vector<16xi32>
        %swap3A_1032 = arith.constant 6 : i32
        %swap3A_1033 = arith.index_cast %scan3A_199 : i32 to index
        %swap3A_1034 = arith.index_cast %swap3A_1032 : i32 to index
        %swap3A_1035 = arith.constant 112 : index
        %swap3A_1036 = tpu.vector_load %arg6[%swap3A_1033, %swap3A_1034, %swap3A_1035] {strides = array<i32>} : memref<8x8x128xi32, #tpu.memory_space<vmem>>, vector<1x1x16xi32>,
        %swap3A_1037 = vector.shape_cast %swap3A_1036 : vector<1x1x16xi32> to vector<16xi32>
        %swap3A_1038 = vector.shape_cast %add3A_1031 : vector<16xi32> to vector<1x1x16xi32>
        tpu.vector_store %arg6[%swap3A_1033, %swap3A_1034, %swap3A_1035], %swap3A_1038 {strides = array<i32>} : memref<8x8x128xi32, #tpu.memory_space<vmem>>, vector<1x1x16xi32>,
        %dma_start3A_1039 = arith.constant 6 : i32
        %dma_start3A_1040 = arith.constant 768 : i32
        %dma_start3A_1041 = tpu.memref_slice %arg7[%scan3A_199, %dma_start3A_1040] : memref<8x1024xf32, #tpu.memory_space<vmem>> -> memref<1x128xf32, #tpu.memory_space<vmem>>
        %dma_start3A_1042 = tpu.memref_squeeze %dma_start3A_1041 : memref<1x128xf32, #tpu.memory_space<vmem>> -> memref<128xf32, #tpu.memory_space<vmem>>
        %dma_start3A_1043 = arith.constant 0 : i32
        %dma_start3A_1044 = tpu.memref_slice %arg6[%scan3A_199, %dma_start3A_1039, %dma_start3A_1043] : memref<8x8x128xi32, #tpu.memory_space<vmem>> -> memref<1x1x128xi32, #tpu.memory_space<vmem>>
        %dma_start3A_1045 = tpu.memref_squeeze %dma_start3A_1044 : memref<1x1x128xi32, #tpu.memory_space<vmem>> -> memref<128xi32, #tpu.memory_space<vmem>>
        %dma_start3A_1046 = arith.constant 0 : i32
        %dma_start3A_1047 = tpu.memref_slice %arg8[%dma_start3A_1046] : memref<1600000xf32, #tpu.memory_space<vmem_shared>> -> memref<1600000xf32, #tpu.memory_space<vmem_shared>>
        tpu.enqueue_indirect_dma source(%dma_start3A_1047 : memref<1600000xf32, #tpu.memory_space<vmem_shared>>) target(%dma_start3A_1042 : memref<128xf32, #tpu.memory_space<vmem>>) offsets(%dma_start3A_1045 : memref<128xi32, #tpu.memory_space<vmem>>) semaphore(%arg9 : memref<!tpu.dma_semaphore, #tpu.memory_space<semaphore_mem>>)
        %get3A_1048 = arith.constant 7 : i32
        %get3A_1049 = arith.index_cast %get3A_1048 : i32 to index
        %get3A_1050 = arith.constant 0 : index
        %get3A_1051 = tpu.vector_load %arg5[%get3A_1049, %get3A_1050] {strides = array<i32>} : memref<8x128xi32, #tpu.memory_space<vmem>>, vector<1x16xi32>,
        %get3A_1052 = vector.shape_cast %get3A_1051 : vector<1x16xi32> to vector<16xi32>
        %add3A_1053 = vector.broadcast %add3A_203 : i32 to vector<16xi32>
        %add3A_1054 = arith.addi %get3A_1052, %add3A_1053 : vector<16xi32>
        %swap3A_1055 = arith.constant 7 : i32
        %swap3A_1056 = arith.index_cast %scan3A_199 : i32 to index
        %swap3A_1057 = arith.index_cast %swap3A_1055 : i32 to index
        %swap3A_1058 = arith.constant 0 : index
        %swap3A_1059 = tpu.vector_load %arg6[%swap3A_1056, %swap3A_1057, %swap3A_1058] {strides = array<i32>} : memref<8x8x128xi32, #tpu.memory_space<vmem>>, vector<1x1x16xi32>,
        %swap3A_1060 = vector.shape_cast %swap3A_1059 : vector<1x1x16xi32> to vector<16xi32>
        %swap3A_1061 = vector.shape_cast %add3A_1054 : vector<16xi32> to vector<1x1x16xi32>
        tpu.vector_store %arg6[%swap3A_1056, %swap3A_1057, %swap3A_1058], %swap3A_1061 {strides = array<i32>} : memref<8x8x128xi32, #tpu.memory_space<vmem>>, vector<1x1x16xi32>,
        %get3A_1062 = arith.constant 7 : i32
        %get3A_1063 = arith.index_cast %get3A_1062 : i32 to index
        %get3A_1064 = arith.constant 16 : index
        %get3A_1065 = tpu.vector_load %arg5[%get3A_1063, %get3A_1064] {strides = array<i32>} : memref<8x128xi32, #tpu.memory_space<vmem>>, vector<1x16xi32>,
        %get3A_1066 = vector.shape_cast %get3A_1065 : vector<1x16xi32> to vector<16xi32>
        %add3A_1067 = vector.broadcast %add3A_203 : i32 to vector<16xi32>
        %add3A_1068 = arith.addi %get3A_1066, %add3A_1067 : vector<16xi32>
        %swap3A_1069 = arith.constant 7 : i32
        %swap3A_1070 = arith.index_cast %scan3A_199 : i32 to index
        %swap3A_1071 = arith.index_cast %swap3A_1069 : i32 to index
        %swap3A_1072 = arith.constant 16 : index
        %swap3A_1073 = tpu.vector_load %arg6[%swap3A_1070, %swap3A_1071, %swap3A_1072] {strides = array<i32>} : memref<8x8x128xi32, #tpu.memory_space<vmem>>, vector<1x1x16xi32>,
        %swap3A_1074 = vector.shape_cast %swap3A_1073 : vector<1x1x16xi32> to vector<16xi32>
        %swap3A_1075 = vector.shape_cast %add3A_1068 : vector<16xi32> to vector<1x1x16xi32>
        tpu.vector_store %arg6[%swap3A_1070, %swap3A_1071, %swap3A_1072], %swap3A_1075 {strides = array<i32>} : memref<8x8x128xi32, #tpu.memory_space<vmem>>, vector<1x1x16xi32>,
        %get3A_1076 = arith.constant 7 : i32
        %get3A_1077 = arith.index_cast %get3A_1076 : i32 to index
        %get3A_1078 = arith.constant 32 : index
        %get3A_1079 = tpu.vector_load %arg5[%get3A_1077, %get3A_1078] {strides = array<i32>} : memref<8x128xi32, #tpu.memory_space<vmem>>, vector<1x16xi32>,
        %get3A_1080 = vector.shape_cast %get3A_1079 : vector<1x16xi32> to vector<16xi32>
        %add3A_1081 = vector.broadcast %add3A_203 : i32 to vector<16xi32>
        %add3A_1082 = arith.addi %get3A_1080, %add3A_1081 : vector<16xi32>
        %swap3A_1083 = arith.constant 7 : i32
        %swap3A_1084 = arith.index_cast %scan3A_199 : i32 to index
        %swap3A_1085 = arith.index_cast %swap3A_1083 : i32 to index
        %swap3A_1086 = arith.constant 32 : index
        %swap3A_1087 = tpu.vector_load %arg6[%swap3A_1084, %swap3A_1085, %swap3A_1086] {strides = array<i32>} : memref<8x8x128xi32, #tpu.memory_space<vmem>>, vector<1x1x16xi32>,
        %swap3A_1088 = vector.shape_cast %swap3A_1087 : vector<1x1x16xi32> to vector<16xi32>
        %swap3A_1089 = vector.shape_cast %add3A_1082 : vector<16xi32> to vector<1x1x16xi32>
        tpu.vector_store %arg6[%swap3A_1084, %swap3A_1085, %swap3A_1086], %swap3A_1089 {strides = array<i32>} : memref<8x8x128xi32, #tpu.memory_space<vmem>>, vector<1x1x16xi32>,
        %get3A_1090 = arith.constant 7 : i32
        %get3A_1091 = arith.index_cast %get3A_1090 : i32 to index
        %get3A_1092 = arith.constant 48 : index
        %get3A_1093 = tpu.vector_load %arg5[%get3A_1091, %get3A_1092] {strides = array<i32>} : memref<8x128xi32, #tpu.memory_space<vmem>>, vector<1x16xi32>,
        %get3A_1094 = vector.shape_cast %get3A_1093 : vector<1x16xi32> to vector<16xi32>
        %add3A_1095 = vector.broadcast %add3A_203 : i32 to vector<16xi32>
        %add3A_1096 = arith.addi %get3A_1094, %add3A_1095 : vector<16xi32>
        %swap3A_1097 = arith.constant 7 : i32
        %swap3A_1098 = arith.index_cast %scan3A_199 : i32 to index
        %swap3A_1099 = arith.index_cast %swap3A_1097 : i32 to index
        %swap3A_1100 = arith.constant 48 : index
        %swap3A_1101 = tpu.vector_load %arg6[%swap3A_1098, %swap3A_1099, %swap3A_1100] {strides = array<i32>} : memref<8x8x128xi32, #tpu.memory_space<vmem>>, vector<1x1x16xi32>,
        %swap3A_1102 = vector.shape_cast %swap3A_1101 : vector<1x1x16xi32> to vector<16xi32>
        %swap3A_1103 = vector.shape_cast %add3A_1096 : vector<16xi32> to vector<1x1x16xi32>
        tpu.vector_store %arg6[%swap3A_1098, %swap3A_1099, %swap3A_1100], %swap3A_1103 {strides = array<i32>} : memref<8x8x128xi32, #tpu.memory_space<vmem>>, vector<1x1x16xi32>,
        %get3A_1104 = arith.constant 7 : i32
        %get3A_1105 = arith.index_cast %get3A_1104 : i32 to index
        %get3A_1106 = arith.constant 64 : index
        %get3A_1107 = tpu.vector_load %arg5[%get3A_1105, %get3A_1106] {strides = array<i32>} : memref<8x128xi32, #tpu.memory_space<vmem>>, vector<1x16xi32>,
        %get3A_1108 = vector.shape_cast %get3A_1107 : vector<1x16xi32> to vector<16xi32>
        %add3A_1109 = vector.broadcast %add3A_203 : i32 to vector<16xi32>
        %add3A_1110 = arith.addi %get3A_1108, %add3A_1109 : vector<16xi32>
        %swap3A_1111 = arith.constant 7 : i32
        %swap3A_1112 = arith.index_cast %scan3A_199 : i32 to index
        %swap3A_1113 = arith.index_cast %swap3A_1111 : i32 to index
        %swap3A_1114 = arith.constant 64 : index
        %swap3A_1115 = tpu.vector_load %arg6[%swap3A_1112, %swap3A_1113, %swap3A_1114] {strides = array<i32>} : memref<8x8x128xi32, #tpu.memory_space<vmem>>, vector<1x1x16xi32>,
        %swap3A_1116 = vector.shape_cast %swap3A_1115 : vector<1x1x16xi32> to vector<16xi32>
        %swap3A_1117 = vector.shape_cast %add3A_1110 : vector<16xi32> to vector<1x1x16xi32>
        tpu.vector_store %arg6[%swap3A_1112, %swap3A_1113, %swap3A_1114], %swap3A_1117 {strides = array<i32>} : memref<8x8x128xi32, #tpu.memory_space<vmem>>, vector<1x1x16xi32>,
        %get3A_1118 = arith.constant 7 : i32
        %get3A_1119 = arith.index_cast %get3A_1118 : i32 to index
        %get3A_1120 = arith.constant 80 : index
        %get3A_1121 = tpu.vector_load %arg5[%get3A_1119, %get3A_1120] {strides = array<i32>} : memref<8x128xi32, #tpu.memory_space<vmem>>, vector<1x16xi32>,
        %get3A_1122 = vector.shape_cast %get3A_1121 : vector<1x16xi32> to vector<16xi32>
        %add3A_1123 = vector.broadcast %add3A_203 : i32 to vector<16xi32>
        %add3A_1124 = arith.addi %get3A_1122, %add3A_1123 : vector<16xi32>
        %swap3A_1125 = arith.constant 7 : i32
        %swap3A_1126 = arith.index_cast %scan3A_199 : i32 to index
        %swap3A_1127 = arith.index_cast %swap3A_1125 : i32 to index
        %swap3A_1128 = arith.constant 80 : index
        %swap3A_1129 = tpu.vector_load %arg6[%swap3A_1126, %swap3A_1127, %swap3A_1128] {strides = array<i32>} : memref<8x8x128xi32, #tpu.memory_space<vmem>>, vector<1x1x16xi32>,
        %swap3A_1130 = vector.shape_cast %swap3A_1129 : vector<1x1x16xi32> to vector<16xi32>
        %swap3A_1131 = vector.shape_cast %add3A_1124 : vector<16xi32> to vector<1x1x16xi32>
        tpu.vector_store %arg6[%swap3A_1126, %swap3A_1127, %swap3A_1128], %swap3A_1131 {strides = array<i32>} : memref<8x8x128xi32, #tpu.memory_space<vmem>>, vector<1x1x16xi32>,
        %get3A_1132 = arith.constant 7 : i32
        %get3A_1133 = arith.index_cast %get3A_1132 : i32 to index
        %get3A_1134 = arith.constant 96 : index
        %get3A_1135 = tpu.vector_load %arg5[%get3A_1133, %get3A_1134] {strides = array<i32>} : memref<8x128xi32, #tpu.memory_space<vmem>>, vector<1x16xi32>,
        %get3A_1136 = vector.shape_cast %get3A_1135 : vector<1x16xi32> to vector<16xi32>
        %add3A_1137 = vector.broadcast %add3A_203 : i32 to vector<16xi32>
        %add3A_1138 = arith.addi %get3A_1136, %add3A_1137 : vector<16xi32>
        %swap3A_1139 = arith.constant 7 : i32
        %swap3A_1140 = arith.index_cast %scan3A_199 : i32 to index
        %swap3A_1141 = arith.index_cast %swap3A_1139 : i32 to index
        %swap3A_1142 = arith.constant 96 : index
        %swap3A_1143 = tpu.vector_load %arg6[%swap3A_1140, %swap3A_1141, %swap3A_1142] {strides = array<i32>} : memref<8x8x128xi32, #tpu.memory_space<vmem>>, vector<1x1x16xi32>,
        %swap3A_1144 = vector.shape_cast %swap3A_1143 : vector<1x1x16xi32> to vector<16xi32>
        %swap3A_1145 = vector.shape_cast %add3A_1138 : vector<16xi32> to vector<1x1x16xi32>
        tpu.vector_store %arg6[%swap3A_1140, %swap3A_1141, %swap3A_1142], %swap3A_1145 {strides = array<i32>} : memref<8x8x128xi32, #tpu.memory_space<vmem>>, vector<1x1x16xi32>,
        %get3A_1146 = arith.constant 7 : i32
        %get3A_1147 = arith.index_cast %get3A_1146 : i32 to index
        %get3A_1148 = arith.constant 112 : index
        %get3A_1149 = tpu.vector_load %arg5[%get3A_1147, %get3A_1148] {strides = array<i32>} : memref<8x128xi32, #tpu.memory_space<vmem>>, vector<1x16xi32>,
        %get3A_1150 = vector.shape_cast %get3A_1149 : vector<1x16xi32> to vector<16xi32>
        %add3A_1151 = vector.broadcast %add3A_203 : i32 to vector<16xi32>
        %add3A_1152 = arith.addi %get3A_1150, %add3A_1151 : vector<16xi32>
        %swap3A_1153 = arith.constant 7 : i32
        %swap3A_1154 = arith.index_cast %scan3A_199 : i32 to index
        %swap3A_1155 = arith.index_cast %swap3A_1153 : i32 to index
        %swap3A_1156 = arith.constant 112 : index
        %swap3A_1157 = tpu.vector_load %arg6[%swap3A_1154, %swap3A_1155, %swap3A_1156] {strides = array<i32>} : memref<8x8x128xi32, #tpu.memory_space<vmem>>, vector<1x1x16xi32>,
        %swap3A_1158 = vector.shape_cast %swap3A_1157 : vector<1x1x16xi32> to vector<16xi32>
        %swap3A_1159 = vector.shape_cast %add3A_1152 : vector<16xi32> to vector<1x1x16xi32>
        tpu.vector_store %arg6[%swap3A_1154, %swap3A_1155, %swap3A_1156], %swap3A_1159 {strides = array<i32>} : memref<8x8x128xi32, #tpu.memory_space<vmem>>, vector<1x1x16xi32>,
        %dma_start3A_1160 = arith.constant 7 : i32
        %dma_start3A_1161 = arith.constant 896 : i32
        %dma_start3A_1162 = tpu.memref_slice %arg7[%scan3A_199, %dma_start3A_1161] : memref<8x1024xf32, #tpu.memory_space<vmem>> -> memref<1x128xf32, #tpu.memory_space<vmem>>
        %dma_start3A_1163 = tpu.memref_squeeze %dma_start3A_1162 : memref<1x128xf32, #tpu.memory_space<vmem>> -> memref<128xf32, #tpu.memory_space<vmem>>
        %dma_start3A_1164 = arith.constant 0 : i32
        %dma_start3A_1165 = tpu.memref_slice %arg6[%scan3A_199, %dma_start3A_1160, %dma_start3A_1164] : memref<8x8x128xi32, #tpu.memory_space<vmem>> -> memref<1x1x128xi32, #tpu.memory_space<vmem>>
        %dma_start3A_1166 = tpu.memref_squeeze %dma_start3A_1165 : memref<1x1x128xi32, #tpu.memory_space<vmem>> -> memref<128xi32, #tpu.memory_space<vmem>>
        %dma_start3A_1167 = arith.constant 0 : i32
        %dma_start3A_1168 = tpu.memref_slice %arg8[%dma_start3A_1167] : memref<1600000xf32, #tpu.memory_space<vmem_shared>> -> memref<1600000xf32, #tpu.memory_space<vmem_shared>>
        tpu.enqueue_indirect_dma source(%dma_start3A_1168 : memref<1600000xf32, #tpu.memory_space<vmem_shared>>) target(%dma_start3A_1163 : memref<128xf32, #tpu.memory_space<vmem>>) offsets(%dma_start3A_1166 : memref<128xi32, #tpu.memory_space<vmem>>) semaphore(%arg9 : memref<!tpu.dma_semaphore, #tpu.memory_space<semaphore_mem>>)
      }
      %scan3A_137 = arith.constant 8 : i32
      %dma_wait3A = arith.constant 0 : i32
      %dma_wait3A_138 = arith.constant 0 : i32
      %dma_wait3A_139 = tpu.memref_slice %arg4[%dma_wait3A, %dma_wait3A_138] : memref<832x16384xf32, #tpu.memory_space<hbm>> -> memref<8x1024xf32, #tpu.memory_space<hbm>>
      %dma_wait3A_140 = arith.constant 0 : i32
      %dma_wait3A_141 = arith.constant 0 : i32
      %dma_wait3A_142 = tpu.memref_slice %arg4[%dma_wait3A_140, %dma_wait3A_141] : memref<832x16384xf32, #tpu.memory_space<hbm>> -> memref<8x1024xf32, #tpu.memory_space<hbm>>
      tpu.wait_dma2 semaphore(%arg9 : memref<!tpu.dma_semaphore, #tpu.memory_space<semaphore_mem>>) src(%dma_wait3A_142 : memref<8x1024xf32, #tpu.memory_space<hbm>>) dst(%arg7 : memref<8x1024xf32, #tpu.memory_space<vmem>>)
      %scan3A_143 = arith.constant 0 : i32
      %scan3A_144 = arith.constant 0 : i32
      %scan3A_145 = arith.constant 8 : i32
      %scan3A_146 = arith.addi %scan3A_144, %scan3A_145 : i32
      %scan3A_147 = arith.constant 1 : i32
      scf.for %scan3A_199 = %scan3A_144 to %scan3A_146 step %scan3A_147  : i32 {
        %mul3A_200 = arith.constant 8 : i32
        %mul3A_201 = arith.muli %add3A_126, %mul3A_200 : i32
        %add3A_202 = arith.addi %mul3A_201, %scan3A_199 : i32
        %mul3A_203 = arith.constant 1024 : i32
        %mul3A_204 = arith.muli %mul3A_203, %arg1 : i32
        "tpu.region"() ({
          %run_scoped3A = tpu.sem_alloc : memref<!tpu.dma_semaphore, #tpu.memory_space<semaphore_mem>>
          %dma_start3A = arith.constant 0 : i32
          %dma_start3A_205 = tpu.memref_slice %arg7[%scan3A_199, %dma_start3A] : memref<8x1024xf32, #tpu.memory_space<vmem>> -> memref<1x1024xf32, #tpu.memory_space<vmem>>
          %dma_start3A_206 = tpu.memref_squeeze %dma_start3A_205 : memref<1x1024xf32, #tpu.memory_space<vmem>> -> memref<1024xf32, #tpu.memory_space<vmem>>
          %dma_start3A_207 = tpu.memref_slice %arg4[%add3A_202, %mul3A_204] : memref<832x16384xf32, #tpu.memory_space<hbm>> -> memref<1x1024xf32, #tpu.memory_space<hbm>>
          %dma_start3A_208 = tpu.memref_squeeze %dma_start3A_207 : memref<1x1024xf32, #tpu.memory_space<hbm>> -> memref<1024xf32, #tpu.memory_space<hbm>>
          %dma_start3A_209 = tpu.memref_slice %arg4[%add3A_202, %mul3A_204] : memref<832x16384xf32, #tpu.memory_space<hbm>> -> memref<1x1024xf32, #tpu.memory_space<hbm>>
          %dma_start3A_210 = tpu.memref_squeeze %dma_start3A_209 : memref<1x1024xf32, #tpu.memory_space<hbm>> -> memref<1024xf32, #tpu.memory_space<hbm>>
          %dma_start3A_211 = arith.constant 0 : i32
          %dma_start3A_212 = tpu.memref_slice %arg7[%scan3A_199, %dma_start3A_211] : memref<8x1024xf32, #tpu.memory_space<vmem>> -> memref<1x1024xf32, #tpu.memory_space<vmem>>
          %dma_start3A_213 = tpu.memref_squeeze %dma_start3A_212 : memref<1x1024xf32, #tpu.memory_space<vmem>> -> memref<1024xf32, #tpu.memory_space<vmem>>
          tpu.enqueue_dma source(%dma_start3A_213 : memref<1024xf32, #tpu.memory_space<vmem>>) target(%dma_start3A_210 : memref<1024xf32, #tpu.memory_space<hbm>>) target_semaphore(%run_scoped3A : memref<!tpu.dma_semaphore, #tpu.memory_space<semaphore_mem>>)
          %dma_wait3A_214 = arith.constant 0 : i32
          %dma_wait3A_215 = tpu.memref_slice %arg7[%scan3A_199, %dma_wait3A_214] : memref<8x1024xf32, #tpu.memory_space<vmem>> -> memref<1x1024xf32, #tpu.memory_space<vmem>>
          %dma_wait3A_216 = tpu.memref_squeeze %dma_wait3A_215 : memref<1x1024xf32, #tpu.memory_space<vmem>> -> memref<1024xf32, #tpu.memory_space<vmem>>
          %dma_wait3A_217 = tpu.memref_slice %arg4[%add3A_202, %mul3A_204] : memref<832x16384xf32, #tpu.memory_space<hbm>> -> memref<1x1024xf32, #tpu.memory_space<hbm>>
          %dma_wait3A_218 = tpu.memref_squeeze %dma_wait3A_217 : memref<1x1024xf32, #tpu.memory_space<hbm>> -> memref<1024xf32, #tpu.memory_space<hbm>>
          %dma_wait3A_219 = tpu.memref_slice %arg4[%add3A_202, %mul3A_204] : memref<832x16384xf32, #tpu.memory_space<hbm>> -> memref<1x1024xf32, #tpu.memory_space<hbm>>
          %dma_wait3A_220 = tpu.memref_squeeze %dma_wait3A_219 : memref<1x1024xf32, #tpu.memory_space<hbm>> -> memref<1024xf32, #tpu.memory_space<hbm>>
          %dma_wait3A_221 = arith.constant 0 : i32
          %dma_wait3A_222 = tpu.memref_slice %arg7[%scan3A_199, %dma_wait3A_221] : memref<8x1024xf32, #tpu.memory_space<vmem>> -> memref<1x1024xf32, #tpu.memory_space<vmem>>
          %dma_wait3A_223 = tpu.memref_squeeze %dma_wait3A_222 : memref<1x1024xf32, #tpu.memory_space<vmem>> -> memref<1024xf32, #tpu.memory_space<vmem>>
          tpu.wait_dma2 semaphore(%run_scoped3A : memref<!tpu.dma_semaphore, #tpu.memory_space<semaphore_mem>>) src(%dma_wait3A_223 : memref<1024xf32, #tpu.memory_space<vmem>>) dst(%dma_wait3A_220 : memref<1024xf32, #tpu.memory_space<hbm>>)
          tpu.yield
        }) : () -> ()
      }
      %scan3A_148 = arith.constant 8 : i32
      %add3A_149 = arith.constant 1 : i32
      %add3A_150 = arith.addi %add3A_118, %add3A_149 : i32
      %lt3A_151 = arith.constant 52 : i32
      %lt3A_152 = arith.cmpi slt, %add3A_150, %lt3A_151 : i32
      %convert_element_type3A_153 = arith.extui %lt3A_152 : i1 to i32
      %cond3A_154 = arith.constant 0 : i32
      %cond3A_155 = arith.cmpi ne, %convert_element_type3A_153, %cond3A_154 : i32
      scf.if %cond3A_155 {
        %add3A_199 = arith.constant 0 : i32
        %add3A_200 = arith.addi %add3A_199, %arg1 : i32
        %lt3A_201 = arith.constant 125 : i32
        %lt3A_202 = arith.cmpi slt, %add3A_200, %lt3A_201 : i32
        %convert_element_type3A_203 = arith.extui %lt3A_202 : i1 to i32
        %cond3A_204 = arith.constant 0 : i32
        %cond3A_205 = arith.cmpi ne, %convert_element_type3A_203, %cond3A_204 : i32
        scf.if %cond3A_205 {
          %mul3A_255 = arith.constant 6400 : i32
          %mul3A_256 = arith.muli %add3A_200, %mul3A_255 : i32
          %add3A_257 = arith.constant 800000 : i32
          %add3A_258 = arith.addi %add3A_257, %mul3A_256 : i32
          %dma_wait3A_259 = tpu.memref_slice %arg8[%add3A_258] : memref<1600000xf32, #tpu.memory_space<vmem_shared>> -> memref<6400xf32, #tpu.memory_space<vmem_shared>>
          %dma_wait3A_260 = arith.constant 0 : i32
          %dma_wait3A_261 = tpu.memref_slice %arg3[%dma_wait3A_260] : memref<83200000xf32, #tpu.memory_space<hbm>> -> memref<6400xf32, #tpu.memory_space<hbm>>
          tpu.wait_dma2 semaphore(%arg10 : memref<!tpu.dma_semaphore, #tpu.memory_space<semaphore_mem>>) src(%dma_wait3A_261 : memref<6400xf32, #tpu.memory_space<hbm>>) dst(%dma_wait3A_259 : memref<6400xf32, #tpu.memory_space<vmem_shared>>)
        } else {
        }
        %add3A_206 = arith.constant 16 : i32
        %add3A_207 = arith.addi %add3A_206, %arg1 : i32
        %lt3A_208 = arith.constant 125 : i32
        %lt3A_209 = arith.cmpi slt, %add3A_207, %lt3A_208 : i32
        %convert_element_type3A_210 = arith.extui %lt3A_209 : i1 to i32
        %cond3A_211 = arith.constant 0 : i32
        %cond3A_212 = arith.cmpi ne, %convert_element_type3A_210, %cond3A_211 : i32
        scf.if %cond3A_212 {
          %mul3A_255 = arith.constant 6400 : i32
          %mul3A_256 = arith.muli %add3A_207, %mul3A_255 : i32
          %add3A_257 = arith.constant 800000 : i32
          %add3A_258 = arith.addi %add3A_257, %mul3A_256 : i32
          %dma_wait3A_259 = tpu.memref_slice %arg8[%add3A_258] : memref<1600000xf32, #tpu.memory_space<vmem_shared>> -> memref<6400xf32, #tpu.memory_space<vmem_shared>>
          %dma_wait3A_260 = arith.constant 0 : i32
          %dma_wait3A_261 = tpu.memref_slice %arg3[%dma_wait3A_260] : memref<83200000xf32, #tpu.memory_space<hbm>> -> memref<6400xf32, #tpu.memory_space<hbm>>
          tpu.wait_dma2 semaphore(%arg10 : memref<!tpu.dma_semaphore, #tpu.memory_space<semaphore_mem>>) src(%dma_wait3A_261 : memref<6400xf32, #tpu.memory_space<hbm>>) dst(%dma_wait3A_259 : memref<6400xf32, #tpu.memory_space<vmem_shared>>)
        } else {
        }
        %add3A_213 = arith.constant 32 : i32
        %add3A_214 = arith.addi %add3A_213, %arg1 : i32
        %lt3A_215 = arith.constant 125 : i32
        %lt3A_216 = arith.cmpi slt, %add3A_214, %lt3A_215 : i32
        %convert_element_type3A_217 = arith.extui %lt3A_216 : i1 to i32
        %cond3A_218 = arith.constant 0 : i32
        %cond3A_219 = arith.cmpi ne, %convert_element_type3A_217, %cond3A_218 : i32
        scf.if %cond3A_219 {
          %mul3A_255 = arith.constant 6400 : i32
          %mul3A_256 = arith.muli %add3A_214, %mul3A_255 : i32
          %add3A_257 = arith.constant 800000 : i32
          %add3A_258 = arith.addi %add3A_257, %mul3A_256 : i32
          %dma_wait3A_259 = tpu.memref_slice %arg8[%add3A_258] : memref<1600000xf32, #tpu.memory_space<vmem_shared>> -> memref<6400xf32, #tpu.memory_space<vmem_shared>>
          %dma_wait3A_260 = arith.constant 0 : i32
          %dma_wait3A_261 = tpu.memref_slice %arg3[%dma_wait3A_260] : memref<83200000xf32, #tpu.memory_space<hbm>> -> memref<6400xf32, #tpu.memory_space<hbm>>
          tpu.wait_dma2 semaphore(%arg10 : memref<!tpu.dma_semaphore, #tpu.memory_space<semaphore_mem>>) src(%dma_wait3A_261 : memref<6400xf32, #tpu.memory_space<hbm>>) dst(%dma_wait3A_259 : memref<6400xf32, #tpu.memory_space<vmem_shared>>)
        } else {
        }
        %add3A_220 = arith.constant 48 : i32
        %add3A_221 = arith.addi %add3A_220, %arg1 : i32
        %lt3A_222 = arith.constant 125 : i32
        %lt3A_223 = arith.cmpi slt, %add3A_221, %lt3A_222 : i32
        %convert_element_type3A_224 = arith.extui %lt3A_223 : i1 to i32
        %cond3A_225 = arith.constant 0 : i32
        %cond3A_226 = arith.cmpi ne, %convert_element_type3A_224, %cond3A_225 : i32
        scf.if %cond3A_226 {
          %mul3A_255 = arith.constant 6400 : i32
          %mul3A_256 = arith.muli %add3A_221, %mul3A_255 : i32
          %add3A_257 = arith.constant 800000 : i32
          %add3A_258 = arith.addi %add3A_257, %mul3A_256 : i32
          %dma_wait3A_259 = tpu.memref_slice %arg8[%add3A_258] : memref<1600000xf32, #tpu.memory_space<vmem_shared>> -> memref<6400xf32, #tpu.memory_space<vmem_shared>>
          %dma_wait3A_260 = arith.constant 0 : i32
          %dma_wait3A_261 = tpu.memref_slice %arg3[%dma_wait3A_260] : memref<83200000xf32, #tpu.memory_space<hbm>> -> memref<6400xf32, #tpu.memory_space<hbm>>
          tpu.wait_dma2 semaphore(%arg10 : memref<!tpu.dma_semaphore, #tpu.memory_space<semaphore_mem>>) src(%dma_wait3A_261 : memref<6400xf32, #tpu.memory_space<hbm>>) dst(%dma_wait3A_259 : memref<6400xf32, #tpu.memory_space<vmem_shared>>)
        } else {
        }
        %add3A_227 = arith.constant 64 : i32
        %add3A_228 = arith.addi %add3A_227, %arg1 : i32
        %lt3A_229 = arith.constant 125 : i32
        %lt3A_230 = arith.cmpi slt, %add3A_228, %lt3A_229 : i32
        %convert_element_type3A_231 = arith.extui %lt3A_230 : i1 to i32
        %cond3A_232 = arith.constant 0 : i32
        %cond3A_233 = arith.cmpi ne, %convert_element_type3A_231, %cond3A_232 : i32
        scf.if %cond3A_233 {
          %mul3A_255 = arith.constant 6400 : i32
          %mul3A_256 = arith.muli %add3A_228, %mul3A_255 : i32
          %add3A_257 = arith.constant 800000 : i32
          %add3A_258 = arith.addi %add3A_257, %mul3A_256 : i32
          %dma_wait3A_259 = tpu.memref_slice %arg8[%add3A_258] : memref<1600000xf32, #tpu.memory_space<vmem_shared>> -> memref<6400xf32, #tpu.memory_space<vmem_shared>>
          %dma_wait3A_260 = arith.constant 0 : i32
          %dma_wait3A_261 = tpu.memref_slice %arg3[%dma_wait3A_260] : memref<83200000xf32, #tpu.memory_space<hbm>> -> memref<6400xf32, #tpu.memory_space<hbm>>
          tpu.wait_dma2 semaphore(%arg10 : memref<!tpu.dma_semaphore, #tpu.memory_space<semaphore_mem>>) src(%dma_wait3A_261 : memref<6400xf32, #tpu.memory_space<hbm>>) dst(%dma_wait3A_259 : memref<6400xf32, #tpu.memory_space<vmem_shared>>)
        } else {
        }
        %add3A_234 = arith.constant 80 : i32
        %add3A_235 = arith.addi %add3A_234, %arg1 : i32
        %lt3A_236 = arith.constant 125 : i32
        %lt3A_237 = arith.cmpi slt, %add3A_235, %lt3A_236 : i32
        %convert_element_type3A_238 = arith.extui %lt3A_237 : i1 to i32
        %cond3A_239 = arith.constant 0 : i32
        %cond3A_240 = arith.cmpi ne, %convert_element_type3A_238, %cond3A_239 : i32
        scf.if %cond3A_240 {
          %mul3A_255 = arith.constant 6400 : i32
          %mul3A_256 = arith.muli %add3A_235, %mul3A_255 : i32
          %add3A_257 = arith.constant 800000 : i32
          %add3A_258 = arith.addi %add3A_257, %mul3A_256 : i32
          %dma_wait3A_259 = tpu.memref_slice %arg8[%add3A_258] : memref<1600000xf32, #tpu.memory_space<vmem_shared>> -> memref<6400xf32, #tpu.memory_space<vmem_shared>>
          %dma_wait3A_260 = arith.constant 0 : i32
          %dma_wait3A_261 = tpu.memref_slice %arg3[%dma_wait3A_260] : memref<83200000xf32, #tpu.memory_space<hbm>> -> memref<6400xf32, #tpu.memory_space<hbm>>
          tpu.wait_dma2 semaphore(%arg10 : memref<!tpu.dma_semaphore, #tpu.memory_space<semaphore_mem>>) src(%dma_wait3A_261 : memref<6400xf32, #tpu.memory_space<hbm>>) dst(%dma_wait3A_259 : memref<6400xf32, #tpu.memory_space<vmem_shared>>)
        } else {
        }
        %add3A_241 = arith.constant 96 : i32
        %add3A_242 = arith.addi %add3A_241, %arg1 : i32
        %lt3A_243 = arith.constant 125 : i32
        %lt3A_244 = arith.cmpi slt, %add3A_242, %lt3A_243 : i32
        %convert_element_type3A_245 = arith.extui %lt3A_244 : i1 to i32
        %cond3A_246 = arith.constant 0 : i32
        %cond3A_247 = arith.cmpi ne, %convert_element_type3A_245, %cond3A_246 : i32
        scf.if %cond3A_247 {
          %mul3A_255 = arith.constant 6400 : i32
          %mul3A_256 = arith.muli %add3A_242, %mul3A_255 : i32
          %add3A_257 = arith.constant 800000 : i32
          %add3A_258 = arith.addi %add3A_257, %mul3A_256 : i32
          %dma_wait3A_259 = tpu.memref_slice %arg8[%add3A_258] : memref<1600000xf32, #tpu.memory_space<vmem_shared>> -> memref<6400xf32, #tpu.memory_space<vmem_shared>>
          %dma_wait3A_260 = arith.constant 0 : i32
          %dma_wait3A_261 = tpu.memref_slice %arg3[%dma_wait3A_260] : memref<83200000xf32, #tpu.memory_space<hbm>> -> memref<6400xf32, #tpu.memory_space<hbm>>
          tpu.wait_dma2 semaphore(%arg10 : memref<!tpu.dma_semaphore, #tpu.memory_space<semaphore_mem>>) src(%dma_wait3A_261 : memref<6400xf32, #tpu.memory_space<hbm>>) dst(%dma_wait3A_259 : memref<6400xf32, #tpu.memory_space<vmem_shared>>)
        } else {
        }
        %add3A_248 = arith.constant 112 : i32
        %add3A_249 = arith.addi %add3A_248, %arg1 : i32
        %lt3A_250 = arith.constant 125 : i32
        %lt3A_251 = arith.cmpi slt, %add3A_249, %lt3A_250 : i32
        %convert_element_type3A_252 = arith.extui %lt3A_251 : i1 to i32
        %cond3A_253 = arith.constant 0 : i32
        %cond3A_254 = arith.cmpi ne, %convert_element_type3A_252, %cond3A_253 : i32
        scf.if %cond3A_254 {
          %mul3A_255 = arith.constant 6400 : i32
          %mul3A_256 = arith.muli %add3A_249, %mul3A_255 : i32
          %add3A_257 = arith.constant 800000 : i32
          %add3A_258 = arith.addi %add3A_257, %mul3A_256 : i32
          %dma_wait3A_259 = tpu.memref_slice %arg8[%add3A_258] : memref<1600000xf32, #tpu.memory_space<vmem_shared>> -> memref<6400xf32, #tpu.memory_space<vmem_shared>>
          %dma_wait3A_260 = arith.constant 0 : i32
          %dma_wait3A_261 = tpu.memref_slice %arg3[%dma_wait3A_260] : memref<83200000xf32, #tpu.memory_space<hbm>> -> memref<6400xf32, #tpu.memory_space<hbm>>
          tpu.wait_dma2 semaphore(%arg10 : memref<!tpu.dma_semaphore, #tpu.memory_space<semaphore_mem>>) src(%dma_wait3A_261 : memref<6400xf32, #tpu.memory_space<hbm>>) dst(%dma_wait3A_259 : memref<6400xf32, #tpu.memory_space<vmem_shared>>)
        } else {
        }
      } else {
      }
      %barrier3A_156 = arith.constant 0 : index
      tpu.barrier barrier_id(%barrier3A_156)
      %add3A_157 = arith.constant 1 : i32
      %add3A_158 = arith.addi %mul3A_116, %add3A_157 : i32
      %add3A_159 = arith.constant 1 : i32
      %add3A_160 = arith.addi %add3A_158, %add3A_159 : i32
      %lt3A_161 = arith.constant 52 : i32
      %lt3A_162 = arith.cmpi slt, %add3A_160, %lt3A_161 : i32
      %convert_element_type3A_163 = arith.extui %lt3A_162 : i1 to i32
      %cond3A_164 = arith.constant 0 : i32
      %cond3A_165 = arith.cmpi ne, %convert_element_type3A_163, %cond3A_164 : i32
      scf.if %cond3A_165 {
        %add3A_199 = arith.constant 1 : i32
        %add3A_200 = arith.addi %add3A_158, %add3A_199 : i32
        %add3A_201 = arith.constant 0 : i32
        %add3A_202 = arith.addi %add3A_201, %arg1 : i32
        %lt3A_203 = arith.constant 125 : i32
        %lt3A_204 = arith.cmpi slt, %add3A_202, %lt3A_203 : i32
        %convert_element_type3A_205 = arith.extui %lt3A_204 : i1 to i32
        %cond3A_206 = arith.constant 0 : i32
        %cond3A_207 = arith.cmpi ne, %convert_element_type3A_205, %cond3A_206 : i32
        scf.if %cond3A_207 {
          %add3A_257 = arith.addi %mul3A_0, %add3A_200 : i32
          %mul3A_258 = arith.constant 800000 : i32
          %mul3A_259 = arith.muli %add3A_257, %mul3A_258 : i32
          %mul3A_260 = arith.constant 6400 : i32
          %mul3A_261 = arith.muli %add3A_202, %mul3A_260 : i32
          %add3A_262 = arith.addi %mul3A_259, %mul3A_261 : i32
          %mul3A_263 = arith.constant 6400 : i32
          %mul3A_264 = arith.muli %add3A_202, %mul3A_263 : i32
          %add3A_265 = arith.constant 0 : i32
          %add3A_266 = arith.addi %add3A_265, %mul3A_264 : i32
          %dma_start3A = tpu.memref_slice %arg8[%add3A_266] : memref<1600000xf32, #tpu.memory_space<vmem_shared>> -> memref<6400xf32, #tpu.memory_space<vmem_shared>>
          %dma_start3A_267 = tpu.memref_slice %arg3[%add3A_262] : memref<83200000xf32, #tpu.memory_space<hbm>> -> memref<6400xf32, #tpu.memory_space<hbm>>
          tpu.enqueue_dma source(%dma_start3A_267 : memref<6400xf32, #tpu.memory_space<hbm>>) target(%dma_start3A : memref<6400xf32, #tpu.memory_space<vmem_shared>>) target_semaphore(%arg10 : memref<!tpu.dma_semaphore, #tpu.memory_space<semaphore_mem>>)
        } else {
        }
        %add3A_208 = arith.constant 16 : i32
        %add3A_209 = arith.addi %add3A_208, %arg1 : i32
        %lt3A_210 = arith.constant 125 : i32
        %lt3A_211 = arith.cmpi slt, %add3A_209, %lt3A_210 : i32
        %convert_element_type3A_212 = arith.extui %lt3A_211 : i1 to i32
        %cond3A_213 = arith.constant 0 : i32
        %cond3A_214 = arith.cmpi ne, %convert_element_type3A_212, %cond3A_213 : i32
        scf.if %cond3A_214 {
          %add3A_257 = arith.addi %mul3A_0, %add3A_200 : i32
          %mul3A_258 = arith.constant 800000 : i32
          %mul3A_259 = arith.muli %add3A_257, %mul3A_258 : i32
          %mul3A_260 = arith.constant 6400 : i32
          %mul3A_261 = arith.muli %add3A_209, %mul3A_260 : i32
          %add3A_262 = arith.addi %mul3A_259, %mul3A_261 : i32
          %mul3A_263 = arith.constant 6400 : i32
          %mul3A_264 = arith.muli %add3A_209, %mul3A_263 : i32
          %add3A_265 = arith.constant 0 : i32
          %add3A_266 = arith.addi %add3A_265, %mul3A_264 : i32
          %dma_start3A = tpu.memref_slice %arg8[%add3A_266] : memref<1600000xf32, #tpu.memory_space<vmem_shared>> -> memref<6400xf32, #tpu.memory_space<vmem_shared>>
          %dma_start3A_267 = tpu.memref_slice %arg3[%add3A_262] : memref<83200000xf32, #tpu.memory_space<hbm>> -> memref<6400xf32, #tpu.memory_space<hbm>>
          tpu.enqueue_dma source(%dma_start3A_267 : memref<6400xf32, #tpu.memory_space<hbm>>) target(%dma_start3A : memref<6400xf32, #tpu.memory_space<vmem_shared>>) target_semaphore(%arg10 : memref<!tpu.dma_semaphore, #tpu.memory_space<semaphore_mem>>)
        } else {
        }
        %add3A_215 = arith.constant 32 : i32
        %add3A_216 = arith.addi %add3A_215, %arg1 : i32
        %lt3A_217 = arith.constant 125 : i32
        %lt3A_218 = arith.cmpi slt, %add3A_216, %lt3A_217 : i32
        %convert_element_type3A_219 = arith.extui %lt3A_218 : i1 to i32
        %cond3A_220 = arith.constant 0 : i32
        %cond3A_221 = arith.cmpi ne, %convert_element_type3A_219, %cond3A_220 : i32
        scf.if %cond3A_221 {
          %add3A_257 = arith.addi %mul3A_0, %add3A_200 : i32
          %mul3A_258 = arith.constant 800000 : i32
          %mul3A_259 = arith.muli %add3A_257, %mul3A_258 : i32
          %mul3A_260 = arith.constant 6400 : i32
          %mul3A_261 = arith.muli %add3A_216, %mul3A_260 : i32
          %add3A_262 = arith.addi %mul3A_259, %mul3A_261 : i32
          %mul3A_263 = arith.constant 6400 : i32
          %mul3A_264 = arith.muli %add3A_216, %mul3A_263 : i32
          %add3A_265 = arith.constant 0 : i32
          %add3A_266 = arith.addi %add3A_265, %mul3A_264 : i32
          %dma_start3A = tpu.memref_slice %arg8[%add3A_266] : memref<1600000xf32, #tpu.memory_space<vmem_shared>> -> memref<6400xf32, #tpu.memory_space<vmem_shared>>
          %dma_start3A_267 = tpu.memref_slice %arg3[%add3A_262] : memref<83200000xf32, #tpu.memory_space<hbm>> -> memref<6400xf32, #tpu.memory_space<hbm>>
          tpu.enqueue_dma source(%dma_start3A_267 : memref<6400xf32, #tpu.memory_space<hbm>>) target(%dma_start3A : memref<6400xf32, #tpu.memory_space<vmem_shared>>) target_semaphore(%arg10 : memref<!tpu.dma_semaphore, #tpu.memory_space<semaphore_mem>>)
        } else {
        }
        %add3A_222 = arith.constant 48 : i32
        %add3A_223 = arith.addi %add3A_222, %arg1 : i32
        %lt3A_224 = arith.constant 125 : i32
        %lt3A_225 = arith.cmpi slt, %add3A_223, %lt3A_224 : i32
        %convert_element_type3A_226 = arith.extui %lt3A_225 : i1 to i32
        %cond3A_227 = arith.constant 0 : i32
        %cond3A_228 = arith.cmpi ne, %convert_element_type3A_226, %cond3A_227 : i32
        scf.if %cond3A_228 {
          %add3A_257 = arith.addi %mul3A_0, %add3A_200 : i32
          %mul3A_258 = arith.constant 800000 : i32
          %mul3A_259 = arith.muli %add3A_257, %mul3A_258 : i32
          %mul3A_260 = arith.constant 6400 : i32
          %mul3A_261 = arith.muli %add3A_223, %mul3A_260 : i32
          %add3A_262 = arith.addi %mul3A_259, %mul3A_261 : i32
          %mul3A_263 = arith.constant 6400 : i32
          %mul3A_264 = arith.muli %add3A_223, %mul3A_263 : i32
          %add3A_265 = arith.constant 0 : i32
          %add3A_266 = arith.addi %add3A_265, %mul3A_264 : i32
          %dma_start3A = tpu.memref_slice %arg8[%add3A_266] : memref<1600000xf32, #tpu.memory_space<vmem_shared>> -> memref<6400xf32, #tpu.memory_space<vmem_shared>>
          %dma_start3A_267 = tpu.memref_slice %arg3[%add3A_262] : memref<83200000xf32, #tpu.memory_space<hbm>> -> memref<6400xf32, #tpu.memory_space<hbm>>
          tpu.enqueue_dma source(%dma_start3A_267 : memref<6400xf32, #tpu.memory_space<hbm>>) target(%dma_start3A : memref<6400xf32, #tpu.memory_space<vmem_shared>>) target_semaphore(%arg10 : memref<!tpu.dma_semaphore, #tpu.memory_space<semaphore_mem>>)
        } else {
        }
        %add3A_229 = arith.constant 64 : i32
        %add3A_230 = arith.addi %add3A_229, %arg1 : i32
        %lt3A_231 = arith.constant 125 : i32
        %lt3A_232 = arith.cmpi slt, %add3A_230, %lt3A_231 : i32
        %convert_element_type3A_233 = arith.extui %lt3A_232 : i1 to i32
        %cond3A_234 = arith.constant 0 : i32
        %cond3A_235 = arith.cmpi ne, %convert_element_type3A_233, %cond3A_234 : i32
        scf.if %cond3A_235 {
          %add3A_257 = arith.addi %mul3A_0, %add3A_200 : i32
          %mul3A_258 = arith.constant 800000 : i32
          %mul3A_259 = arith.muli %add3A_257, %mul3A_258 : i32
          %mul3A_260 = arith.constant 6400 : i32
          %mul3A_261 = arith.muli %add3A_230, %mul3A_260 : i32
          %add3A_262 = arith.addi %mul3A_259, %mul3A_261 : i32
          %mul3A_263 = arith.constant 6400 : i32
          %mul3A_264 = arith.muli %add3A_230, %mul3A_263 : i32
          %add3A_265 = arith.constant 0 : i32
          %add3A_266 = arith.addi %add3A_265, %mul3A_264 : i32
          %dma_start3A = tpu.memref_slice %arg8[%add3A_266] : memref<1600000xf32, #tpu.memory_space<vmem_shared>> -> memref<6400xf32, #tpu.memory_space<vmem_shared>>
          %dma_start3A_267 = tpu.memref_slice %arg3[%add3A_262] : memref<83200000xf32, #tpu.memory_space<hbm>> -> memref<6400xf32, #tpu.memory_space<hbm>>
          tpu.enqueue_dma source(%dma_start3A_267 : memref<6400xf32, #tpu.memory_space<hbm>>) target(%dma_start3A : memref<6400xf32, #tpu.memory_space<vmem_shared>>) target_semaphore(%arg10 : memref<!tpu.dma_semaphore, #tpu.memory_space<semaphore_mem>>)
        } else {
        }
        %add3A_236 = arith.constant 80 : i32
        %add3A_237 = arith.addi %add3A_236, %arg1 : i32
        %lt3A_238 = arith.constant 125 : i32
        %lt3A_239 = arith.cmpi slt, %add3A_237, %lt3A_238 : i32
        %convert_element_type3A_240 = arith.extui %lt3A_239 : i1 to i32
        %cond3A_241 = arith.constant 0 : i32
        %cond3A_242 = arith.cmpi ne, %convert_element_type3A_240, %cond3A_241 : i32
        scf.if %cond3A_242 {
          %add3A_257 = arith.addi %mul3A_0, %add3A_200 : i32
          %mul3A_258 = arith.constant 800000 : i32
          %mul3A_259 = arith.muli %add3A_257, %mul3A_258 : i32
          %mul3A_260 = arith.constant 6400 : i32
          %mul3A_261 = arith.muli %add3A_237, %mul3A_260 : i32
          %add3A_262 = arith.addi %mul3A_259, %mul3A_261 : i32
          %mul3A_263 = arith.constant 6400 : i32
          %mul3A_264 = arith.muli %add3A_237, %mul3A_263 : i32
          %add3A_265 = arith.constant 0 : i32
          %add3A_266 = arith.addi %add3A_265, %mul3A_264 : i32
          %dma_start3A = tpu.memref_slice %arg8[%add3A_266] : memref<1600000xf32, #tpu.memory_space<vmem_shared>> -> memref<6400xf32, #tpu.memory_space<vmem_shared>>
          %dma_start3A_267 = tpu.memref_slice %arg3[%add3A_262] : memref<83200000xf32, #tpu.memory_space<hbm>> -> memref<6400xf32, #tpu.memory_space<hbm>>
          tpu.enqueue_dma source(%dma_start3A_267 : memref<6400xf32, #tpu.memory_space<hbm>>) target(%dma_start3A : memref<6400xf32, #tpu.memory_space<vmem_shared>>) target_semaphore(%arg10 : memref<!tpu.dma_semaphore, #tpu.memory_space<semaphore_mem>>)
        } else {
        }
        %add3A_243 = arith.constant 96 : i32
        %add3A_244 = arith.addi %add3A_243, %arg1 : i32
        %lt3A_245 = arith.constant 125 : i32
        %lt3A_246 = arith.cmpi slt, %add3A_244, %lt3A_245 : i32
        %convert_element_type3A_247 = arith.extui %lt3A_246 : i1 to i32
        %cond3A_248 = arith.constant 0 : i32
        %cond3A_249 = arith.cmpi ne, %convert_element_type3A_247, %cond3A_248 : i32
        scf.if %cond3A_249 {
          %add3A_257 = arith.addi %mul3A_0, %add3A_200 : i32
          %mul3A_258 = arith.constant 800000 : i32
          %mul3A_259 = arith.muli %add3A_257, %mul3A_258 : i32
          %mul3A_260 = arith.constant 6400 : i32
          %mul3A_261 = arith.muli %add3A_244, %mul3A_260 : i32
          %add3A_262 = arith.addi %mul3A_259, %mul3A_261 : i32
          %mul3A_263 = arith.constant 6400 : i32
          %mul3A_264 = arith.muli %add3A_244, %mul3A_263 : i32
          %add3A_265 = arith.constant 0 : i32
          %add3A_266 = arith.addi %add3A_265, %mul3A_264 : i32
          %dma_start3A = tpu.memref_slice %arg8[%add3A_266] : memref<1600000xf32, #tpu.memory_space<vmem_shared>> -> memref<6400xf32, #tpu.memory_space<vmem_shared>>
          %dma_start3A_267 = tpu.memref_slice %arg3[%add3A_262] : memref<83200000xf32, #tpu.memory_space<hbm>> -> memref<6400xf32, #tpu.memory_space<hbm>>
          tpu.enqueue_dma source(%dma_start3A_267 : memref<6400xf32, #tpu.memory_space<hbm>>) target(%dma_start3A : memref<6400xf32, #tpu.memory_space<vmem_shared>>) target_semaphore(%arg10 : memref<!tpu.dma_semaphore, #tpu.memory_space<semaphore_mem>>)
        } else {
        }
        %add3A_250 = arith.constant 112 : i32
        %add3A_251 = arith.addi %add3A_250, %arg1 : i32
        %lt3A_252 = arith.constant 125 : i32
        %lt3A_253 = arith.cmpi slt, %add3A_251, %lt3A_252 : i32
        %convert_element_type3A_254 = arith.extui %lt3A_253 : i1 to i32
        %cond3A_255 = arith.constant 0 : i32
        %cond3A_256 = arith.cmpi ne, %convert_element_type3A_254, %cond3A_255 : i32
        scf.if %cond3A_256 {
          %add3A_257 = arith.addi %mul3A_0, %add3A_200 : i32
          %mul3A_258 = arith.constant 800000 : i32
          %mul3A_259 = arith.muli %add3A_257, %mul3A_258 : i32
          %mul3A_260 = arith.constant 6400 : i32
          %mul3A_261 = arith.muli %add3A_251, %mul3A_260 : i32
          %add3A_262 = arith.addi %mul3A_259, %mul3A_261 : i32
          %mul3A_263 = arith.constant 6400 : i32
          %mul3A_264 = arith.muli %add3A_251, %mul3A_263 : i32
          %add3A_265 = arith.constant 0 : i32
          %add3A_266 = arith.addi %add3A_265, %mul3A_264 : i32
          %dma_start3A = tpu.memref_slice %arg8[%add3A_266] : memref<1600000xf32, #tpu.memory_space<vmem_shared>> -> memref<6400xf32, #tpu.memory_space<vmem_shared>>
          %dma_start3A_267 = tpu.memref_slice %arg3[%add3A_262] : memref<83200000xf32, #tpu.memory_space<hbm>> -> memref<6400xf32, #tpu.memory_space<hbm>>
          tpu.enqueue_dma source(%dma_start3A_267 : memref<6400xf32, #tpu.memory_space<hbm>>) target(%dma_start3A : memref<6400xf32, #tpu.memory_space<vmem_shared>>) target_semaphore(%arg10 : memref<!tpu.dma_semaphore, #tpu.memory_space<semaphore_mem>>)
        } else {
        }
      } else {
      }
      %add3A_166 = arith.addi %mul3A_0, %add3A_158 : i32
      %mul3A_167 = arith.constant 8 : i32
      %mul3A_168 = arith.muli %add3A_166, %mul3A_167 : i32
      %div3A_169 = arith.constant 32 : i32
      %div3A_170 = arith.divsi %mul3A_168, %div3A_169 : i32
      %mul3A_171 = arith.constant 8 : i32
      %mul3A_172 = arith.muli %mul3A_171, %arg1 : i32
      "tpu.region"() ({
        %run_scoped3A = tpu.sem_alloc : memref<!tpu.dma_semaphore, #tpu.memory_space<semaphore_mem>>
        %dma_start3A = arith.constant 0 : i32
        %dma_start3A_199 = tpu.memref_slice %arg2[%div3A_170, %mul3A_172, %dma_start3A] : memref<26x128x128xi32, #tpu.memory_space<hbm>> -> memref<1x8x128xi32, #tpu.memory_space<hbm>>
        %dma_start3A_200 = tpu.memref_squeeze %dma_start3A_199 : memref<1x8x128xi32, #tpu.memory_space<hbm>> -> memref<8x128xi32, #tpu.memory_space<hbm>>
        %dma_start3A_201 = arith.constant 0 : i32
        %dma_start3A_202 = tpu.memref_slice %arg2[%div3A_170, %mul3A_172, %dma_start3A_201] : memref<26x128x128xi32, #tpu.memory_space<hbm>> -> memref<1x8x128xi32, #tpu.memory_space<hbm>>
        %dma_start3A_203 = tpu.memref_squeeze %dma_start3A_202 : memref<1x8x128xi32, #tpu.memory_space<hbm>> -> memref<8x128xi32, #tpu.memory_space<hbm>>
        tpu.enqueue_dma source(%dma_start3A_203 : memref<8x128xi32, #tpu.memory_space<hbm>>) target(%arg5 : memref<8x128xi32, #tpu.memory_space<vmem>>) target_semaphore(%run_scoped3A : memref<!tpu.dma_semaphore, #tpu.memory_space<semaphore_mem>>)
        %dma_wait3A_204 = arith.constant 0 : i32
        %dma_wait3A_205 = tpu.memref_slice %arg2[%div3A_170, %mul3A_172, %dma_wait3A_204] : memref<26x128x128xi32, #tpu.memory_space<hbm>> -> memref<1x8x128xi32, #tpu.memory_space<hbm>>
        %dma_wait3A_206 = tpu.memref_squeeze %dma_wait3A_205 : memref<1x8x128xi32, #tpu.memory_space<hbm>> -> memref<8x128xi32, #tpu.memory_space<hbm>>
        %dma_wait3A_207 = arith.constant 0 : i32
        %dma_wait3A_208 = tpu.memref_slice %arg2[%div3A_170, %mul3A_172, %dma_wait3A_207] : memref<26x128x128xi32, #tpu.memory_space<hbm>> -> memref<1x8x128xi32, #tpu.memory_space<hbm>>
        %dma_wait3A_209 = tpu.memref_squeeze %dma_wait3A_208 : memref<1x8x128xi32, #tpu.memory_space<hbm>> -> memref<8x128xi32, #tpu.memory_space<hbm>>
        tpu.wait_dma2 semaphore(%run_scoped3A : memref<!tpu.dma_semaphore, #tpu.memory_space<semaphore_mem>>) src(%dma_wait3A_209 : memref<8x128xi32, #tpu.memory_space<hbm>>) dst(%arg5 : memref<8x128xi32, #tpu.memory_space<vmem>>)
        tpu.yield
      }) : () -> ()
      %scan3A_173 = arith.constant 0 : i32
      %scan3A_174 = arith.constant 0 : i32
      %scan3A_175 = arith.constant 8 : i32
      %scan3A_176 = arith.addi %scan3A_174, %scan3A_175 : i32
      %scan3A_177 = arith.constant 1 : i32
      scf.for %scan3A_199 = %scan3A_174 to %scan3A_176 step %scan3A_177  : i32 {
        %mul3A_200 = arith.constant 100000 : i32
        %mul3A_201 = arith.muli %scan3A_199, %mul3A_200 : i32
        %add3A_202 = arith.constant 800000 : i32
        %add3A_203 = arith.addi %add3A_202, %mul3A_201 : i32
        %get3A = arith.constant 0 : i32
        %get3A_204 = arith.index_cast %get3A : i32 to index
        %get3A_205 = arith.constant 0 : index
        %get3A_206 = tpu.vector_load %arg5[%get3A_204, %get3A_205] {strides = array<i32>} : memref<8x128xi32, #tpu.memory_space<vmem>>, vector<1x16xi32>,
        %get3A_207 = vector.shape_cast %get3A_206 : vector<1x16xi32> to vector<16xi32>
        %add3A_208 = vector.broadcast %add3A_203 : i32 to vector<16xi32>
        %add3A_209 = arith.addi %get3A_207, %add3A_208 : vector<16xi32>
        %swap3A = arith.constant 0 : i32
        %swap3A_210 = arith.index_cast %scan3A_199 : i32 to index
        %swap3A_211 = arith.index_cast %swap3A : i32 to index
        %swap3A_212 = arith.constant 0 : index
        %swap3A_213 = tpu.vector_load %arg6[%swap3A_210, %swap3A_211, %swap3A_212] {strides = array<i32>} : memref<8x8x128xi32, #tpu.memory_space<vmem>>, vector<1x1x16xi32>,
        %swap3A_214 = vector.shape_cast %swap3A_213 : vector<1x1x16xi32> to vector<16xi32>
        %swap3A_215 = vector.shape_cast %add3A_209 : vector<16xi32> to vector<1x1x16xi32>
        tpu.vector_store %arg6[%swap3A_210, %swap3A_211, %swap3A_212], %swap3A_215 {strides = array<i32>} : memref<8x8x128xi32, #tpu.memory_space<vmem>>, vector<1x1x16xi32>,
        %get3A_216 = arith.constant 0 : i32
        %get3A_217 = arith.index_cast %get3A_216 : i32 to index
        %get3A_218 = arith.constant 16 : index
        %get3A_219 = tpu.vector_load %arg5[%get3A_217, %get3A_218] {strides = array<i32>} : memref<8x128xi32, #tpu.memory_space<vmem>>, vector<1x16xi32>,
        %get3A_220 = vector.shape_cast %get3A_219 : vector<1x16xi32> to vector<16xi32>
        %add3A_221 = vector.broadcast %add3A_203 : i32 to vector<16xi32>
        %add3A_222 = arith.addi %get3A_220, %add3A_221 : vector<16xi32>
        %swap3A_223 = arith.constant 0 : i32
        %swap3A_224 = arith.index_cast %scan3A_199 : i32 to index
        %swap3A_225 = arith.index_cast %swap3A_223 : i32 to index
        %swap3A_226 = arith.constant 16 : index
        %swap3A_227 = tpu.vector_load %arg6[%swap3A_224, %swap3A_225, %swap3A_226] {strides = array<i32>} : memref<8x8x128xi32, #tpu.memory_space<vmem>>, vector<1x1x16xi32>,
        %swap3A_228 = vector.shape_cast %swap3A_227 : vector<1x1x16xi32> to vector<16xi32>
        %swap3A_229 = vector.shape_cast %add3A_222 : vector<16xi32> to vector<1x1x16xi32>
        tpu.vector_store %arg6[%swap3A_224, %swap3A_225, %swap3A_226], %swap3A_229 {strides = array<i32>} : memref<8x8x128xi32, #tpu.memory_space<vmem>>, vector<1x1x16xi32>,
        %get3A_230 = arith.constant 0 : i32
        %get3A_231 = arith.index_cast %get3A_230 : i32 to index
        %get3A_232 = arith.constant 32 : index
        %get3A_233 = tpu.vector_load %arg5[%get3A_231, %get3A_232] {strides = array<i32>} : memref<8x128xi32, #tpu.memory_space<vmem>>, vector<1x16xi32>,
        %get3A_234 = vector.shape_cast %get3A_233 : vector<1x16xi32> to vector<16xi32>
        %add3A_235 = vector.broadcast %add3A_203 : i32 to vector<16xi32>
        %add3A_236 = arith.addi %get3A_234, %add3A_235 : vector<16xi32>
        %swap3A_237 = arith.constant 0 : i32
        %swap3A_238 = arith.index_cast %scan3A_199 : i32 to index
        %swap3A_239 = arith.index_cast %swap3A_237 : i32 to index
        %swap3A_240 = arith.constant 32 : index
        %swap3A_241 = tpu.vector_load %arg6[%swap3A_238, %swap3A_239, %swap3A_240] {strides = array<i32>} : memref<8x8x128xi32, #tpu.memory_space<vmem>>, vector<1x1x16xi32>,
        %swap3A_242 = vector.shape_cast %swap3A_241 : vector<1x1x16xi32> to vector<16xi32>
        %swap3A_243 = vector.shape_cast %add3A_236 : vector<16xi32> to vector<1x1x16xi32>
        tpu.vector_store %arg6[%swap3A_238, %swap3A_239, %swap3A_240], %swap3A_243 {strides = array<i32>} : memref<8x8x128xi32, #tpu.memory_space<vmem>>, vector<1x1x16xi32>,
        %get3A_244 = arith.constant 0 : i32
        %get3A_245 = arith.index_cast %get3A_244 : i32 to index
        %get3A_246 = arith.constant 48 : index
        %get3A_247 = tpu.vector_load %arg5[%get3A_245, %get3A_246] {strides = array<i32>} : memref<8x128xi32, #tpu.memory_space<vmem>>, vector<1x16xi32>,
        %get3A_248 = vector.shape_cast %get3A_247 : vector<1x16xi32> to vector<16xi32>
        %add3A_249 = vector.broadcast %add3A_203 : i32 to vector<16xi32>
        %add3A_250 = arith.addi %get3A_248, %add3A_249 : vector<16xi32>
        %swap3A_251 = arith.constant 0 : i32
        %swap3A_252 = arith.index_cast %scan3A_199 : i32 to index
        %swap3A_253 = arith.index_cast %swap3A_251 : i32 to index
        %swap3A_254 = arith.constant 48 : index
        %swap3A_255 = tpu.vector_load %arg6[%swap3A_252, %swap3A_253, %swap3A_254] {strides = array<i32>} : memref<8x8x128xi32, #tpu.memory_space<vmem>>, vector<1x1x16xi32>,
        %swap3A_256 = vector.shape_cast %swap3A_255 : vector<1x1x16xi32> to vector<16xi32>
        %swap3A_257 = vector.shape_cast %add3A_250 : vector<16xi32> to vector<1x1x16xi32>
        tpu.vector_store %arg6[%swap3A_252, %swap3A_253, %swap3A_254], %swap3A_257 {strides = array<i32>} : memref<8x8x128xi32, #tpu.memory_space<vmem>>, vector<1x1x16xi32>,
        %get3A_258 = arith.constant 0 : i32
        %get3A_259 = arith.index_cast %get3A_258 : i32 to index
        %get3A_260 = arith.constant 64 : index
        %get3A_261 = tpu.vector_load %arg5[%get3A_259, %get3A_260] {strides = array<i32>} : memref<8x128xi32, #tpu.memory_space<vmem>>, vector<1x16xi32>,
        %get3A_262 = vector.shape_cast %get3A_261 : vector<1x16xi32> to vector<16xi32>
        %add3A_263 = vector.broadcast %add3A_203 : i32 to vector<16xi32>
        %add3A_264 = arith.addi %get3A_262, %add3A_263 : vector<16xi32>
        %swap3A_265 = arith.constant 0 : i32
        %swap3A_266 = arith.index_cast %scan3A_199 : i32 to index
        %swap3A_267 = arith.index_cast %swap3A_265 : i32 to index
        %swap3A_268 = arith.constant 64 : index
        %swap3A_269 = tpu.vector_load %arg6[%swap3A_266, %swap3A_267, %swap3A_268] {strides = array<i32>} : memref<8x8x128xi32, #tpu.memory_space<vmem>>, vector<1x1x16xi32>,
        %swap3A_270 = vector.shape_cast %swap3A_269 : vector<1x1x16xi32> to vector<16xi32>
        %swap3A_271 = vector.shape_cast %add3A_264 : vector<16xi32> to vector<1x1x16xi32>
        tpu.vector_store %arg6[%swap3A_266, %swap3A_267, %swap3A_268], %swap3A_271 {strides = array<i32>} : memref<8x8x128xi32, #tpu.memory_space<vmem>>, vector<1x1x16xi32>,
        %get3A_272 = arith.constant 0 : i32
        %get3A_273 = arith.index_cast %get3A_272 : i32 to index
        %get3A_274 = arith.constant 80 : index
        %get3A_275 = tpu.vector_load %arg5[%get3A_273, %get3A_274] {strides = array<i32>} : memref<8x128xi32, #tpu.memory_space<vmem>>, vector<1x16xi32>,
        %get3A_276 = vector.shape_cast %get3A_275 : vector<1x16xi32> to vector<16xi32>
        %add3A_277 = vector.broadcast %add3A_203 : i32 to vector<16xi32>
        %add3A_278 = arith.addi %get3A_276, %add3A_277 : vector<16xi32>
        %swap3A_279 = arith.constant 0 : i32
        %swap3A_280 = arith.index_cast %scan3A_199 : i32 to index
        %swap3A_281 = arith.index_cast %swap3A_279 : i32 to index
        %swap3A_282 = arith.constant 80 : index
        %swap3A_283 = tpu.vector_load %arg6[%swap3A_280, %swap3A_281, %swap3A_282] {strides = array<i32>} : memref<8x8x128xi32, #tpu.memory_space<vmem>>, vector<1x1x16xi32>,
        %swap3A_284 = vector.shape_cast %swap3A_283 : vector<1x1x16xi32> to vector<16xi32>
        %swap3A_285 = vector.shape_cast %add3A_278 : vector<16xi32> to vector<1x1x16xi32>
        tpu.vector_store %arg6[%swap3A_280, %swap3A_281, %swap3A_282], %swap3A_285 {strides = array<i32>} : memref<8x8x128xi32, #tpu.memory_space<vmem>>, vector<1x1x16xi32>,
        %get3A_286 = arith.constant 0 : i32
        %get3A_287 = arith.index_cast %get3A_286 : i32 to index
        %get3A_288 = arith.constant 96 : index
        %get3A_289 = tpu.vector_load %arg5[%get3A_287, %get3A_288] {strides = array<i32>} : memref<8x128xi32, #tpu.memory_space<vmem>>, vector<1x16xi32>,
        %get3A_290 = vector.shape_cast %get3A_289 : vector<1x16xi32> to vector<16xi32>
        %add3A_291 = vector.broadcast %add3A_203 : i32 to vector<16xi32>
        %add3A_292 = arith.addi %get3A_290, %add3A_291 : vector<16xi32>
        %swap3A_293 = arith.constant 0 : i32
        %swap3A_294 = arith.index_cast %scan3A_199 : i32 to index
        %swap3A_295 = arith.index_cast %swap3A_293 : i32 to index
        %swap3A_296 = arith.constant 96 : index
        %swap3A_297 = tpu.vector_load %arg6[%swap3A_294, %swap3A_295, %swap3A_296] {strides = array<i32>} : memref<8x8x128xi32, #tpu.memory_space<vmem>>, vector<1x1x16xi32>,
        %swap3A_298 = vector.shape_cast %swap3A_297 : vector<1x1x16xi32> to vector<16xi32>
        %swap3A_299 = vector.shape_cast %add3A_292 : vector<16xi32> to vector<1x1x16xi32>
        tpu.vector_store %arg6[%swap3A_294, %swap3A_295, %swap3A_296], %swap3A_299 {strides = array<i32>} : memref<8x8x128xi32, #tpu.memory_space<vmem>>, vector<1x1x16xi32>,
        %get3A_300 = arith.constant 0 : i32
        %get3A_301 = arith.index_cast %get3A_300 : i32 to index
        %get3A_302 = arith.constant 112 : index
        %get3A_303 = tpu.vector_load %arg5[%get3A_301, %get3A_302] {strides = array<i32>} : memref<8x128xi32, #tpu.memory_space<vmem>>, vector<1x16xi32>,
        %get3A_304 = vector.shape_cast %get3A_303 : vector<1x16xi32> to vector<16xi32>
        %add3A_305 = vector.broadcast %add3A_203 : i32 to vector<16xi32>
        %add3A_306 = arith.addi %get3A_304, %add3A_305 : vector<16xi32>
        %swap3A_307 = arith.constant 0 : i32
        %swap3A_308 = arith.index_cast %scan3A_199 : i32 to index
        %swap3A_309 = arith.index_cast %swap3A_307 : i32 to index
        %swap3A_310 = arith.constant 112 : index
        %swap3A_311 = tpu.vector_load %arg6[%swap3A_308, %swap3A_309, %swap3A_310] {strides = array<i32>} : memref<8x8x128xi32, #tpu.memory_space<vmem>>, vector<1x1x16xi32>,
        %swap3A_312 = vector.shape_cast %swap3A_311 : vector<1x1x16xi32> to vector<16xi32>
        %swap3A_313 = vector.shape_cast %add3A_306 : vector<16xi32> to vector<1x1x16xi32>
        tpu.vector_store %arg6[%swap3A_308, %swap3A_309, %swap3A_310], %swap3A_313 {strides = array<i32>} : memref<8x8x128xi32, #tpu.memory_space<vmem>>, vector<1x1x16xi32>,
        %dma_start3A = arith.constant 0 : i32
        %dma_start3A_314 = arith.constant 0 : i32
        %dma_start3A_315 = tpu.memref_slice %arg7[%scan3A_199, %dma_start3A_314] : memref<8x1024xf32, #tpu.memory_space<vmem>> -> memref<1x128xf32, #tpu.memory_space<vmem>>
        %dma_start3A_316 = tpu.memref_squeeze %dma_start3A_315 : memref<1x128xf32, #tpu.memory_space<vmem>> -> memref<128xf32, #tpu.memory_space<vmem>>
        %dma_start3A_317 = arith.constant 0 : i32
        %dma_start3A_318 = tpu.memref_slice %arg6[%scan3A_199, %dma_start3A, %dma_start3A_317] : memref<8x8x128xi32, #tpu.memory_space<vmem>> -> memref<1x1x128xi32, #tpu.memory_space<vmem>>
        %dma_start3A_319 = tpu.memref_squeeze %dma_start3A_318 : memref<1x1x128xi32, #tpu.memory_space<vmem>> -> memref<128xi32, #tpu.memory_space<vmem>>
        %dma_start3A_320 = arith.constant 0 : i32
        %dma_start3A_321 = tpu.memref_slice %arg8[%dma_start3A_320] : memref<1600000xf32, #tpu.memory_space<vmem_shared>> -> memref<1600000xf32, #tpu.memory_space<vmem_shared>>
        tpu.enqueue_indirect_dma source(%dma_start3A_321 : memref<1600000xf32, #tpu.memory_space<vmem_shared>>) target(%dma_start3A_316 : memref<128xf32, #tpu.memory_space<vmem>>) offsets(%dma_start3A_319 : memref<128xi32, #tpu.memory_space<vmem>>) semaphore(%arg9 : memref<!tpu.dma_semaphore, #tpu.memory_space<semaphore_mem>>)
        %get3A_322 = arith.constant 1 : i32
        %get3A_323 = arith.index_cast %get3A_322 : i32 to index
        %get3A_324 = arith.constant 0 : index
        %get3A_325 = tpu.vector_load %arg5[%get3A_323, %get3A_324] {strides = array<i32>} : memref<8x128xi32, #tpu.memory_space<vmem>>, vector<1x16xi32>,
        %get3A_326 = vector.shape_cast %get3A_325 : vector<1x16xi32> to vector<16xi32>
        %add3A_327 = vector.broadcast %add3A_203 : i32 to vector<16xi32>
        %add3A_328 = arith.addi %get3A_326, %add3A_327 : vector<16xi32>
        %swap3A_329 = arith.constant 1 : i32
        %swap3A_330 = arith.index_cast %scan3A_199 : i32 to index
        %swap3A_331 = arith.index_cast %swap3A_329 : i32 to index
        %swap3A_332 = arith.constant 0 : index
        %swap3A_333 = tpu.vector_load %arg6[%swap3A_330, %swap3A_331, %swap3A_332] {strides = array<i32>} : memref<8x8x128xi32, #tpu.memory_space<vmem>>, vector<1x1x16xi32>,
        %swap3A_334 = vector.shape_cast %swap3A_333 : vector<1x1x16xi32> to vector<16xi32>
        %swap3A_335 = vector.shape_cast %add3A_328 : vector<16xi32> to vector<1x1x16xi32>
        tpu.vector_store %arg6[%swap3A_330, %swap3A_331, %swap3A_332], %swap3A_335 {strides = array<i32>} : memref<8x8x128xi32, #tpu.memory_space<vmem>>, vector<1x1x16xi32>,
        %get3A_336 = arith.constant 1 : i32
        %get3A_337 = arith.index_cast %get3A_336 : i32 to index
        %get3A_338 = arith.constant 16 : index
        %get3A_339 = tpu.vector_load %arg5[%get3A_337, %get3A_338] {strides = array<i32>} : memref<8x128xi32, #tpu.memory_space<vmem>>, vector<1x16xi32>,
        %get3A_340 = vector.shape_cast %get3A_339 : vector<1x16xi32> to vector<16xi32>
        %add3A_341 = vector.broadcast %add3A_203 : i32 to vector<16xi32>
        %add3A_342 = arith.addi %get3A_340, %add3A_341 : vector<16xi32>
        %swap3A_343 = arith.constant 1 : i32
        %swap3A_344 = arith.index_cast %scan3A_199 : i32 to index
        %swap3A_345 = arith.index_cast %swap3A_343 : i32 to index
        %swap3A_346 = arith.constant 16 : index
        %swap3A_347 = tpu.vector_load %arg6[%swap3A_344, %swap3A_345, %swap3A_346] {strides = array<i32>} : memref<8x8x128xi32, #tpu.memory_space<vmem>>, vector<1x1x16xi32>,
        %swap3A_348 = vector.shape_cast %swap3A_347 : vector<1x1x16xi32> to vector<16xi32>
        %swap3A_349 = vector.shape_cast %add3A_342 : vector<16xi32> to vector<1x1x16xi32>
        tpu.vector_store %arg6[%swap3A_344, %swap3A_345, %swap3A_346], %swap3A_349 {strides = array<i32>} : memref<8x8x128xi32, #tpu.memory_space<vmem>>, vector<1x1x16xi32>,
        %get3A_350 = arith.constant 1 : i32
        %get3A_351 = arith.index_cast %get3A_350 : i32 to index
        %get3A_352 = arith.constant 32 : index
        %get3A_353 = tpu.vector_load %arg5[%get3A_351, %get3A_352] {strides = array<i32>} : memref<8x128xi32, #tpu.memory_space<vmem>>, vector<1x16xi32>,
        %get3A_354 = vector.shape_cast %get3A_353 : vector<1x16xi32> to vector<16xi32>
        %add3A_355 = vector.broadcast %add3A_203 : i32 to vector<16xi32>
        %add3A_356 = arith.addi %get3A_354, %add3A_355 : vector<16xi32>
        %swap3A_357 = arith.constant 1 : i32
        %swap3A_358 = arith.index_cast %scan3A_199 : i32 to index
        %swap3A_359 = arith.index_cast %swap3A_357 : i32 to index
        %swap3A_360 = arith.constant 32 : index
        %swap3A_361 = tpu.vector_load %arg6[%swap3A_358, %swap3A_359, %swap3A_360] {strides = array<i32>} : memref<8x8x128xi32, #tpu.memory_space<vmem>>, vector<1x1x16xi32>,
        %swap3A_362 = vector.shape_cast %swap3A_361 : vector<1x1x16xi32> to vector<16xi32>
        %swap3A_363 = vector.shape_cast %add3A_356 : vector<16xi32> to vector<1x1x16xi32>
        tpu.vector_store %arg6[%swap3A_358, %swap3A_359, %swap3A_360], %swap3A_363 {strides = array<i32>} : memref<8x8x128xi32, #tpu.memory_space<vmem>>, vector<1x1x16xi32>,
        %get3A_364 = arith.constant 1 : i32
        %get3A_365 = arith.index_cast %get3A_364 : i32 to index
        %get3A_366 = arith.constant 48 : index
        %get3A_367 = tpu.vector_load %arg5[%get3A_365, %get3A_366] {strides = array<i32>} : memref<8x128xi32, #tpu.memory_space<vmem>>, vector<1x16xi32>,
        %get3A_368 = vector.shape_cast %get3A_367 : vector<1x16xi32> to vector<16xi32>
        %add3A_369 = vector.broadcast %add3A_203 : i32 to vector<16xi32>
        %add3A_370 = arith.addi %get3A_368, %add3A_369 : vector<16xi32>
        %swap3A_371 = arith.constant 1 : i32
        %swap3A_372 = arith.index_cast %scan3A_199 : i32 to index
        %swap3A_373 = arith.index_cast %swap3A_371 : i32 to index
        %swap3A_374 = arith.constant 48 : index
        %swap3A_375 = tpu.vector_load %arg6[%swap3A_372, %swap3A_373, %swap3A_374] {strides = array<i32>} : memref<8x8x128xi32, #tpu.memory_space<vmem>>, vector<1x1x16xi32>,
        %swap3A_376 = vector.shape_cast %swap3A_375 : vector<1x1x16xi32> to vector<16xi32>
        %swap3A_377 = vector.shape_cast %add3A_370 : vector<16xi32> to vector<1x1x16xi32>
        tpu.vector_store %arg6[%swap3A_372, %swap3A_373, %swap3A_374], %swap3A_377 {strides = array<i32>} : memref<8x8x128xi32, #tpu.memory_space<vmem>>, vector<1x1x16xi32>,
        %get3A_378 = arith.constant 1 : i32
        %get3A_379 = arith.index_cast %get3A_378 : i32 to index
        %get3A_380 = arith.constant 64 : index
        %get3A_381 = tpu.vector_load %arg5[%get3A_379, %get3A_380] {strides = array<i32>} : memref<8x128xi32, #tpu.memory_space<vmem>>, vector<1x16xi32>,
        %get3A_382 = vector.shape_cast %get3A_381 : vector<1x16xi32> to vector<16xi32>
        %add3A_383 = vector.broadcast %add3A_203 : i32 to vector<16xi32>
        %add3A_384 = arith.addi %get3A_382, %add3A_383 : vector<16xi32>
        %swap3A_385 = arith.constant 1 : i32
        %swap3A_386 = arith.index_cast %scan3A_199 : i32 to index
        %swap3A_387 = arith.index_cast %swap3A_385 : i32 to index
        %swap3A_388 = arith.constant 64 : index
        %swap3A_389 = tpu.vector_load %arg6[%swap3A_386, %swap3A_387, %swap3A_388] {strides = array<i32>} : memref<8x8x128xi32, #tpu.memory_space<vmem>>, vector<1x1x16xi32>,
        %swap3A_390 = vector.shape_cast %swap3A_389 : vector<1x1x16xi32> to vector<16xi32>
        %swap3A_391 = vector.shape_cast %add3A_384 : vector<16xi32> to vector<1x1x16xi32>
        tpu.vector_store %arg6[%swap3A_386, %swap3A_387, %swap3A_388], %swap3A_391 {strides = array<i32>} : memref<8x8x128xi32, #tpu.memory_space<vmem>>, vector<1x1x16xi32>,
        %get3A_392 = arith.constant 1 : i32
        %get3A_393 = arith.index_cast %get3A_392 : i32 to index
        %get3A_394 = arith.constant 80 : index
        %get3A_395 = tpu.vector_load %arg5[%get3A_393, %get3A_394] {strides = array<i32>} : memref<8x128xi32, #tpu.memory_space<vmem>>, vector<1x16xi32>,
        %get3A_396 = vector.shape_cast %get3A_395 : vector<1x16xi32> to vector<16xi32>
        %add3A_397 = vector.broadcast %add3A_203 : i32 to vector<16xi32>
        %add3A_398 = arith.addi %get3A_396, %add3A_397 : vector<16xi32>
        %swap3A_399 = arith.constant 1 : i32
        %swap3A_400 = arith.index_cast %scan3A_199 : i32 to index
        %swap3A_401 = arith.index_cast %swap3A_399 : i32 to index
        %swap3A_402 = arith.constant 80 : index
        %swap3A_403 = tpu.vector_load %arg6[%swap3A_400, %swap3A_401, %swap3A_402] {strides = array<i32>} : memref<8x8x128xi32, #tpu.memory_space<vmem>>, vector<1x1x16xi32>,
        %swap3A_404 = vector.shape_cast %swap3A_403 : vector<1x1x16xi32> to vector<16xi32>
        %swap3A_405 = vector.shape_cast %add3A_398 : vector<16xi32> to vector<1x1x16xi32>
        tpu.vector_store %arg6[%swap3A_400, %swap3A_401, %swap3A_402], %swap3A_405 {strides = array<i32>} : memref<8x8x128xi32, #tpu.memory_space<vmem>>, vector<1x1x16xi32>,
        %get3A_406 = arith.constant 1 : i32
        %get3A_407 = arith.index_cast %get3A_406 : i32 to index
        %get3A_408 = arith.constant 96 : index
        %get3A_409 = tpu.vector_load %arg5[%get3A_407, %get3A_408] {strides = array<i32>} : memref<8x128xi32, #tpu.memory_space<vmem>>, vector<1x16xi32>,
        %get3A_410 = vector.shape_cast %get3A_409 : vector<1x16xi32> to vector<16xi32>
        %add3A_411 = vector.broadcast %add3A_203 : i32 to vector<16xi32>
        %add3A_412 = arith.addi %get3A_410, %add3A_411 : vector<16xi32>
        %swap3A_413 = arith.constant 1 : i32
        %swap3A_414 = arith.index_cast %scan3A_199 : i32 to index
        %swap3A_415 = arith.index_cast %swap3A_413 : i32 to index
        %swap3A_416 = arith.constant 96 : index
        %swap3A_417 = tpu.vector_load %arg6[%swap3A_414, %swap3A_415, %swap3A_416] {strides = array<i32>} : memref<8x8x128xi32, #tpu.memory_space<vmem>>, vector<1x1x16xi32>,
        %swap3A_418 = vector.shape_cast %swap3A_417 : vector<1x1x16xi32> to vector<16xi32>
        %swap3A_419 = vector.shape_cast %add3A_412 : vector<16xi32> to vector<1x1x16xi32>
        tpu.vector_store %arg6[%swap3A_414, %swap3A_415, %swap3A_416], %swap3A_419 {strides = array<i32>} : memref<8x8x128xi32, #tpu.memory_space<vmem>>, vector<1x1x16xi32>,
        %get3A_420 = arith.constant 1 : i32
        %get3A_421 = arith.index_cast %get3A_420 : i32 to index
        %get3A_422 = arith.constant 112 : index
        %get3A_423 = tpu.vector_load %arg5[%get3A_421, %get3A_422] {strides = array<i32>} : memref<8x128xi32, #tpu.memory_space<vmem>>, vector<1x16xi32>,
        %get3A_424 = vector.shape_cast %get3A_423 : vector<1x16xi32> to vector<16xi32>
        %add3A_425 = vector.broadcast %add3A_203 : i32 to vector<16xi32>
        %add3A_426 = arith.addi %get3A_424, %add3A_425 : vector<16xi32>
        %swap3A_427 = arith.constant 1 : i32
        %swap3A_428 = arith.index_cast %scan3A_199 : i32 to index
        %swap3A_429 = arith.index_cast %swap3A_427 : i32 to index
        %swap3A_430 = arith.constant 112 : index
        %swap3A_431 = tpu.vector_load %arg6[%swap3A_428, %swap3A_429, %swap3A_430] {strides = array<i32>} : memref<8x8x128xi32, #tpu.memory_space<vmem>>, vector<1x1x16xi32>,
        %swap3A_432 = vector.shape_cast %swap3A_431 : vector<1x1x16xi32> to vector<16xi32>
        %swap3A_433 = vector.shape_cast %add3A_426 : vector<16xi32> to vector<1x1x16xi32>
        tpu.vector_store %arg6[%swap3A_428, %swap3A_429, %swap3A_430], %swap3A_433 {strides = array<i32>} : memref<8x8x128xi32, #tpu.memory_space<vmem>>, vector<1x1x16xi32>,
        %dma_start3A_434 = arith.constant 1 : i32
        %dma_start3A_435 = arith.constant 128 : i32
        %dma_start3A_436 = tpu.memref_slice %arg7[%scan3A_199, %dma_start3A_435] : memref<8x1024xf32, #tpu.memory_space<vmem>> -> memref<1x128xf32, #tpu.memory_space<vmem>>
        %dma_start3A_437 = tpu.memref_squeeze %dma_start3A_436 : memref<1x128xf32, #tpu.memory_space<vmem>> -> memref<128xf32, #tpu.memory_space<vmem>>
        %dma_start3A_438 = arith.constant 0 : i32
        %dma_start3A_439 = tpu.memref_slice %arg6[%scan3A_199, %dma_start3A_434, %dma_start3A_438] : memref<8x8x128xi32, #tpu.memory_space<vmem>> -> memref<1x1x128xi32, #tpu.memory_space<vmem>>
        %dma_start3A_440 = tpu.memref_squeeze %dma_start3A_439 : memref<1x1x128xi32, #tpu.memory_space<vmem>> -> memref<128xi32, #tpu.memory_space<vmem>>
        %dma_start3A_441 = arith.constant 0 : i32
        %dma_start3A_442 = tpu.memref_slice %arg8[%dma_start3A_441] : memref<1600000xf32, #tpu.memory_space<vmem_shared>> -> memref<1600000xf32, #tpu.memory_space<vmem_shared>>
        tpu.enqueue_indirect_dma source(%dma_start3A_442 : memref<1600000xf32, #tpu.memory_space<vmem_shared>>) target(%dma_start3A_437 : memref<128xf32, #tpu.memory_space<vmem>>) offsets(%dma_start3A_440 : memref<128xi32, #tpu.memory_space<vmem>>) semaphore(%arg9 : memref<!tpu.dma_semaphore, #tpu.memory_space<semaphore_mem>>)
        %get3A_443 = arith.constant 2 : i32
        %get3A_444 = arith.index_cast %get3A_443 : i32 to index
        %get3A_445 = arith.constant 0 : index
        %get3A_446 = tpu.vector_load %arg5[%get3A_444, %get3A_445] {strides = array<i32>} : memref<8x128xi32, #tpu.memory_space<vmem>>, vector<1x16xi32>,
        %get3A_447 = vector.shape_cast %get3A_446 : vector<1x16xi32> to vector<16xi32>
        %add3A_448 = vector.broadcast %add3A_203 : i32 to vector<16xi32>
        %add3A_449 = arith.addi %get3A_447, %add3A_448 : vector<16xi32>
        %swap3A_450 = arith.constant 2 : i32
        %swap3A_451 = arith.index_cast %scan3A_199 : i32 to index
        %swap3A_452 = arith.index_cast %swap3A_450 : i32 to index
        %swap3A_453 = arith.constant 0 : index
        %swap3A_454 = tpu.vector_load %arg6[%swap3A_451, %swap3A_452, %swap3A_453] {strides = array<i32>} : memref<8x8x128xi32, #tpu.memory_space<vmem>>, vector<1x1x16xi32>,
        %swap3A_455 = vector.shape_cast %swap3A_454 : vector<1x1x16xi32> to vector<16xi32>
        %swap3A_456 = vector.shape_cast %add3A_449 : vector<16xi32> to vector<1x1x16xi32>
        tpu.vector_store %arg6[%swap3A_451, %swap3A_452, %swap3A_453], %swap3A_456 {strides = array<i32>} : memref<8x8x128xi32, #tpu.memory_space<vmem>>, vector<1x1x16xi32>,
        %get3A_457 = arith.constant 2 : i32
        %get3A_458 = arith.index_cast %get3A_457 : i32 to index
        %get3A_459 = arith.constant 16 : index
        %get3A_460 = tpu.vector_load %arg5[%get3A_458, %get3A_459] {strides = array<i32>} : memref<8x128xi32, #tpu.memory_space<vmem>>, vector<1x16xi32>,
        %get3A_461 = vector.shape_cast %get3A_460 : vector<1x16xi32> to vector<16xi32>
        %add3A_462 = vector.broadcast %add3A_203 : i32 to vector<16xi32>
        %add3A_463 = arith.addi %get3A_461, %add3A_462 : vector<16xi32>
        %swap3A_464 = arith.constant 2 : i32
        %swap3A_465 = arith.index_cast %scan3A_199 : i32 to index
        %swap3A_466 = arith.index_cast %swap3A_464 : i32 to index
        %swap3A_467 = arith.constant 16 : index
        %swap3A_468 = tpu.vector_load %arg6[%swap3A_465, %swap3A_466, %swap3A_467] {strides = array<i32>} : memref<8x8x128xi32, #tpu.memory_space<vmem>>, vector<1x1x16xi32>,
        %swap3A_469 = vector.shape_cast %swap3A_468 : vector<1x1x16xi32> to vector<16xi32>
        %swap3A_470 = vector.shape_cast %add3A_463 : vector<16xi32> to vector<1x1x16xi32>
        tpu.vector_store %arg6[%swap3A_465, %swap3A_466, %swap3A_467], %swap3A_470 {strides = array<i32>} : memref<8x8x128xi32, #tpu.memory_space<vmem>>, vector<1x1x16xi32>,
        %get3A_471 = arith.constant 2 : i32
        %get3A_472 = arith.index_cast %get3A_471 : i32 to index
        %get3A_473 = arith.constant 32 : index
        %get3A_474 = tpu.vector_load %arg5[%get3A_472, %get3A_473] {strides = array<i32>} : memref<8x128xi32, #tpu.memory_space<vmem>>, vector<1x16xi32>,
        %get3A_475 = vector.shape_cast %get3A_474 : vector<1x16xi32> to vector<16xi32>
        %add3A_476 = vector.broadcast %add3A_203 : i32 to vector<16xi32>
        %add3A_477 = arith.addi %get3A_475, %add3A_476 : vector<16xi32>
        %swap3A_478 = arith.constant 2 : i32
        %swap3A_479 = arith.index_cast %scan3A_199 : i32 to index
        %swap3A_480 = arith.index_cast %swap3A_478 : i32 to index
        %swap3A_481 = arith.constant 32 : index
        %swap3A_482 = tpu.vector_load %arg6[%swap3A_479, %swap3A_480, %swap3A_481] {strides = array<i32>} : memref<8x8x128xi32, #tpu.memory_space<vmem>>, vector<1x1x16xi32>,
        %swap3A_483 = vector.shape_cast %swap3A_482 : vector<1x1x16xi32> to vector<16xi32>
        %swap3A_484 = vector.shape_cast %add3A_477 : vector<16xi32> to vector<1x1x16xi32>
        tpu.vector_store %arg6[%swap3A_479, %swap3A_480, %swap3A_481], %swap3A_484 {strides = array<i32>} : memref<8x8x128xi32, #tpu.memory_space<vmem>>, vector<1x1x16xi32>,
        %get3A_485 = arith.constant 2 : i32
        %get3A_486 = arith.index_cast %get3A_485 : i32 to index
        %get3A_487 = arith.constant 48 : index
        %get3A_488 = tpu.vector_load %arg5[%get3A_486, %get3A_487] {strides = array<i32>} : memref<8x128xi32, #tpu.memory_space<vmem>>, vector<1x16xi32>,
        %get3A_489 = vector.shape_cast %get3A_488 : vector<1x16xi32> to vector<16xi32>
        %add3A_490 = vector.broadcast %add3A_203 : i32 to vector<16xi32>
        %add3A_491 = arith.addi %get3A_489, %add3A_490 : vector<16xi32>
        %swap3A_492 = arith.constant 2 : i32
        %swap3A_493 = arith.index_cast %scan3A_199 : i32 to index
        %swap3A_494 = arith.index_cast %swap3A_492 : i32 to index
        %swap3A_495 = arith.constant 48 : index
        %swap3A_496 = tpu.vector_load %arg6[%swap3A_493, %swap3A_494, %swap3A_495] {strides = array<i32>} : memref<8x8x128xi32, #tpu.memory_space<vmem>>, vector<1x1x16xi32>,
        %swap3A_497 = vector.shape_cast %swap3A_496 : vector<1x1x16xi32> to vector<16xi32>
        %swap3A_498 = vector.shape_cast %add3A_491 : vector<16xi32> to vector<1x1x16xi32>
        tpu.vector_store %arg6[%swap3A_493, %swap3A_494, %swap3A_495], %swap3A_498 {strides = array<i32>} : memref<8x8x128xi32, #tpu.memory_space<vmem>>, vector<1x1x16xi32>,
        %get3A_499 = arith.constant 2 : i32
        %get3A_500 = arith.index_cast %get3A_499 : i32 to index
        %get3A_501 = arith.constant 64 : index
        %get3A_502 = tpu.vector_load %arg5[%get3A_500, %get3A_501] {strides = array<i32>} : memref<8x128xi32, #tpu.memory_space<vmem>>, vector<1x16xi32>,
        %get3A_503 = vector.shape_cast %get3A_502 : vector<1x16xi32> to vector<16xi32>
        %add3A_504 = vector.broadcast %add3A_203 : i32 to vector<16xi32>
        %add3A_505 = arith.addi %get3A_503, %add3A_504 : vector<16xi32>
        %swap3A_506 = arith.constant 2 : i32
        %swap3A_507 = arith.index_cast %scan3A_199 : i32 to index
        %swap3A_508 = arith.index_cast %swap3A_506 : i32 to index
        %swap3A_509 = arith.constant 64 : index
        %swap3A_510 = tpu.vector_load %arg6[%swap3A_507, %swap3A_508, %swap3A_509] {strides = array<i32>} : memref<8x8x128xi32, #tpu.memory_space<vmem>>, vector<1x1x16xi32>,
        %swap3A_511 = vector.shape_cast %swap3A_510 : vector<1x1x16xi32> to vector<16xi32>
        %swap3A_512 = vector.shape_cast %add3A_505 : vector<16xi32> to vector<1x1x16xi32>
        tpu.vector_store %arg6[%swap3A_507, %swap3A_508, %swap3A_509], %swap3A_512 {strides = array<i32>} : memref<8x8x128xi32, #tpu.memory_space<vmem>>, vector<1x1x16xi32>,
        %get3A_513 = arith.constant 2 : i32
        %get3A_514 = arith.index_cast %get3A_513 : i32 to index
        %get3A_515 = arith.constant 80 : index
        %get3A_516 = tpu.vector_load %arg5[%get3A_514, %get3A_515] {strides = array<i32>} : memref<8x128xi32, #tpu.memory_space<vmem>>, vector<1x16xi32>,
        %get3A_517 = vector.shape_cast %get3A_516 : vector<1x16xi32> to vector<16xi32>
        %add3A_518 = vector.broadcast %add3A_203 : i32 to vector<16xi32>
        %add3A_519 = arith.addi %get3A_517, %add3A_518 : vector<16xi32>
        %swap3A_520 = arith.constant 2 : i32
        %swap3A_521 = arith.index_cast %scan3A_199 : i32 to index
        %swap3A_522 = arith.index_cast %swap3A_520 : i32 to index
        %swap3A_523 = arith.constant 80 : index
        %swap3A_524 = tpu.vector_load %arg6[%swap3A_521, %swap3A_522, %swap3A_523] {strides = array<i32>} : memref<8x8x128xi32, #tpu.memory_space<vmem>>, vector<1x1x16xi32>,
        %swap3A_525 = vector.shape_cast %swap3A_524 : vector<1x1x16xi32> to vector<16xi32>
        %swap3A_526 = vector.shape_cast %add3A_519 : vector<16xi32> to vector<1x1x16xi32>
        tpu.vector_store %arg6[%swap3A_521, %swap3A_522, %swap3A_523], %swap3A_526 {strides = array<i32>} : memref<8x8x128xi32, #tpu.memory_space<vmem>>, vector<1x1x16xi32>,
        %get3A_527 = arith.constant 2 : i32
        %get3A_528 = arith.index_cast %get3A_527 : i32 to index
        %get3A_529 = arith.constant 96 : index
        %get3A_530 = tpu.vector_load %arg5[%get3A_528, %get3A_529] {strides = array<i32>} : memref<8x128xi32, #tpu.memory_space<vmem>>, vector<1x16xi32>,
        %get3A_531 = vector.shape_cast %get3A_530 : vector<1x16xi32> to vector<16xi32>
        %add3A_532 = vector.broadcast %add3A_203 : i32 to vector<16xi32>
        %add3A_533 = arith.addi %get3A_531, %add3A_532 : vector<16xi32>
        %swap3A_534 = arith.constant 2 : i32
        %swap3A_535 = arith.index_cast %scan3A_199 : i32 to index
        %swap3A_536 = arith.index_cast %swap3A_534 : i32 to index
        %swap3A_537 = arith.constant 96 : index
        %swap3A_538 = tpu.vector_load %arg6[%swap3A_535, %swap3A_536, %swap3A_537] {strides = array<i32>} : memref<8x8x128xi32, #tpu.memory_space<vmem>>, vector<1x1x16xi32>,
        %swap3A_539 = vector.shape_cast %swap3A_538 : vector<1x1x16xi32> to vector<16xi32>
        %swap3A_540 = vector.shape_cast %add3A_533 : vector<16xi32> to vector<1x1x16xi32>
        tpu.vector_store %arg6[%swap3A_535, %swap3A_536, %swap3A_537], %swap3A_540 {strides = array<i32>} : memref<8x8x128xi32, #tpu.memory_space<vmem>>, vector<1x1x16xi32>,
        %get3A_541 = arith.constant 2 : i32
        %get3A_542 = arith.index_cast %get3A_541 : i32 to index
        %get3A_543 = arith.constant 112 : index
        %get3A_544 = tpu.vector_load %arg5[%get3A_542, %get3A_543] {strides = array<i32>} : memref<8x128xi32, #tpu.memory_space<vmem>>, vector<1x16xi32>,
        %get3A_545 = vector.shape_cast %get3A_544 : vector<1x16xi32> to vector<16xi32>
        %add3A_546 = vector.broadcast %add3A_203 : i32 to vector<16xi32>
        %add3A_547 = arith.addi %get3A_545, %add3A_546 : vector<16xi32>
        %swap3A_548 = arith.constant 2 : i32
        %swap3A_549 = arith.index_cast %scan3A_199 : i32 to index
        %swap3A_550 = arith.index_cast %swap3A_548 : i32 to index
        %swap3A_551 = arith.constant 112 : index
        %swap3A_552 = tpu.vector_load %arg6[%swap3A_549, %swap3A_550, %swap3A_551] {strides = array<i32>} : memref<8x8x128xi32, #tpu.memory_space<vmem>>, vector<1x1x16xi32>,
        %swap3A_553 = vector.shape_cast %swap3A_552 : vector<1x1x16xi32> to vector<16xi32>
        %swap3A_554 = vector.shape_cast %add3A_547 : vector<16xi32> to vector<1x1x16xi32>
        tpu.vector_store %arg6[%swap3A_549, %swap3A_550, %swap3A_551], %swap3A_554 {strides = array<i32>} : memref<8x8x128xi32, #tpu.memory_space<vmem>>, vector<1x1x16xi32>,
        %dma_start3A_555 = arith.constant 2 : i32
        %dma_start3A_556 = arith.constant 256 : i32
        %dma_start3A_557 = tpu.memref_slice %arg7[%scan3A_199, %dma_start3A_556] : memref<8x1024xf32, #tpu.memory_space<vmem>> -> memref<1x128xf32, #tpu.memory_space<vmem>>
        %dma_start3A_558 = tpu.memref_squeeze %dma_start3A_557 : memref<1x128xf32, #tpu.memory_space<vmem>> -> memref<128xf32, #tpu.memory_space<vmem>>
        %dma_start3A_559 = arith.constant 0 : i32
        %dma_start3A_560 = tpu.memref_slice %arg6[%scan3A_199, %dma_start3A_555, %dma_start3A_559] : memref<8x8x128xi32, #tpu.memory_space<vmem>> -> memref<1x1x128xi32, #tpu.memory_space<vmem>>
        %dma_start3A_561 = tpu.memref_squeeze %dma_start3A_560 : memref<1x1x128xi32, #tpu.memory_space<vmem>> -> memref<128xi32, #tpu.memory_space<vmem>>
        %dma_start3A_562 = arith.constant 0 : i32
        %dma_start3A_563 = tpu.memref_slice %arg8[%dma_start3A_562] : memref<1600000xf32, #tpu.memory_space<vmem_shared>> -> memref<1600000xf32, #tpu.memory_space<vmem_shared>>
        tpu.enqueue_indirect_dma source(%dma_start3A_563 : memref<1600000xf32, #tpu.memory_space<vmem_shared>>) target(%dma_start3A_558 : memref<128xf32, #tpu.memory_space<vmem>>) offsets(%dma_start3A_561 : memref<128xi32, #tpu.memory_space<vmem>>) semaphore(%arg9 : memref<!tpu.dma_semaphore, #tpu.memory_space<semaphore_mem>>)
        %get3A_564 = arith.constant 3 : i32
        %get3A_565 = arith.index_cast %get3A_564 : i32 to index
        %get3A_566 = arith.constant 0 : index
        %get3A_567 = tpu.vector_load %arg5[%get3A_565, %get3A_566] {strides = array<i32>} : memref<8x128xi32, #tpu.memory_space<vmem>>, vector<1x16xi32>,
        %get3A_568 = vector.shape_cast %get3A_567 : vector<1x16xi32> to vector<16xi32>
        %add3A_569 = vector.broadcast %add3A_203 : i32 to vector<16xi32>
        %add3A_570 = arith.addi %get3A_568, %add3A_569 : vector<16xi32>
        %swap3A_571 = arith.constant 3 : i32
        %swap3A_572 = arith.index_cast %scan3A_199 : i32 to index
        %swap3A_573 = arith.index_cast %swap3A_571 : i32 to index
        %swap3A_574 = arith.constant 0 : index
        %swap3A_575 = tpu.vector_load %arg6[%swap3A_572, %swap3A_573, %swap3A_574] {strides = array<i32>} : memref<8x8x128xi32, #tpu.memory_space<vmem>>, vector<1x1x16xi32>,
        %swap3A_576 = vector.shape_cast %swap3A_575 : vector<1x1x16xi32> to vector<16xi32>
        %swap3A_577 = vector.shape_cast %add3A_570 : vector<16xi32> to vector<1x1x16xi32>
        tpu.vector_store %arg6[%swap3A_572, %swap3A_573, %swap3A_574], %swap3A_577 {strides = array<i32>} : memref<8x8x128xi32, #tpu.memory_space<vmem>>, vector<1x1x16xi32>,
        %get3A_578 = arith.constant 3 : i32
        %get3A_579 = arith.index_cast %get3A_578 : i32 to index
        %get3A_580 = arith.constant 16 : index
        %get3A_581 = tpu.vector_load %arg5[%get3A_579, %get3A_580] {strides = array<i32>} : memref<8x128xi32, #tpu.memory_space<vmem>>, vector<1x16xi32>,
        %get3A_582 = vector.shape_cast %get3A_581 : vector<1x16xi32> to vector<16xi32>
        %add3A_583 = vector.broadcast %add3A_203 : i32 to vector<16xi32>
        %add3A_584 = arith.addi %get3A_582, %add3A_583 : vector<16xi32>
        %swap3A_585 = arith.constant 3 : i32
        %swap3A_586 = arith.index_cast %scan3A_199 : i32 to index
        %swap3A_587 = arith.index_cast %swap3A_585 : i32 to index
        %swap3A_588 = arith.constant 16 : index
        %swap3A_589 = tpu.vector_load %arg6[%swap3A_586, %swap3A_587, %swap3A_588] {strides = array<i32>} : memref<8x8x128xi32, #tpu.memory_space<vmem>>, vector<1x1x16xi32>,
        %swap3A_590 = vector.shape_cast %swap3A_589 : vector<1x1x16xi32> to vector<16xi32>
        %swap3A_591 = vector.shape_cast %add3A_584 : vector<16xi32> to vector<1x1x16xi32>
        tpu.vector_store %arg6[%swap3A_586, %swap3A_587, %swap3A_588], %swap3A_591 {strides = array<i32>} : memref<8x8x128xi32, #tpu.memory_space<vmem>>, vector<1x1x16xi32>,
        %get3A_592 = arith.constant 3 : i32
        %get3A_593 = arith.index_cast %get3A_592 : i32 to index
        %get3A_594 = arith.constant 32 : index
        %get3A_595 = tpu.vector_load %arg5[%get3A_593, %get3A_594] {strides = array<i32>} : memref<8x128xi32, #tpu.memory_space<vmem>>, vector<1x16xi32>,
        %get3A_596 = vector.shape_cast %get3A_595 : vector<1x16xi32> to vector<16xi32>
        %add3A_597 = vector.broadcast %add3A_203 : i32 to vector<16xi32>
        %add3A_598 = arith.addi %get3A_596, %add3A_597 : vector<16xi32>
        %swap3A_599 = arith.constant 3 : i32
        %swap3A_600 = arith.index_cast %scan3A_199 : i32 to index
        %swap3A_601 = arith.index_cast %swap3A_599 : i32 to index
        %swap3A_602 = arith.constant 32 : index
        %swap3A_603 = tpu.vector_load %arg6[%swap3A_600, %swap3A_601, %swap3A_602] {strides = array<i32>} : memref<8x8x128xi32, #tpu.memory_space<vmem>>, vector<1x1x16xi32>,
        %swap3A_604 = vector.shape_cast %swap3A_603 : vector<1x1x16xi32> to vector<16xi32>
        %swap3A_605 = vector.shape_cast %add3A_598 : vector<16xi32> to vector<1x1x16xi32>
        tpu.vector_store %arg6[%swap3A_600, %swap3A_601, %swap3A_602], %swap3A_605 {strides = array<i32>} : memref<8x8x128xi32, #tpu.memory_space<vmem>>, vector<1x1x16xi32>,
        %get3A_606 = arith.constant 3 : i32
        %get3A_607 = arith.index_cast %get3A_606 : i32 to index
        %get3A_608 = arith.constant 48 : index
        %get3A_609 = tpu.vector_load %arg5[%get3A_607, %get3A_608] {strides = array<i32>} : memref<8x128xi32, #tpu.memory_space<vmem>>, vector<1x16xi32>,
        %get3A_610 = vector.shape_cast %get3A_609 : vector<1x16xi32> to vector<16xi32>
        %add3A_611 = vector.broadcast %add3A_203 : i32 to vector<16xi32>
        %add3A_612 = arith.addi %get3A_610, %add3A_611 : vector<16xi32>
        %swap3A_613 = arith.constant 3 : i32
        %swap3A_614 = arith.index_cast %scan3A_199 : i32 to index
        %swap3A_615 = arith.index_cast %swap3A_613 : i32 to index
        %swap3A_616 = arith.constant 48 : index
        %swap3A_617 = tpu.vector_load %arg6[%swap3A_614, %swap3A_615, %swap3A_616] {strides = array<i32>} : memref<8x8x128xi32, #tpu.memory_space<vmem>>, vector<1x1x16xi32>,
        %swap3A_618 = vector.shape_cast %swap3A_617 : vector<1x1x16xi32> to vector<16xi32>
        %swap3A_619 = vector.shape_cast %add3A_612 : vector<16xi32> to vector<1x1x16xi32>
        tpu.vector_store %arg6[%swap3A_614, %swap3A_615, %swap3A_616], %swap3A_619 {strides = array<i32>} : memref<8x8x128xi32, #tpu.memory_space<vmem>>, vector<1x1x16xi32>,
        %get3A_620 = arith.constant 3 : i32
        %get3A_621 = arith.index_cast %get3A_620 : i32 to index
        %get3A_622 = arith.constant 64 : index
        %get3A_623 = tpu.vector_load %arg5[%get3A_621, %get3A_622] {strides = array<i32>} : memref<8x128xi32, #tpu.memory_space<vmem>>, vector<1x16xi32>,
        %get3A_624 = vector.shape_cast %get3A_623 : vector<1x16xi32> to vector<16xi32>
        %add3A_625 = vector.broadcast %add3A_203 : i32 to vector<16xi32>
        %add3A_626 = arith.addi %get3A_624, %add3A_625 : vector<16xi32>
        %swap3A_627 = arith.constant 3 : i32
        %swap3A_628 = arith.index_cast %scan3A_199 : i32 to index
        %swap3A_629 = arith.index_cast %swap3A_627 : i32 to index
        %swap3A_630 = arith.constant 64 : index
        %swap3A_631 = tpu.vector_load %arg6[%swap3A_628, %swap3A_629, %swap3A_630] {strides = array<i32>} : memref<8x8x128xi32, #tpu.memory_space<vmem>>, vector<1x1x16xi32>,
        %swap3A_632 = vector.shape_cast %swap3A_631 : vector<1x1x16xi32> to vector<16xi32>
        %swap3A_633 = vector.shape_cast %add3A_626 : vector<16xi32> to vector<1x1x16xi32>
        tpu.vector_store %arg6[%swap3A_628, %swap3A_629, %swap3A_630], %swap3A_633 {strides = array<i32>} : memref<8x8x128xi32, #tpu.memory_space<vmem>>, vector<1x1x16xi32>,
        %get3A_634 = arith.constant 3 : i32
        %get3A_635 = arith.index_cast %get3A_634 : i32 to index
        %get3A_636 = arith.constant 80 : index
        %get3A_637 = tpu.vector_load %arg5[%get3A_635, %get3A_636] {strides = array<i32>} : memref<8x128xi32, #tpu.memory_space<vmem>>, vector<1x16xi32>,
        %get3A_638 = vector.shape_cast %get3A_637 : vector<1x16xi32> to vector<16xi32>
        %add3A_639 = vector.broadcast %add3A_203 : i32 to vector<16xi32>
        %add3A_640 = arith.addi %get3A_638, %add3A_639 : vector<16xi32>
        %swap3A_641 = arith.constant 3 : i32
        %swap3A_642 = arith.index_cast %scan3A_199 : i32 to index
        %swap3A_643 = arith.index_cast %swap3A_641 : i32 to index
        %swap3A_644 = arith.constant 80 : index
        %swap3A_645 = tpu.vector_load %arg6[%swap3A_642, %swap3A_643, %swap3A_644] {strides = array<i32>} : memref<8x8x128xi32, #tpu.memory_space<vmem>>, vector<1x1x16xi32>,
        %swap3A_646 = vector.shape_cast %swap3A_645 : vector<1x1x16xi32> to vector<16xi32>
        %swap3A_647 = vector.shape_cast %add3A_640 : vector<16xi32> to vector<1x1x16xi32>
        tpu.vector_store %arg6[%swap3A_642, %swap3A_643, %swap3A_644], %swap3A_647 {strides = array<i32>} : memref<8x8x128xi32, #tpu.memory_space<vmem>>, vector<1x1x16xi32>,
        %get3A_648 = arith.constant 3 : i32
        %get3A_649 = arith.index_cast %get3A_648 : i32 to index
        %get3A_650 = arith.constant 96 : index
        %get3A_651 = tpu.vector_load %arg5[%get3A_649, %get3A_650] {strides = array<i32>} : memref<8x128xi32, #tpu.memory_space<vmem>>, vector<1x16xi32>,
        %get3A_652 = vector.shape_cast %get3A_651 : vector<1x16xi32> to vector<16xi32>
        %add3A_653 = vector.broadcast %add3A_203 : i32 to vector<16xi32>
        %add3A_654 = arith.addi %get3A_652, %add3A_653 : vector<16xi32>
        %swap3A_655 = arith.constant 3 : i32
        %swap3A_656 = arith.index_cast %scan3A_199 : i32 to index
        %swap3A_657 = arith.index_cast %swap3A_655 : i32 to index
        %swap3A_658 = arith.constant 96 : index
        %swap3A_659 = tpu.vector_load %arg6[%swap3A_656, %swap3A_657, %swap3A_658] {strides = array<i32>} : memref<8x8x128xi32, #tpu.memory_space<vmem>>, vector<1x1x16xi32>,
        %swap3A_660 = vector.shape_cast %swap3A_659 : vector<1x1x16xi32> to vector<16xi32>
        %swap3A_661 = vector.shape_cast %add3A_654 : vector<16xi32> to vector<1x1x16xi32>
        tpu.vector_store %arg6[%swap3A_656, %swap3A_657, %swap3A_658], %swap3A_661 {strides = array<i32>} : memref<8x8x128xi32, #tpu.memory_space<vmem>>, vector<1x1x16xi32>,
        %get3A_662 = arith.constant 3 : i32
        %get3A_663 = arith.index_cast %get3A_662 : i32 to index
        %get3A_664 = arith.constant 112 : index
        %get3A_665 = tpu.vector_load %arg5[%get3A_663, %get3A_664] {strides = array<i32>} : memref<8x128xi32, #tpu.memory_space<vmem>>, vector<1x16xi32>,
        %get3A_666 = vector.shape_cast %get3A_665 : vector<1x16xi32> to vector<16xi32>
        %add3A_667 = vector.broadcast %add3A_203 : i32 to vector<16xi32>
        %add3A_668 = arith.addi %get3A_666, %add3A_667 : vector<16xi32>
        %swap3A_669 = arith.constant 3 : i32
        %swap3A_670 = arith.index_cast %scan3A_199 : i32 to index
        %swap3A_671 = arith.index_cast %swap3A_669 : i32 to index
        %swap3A_672 = arith.constant 112 : index
        %swap3A_673 = tpu.vector_load %arg6[%swap3A_670, %swap3A_671, %swap3A_672] {strides = array<i32>} : memref<8x8x128xi32, #tpu.memory_space<vmem>>, vector<1x1x16xi32>,
        %swap3A_674 = vector.shape_cast %swap3A_673 : vector<1x1x16xi32> to vector<16xi32>
        %swap3A_675 = vector.shape_cast %add3A_668 : vector<16xi32> to vector<1x1x16xi32>
        tpu.vector_store %arg6[%swap3A_670, %swap3A_671, %swap3A_672], %swap3A_675 {strides = array<i32>} : memref<8x8x128xi32, #tpu.memory_space<vmem>>, vector<1x1x16xi32>,
        %dma_start3A_676 = arith.constant 3 : i32
        %dma_start3A_677 = arith.constant 384 : i32
        %dma_start3A_678 = tpu.memref_slice %arg7[%scan3A_199, %dma_start3A_677] : memref<8x1024xf32, #tpu.memory_space<vmem>> -> memref<1x128xf32, #tpu.memory_space<vmem>>
        %dma_start3A_679 = tpu.memref_squeeze %dma_start3A_678 : memref<1x128xf32, #tpu.memory_space<vmem>> -> memref<128xf32, #tpu.memory_space<vmem>>
        %dma_start3A_680 = arith.constant 0 : i32
        %dma_start3A_681 = tpu.memref_slice %arg6[%scan3A_199, %dma_start3A_676, %dma_start3A_680] : memref<8x8x128xi32, #tpu.memory_space<vmem>> -> memref<1x1x128xi32, #tpu.memory_space<vmem>>
        %dma_start3A_682 = tpu.memref_squeeze %dma_start3A_681 : memref<1x1x128xi32, #tpu.memory_space<vmem>> -> memref<128xi32, #tpu.memory_space<vmem>>
        %dma_start3A_683 = arith.constant 0 : i32
        %dma_start3A_684 = tpu.memref_slice %arg8[%dma_start3A_683] : memref<1600000xf32, #tpu.memory_space<vmem_shared>> -> memref<1600000xf32, #tpu.memory_space<vmem_shared>>
        tpu.enqueue_indirect_dma source(%dma_start3A_684 : memref<1600000xf32, #tpu.memory_space<vmem_shared>>) target(%dma_start3A_679 : memref<128xf32, #tpu.memory_space<vmem>>) offsets(%dma_start3A_682 : memref<128xi32, #tpu.memory_space<vmem>>) semaphore(%arg9 : memref<!tpu.dma_semaphore, #tpu.memory_space<semaphore_mem>>)
        %get3A_685 = arith.constant 4 : i32
        %get3A_686 = arith.index_cast %get3A_685 : i32 to index
        %get3A_687 = arith.constant 0 : index
        %get3A_688 = tpu.vector_load %arg5[%get3A_686, %get3A_687] {strides = array<i32>} : memref<8x128xi32, #tpu.memory_space<vmem>>, vector<1x16xi32>,
        %get3A_689 = vector.shape_cast %get3A_688 : vector<1x16xi32> to vector<16xi32>
        %add3A_690 = vector.broadcast %add3A_203 : i32 to vector<16xi32>
        %add3A_691 = arith.addi %get3A_689, %add3A_690 : vector<16xi32>
        %swap3A_692 = arith.constant 4 : i32
        %swap3A_693 = arith.index_cast %scan3A_199 : i32 to index
        %swap3A_694 = arith.index_cast %swap3A_692 : i32 to index
        %swap3A_695 = arith.constant 0 : index
        %swap3A_696 = tpu.vector_load %arg6[%swap3A_693, %swap3A_694, %swap3A_695] {strides = array<i32>} : memref<8x8x128xi32, #tpu.memory_space<vmem>>, vector<1x1x16xi32>,
        %swap3A_697 = vector.shape_cast %swap3A_696 : vector<1x1x16xi32> to vector<16xi32>
        %swap3A_698 = vector.shape_cast %add3A_691 : vector<16xi32> to vector<1x1x16xi32>
        tpu.vector_store %arg6[%swap3A_693, %swap3A_694, %swap3A_695], %swap3A_698 {strides = array<i32>} : memref<8x8x128xi32, #tpu.memory_space<vmem>>, vector<1x1x16xi32>,
        %get3A_699 = arith.constant 4 : i32
        %get3A_700 = arith.index_cast %get3A_699 : i32 to index
        %get3A_701 = arith.constant 16 : index
        %get3A_702 = tpu.vector_load %arg5[%get3A_700, %get3A_701] {strides = array<i32>} : memref<8x128xi32, #tpu.memory_space<vmem>>, vector<1x16xi32>,
        %get3A_703 = vector.shape_cast %get3A_702 : vector<1x16xi32> to vector<16xi32>
        %add3A_704 = vector.broadcast %add3A_203 : i32 to vector<16xi32>
        %add3A_705 = arith.addi %get3A_703, %add3A_704 : vector<16xi32>
        %swap3A_706 = arith.constant 4 : i32
        %swap3A_707 = arith.index_cast %scan3A_199 : i32 to index
        %swap3A_708 = arith.index_cast %swap3A_706 : i32 to index
        %swap3A_709 = arith.constant 16 : index
        %swap3A_710 = tpu.vector_load %arg6[%swap3A_707, %swap3A_708, %swap3A_709] {strides = array<i32>} : memref<8x8x128xi32, #tpu.memory_space<vmem>>, vector<1x1x16xi32>,
        %swap3A_711 = vector.shape_cast %swap3A_710 : vector<1x1x16xi32> to vector<16xi32>
        %swap3A_712 = vector.shape_cast %add3A_705 : vector<16xi32> to vector<1x1x16xi32>
        tpu.vector_store %arg6[%swap3A_707, %swap3A_708, %swap3A_709], %swap3A_712 {strides = array<i32>} : memref<8x8x128xi32, #tpu.memory_space<vmem>>, vector<1x1x16xi32>,
        %get3A_713 = arith.constant 4 : i32
        %get3A_714 = arith.index_cast %get3A_713 : i32 to index
        %get3A_715 = arith.constant 32 : index
        %get3A_716 = tpu.vector_load %arg5[%get3A_714, %get3A_715] {strides = array<i32>} : memref<8x128xi32, #tpu.memory_space<vmem>>, vector<1x16xi32>,
        %get3A_717 = vector.shape_cast %get3A_716 : vector<1x16xi32> to vector<16xi32>
        %add3A_718 = vector.broadcast %add3A_203 : i32 to vector<16xi32>
        %add3A_719 = arith.addi %get3A_717, %add3A_718 : vector<16xi32>
        %swap3A_720 = arith.constant 4 : i32
        %swap3A_721 = arith.index_cast %scan3A_199 : i32 to index
        %swap3A_722 = arith.index_cast %swap3A_720 : i32 to index
        %swap3A_723 = arith.constant 32 : index
        %swap3A_724 = tpu.vector_load %arg6[%swap3A_721, %swap3A_722, %swap3A_723] {strides = array<i32>} : memref<8x8x128xi32, #tpu.memory_space<vmem>>, vector<1x1x16xi32>,
        %swap3A_725 = vector.shape_cast %swap3A_724 : vector<1x1x16xi32> to vector<16xi32>
        %swap3A_726 = vector.shape_cast %add3A_719 : vector<16xi32> to vector<1x1x16xi32>
        tpu.vector_store %arg6[%swap3A_721, %swap3A_722, %swap3A_723], %swap3A_726 {strides = array<i32>} : memref<8x8x128xi32, #tpu.memory_space<vmem>>, vector<1x1x16xi32>,
        %get3A_727 = arith.constant 4 : i32
        %get3A_728 = arith.index_cast %get3A_727 : i32 to index
        %get3A_729 = arith.constant 48 : index
        %get3A_730 = tpu.vector_load %arg5[%get3A_728, %get3A_729] {strides = array<i32>} : memref<8x128xi32, #tpu.memory_space<vmem>>, vector<1x16xi32>,
        %get3A_731 = vector.shape_cast %get3A_730 : vector<1x16xi32> to vector<16xi32>
        %add3A_732 = vector.broadcast %add3A_203 : i32 to vector<16xi32>
        %add3A_733 = arith.addi %get3A_731, %add3A_732 : vector<16xi32>
        %swap3A_734 = arith.constant 4 : i32
        %swap3A_735 = arith.index_cast %scan3A_199 : i32 to index
        %swap3A_736 = arith.index_cast %swap3A_734 : i32 to index
        %swap3A_737 = arith.constant 48 : index
        %swap3A_738 = tpu.vector_load %arg6[%swap3A_735, %swap3A_736, %swap3A_737] {strides = array<i32>} : memref<8x8x128xi32, #tpu.memory_space<vmem>>, vector<1x1x16xi32>,
        %swap3A_739 = vector.shape_cast %swap3A_738 : vector<1x1x16xi32> to vector<16xi32>
        %swap3A_740 = vector.shape_cast %add3A_733 : vector<16xi32> to vector<1x1x16xi32>
        tpu.vector_store %arg6[%swap3A_735, %swap3A_736, %swap3A_737], %swap3A_740 {strides = array<i32>} : memref<8x8x128xi32, #tpu.memory_space<vmem>>, vector<1x1x16xi32>,
        %get3A_741 = arith.constant 4 : i32
        %get3A_742 = arith.index_cast %get3A_741 : i32 to index
        %get3A_743 = arith.constant 64 : index
        %get3A_744 = tpu.vector_load %arg5[%get3A_742, %get3A_743] {strides = array<i32>} : memref<8x128xi32, #tpu.memory_space<vmem>>, vector<1x16xi32>,
        %get3A_745 = vector.shape_cast %get3A_744 : vector<1x16xi32> to vector<16xi32>
        %add3A_746 = vector.broadcast %add3A_203 : i32 to vector<16xi32>
        %add3A_747 = arith.addi %get3A_745, %add3A_746 : vector<16xi32>
        %swap3A_748 = arith.constant 4 : i32
        %swap3A_749 = arith.index_cast %scan3A_199 : i32 to index
        %swap3A_750 = arith.index_cast %swap3A_748 : i32 to index
        %swap3A_751 = arith.constant 64 : index
        %swap3A_752 = tpu.vector_load %arg6[%swap3A_749, %swap3A_750, %swap3A_751] {strides = array<i32>} : memref<8x8x128xi32, #tpu.memory_space<vmem>>, vector<1x1x16xi32>,
        %swap3A_753 = vector.shape_cast %swap3A_752 : vector<1x1x16xi32> to vector<16xi32>
        %swap3A_754 = vector.shape_cast %add3A_747 : vector<16xi32> to vector<1x1x16xi32>
        tpu.vector_store %arg6[%swap3A_749, %swap3A_750, %swap3A_751], %swap3A_754 {strides = array<i32>} : memref<8x8x128xi32, #tpu.memory_space<vmem>>, vector<1x1x16xi32>,
        %get3A_755 = arith.constant 4 : i32
        %get3A_756 = arith.index_cast %get3A_755 : i32 to index
        %get3A_757 = arith.constant 80 : index
        %get3A_758 = tpu.vector_load %arg5[%get3A_756, %get3A_757] {strides = array<i32>} : memref<8x128xi32, #tpu.memory_space<vmem>>, vector<1x16xi32>,
        %get3A_759 = vector.shape_cast %get3A_758 : vector<1x16xi32> to vector<16xi32>
        %add3A_760 = vector.broadcast %add3A_203 : i32 to vector<16xi32>
        %add3A_761 = arith.addi %get3A_759, %add3A_760 : vector<16xi32>
        %swap3A_762 = arith.constant 4 : i32
        %swap3A_763 = arith.index_cast %scan3A_199 : i32 to index
        %swap3A_764 = arith.index_cast %swap3A_762 : i32 to index
        %swap3A_765 = arith.constant 80 : index
        %swap3A_766 = tpu.vector_load %arg6[%swap3A_763, %swap3A_764, %swap3A_765] {strides = array<i32>} : memref<8x8x128xi32, #tpu.memory_space<vmem>>, vector<1x1x16xi32>,
        %swap3A_767 = vector.shape_cast %swap3A_766 : vector<1x1x16xi32> to vector<16xi32>
        %swap3A_768 = vector.shape_cast %add3A_761 : vector<16xi32> to vector<1x1x16xi32>
        tpu.vector_store %arg6[%swap3A_763, %swap3A_764, %swap3A_765], %swap3A_768 {strides = array<i32>} : memref<8x8x128xi32, #tpu.memory_space<vmem>>, vector<1x1x16xi32>,
        %get3A_769 = arith.constant 4 : i32
        %get3A_770 = arith.index_cast %get3A_769 : i32 to index
        %get3A_771 = arith.constant 96 : index
        %get3A_772 = tpu.vector_load %arg5[%get3A_770, %get3A_771] {strides = array<i32>} : memref<8x128xi32, #tpu.memory_space<vmem>>, vector<1x16xi32>,
        %get3A_773 = vector.shape_cast %get3A_772 : vector<1x16xi32> to vector<16xi32>
        %add3A_774 = vector.broadcast %add3A_203 : i32 to vector<16xi32>
        %add3A_775 = arith.addi %get3A_773, %add3A_774 : vector<16xi32>
        %swap3A_776 = arith.constant 4 : i32
        %swap3A_777 = arith.index_cast %scan3A_199 : i32 to index
        %swap3A_778 = arith.index_cast %swap3A_776 : i32 to index
        %swap3A_779 = arith.constant 96 : index
        %swap3A_780 = tpu.vector_load %arg6[%swap3A_777, %swap3A_778, %swap3A_779] {strides = array<i32>} : memref<8x8x128xi32, #tpu.memory_space<vmem>>, vector<1x1x16xi32>,
        %swap3A_781 = vector.shape_cast %swap3A_780 : vector<1x1x16xi32> to vector<16xi32>
        %swap3A_782 = vector.shape_cast %add3A_775 : vector<16xi32> to vector<1x1x16xi32>
        tpu.vector_store %arg6[%swap3A_777, %swap3A_778, %swap3A_779], %swap3A_782 {strides = array<i32>} : memref<8x8x128xi32, #tpu.memory_space<vmem>>, vector<1x1x16xi32>,
        %get3A_783 = arith.constant 4 : i32
        %get3A_784 = arith.index_cast %get3A_783 : i32 to index
        %get3A_785 = arith.constant 112 : index
        %get3A_786 = tpu.vector_load %arg5[%get3A_784, %get3A_785] {strides = array<i32>} : memref<8x128xi32, #tpu.memory_space<vmem>>, vector<1x16xi32>,
        %get3A_787 = vector.shape_cast %get3A_786 : vector<1x16xi32> to vector<16xi32>
        %add3A_788 = vector.broadcast %add3A_203 : i32 to vector<16xi32>
        %add3A_789 = arith.addi %get3A_787, %add3A_788 : vector<16xi32>
        %swap3A_790 = arith.constant 4 : i32
        %swap3A_791 = arith.index_cast %scan3A_199 : i32 to index
        %swap3A_792 = arith.index_cast %swap3A_790 : i32 to index
        %swap3A_793 = arith.constant 112 : index
        %swap3A_794 = tpu.vector_load %arg6[%swap3A_791, %swap3A_792, %swap3A_793] {strides = array<i32>} : memref<8x8x128xi32, #tpu.memory_space<vmem>>, vector<1x1x16xi32>,
        %swap3A_795 = vector.shape_cast %swap3A_794 : vector<1x1x16xi32> to vector<16xi32>
        %swap3A_796 = vector.shape_cast %add3A_789 : vector<16xi32> to vector<1x1x16xi32>
        tpu.vector_store %arg6[%swap3A_791, %swap3A_792, %swap3A_793], %swap3A_796 {strides = array<i32>} : memref<8x8x128xi32, #tpu.memory_space<vmem>>, vector<1x1x16xi32>,
        %dma_start3A_797 = arith.constant 4 : i32
        %dma_start3A_798 = arith.constant 512 : i32
        %dma_start3A_799 = tpu.memref_slice %arg7[%scan3A_199, %dma_start3A_798] : memref<8x1024xf32, #tpu.memory_space<vmem>> -> memref<1x128xf32, #tpu.memory_space<vmem>>
        %dma_start3A_800 = tpu.memref_squeeze %dma_start3A_799 : memref<1x128xf32, #tpu.memory_space<vmem>> -> memref<128xf32, #tpu.memory_space<vmem>>
        %dma_start3A_801 = arith.constant 0 : i32
        %dma_start3A_802 = tpu.memref_slice %arg6[%scan3A_199, %dma_start3A_797, %dma_start3A_801] : memref<8x8x128xi32, #tpu.memory_space<vmem>> -> memref<1x1x128xi32, #tpu.memory_space<vmem>>
        %dma_start3A_803 = tpu.memref_squeeze %dma_start3A_802 : memref<1x1x128xi32, #tpu.memory_space<vmem>> -> memref<128xi32, #tpu.memory_space<vmem>>
        %dma_start3A_804 = arith.constant 0 : i32
        %dma_start3A_805 = tpu.memref_slice %arg8[%dma_start3A_804] : memref<1600000xf32, #tpu.memory_space<vmem_shared>> -> memref<1600000xf32, #tpu.memory_space<vmem_shared>>
        tpu.enqueue_indirect_dma source(%dma_start3A_805 : memref<1600000xf32, #tpu.memory_space<vmem_shared>>) target(%dma_start3A_800 : memref<128xf32, #tpu.memory_space<vmem>>) offsets(%dma_start3A_803 : memref<128xi32, #tpu.memory_space<vmem>>) semaphore(%arg9 : memref<!tpu.dma_semaphore, #tpu.memory_space<semaphore_mem>>)
        %get3A_806 = arith.constant 5 : i32
        %get3A_807 = arith.index_cast %get3A_806 : i32 to index
        %get3A_808 = arith.constant 0 : index
        %get3A_809 = tpu.vector_load %arg5[%get3A_807, %get3A_808] {strides = array<i32>} : memref<8x128xi32, #tpu.memory_space<vmem>>, vector<1x16xi32>,
        %get3A_810 = vector.shape_cast %get3A_809 : vector<1x16xi32> to vector<16xi32>
        %add3A_811 = vector.broadcast %add3A_203 : i32 to vector<16xi32>
        %add3A_812 = arith.addi %get3A_810, %add3A_811 : vector<16xi32>
        %swap3A_813 = arith.constant 5 : i32
        %swap3A_814 = arith.index_cast %scan3A_199 : i32 to index
        %swap3A_815 = arith.index_cast %swap3A_813 : i32 to index
        %swap3A_816 = arith.constant 0 : index
        %swap3A_817 = tpu.vector_load %arg6[%swap3A_814, %swap3A_815, %swap3A_816] {strides = array<i32>} : memref<8x8x128xi32, #tpu.memory_space<vmem>>, vector<1x1x16xi32>,
        %swap3A_818 = vector.shape_cast %swap3A_817 : vector<1x1x16xi32> to vector<16xi32>
        %swap3A_819 = vector.shape_cast %add3A_812 : vector<16xi32> to vector<1x1x16xi32>
        tpu.vector_store %arg6[%swap3A_814, %swap3A_815, %swap3A_816], %swap3A_819 {strides = array<i32>} : memref<8x8x128xi32, #tpu.memory_space<vmem>>, vector<1x1x16xi32>,
        %get3A_820 = arith.constant 5 : i32
        %get3A_821 = arith.index_cast %get3A_820 : i32 to index
        %get3A_822 = arith.constant 16 : index
        %get3A_823 = tpu.vector_load %arg5[%get3A_821, %get3A_822] {strides = array<i32>} : memref<8x128xi32, #tpu.memory_space<vmem>>, vector<1x16xi32>,
        %get3A_824 = vector.shape_cast %get3A_823 : vector<1x16xi32> to vector<16xi32>
        %add3A_825 = vector.broadcast %add3A_203 : i32 to vector<16xi32>
        %add3A_826 = arith.addi %get3A_824, %add3A_825 : vector<16xi32>
        %swap3A_827 = arith.constant 5 : i32
        %swap3A_828 = arith.index_cast %scan3A_199 : i32 to index
        %swap3A_829 = arith.index_cast %swap3A_827 : i32 to index
        %swap3A_830 = arith.constant 16 : index
        %swap3A_831 = tpu.vector_load %arg6[%swap3A_828, %swap3A_829, %swap3A_830] {strides = array<i32>} : memref<8x8x128xi32, #tpu.memory_space<vmem>>, vector<1x1x16xi32>,
        %swap3A_832 = vector.shape_cast %swap3A_831 : vector<1x1x16xi32> to vector<16xi32>
        %swap3A_833 = vector.shape_cast %add3A_826 : vector<16xi32> to vector<1x1x16xi32>
        tpu.vector_store %arg6[%swap3A_828, %swap3A_829, %swap3A_830], %swap3A_833 {strides = array<i32>} : memref<8x8x128xi32, #tpu.memory_space<vmem>>, vector<1x1x16xi32>,
        %get3A_834 = arith.constant 5 : i32
        %get3A_835 = arith.index_cast %get3A_834 : i32 to index
        %get3A_836 = arith.constant 32 : index
        %get3A_837 = tpu.vector_load %arg5[%get3A_835, %get3A_836] {strides = array<i32>} : memref<8x128xi32, #tpu.memory_space<vmem>>, vector<1x16xi32>,
        %get3A_838 = vector.shape_cast %get3A_837 : vector<1x16xi32> to vector<16xi32>
        %add3A_839 = vector.broadcast %add3A_203 : i32 to vector<16xi32>
        %add3A_840 = arith.addi %get3A_838, %add3A_839 : vector<16xi32>
        %swap3A_841 = arith.constant 5 : i32
        %swap3A_842 = arith.index_cast %scan3A_199 : i32 to index
        %swap3A_843 = arith.index_cast %swap3A_841 : i32 to index
        %swap3A_844 = arith.constant 32 : index
        %swap3A_845 = tpu.vector_load %arg6[%swap3A_842, %swap3A_843, %swap3A_844] {strides = array<i32>} : memref<8x8x128xi32, #tpu.memory_space<vmem>>, vector<1x1x16xi32>,
        %swap3A_846 = vector.shape_cast %swap3A_845 : vector<1x1x16xi32> to vector<16xi32>
        %swap3A_847 = vector.shape_cast %add3A_840 : vector<16xi32> to vector<1x1x16xi32>
        tpu.vector_store %arg6[%swap3A_842, %swap3A_843, %swap3A_844], %swap3A_847 {strides = array<i32>} : memref<8x8x128xi32, #tpu.memory_space<vmem>>, vector<1x1x16xi32>,
        %get3A_848 = arith.constant 5 : i32
        %get3A_849 = arith.index_cast %get3A_848 : i32 to index
        %get3A_850 = arith.constant 48 : index
        %get3A_851 = tpu.vector_load %arg5[%get3A_849, %get3A_850] {strides = array<i32>} : memref<8x128xi32, #tpu.memory_space<vmem>>, vector<1x16xi32>,
        %get3A_852 = vector.shape_cast %get3A_851 : vector<1x16xi32> to vector<16xi32>
        %add3A_853 = vector.broadcast %add3A_203 : i32 to vector<16xi32>
        %add3A_854 = arith.addi %get3A_852, %add3A_853 : vector<16xi32>
        %swap3A_855 = arith.constant 5 : i32
        %swap3A_856 = arith.index_cast %scan3A_199 : i32 to index
        %swap3A_857 = arith.index_cast %swap3A_855 : i32 to index
        %swap3A_858 = arith.constant 48 : index
        %swap3A_859 = tpu.vector_load %arg6[%swap3A_856, %swap3A_857, %swap3A_858] {strides = array<i32>} : memref<8x8x128xi32, #tpu.memory_space<vmem>>, vector<1x1x16xi32>,
        %swap3A_860 = vector.shape_cast %swap3A_859 : vector<1x1x16xi32> to vector<16xi32>
        %swap3A_861 = vector.shape_cast %add3A_854 : vector<16xi32> to vector<1x1x16xi32>
        tpu.vector_store %arg6[%swap3A_856, %swap3A_857, %swap3A_858], %swap3A_861 {strides = array<i32>} : memref<8x8x128xi32, #tpu.memory_space<vmem>>, vector<1x1x16xi32>,
        %get3A_862 = arith.constant 5 : i32
        %get3A_863 = arith.index_cast %get3A_862 : i32 to index
        %get3A_864 = arith.constant 64 : index
        %get3A_865 = tpu.vector_load %arg5[%get3A_863, %get3A_864] {strides = array<i32>} : memref<8x128xi32, #tpu.memory_space<vmem>>, vector<1x16xi32>,
        %get3A_866 = vector.shape_cast %get3A_865 : vector<1x16xi32> to vector<16xi32>
        %add3A_867 = vector.broadcast %add3A_203 : i32 to vector<16xi32>
        %add3A_868 = arith.addi %get3A_866, %add3A_867 : vector<16xi32>
        %swap3A_869 = arith.constant 5 : i32
        %swap3A_870 = arith.index_cast %scan3A_199 : i32 to index
        %swap3A_871 = arith.index_cast %swap3A_869 : i32 to index
        %swap3A_872 = arith.constant 64 : index
        %swap3A_873 = tpu.vector_load %arg6[%swap3A_870, %swap3A_871, %swap3A_872] {strides = array<i32>} : memref<8x8x128xi32, #tpu.memory_space<vmem>>, vector<1x1x16xi32>,
        %swap3A_874 = vector.shape_cast %swap3A_873 : vector<1x1x16xi32> to vector<16xi32>
        %swap3A_875 = vector.shape_cast %add3A_868 : vector<16xi32> to vector<1x1x16xi32>
        tpu.vector_store %arg6[%swap3A_870, %swap3A_871, %swap3A_872], %swap3A_875 {strides = array<i32>} : memref<8x8x128xi32, #tpu.memory_space<vmem>>, vector<1x1x16xi32>,
        %get3A_876 = arith.constant 5 : i32
        %get3A_877 = arith.index_cast %get3A_876 : i32 to index
        %get3A_878 = arith.constant 80 : index
        %get3A_879 = tpu.vector_load %arg5[%get3A_877, %get3A_878] {strides = array<i32>} : memref<8x128xi32, #tpu.memory_space<vmem>>, vector<1x16xi32>,
        %get3A_880 = vector.shape_cast %get3A_879 : vector<1x16xi32> to vector<16xi32>
        %add3A_881 = vector.broadcast %add3A_203 : i32 to vector<16xi32>
        %add3A_882 = arith.addi %get3A_880, %add3A_881 : vector<16xi32>
        %swap3A_883 = arith.constant 5 : i32
        %swap3A_884 = arith.index_cast %scan3A_199 : i32 to index
        %swap3A_885 = arith.index_cast %swap3A_883 : i32 to index
        %swap3A_886 = arith.constant 80 : index
        %swap3A_887 = tpu.vector_load %arg6[%swap3A_884, %swap3A_885, %swap3A_886] {strides = array<i32>} : memref<8x8x128xi32, #tpu.memory_space<vmem>>, vector<1x1x16xi32>,
        %swap3A_888 = vector.shape_cast %swap3A_887 : vector<1x1x16xi32> to vector<16xi32>
        %swap3A_889 = vector.shape_cast %add3A_882 : vector<16xi32> to vector<1x1x16xi32>
        tpu.vector_store %arg6[%swap3A_884, %swap3A_885, %swap3A_886], %swap3A_889 {strides = array<i32>} : memref<8x8x128xi32, #tpu.memory_space<vmem>>, vector<1x1x16xi32>,
        %get3A_890 = arith.constant 5 : i32
        %get3A_891 = arith.index_cast %get3A_890 : i32 to index
        %get3A_892 = arith.constant 96 : index
        %get3A_893 = tpu.vector_load %arg5[%get3A_891, %get3A_892] {strides = array<i32>} : memref<8x128xi32, #tpu.memory_space<vmem>>, vector<1x16xi32>,
        %get3A_894 = vector.shape_cast %get3A_893 : vector<1x16xi32> to vector<16xi32>
        %add3A_895 = vector.broadcast %add3A_203 : i32 to vector<16xi32>
        %add3A_896 = arith.addi %get3A_894, %add3A_895 : vector<16xi32>
        %swap3A_897 = arith.constant 5 : i32
        %swap3A_898 = arith.index_cast %scan3A_199 : i32 to index
        %swap3A_899 = arith.index_cast %swap3A_897 : i32 to index
        %swap3A_900 = arith.constant 96 : index
        %swap3A_901 = tpu.vector_load %arg6[%swap3A_898, %swap3A_899, %swap3A_900] {strides = array<i32>} : memref<8x8x128xi32, #tpu.memory_space<vmem>>, vector<1x1x16xi32>,
        %swap3A_902 = vector.shape_cast %swap3A_901 : vector<1x1x16xi32> to vector<16xi32>
        %swap3A_903 = vector.shape_cast %add3A_896 : vector<16xi32> to vector<1x1x16xi32>
        tpu.vector_store %arg6[%swap3A_898, %swap3A_899, %swap3A_900], %swap3A_903 {strides = array<i32>} : memref<8x8x128xi32, #tpu.memory_space<vmem>>, vector<1x1x16xi32>,
        %get3A_904 = arith.constant 5 : i32
        %get3A_905 = arith.index_cast %get3A_904 : i32 to index
        %get3A_906 = arith.constant 112 : index
        %get3A_907 = tpu.vector_load %arg5[%get3A_905, %get3A_906] {strides = array<i32>} : memref<8x128xi32, #tpu.memory_space<vmem>>, vector<1x16xi32>,
        %get3A_908 = vector.shape_cast %get3A_907 : vector<1x16xi32> to vector<16xi32>
        %add3A_909 = vector.broadcast %add3A_203 : i32 to vector<16xi32>
        %add3A_910 = arith.addi %get3A_908, %add3A_909 : vector<16xi32>
        %swap3A_911 = arith.constant 5 : i32
        %swap3A_912 = arith.index_cast %scan3A_199 : i32 to index
        %swap3A_913 = arith.index_cast %swap3A_911 : i32 to index
        %swap3A_914 = arith.constant 112 : index
        %swap3A_915 = tpu.vector_load %arg6[%swap3A_912, %swap3A_913, %swap3A_914] {strides = array<i32>} : memref<8x8x128xi32, #tpu.memory_space<vmem>>, vector<1x1x16xi32>,
        %swap3A_916 = vector.shape_cast %swap3A_915 : vector<1x1x16xi32> to vector<16xi32>
        %swap3A_917 = vector.shape_cast %add3A_910 : vector<16xi32> to vector<1x1x16xi32>
        tpu.vector_store %arg6[%swap3A_912, %swap3A_913, %swap3A_914], %swap3A_917 {strides = array<i32>} : memref<8x8x128xi32, #tpu.memory_space<vmem>>, vector<1x1x16xi32>,
        %dma_start3A_918 = arith.constant 5 : i32
        %dma_start3A_919 = arith.constant 640 : i32
        %dma_start3A_920 = tpu.memref_slice %arg7[%scan3A_199, %dma_start3A_919] : memref<8x1024xf32, #tpu.memory_space<vmem>> -> memref<1x128xf32, #tpu.memory_space<vmem>>
        %dma_start3A_921 = tpu.memref_squeeze %dma_start3A_920 : memref<1x128xf32, #tpu.memory_space<vmem>> -> memref<128xf32, #tpu.memory_space<vmem>>
        %dma_start3A_922 = arith.constant 0 : i32
        %dma_start3A_923 = tpu.memref_slice %arg6[%scan3A_199, %dma_start3A_918, %dma_start3A_922] : memref<8x8x128xi32, #tpu.memory_space<vmem>> -> memref<1x1x128xi32, #tpu.memory_space<vmem>>
        %dma_start3A_924 = tpu.memref_squeeze %dma_start3A_923 : memref<1x1x128xi32, #tpu.memory_space<vmem>> -> memref<128xi32, #tpu.memory_space<vmem>>
        %dma_start3A_925 = arith.constant 0 : i32
        %dma_start3A_926 = tpu.memref_slice %arg8[%dma_start3A_925] : memref<1600000xf32, #tpu.memory_space<vmem_shared>> -> memref<1600000xf32, #tpu.memory_space<vmem_shared>>
        tpu.enqueue_indirect_dma source(%dma_start3A_926 : memref<1600000xf32, #tpu.memory_space<vmem_shared>>) target(%dma_start3A_921 : memref<128xf32, #tpu.memory_space<vmem>>) offsets(%dma_start3A_924 : memref<128xi32, #tpu.memory_space<vmem>>) semaphore(%arg9 : memref<!tpu.dma_semaphore, #tpu.memory_space<semaphore_mem>>)
        %get3A_927 = arith.constant 6 : i32
        %get3A_928 = arith.index_cast %get3A_927 : i32 to index
        %get3A_929 = arith.constant 0 : index
        %get3A_930 = tpu.vector_load %arg5[%get3A_928, %get3A_929] {strides = array<i32>} : memref<8x128xi32, #tpu.memory_space<vmem>>, vector<1x16xi32>,
        %get3A_931 = vector.shape_cast %get3A_930 : vector<1x16xi32> to vector<16xi32>
        %add3A_932 = vector.broadcast %add3A_203 : i32 to vector<16xi32>
        %add3A_933 = arith.addi %get3A_931, %add3A_932 : vector<16xi32>
        %swap3A_934 = arith.constant 6 : i32
        %swap3A_935 = arith.index_cast %scan3A_199 : i32 to index
        %swap3A_936 = arith.index_cast %swap3A_934 : i32 to index
        %swap3A_937 = arith.constant 0 : index
        %swap3A_938 = tpu.vector_load %arg6[%swap3A_935, %swap3A_936, %swap3A_937] {strides = array<i32>} : memref<8x8x128xi32, #tpu.memory_space<vmem>>, vector<1x1x16xi32>,
        %swap3A_939 = vector.shape_cast %swap3A_938 : vector<1x1x16xi32> to vector<16xi32>
        %swap3A_940 = vector.shape_cast %add3A_933 : vector<16xi32> to vector<1x1x16xi32>
        tpu.vector_store %arg6[%swap3A_935, %swap3A_936, %swap3A_937], %swap3A_940 {strides = array<i32>} : memref<8x8x128xi32, #tpu.memory_space<vmem>>, vector<1x1x16xi32>,
        %get3A_941 = arith.constant 6 : i32
        %get3A_942 = arith.index_cast %get3A_941 : i32 to index
        %get3A_943 = arith.constant 16 : index
        %get3A_944 = tpu.vector_load %arg5[%get3A_942, %get3A_943] {strides = array<i32>} : memref<8x128xi32, #tpu.memory_space<vmem>>, vector<1x16xi32>,
        %get3A_945 = vector.shape_cast %get3A_944 : vector<1x16xi32> to vector<16xi32>
        %add3A_946 = vector.broadcast %add3A_203 : i32 to vector<16xi32>
        %add3A_947 = arith.addi %get3A_945, %add3A_946 : vector<16xi32>
        %swap3A_948 = arith.constant 6 : i32
        %swap3A_949 = arith.index_cast %scan3A_199 : i32 to index
        %swap3A_950 = arith.index_cast %swap3A_948 : i32 to index
        %swap3A_951 = arith.constant 16 : index
        %swap3A_952 = tpu.vector_load %arg6[%swap3A_949, %swap3A_950, %swap3A_951] {strides = array<i32>} : memref<8x8x128xi32, #tpu.memory_space<vmem>>, vector<1x1x16xi32>,
        %swap3A_953 = vector.shape_cast %swap3A_952 : vector<1x1x16xi32> to vector<16xi32>
        %swap3A_954 = vector.shape_cast %add3A_947 : vector<16xi32> to vector<1x1x16xi32>
        tpu.vector_store %arg6[%swap3A_949, %swap3A_950, %swap3A_951], %swap3A_954 {strides = array<i32>} : memref<8x8x128xi32, #tpu.memory_space<vmem>>, vector<1x1x16xi32>,
        %get3A_955 = arith.constant 6 : i32
        %get3A_956 = arith.index_cast %get3A_955 : i32 to index
        %get3A_957 = arith.constant 32 : index
        %get3A_958 = tpu.vector_load %arg5[%get3A_956, %get3A_957] {strides = array<i32>} : memref<8x128xi32, #tpu.memory_space<vmem>>, vector<1x16xi32>,
        %get3A_959 = vector.shape_cast %get3A_958 : vector<1x16xi32> to vector<16xi32>
        %add3A_960 = vector.broadcast %add3A_203 : i32 to vector<16xi32>
        %add3A_961 = arith.addi %get3A_959, %add3A_960 : vector<16xi32>
        %swap3A_962 = arith.constant 6 : i32
        %swap3A_963 = arith.index_cast %scan3A_199 : i32 to index
        %swap3A_964 = arith.index_cast %swap3A_962 : i32 to index
        %swap3A_965 = arith.constant 32 : index
        %swap3A_966 = tpu.vector_load %arg6[%swap3A_963, %swap3A_964, %swap3A_965] {strides = array<i32>} : memref<8x8x128xi32, #tpu.memory_space<vmem>>, vector<1x1x16xi32>,
        %swap3A_967 = vector.shape_cast %swap3A_966 : vector<1x1x16xi32> to vector<16xi32>
        %swap3A_968 = vector.shape_cast %add3A_961 : vector<16xi32> to vector<1x1x16xi32>
        tpu.vector_store %arg6[%swap3A_963, %swap3A_964, %swap3A_965], %swap3A_968 {strides = array<i32>} : memref<8x8x128xi32, #tpu.memory_space<vmem>>, vector<1x1x16xi32>,
        %get3A_969 = arith.constant 6 : i32
        %get3A_970 = arith.index_cast %get3A_969 : i32 to index
        %get3A_971 = arith.constant 48 : index
        %get3A_972 = tpu.vector_load %arg5[%get3A_970, %get3A_971] {strides = array<i32>} : memref<8x128xi32, #tpu.memory_space<vmem>>, vector<1x16xi32>,
        %get3A_973 = vector.shape_cast %get3A_972 : vector<1x16xi32> to vector<16xi32>
        %add3A_974 = vector.broadcast %add3A_203 : i32 to vector<16xi32>
        %add3A_975 = arith.addi %get3A_973, %add3A_974 : vector<16xi32>
        %swap3A_976 = arith.constant 6 : i32
        %swap3A_977 = arith.index_cast %scan3A_199 : i32 to index
        %swap3A_978 = arith.index_cast %swap3A_976 : i32 to index
        %swap3A_979 = arith.constant 48 : index
        %swap3A_980 = tpu.vector_load %arg6[%swap3A_977, %swap3A_978, %swap3A_979] {strides = array<i32>} : memref<8x8x128xi32, #tpu.memory_space<vmem>>, vector<1x1x16xi32>,
        %swap3A_981 = vector.shape_cast %swap3A_980 : vector<1x1x16xi32> to vector<16xi32>
        %swap3A_982 = vector.shape_cast %add3A_975 : vector<16xi32> to vector<1x1x16xi32>
        tpu.vector_store %arg6[%swap3A_977, %swap3A_978, %swap3A_979], %swap3A_982 {strides = array<i32>} : memref<8x8x128xi32, #tpu.memory_space<vmem>>, vector<1x1x16xi32>,
        %get3A_983 = arith.constant 6 : i32
        %get3A_984 = arith.index_cast %get3A_983 : i32 to index
        %get3A_985 = arith.constant 64 : index
        %get3A_986 = tpu.vector_load %arg5[%get3A_984, %get3A_985] {strides = array<i32>} : memref<8x128xi32, #tpu.memory_space<vmem>>, vector<1x16xi32>,
        %get3A_987 = vector.shape_cast %get3A_986 : vector<1x16xi32> to vector<16xi32>
        %add3A_988 = vector.broadcast %add3A_203 : i32 to vector<16xi32>
        %add3A_989 = arith.addi %get3A_987, %add3A_988 : vector<16xi32>
        %swap3A_990 = arith.constant 6 : i32
        %swap3A_991 = arith.index_cast %scan3A_199 : i32 to index
        %swap3A_992 = arith.index_cast %swap3A_990 : i32 to index
        %swap3A_993 = arith.constant 64 : index
        %swap3A_994 = tpu.vector_load %arg6[%swap3A_991, %swap3A_992, %swap3A_993] {strides = array<i32>} : memref<8x8x128xi32, #tpu.memory_space<vmem>>, vector<1x1x16xi32>,
        %swap3A_995 = vector.shape_cast %swap3A_994 : vector<1x1x16xi32> to vector<16xi32>
        %swap3A_996 = vector.shape_cast %add3A_989 : vector<16xi32> to vector<1x1x16xi32>
        tpu.vector_store %arg6[%swap3A_991, %swap3A_992, %swap3A_993], %swap3A_996 {strides = array<i32>} : memref<8x8x128xi32, #tpu.memory_space<vmem>>, vector<1x1x16xi32>,
        %get3A_997 = arith.constant 6 : i32
        %get3A_998 = arith.index_cast %get3A_997 : i32 to index
        %get3A_999 = arith.constant 80 : index
        %get3A_1000 = tpu.vector_load %arg5[%get3A_998, %get3A_999] {strides = array<i32>} : memref<8x128xi32, #tpu.memory_space<vmem>>, vector<1x16xi32>,
        %get3A_1001 = vector.shape_cast %get3A_1000 : vector<1x16xi32> to vector<16xi32>
        %add3A_1002 = vector.broadcast %add3A_203 : i32 to vector<16xi32>
        %add3A_1003 = arith.addi %get3A_1001, %add3A_1002 : vector<16xi32>
        %swap3A_1004 = arith.constant 6 : i32
        %swap3A_1005 = arith.index_cast %scan3A_199 : i32 to index
        %swap3A_1006 = arith.index_cast %swap3A_1004 : i32 to index
        %swap3A_1007 = arith.constant 80 : index
        %swap3A_1008 = tpu.vector_load %arg6[%swap3A_1005, %swap3A_1006, %swap3A_1007] {strides = array<i32>} : memref<8x8x128xi32, #tpu.memory_space<vmem>>, vector<1x1x16xi32>,
        %swap3A_1009 = vector.shape_cast %swap3A_1008 : vector<1x1x16xi32> to vector<16xi32>
        %swap3A_1010 = vector.shape_cast %add3A_1003 : vector<16xi32> to vector<1x1x16xi32>
        tpu.vector_store %arg6[%swap3A_1005, %swap3A_1006, %swap3A_1007], %swap3A_1010 {strides = array<i32>} : memref<8x8x128xi32, #tpu.memory_space<vmem>>, vector<1x1x16xi32>,
        %get3A_1011 = arith.constant 6 : i32
        %get3A_1012 = arith.index_cast %get3A_1011 : i32 to index
        %get3A_1013 = arith.constant 96 : index
        %get3A_1014 = tpu.vector_load %arg5[%get3A_1012, %get3A_1013] {strides = array<i32>} : memref<8x128xi32, #tpu.memory_space<vmem>>, vector<1x16xi32>,
        %get3A_1015 = vector.shape_cast %get3A_1014 : vector<1x16xi32> to vector<16xi32>
        %add3A_1016 = vector.broadcast %add3A_203 : i32 to vector<16xi32>
        %add3A_1017 = arith.addi %get3A_1015, %add3A_1016 : vector<16xi32>
        %swap3A_1018 = arith.constant 6 : i32
        %swap3A_1019 = arith.index_cast %scan3A_199 : i32 to index
        %swap3A_1020 = arith.index_cast %swap3A_1018 : i32 to index
        %swap3A_1021 = arith.constant 96 : index
        %swap3A_1022 = tpu.vector_load %arg6[%swap3A_1019, %swap3A_1020, %swap3A_1021] {strides = array<i32>} : memref<8x8x128xi32, #tpu.memory_space<vmem>>, vector<1x1x16xi32>,
        %swap3A_1023 = vector.shape_cast %swap3A_1022 : vector<1x1x16xi32> to vector<16xi32>
        %swap3A_1024 = vector.shape_cast %add3A_1017 : vector<16xi32> to vector<1x1x16xi32>
        tpu.vector_store %arg6[%swap3A_1019, %swap3A_1020, %swap3A_1021], %swap3A_1024 {strides = array<i32>} : memref<8x8x128xi32, #tpu.memory_space<vmem>>, vector<1x1x16xi32>,
        %get3A_1025 = arith.constant 6 : i32
        %get3A_1026 = arith.index_cast %get3A_1025 : i32 to index
        %get3A_1027 = arith.constant 112 : index
        %get3A_1028 = tpu.vector_load %arg5[%get3A_1026, %get3A_1027] {strides = array<i32>} : memref<8x128xi32, #tpu.memory_space<vmem>>, vector<1x16xi32>,
        %get3A_1029 = vector.shape_cast %get3A_1028 : vector<1x16xi32> to vector<16xi32>
        %add3A_1030 = vector.broadcast %add3A_203 : i32 to vector<16xi32>
        %add3A_1031 = arith.addi %get3A_1029, %add3A_1030 : vector<16xi32>
        %swap3A_1032 = arith.constant 6 : i32
        %swap3A_1033 = arith.index_cast %scan3A_199 : i32 to index
        %swap3A_1034 = arith.index_cast %swap3A_1032 : i32 to index
        %swap3A_1035 = arith.constant 112 : index
        %swap3A_1036 = tpu.vector_load %arg6[%swap3A_1033, %swap3A_1034, %swap3A_1035] {strides = array<i32>} : memref<8x8x128xi32, #tpu.memory_space<vmem>>, vector<1x1x16xi32>,
        %swap3A_1037 = vector.shape_cast %swap3A_1036 : vector<1x1x16xi32> to vector<16xi32>
        %swap3A_1038 = vector.shape_cast %add3A_1031 : vector<16xi32> to vector<1x1x16xi32>
        tpu.vector_store %arg6[%swap3A_1033, %swap3A_1034, %swap3A_1035], %swap3A_1038 {strides = array<i32>} : memref<8x8x128xi32, #tpu.memory_space<vmem>>, vector<1x1x16xi32>,
        %dma_start3A_1039 = arith.constant 6 : i32
        %dma_start3A_1040 = arith.constant 768 : i32
        %dma_start3A_1041 = tpu.memref_slice %arg7[%scan3A_199, %dma_start3A_1040] : memref<8x1024xf32, #tpu.memory_space<vmem>> -> memref<1x128xf32, #tpu.memory_space<vmem>>
        %dma_start3A_1042 = tpu.memref_squeeze %dma_start3A_1041 : memref<1x128xf32, #tpu.memory_space<vmem>> -> memref<128xf32, #tpu.memory_space<vmem>>
        %dma_start3A_1043 = arith.constant 0 : i32
        %dma_start3A_1044 = tpu.memref_slice %arg6[%scan3A_199, %dma_start3A_1039, %dma_start3A_1043] : memref<8x8x128xi32, #tpu.memory_space<vmem>> -> memref<1x1x128xi32, #tpu.memory_space<vmem>>
        %dma_start3A_1045 = tpu.memref_squeeze %dma_start3A_1044 : memref<1x1x128xi32, #tpu.memory_space<vmem>> -> memref<128xi32, #tpu.memory_space<vmem>>
        %dma_start3A_1046 = arith.constant 0 : i32
        %dma_start3A_1047 = tpu.memref_slice %arg8[%dma_start3A_1046] : memref<1600000xf32, #tpu.memory_space<vmem_shared>> -> memref<1600000xf32, #tpu.memory_space<vmem_shared>>
        tpu.enqueue_indirect_dma source(%dma_start3A_1047 : memref<1600000xf32, #tpu.memory_space<vmem_shared>>) target(%dma_start3A_1042 : memref<128xf32, #tpu.memory_space<vmem>>) offsets(%dma_start3A_1045 : memref<128xi32, #tpu.memory_space<vmem>>) semaphore(%arg9 : memref<!tpu.dma_semaphore, #tpu.memory_space<semaphore_mem>>)
        %get3A_1048 = arith.constant 7 : i32
        %get3A_1049 = arith.index_cast %get3A_1048 : i32 to index
        %get3A_1050 = arith.constant 0 : index
        %get3A_1051 = tpu.vector_load %arg5[%get3A_1049, %get3A_1050] {strides = array<i32>} : memref<8x128xi32, #tpu.memory_space<vmem>>, vector<1x16xi32>,
        %get3A_1052 = vector.shape_cast %get3A_1051 : vector<1x16xi32> to vector<16xi32>
        %add3A_1053 = vector.broadcast %add3A_203 : i32 to vector<16xi32>
        %add3A_1054 = arith.addi %get3A_1052, %add3A_1053 : vector<16xi32>
        %swap3A_1055 = arith.constant 7 : i32
        %swap3A_1056 = arith.index_cast %scan3A_199 : i32 to index
        %swap3A_1057 = arith.index_cast %swap3A_1055 : i32 to index
        %swap3A_1058 = arith.constant 0 : index
        %swap3A_1059 = tpu.vector_load %arg6[%swap3A_1056, %swap3A_1057, %swap3A_1058] {strides = array<i32>} : memref<8x8x128xi32, #tpu.memory_space<vmem>>, vector<1x1x16xi32>,
        %swap3A_1060 = vector.shape_cast %swap3A_1059 : vector<1x1x16xi32> to vector<16xi32>
        %swap3A_1061 = vector.shape_cast %add3A_1054 : vector<16xi32> to vector<1x1x16xi32>
        tpu.vector_store %arg6[%swap3A_1056, %swap3A_1057, %swap3A_1058], %swap3A_1061 {strides = array<i32>} : memref<8x8x128xi32, #tpu.memory_space<vmem>>, vector<1x1x16xi32>,
        %get3A_1062 = arith.constant 7 : i32
        %get3A_1063 = arith.index_cast %get3A_1062 : i32 to index
        %get3A_1064 = arith.constant 16 : index
        %get3A_1065 = tpu.vector_load %arg5[%get3A_1063, %get3A_1064] {strides = array<i32>} : memref<8x128xi32, #tpu.memory_space<vmem>>, vector<1x16xi32>,
        %get3A_1066 = vector.shape_cast %get3A_1065 : vector<1x16xi32> to vector<16xi32>
        %add3A_1067 = vector.broadcast %add3A_203 : i32 to vector<16xi32>
        %add3A_1068 = arith.addi %get3A_1066, %add3A_1067 : vector<16xi32>
        %swap3A_1069 = arith.constant 7 : i32
        %swap3A_1070 = arith.index_cast %scan3A_199 : i32 to index
        %swap3A_1071 = arith.index_cast %swap3A_1069 : i32 to index
        %swap3A_1072 = arith.constant 16 : index
        %swap3A_1073 = tpu.vector_load %arg6[%swap3A_1070, %swap3A_1071, %swap3A_1072] {strides = array<i32>} : memref<8x8x128xi32, #tpu.memory_space<vmem>>, vector<1x1x16xi32>,
        %swap3A_1074 = vector.shape_cast %swap3A_1073 : vector<1x1x16xi32> to vector<16xi32>
        %swap3A_1075 = vector.shape_cast %add3A_1068 : vector<16xi32> to vector<1x1x16xi32>
        tpu.vector_store %arg6[%swap3A_1070, %swap3A_1071, %swap3A_1072], %swap3A_1075 {strides = array<i32>} : memref<8x8x128xi32, #tpu.memory_space<vmem>>, vector<1x1x16xi32>,
        %get3A_1076 = arith.constant 7 : i32
        %get3A_1077 = arith.index_cast %get3A_1076 : i32 to index
        %get3A_1078 = arith.constant 32 : index
        %get3A_1079 = tpu.vector_load %arg5[%get3A_1077, %get3A_1078] {strides = array<i32>} : memref<8x128xi32, #tpu.memory_space<vmem>>, vector<1x16xi32>,
        %get3A_1080 = vector.shape_cast %get3A_1079 : vector<1x16xi32> to vector<16xi32>
        %add3A_1081 = vector.broadcast %add3A_203 : i32 to vector<16xi32>
        %add3A_1082 = arith.addi %get3A_1080, %add3A_1081 : vector<16xi32>
        %swap3A_1083 = arith.constant 7 : i32
        %swap3A_1084 = arith.index_cast %scan3A_199 : i32 to index
        %swap3A_1085 = arith.index_cast %swap3A_1083 : i32 to index
        %swap3A_1086 = arith.constant 32 : index
        %swap3A_1087 = tpu.vector_load %arg6[%swap3A_1084, %swap3A_1085, %swap3A_1086] {strides = array<i32>} : memref<8x8x128xi32, #tpu.memory_space<vmem>>, vector<1x1x16xi32>,
        %swap3A_1088 = vector.shape_cast %swap3A_1087 : vector<1x1x16xi32> to vector<16xi32>
        %swap3A_1089 = vector.shape_cast %add3A_1082 : vector<16xi32> to vector<1x1x16xi32>
        tpu.vector_store %arg6[%swap3A_1084, %swap3A_1085, %swap3A_1086], %swap3A_1089 {strides = array<i32>} : memref<8x8x128xi32, #tpu.memory_space<vmem>>, vector<1x1x16xi32>,
        %get3A_1090 = arith.constant 7 : i32
        %get3A_1091 = arith.index_cast %get3A_1090 : i32 to index
        %get3A_1092 = arith.constant 48 : index
        %get3A_1093 = tpu.vector_load %arg5[%get3A_1091, %get3A_1092] {strides = array<i32>} : memref<8x128xi32, #tpu.memory_space<vmem>>, vector<1x16xi32>,
        %get3A_1094 = vector.shape_cast %get3A_1093 : vector<1x16xi32> to vector<16xi32>
        %add3A_1095 = vector.broadcast %add3A_203 : i32 to vector<16xi32>
        %add3A_1096 = arith.addi %get3A_1094, %add3A_1095 : vector<16xi32>
        %swap3A_1097 = arith.constant 7 : i32
        %swap3A_1098 = arith.index_cast %scan3A_199 : i32 to index
        %swap3A_1099 = arith.index_cast %swap3A_1097 : i32 to index
        %swap3A_1100 = arith.constant 48 : index
        %swap3A_1101 = tpu.vector_load %arg6[%swap3A_1098, %swap3A_1099, %swap3A_1100] {strides = array<i32>} : memref<8x8x128xi32, #tpu.memory_space<vmem>>, vector<1x1x16xi32>,
        %swap3A_1102 = vector.shape_cast %swap3A_1101 : vector<1x1x16xi32> to vector<16xi32>
        %swap3A_1103 = vector.shape_cast %add3A_1096 : vector<16xi32> to vector<1x1x16xi32>
        tpu.vector_store %arg6[%swap3A_1098, %swap3A_1099, %swap3A_1100], %swap3A_1103 {strides = array<i32>} : memref<8x8x128xi32, #tpu.memory_space<vmem>>, vector<1x1x16xi32>,
        %get3A_1104 = arith.constant 7 : i32
        %get3A_1105 = arith.index_cast %get3A_1104 : i32 to index
        %get3A_1106 = arith.constant 64 : index
        %get3A_1107 = tpu.vector_load %arg5[%get3A_1105, %get3A_1106] {strides = array<i32>} : memref<8x128xi32, #tpu.memory_space<vmem>>, vector<1x16xi32>,
        %get3A_1108 = vector.shape_cast %get3A_1107 : vector<1x16xi32> to vector<16xi32>
        %add3A_1109 = vector.broadcast %add3A_203 : i32 to vector<16xi32>
        %add3A_1110 = arith.addi %get3A_1108, %add3A_1109 : vector<16xi32>
        %swap3A_1111 = arith.constant 7 : i32
        %swap3A_1112 = arith.index_cast %scan3A_199 : i32 to index
        %swap3A_1113 = arith.index_cast %swap3A_1111 : i32 to index
        %swap3A_1114 = arith.constant 64 : index
        %swap3A_1115 = tpu.vector_load %arg6[%swap3A_1112, %swap3A_1113, %swap3A_1114] {strides = array<i32>} : memref<8x8x128xi32, #tpu.memory_space<vmem>>, vector<1x1x16xi32>,
        %swap3A_1116 = vector.shape_cast %swap3A_1115 : vector<1x1x16xi32> to vector<16xi32>
        %swap3A_1117 = vector.shape_cast %add3A_1110 : vector<16xi32> to vector<1x1x16xi32>
        tpu.vector_store %arg6[%swap3A_1112, %swap3A_1113, %swap3A_1114], %swap3A_1117 {strides = array<i32>} : memref<8x8x128xi32, #tpu.memory_space<vmem>>, vector<1x1x16xi32>,
        %get3A_1118 = arith.constant 7 : i32
        %get3A_1119 = arith.index_cast %get3A_1118 : i32 to index
        %get3A_1120 = arith.constant 80 : index
        %get3A_1121 = tpu.vector_load %arg5[%get3A_1119, %get3A_1120] {strides = array<i32>} : memref<8x128xi32, #tpu.memory_space<vmem>>, vector<1x16xi32>,
        %get3A_1122 = vector.shape_cast %get3A_1121 : vector<1x16xi32> to vector<16xi32>
        %add3A_1123 = vector.broadcast %add3A_203 : i32 to vector<16xi32>
        %add3A_1124 = arith.addi %get3A_1122, %add3A_1123 : vector<16xi32>
        %swap3A_1125 = arith.constant 7 : i32
        %swap3A_1126 = arith.index_cast %scan3A_199 : i32 to index
        %swap3A_1127 = arith.index_cast %swap3A_1125 : i32 to index
        %swap3A_1128 = arith.constant 80 : index
        %swap3A_1129 = tpu.vector_load %arg6[%swap3A_1126, %swap3A_1127, %swap3A_1128] {strides = array<i32>} : memref<8x8x128xi32, #tpu.memory_space<vmem>>, vector<1x1x16xi32>,
        %swap3A_1130 = vector.shape_cast %swap3A_1129 : vector<1x1x16xi32> to vector<16xi32>
        %swap3A_1131 = vector.shape_cast %add3A_1124 : vector<16xi32> to vector<1x1x16xi32>
        tpu.vector_store %arg6[%swap3A_1126, %swap3A_1127, %swap3A_1128], %swap3A_1131 {strides = array<i32>} : memref<8x8x128xi32, #tpu.memory_space<vmem>>, vector<1x1x16xi32>,
        %get3A_1132 = arith.constant 7 : i32
        %get3A_1133 = arith.index_cast %get3A_1132 : i32 to index
        %get3A_1134 = arith.constant 96 : index
        %get3A_1135 = tpu.vector_load %arg5[%get3A_1133, %get3A_1134] {strides = array<i32>} : memref<8x128xi32, #tpu.memory_space<vmem>>, vector<1x16xi32>,
        %get3A_1136 = vector.shape_cast %get3A_1135 : vector<1x16xi32> to vector<16xi32>
        %add3A_1137 = vector.broadcast %add3A_203 : i32 to vector<16xi32>
        %add3A_1138 = arith.addi %get3A_1136, %add3A_1137 : vector<16xi32>
        %swap3A_1139 = arith.constant 7 : i32
        %swap3A_1140 = arith.index_cast %scan3A_199 : i32 to index
        %swap3A_1141 = arith.index_cast %swap3A_1139 : i32 to index
        %swap3A_1142 = arith.constant 96 : index
        %swap3A_1143 = tpu.vector_load %arg6[%swap3A_1140, %swap3A_1141, %swap3A_1142] {strides = array<i32>} : memref<8x8x128xi32, #tpu.memory_space<vmem>>, vector<1x1x16xi32>,
        %swap3A_1144 = vector.shape_cast %swap3A_1143 : vector<1x1x16xi32> to vector<16xi32>
        %swap3A_1145 = vector.shape_cast %add3A_1138 : vector<16xi32> to vector<1x1x16xi32>
        tpu.vector_store %arg6[%swap3A_1140, %swap3A_1141, %swap3A_1142], %swap3A_1145 {strides = array<i32>} : memref<8x8x128xi32, #tpu.memory_space<vmem>>, vector<1x1x16xi32>,
        %get3A_1146 = arith.constant 7 : i32
        %get3A_1147 = arith.index_cast %get3A_1146 : i32 to index
        %get3A_1148 = arith.constant 112 : index
        %get3A_1149 = tpu.vector_load %arg5[%get3A_1147, %get3A_1148] {strides = array<i32>} : memref<8x128xi32, #tpu.memory_space<vmem>>, vector<1x16xi32>,
        %get3A_1150 = vector.shape_cast %get3A_1149 : vector<1x16xi32> to vector<16xi32>
        %add3A_1151 = vector.broadcast %add3A_203 : i32 to vector<16xi32>
        %add3A_1152 = arith.addi %get3A_1150, %add3A_1151 : vector<16xi32>
        %swap3A_1153 = arith.constant 7 : i32
        %swap3A_1154 = arith.index_cast %scan3A_199 : i32 to index
        %swap3A_1155 = arith.index_cast %swap3A_1153 : i32 to index
        %swap3A_1156 = arith.constant 112 : index
        %swap3A_1157 = tpu.vector_load %arg6[%swap3A_1154, %swap3A_1155, %swap3A_1156] {strides = array<i32>} : memref<8x8x128xi32, #tpu.memory_space<vmem>>, vector<1x1x16xi32>,
        %swap3A_1158 = vector.shape_cast %swap3A_1157 : vector<1x1x16xi32> to vector<16xi32>
        %swap3A_1159 = vector.shape_cast %add3A_1152 : vector<16xi32> to vector<1x1x16xi32>
        tpu.vector_store %arg6[%swap3A_1154, %swap3A_1155, %swap3A_1156], %swap3A_1159 {strides = array<i32>} : memref<8x8x128xi32, #tpu.memory_space<vmem>>, vector<1x1x16xi32>,
        %dma_start3A_1160 = arith.constant 7 : i32
        %dma_start3A_1161 = arith.constant 896 : i32
        %dma_start3A_1162 = tpu.memref_slice %arg7[%scan3A_199, %dma_start3A_1161] : memref<8x1024xf32, #tpu.memory_space<vmem>> -> memref<1x128xf32, #tpu.memory_space<vmem>>
        %dma_start3A_1163 = tpu.memref_squeeze %dma_start3A_1162 : memref<1x128xf32, #tpu.memory_space<vmem>> -> memref<128xf32, #tpu.memory_space<vmem>>
        %dma_start3A_1164 = arith.constant 0 : i32
        %dma_start3A_1165 = tpu.memref_slice %arg6[%scan3A_199, %dma_start3A_1160, %dma_start3A_1164] : memref<8x8x128xi32, #tpu.memory_space<vmem>> -> memref<1x1x128xi32, #tpu.memory_space<vmem>>
        %dma_start3A_1166 = tpu.memref_squeeze %dma_start3A_1165 : memref<1x1x128xi32, #tpu.memory_space<vmem>> -> memref<128xi32, #tpu.memory_space<vmem>>
        %dma_start3A_1167 = arith.constant 0 : i32
        %dma_start3A_1168 = tpu.memref_slice %arg8[%dma_start3A_1167] : memref<1600000xf32, #tpu.memory_space<vmem_shared>> -> memref<1600000xf32, #tpu.memory_space<vmem_shared>>
        tpu.enqueue_indirect_dma source(%dma_start3A_1168 : memref<1600000xf32, #tpu.memory_space<vmem_shared>>) target(%dma_start3A_1163 : memref<128xf32, #tpu.memory_space<vmem>>) offsets(%dma_start3A_1166 : memref<128xi32, #tpu.memory_space<vmem>>) semaphore(%arg9 : memref<!tpu.dma_semaphore, #tpu.memory_space<semaphore_mem>>)
      }
      %scan3A_178 = arith.constant 8 : i32
      %dma_wait3A_179 = arith.constant 0 : i32
      %dma_wait3A_180 = arith.constant 0 : i32
      %dma_wait3A_181 = tpu.memref_slice %arg4[%dma_wait3A_179, %dma_wait3A_180] : memref<832x16384xf32, #tpu.memory_space<hbm>> -> memref<8x1024xf32, #tpu.memory_space<hbm>>
      %dma_wait3A_182 = arith.constant 0 : i32
      %dma_wait3A_183 = arith.constant 0 : i32
      %dma_wait3A_184 = tpu.memref_slice %arg4[%dma_wait3A_182, %dma_wait3A_183] : memref<832x16384xf32, #tpu.memory_space<hbm>> -> memref<8x1024xf32, #tpu.memory_space<hbm>>
      tpu.wait_dma2 semaphore(%arg9 : memref<!tpu.dma_semaphore, #tpu.memory_space<semaphore_mem>>) src(%dma_wait3A_184 : memref<8x1024xf32, #tpu.memory_space<hbm>>) dst(%arg7 : memref<8x1024xf32, #tpu.memory_space<vmem>>)
      %scan3A_185 = arith.constant 0 : i32
      %scan3A_186 = arith.constant 0 : i32
      %scan3A_187 = arith.constant 8 : i32
      %scan3A_188 = arith.addi %scan3A_186, %scan3A_187 : i32
      %scan3A_189 = arith.constant 1 : i32
      scf.for %scan3A_199 = %scan3A_186 to %scan3A_188 step %scan3A_189  : i32 {
        %mul3A_200 = arith.constant 8 : i32
        %mul3A_201 = arith.muli %add3A_166, %mul3A_200 : i32
        %add3A_202 = arith.addi %mul3A_201, %scan3A_199 : i32
        %mul3A_203 = arith.constant 1024 : i32
        %mul3A_204 = arith.muli %mul3A_203, %arg1 : i32
        "tpu.region"() ({
          %run_scoped3A = tpu.sem_alloc : memref<!tpu.dma_semaphore, #tpu.memory_space<semaphore_mem>>
          %dma_start3A = arith.constant 0 : i32
          %dma_start3A_205 = tpu.memref_slice %arg7[%scan3A_199, %dma_start3A] : memref<8x1024xf32, #tpu.memory_space<vmem>> -> memref<1x1024xf32, #tpu.memory_space<vmem>>
          %dma_start3A_206 = tpu.memref_squeeze %dma_start3A_205 : memref<1x1024xf32, #tpu.memory_space<vmem>> -> memref<1024xf32, #tpu.memory_space<vmem>>
          %dma_start3A_207 = tpu.memref_slice %arg4[%add3A_202, %mul3A_204] : memref<832x16384xf32, #tpu.memory_space<hbm>> -> memref<1x1024xf32, #tpu.memory_space<hbm>>
          %dma_start3A_208 = tpu.memref_squeeze %dma_start3A_207 : memref<1x1024xf32, #tpu.memory_space<hbm>> -> memref<1024xf32, #tpu.memory_space<hbm>>
          %dma_start3A_209 = tpu.memref_slice %arg4[%add3A_202, %mul3A_204] : memref<832x16384xf32, #tpu.memory_space<hbm>> -> memref<1x1024xf32, #tpu.memory_space<hbm>>
          %dma_start3A_210 = tpu.memref_squeeze %dma_start3A_209 : memref<1x1024xf32, #tpu.memory_space<hbm>> -> memref<1024xf32, #tpu.memory_space<hbm>>
          %dma_start3A_211 = arith.constant 0 : i32
          %dma_start3A_212 = tpu.memref_slice %arg7[%scan3A_199, %dma_start3A_211] : memref<8x1024xf32, #tpu.memory_space<vmem>> -> memref<1x1024xf32, #tpu.memory_space<vmem>>
          %dma_start3A_213 = tpu.memref_squeeze %dma_start3A_212 : memref<1x1024xf32, #tpu.memory_space<vmem>> -> memref<1024xf32, #tpu.memory_space<vmem>>
          tpu.enqueue_dma source(%dma_start3A_213 : memref<1024xf32, #tpu.memory_space<vmem>>) target(%dma_start3A_210 : memref<1024xf32, #tpu.memory_space<hbm>>) target_semaphore(%run_scoped3A : memref<!tpu.dma_semaphore, #tpu.memory_space<semaphore_mem>>)
          %dma_wait3A_214 = arith.constant 0 : i32
          %dma_wait3A_215 = tpu.memref_slice %arg7[%scan3A_199, %dma_wait3A_214] : memref<8x1024xf32, #tpu.memory_space<vmem>> -> memref<1x1024xf32, #tpu.memory_space<vmem>>
          %dma_wait3A_216 = tpu.memref_squeeze %dma_wait3A_215 : memref<1x1024xf32, #tpu.memory_space<vmem>> -> memref<1024xf32, #tpu.memory_space<vmem>>
          %dma_wait3A_217 = tpu.memref_slice %arg4[%add3A_202, %mul3A_204] : memref<832x16384xf32, #tpu.memory_space<hbm>> -> memref<1x1024xf32, #tpu.memory_space<hbm>>
          %dma_wait3A_218 = tpu.memref_squeeze %dma_wait3A_217 : memref<1x1024xf32, #tpu.memory_space<hbm>> -> memref<1024xf32, #tpu.memory_space<hbm>>
          %dma_wait3A_219 = tpu.memref_slice %arg4[%add3A_202, %mul3A_204] : memref<832x16384xf32, #tpu.memory_space<hbm>> -> memref<1x1024xf32, #tpu.memory_space<hbm>>
          %dma_wait3A_220 = tpu.memref_squeeze %dma_wait3A_219 : memref<1x1024xf32, #tpu.memory_space<hbm>> -> memref<1024xf32, #tpu.memory_space<hbm>>
          %dma_wait3A_221 = arith.constant 0 : i32
          %dma_wait3A_222 = tpu.memref_slice %arg7[%scan3A_199, %dma_wait3A_221] : memref<8x1024xf32, #tpu.memory_space<vmem>> -> memref<1x1024xf32, #tpu.memory_space<vmem>>
          %dma_wait3A_223 = tpu.memref_squeeze %dma_wait3A_222 : memref<1x1024xf32, #tpu.memory_space<vmem>> -> memref<1024xf32, #tpu.memory_space<vmem>>
          tpu.wait_dma2 semaphore(%run_scoped3A : memref<!tpu.dma_semaphore, #tpu.memory_space<semaphore_mem>>) src(%dma_wait3A_223 : memref<1024xf32, #tpu.memory_space<vmem>>) dst(%dma_wait3A_220 : memref<1024xf32, #tpu.memory_space<hbm>>)
          tpu.yield
        }) : () -> ()
      }
      %scan3A_190 = arith.constant 8 : i32
      %add3A_191 = arith.constant 1 : i32
      %add3A_192 = arith.addi %add3A_158, %add3A_191 : i32
      %lt3A_193 = arith.constant 52 : i32
      %lt3A_194 = arith.cmpi slt, %add3A_192, %lt3A_193 : i32
      %convert_element_type3A_195 = arith.extui %lt3A_194 : i1 to i32
      %cond3A_196 = arith.constant 0 : i32
      %cond3A_197 = arith.cmpi ne, %convert_element_type3A_195, %cond3A_196 : i32
      scf.if %cond3A_197 {
        %add3A_199 = arith.constant 0 : i32
        %add3A_200 = arith.addi %add3A_199, %arg1 : i32
        %lt3A_201 = arith.constant 125 : i32
        %lt3A_202 = arith.cmpi slt, %add3A_200, %lt3A_201 : i32
        %convert_element_type3A_203 = arith.extui %lt3A_202 : i1 to i32
        %cond3A_204 = arith.constant 0 : i32
        %cond3A_205 = arith.cmpi ne, %convert_element_type3A_203, %cond3A_204 : i32
        scf.if %cond3A_205 {
          %mul3A_255 = arith.constant 6400 : i32
          %mul3A_256 = arith.muli %add3A_200, %mul3A_255 : i32
          %add3A_257 = arith.constant 0 : i32
          %add3A_258 = arith.addi %add3A_257, %mul3A_256 : i32
          %dma_wait3A_259 = tpu.memref_slice %arg8[%add3A_258] : memref<1600000xf32, #tpu.memory_space<vmem_shared>> -> memref<6400xf32, #tpu.memory_space<vmem_shared>>
          %dma_wait3A_260 = arith.constant 0 : i32
          %dma_wait3A_261 = tpu.memref_slice %arg3[%dma_wait3A_260] : memref<83200000xf32, #tpu.memory_space<hbm>> -> memref<6400xf32, #tpu.memory_space<hbm>>
          tpu.wait_dma2 semaphore(%arg10 : memref<!tpu.dma_semaphore, #tpu.memory_space<semaphore_mem>>) src(%dma_wait3A_261 : memref<6400xf32, #tpu.memory_space<hbm>>) dst(%dma_wait3A_259 : memref<6400xf32, #tpu.memory_space<vmem_shared>>)
        } else {
        }
        %add3A_206 = arith.constant 16 : i32
        %add3A_207 = arith.addi %add3A_206, %arg1 : i32
        %lt3A_208 = arith.constant 125 : i32
        %lt3A_209 = arith.cmpi slt, %add3A_207, %lt3A_208 : i32
        %convert_element_type3A_210 = arith.extui %lt3A_209 : i1 to i32
        %cond3A_211 = arith.constant 0 : i32
        %cond3A_212 = arith.cmpi ne, %convert_element_type3A_210, %cond3A_211 : i32
        scf.if %cond3A_212 {
          %mul3A_255 = arith.constant 6400 : i32
          %mul3A_256 = arith.muli %add3A_207, %mul3A_255 : i32
          %add3A_257 = arith.constant 0 : i32
          %add3A_258 = arith.addi %add3A_257, %mul3A_256 : i32
          %dma_wait3A_259 = tpu.memref_slice %arg8[%add3A_258] : memref<1600000xf32, #tpu.memory_space<vmem_shared>> -> memref<6400xf32, #tpu.memory_space<vmem_shared>>
          %dma_wait3A_260 = arith.constant 0 : i32
          %dma_wait3A_261 = tpu.memref_slice %arg3[%dma_wait3A_260] : memref<83200000xf32, #tpu.memory_space<hbm>> -> memref<6400xf32, #tpu.memory_space<hbm>>
          tpu.wait_dma2 semaphore(%arg10 : memref<!tpu.dma_semaphore, #tpu.memory_space<semaphore_mem>>) src(%dma_wait3A_261 : memref<6400xf32, #tpu.memory_space<hbm>>) dst(%dma_wait3A_259 : memref<6400xf32, #tpu.memory_space<vmem_shared>>)
        } else {
        }
        %add3A_213 = arith.constant 32 : i32
        %add3A_214 = arith.addi %add3A_213, %arg1 : i32
        %lt3A_215 = arith.constant 125 : i32
        %lt3A_216 = arith.cmpi slt, %add3A_214, %lt3A_215 : i32
        %convert_element_type3A_217 = arith.extui %lt3A_216 : i1 to i32
        %cond3A_218 = arith.constant 0 : i32
        %cond3A_219 = arith.cmpi ne, %convert_element_type3A_217, %cond3A_218 : i32
        scf.if %cond3A_219 {
          %mul3A_255 = arith.constant 6400 : i32
          %mul3A_256 = arith.muli %add3A_214, %mul3A_255 : i32
          %add3A_257 = arith.constant 0 : i32
          %add3A_258 = arith.addi %add3A_257, %mul3A_256 : i32
          %dma_wait3A_259 = tpu.memref_slice %arg8[%add3A_258] : memref<1600000xf32, #tpu.memory_space<vmem_shared>> -> memref<6400xf32, #tpu.memory_space<vmem_shared>>
          %dma_wait3A_260 = arith.constant 0 : i32
          %dma_wait3A_261 = tpu.memref_slice %arg3[%dma_wait3A_260] : memref<83200000xf32, #tpu.memory_space<hbm>> -> memref<6400xf32, #tpu.memory_space<hbm>>
          tpu.wait_dma2 semaphore(%arg10 : memref<!tpu.dma_semaphore, #tpu.memory_space<semaphore_mem>>) src(%dma_wait3A_261 : memref<6400xf32, #tpu.memory_space<hbm>>) dst(%dma_wait3A_259 : memref<6400xf32, #tpu.memory_space<vmem_shared>>)
        } else {
        }
        %add3A_220 = arith.constant 48 : i32
        %add3A_221 = arith.addi %add3A_220, %arg1 : i32
        %lt3A_222 = arith.constant 125 : i32
        %lt3A_223 = arith.cmpi slt, %add3A_221, %lt3A_222 : i32
        %convert_element_type3A_224 = arith.extui %lt3A_223 : i1 to i32
        %cond3A_225 = arith.constant 0 : i32
        %cond3A_226 = arith.cmpi ne, %convert_element_type3A_224, %cond3A_225 : i32
        scf.if %cond3A_226 {
          %mul3A_255 = arith.constant 6400 : i32
          %mul3A_256 = arith.muli %add3A_221, %mul3A_255 : i32
          %add3A_257 = arith.constant 0 : i32
          %add3A_258 = arith.addi %add3A_257, %mul3A_256 : i32
          %dma_wait3A_259 = tpu.memref_slice %arg8[%add3A_258] : memref<1600000xf32, #tpu.memory_space<vmem_shared>> -> memref<6400xf32, #tpu.memory_space<vmem_shared>>
          %dma_wait3A_260 = arith.constant 0 : i32
          %dma_wait3A_261 = tpu.memref_slice %arg3[%dma_wait3A_260] : memref<83200000xf32, #tpu.memory_space<hbm>> -> memref<6400xf32, #tpu.memory_space<hbm>>
          tpu.wait_dma2 semaphore(%arg10 : memref<!tpu.dma_semaphore, #tpu.memory_space<semaphore_mem>>) src(%dma_wait3A_261 : memref<6400xf32, #tpu.memory_space<hbm>>) dst(%dma_wait3A_259 : memref<6400xf32, #tpu.memory_space<vmem_shared>>)
        } else {
        }
        %add3A_227 = arith.constant 64 : i32
        %add3A_228 = arith.addi %add3A_227, %arg1 : i32
        %lt3A_229 = arith.constant 125 : i32
        %lt3A_230 = arith.cmpi slt, %add3A_228, %lt3A_229 : i32
        %convert_element_type3A_231 = arith.extui %lt3A_230 : i1 to i32
        %cond3A_232 = arith.constant 0 : i32
        %cond3A_233 = arith.cmpi ne, %convert_element_type3A_231, %cond3A_232 : i32
        scf.if %cond3A_233 {
          %mul3A_255 = arith.constant 6400 : i32
          %mul3A_256 = arith.muli %add3A_228, %mul3A_255 : i32
          %add3A_257 = arith.constant 0 : i32
          %add3A_258 = arith.addi %add3A_257, %mul3A_256 : i32
          %dma_wait3A_259 = tpu.memref_slice %arg8[%add3A_258] : memref<1600000xf32, #tpu.memory_space<vmem_shared>> -> memref<6400xf32, #tpu.memory_space<vmem_shared>>
          %dma_wait3A_260 = arith.constant 0 : i32
          %dma_wait3A_261 = tpu.memref_slice %arg3[%dma_wait3A_260] : memref<83200000xf32, #tpu.memory_space<hbm>> -> memref<6400xf32, #tpu.memory_space<hbm>>
          tpu.wait_dma2 semaphore(%arg10 : memref<!tpu.dma_semaphore, #tpu.memory_space<semaphore_mem>>) src(%dma_wait3A_261 : memref<6400xf32, #tpu.memory_space<hbm>>) dst(%dma_wait3A_259 : memref<6400xf32, #tpu.memory_space<vmem_shared>>)
        } else {
        }
        %add3A_234 = arith.constant 80 : i32
        %add3A_235 = arith.addi %add3A_234, %arg1 : i32
        %lt3A_236 = arith.constant 125 : i32
        %lt3A_237 = arith.cmpi slt, %add3A_235, %lt3A_236 : i32
        %convert_element_type3A_238 = arith.extui %lt3A_237 : i1 to i32
        %cond3A_239 = arith.constant 0 : i32
        %cond3A_240 = arith.cmpi ne, %convert_element_type3A_238, %cond3A_239 : i32
        scf.if %cond3A_240 {
          %mul3A_255 = arith.constant 6400 : i32
          %mul3A_256 = arith.muli %add3A_235, %mul3A_255 : i32
          %add3A_257 = arith.constant 0 : i32
          %add3A_258 = arith.addi %add3A_257, %mul3A_256 : i32
          %dma_wait3A_259 = tpu.memref_slice %arg8[%add3A_258] : memref<1600000xf32, #tpu.memory_space<vmem_shared>> -> memref<6400xf32, #tpu.memory_space<vmem_shared>>
          %dma_wait3A_260 = arith.constant 0 : i32
          %dma_wait3A_261 = tpu.memref_slice %arg3[%dma_wait3A_260] : memref<83200000xf32, #tpu.memory_space<hbm>> -> memref<6400xf32, #tpu.memory_space<hbm>>
          tpu.wait_dma2 semaphore(%arg10 : memref<!tpu.dma_semaphore, #tpu.memory_space<semaphore_mem>>) src(%dma_wait3A_261 : memref<6400xf32, #tpu.memory_space<hbm>>) dst(%dma_wait3A_259 : memref<6400xf32, #tpu.memory_space<vmem_shared>>)
        } else {
        }
        %add3A_241 = arith.constant 96 : i32
        %add3A_242 = arith.addi %add3A_241, %arg1 : i32
        %lt3A_243 = arith.constant 125 : i32
        %lt3A_244 = arith.cmpi slt, %add3A_242, %lt3A_243 : i32
        %convert_element_type3A_245 = arith.extui %lt3A_244 : i1 to i32
        %cond3A_246 = arith.constant 0 : i32
        %cond3A_247 = arith.cmpi ne, %convert_element_type3A_245, %cond3A_246 : i32
        scf.if %cond3A_247 {
          %mul3A_255 = arith.constant 6400 : i32
          %mul3A_256 = arith.muli %add3A_242, %mul3A_255 : i32
          %add3A_257 = arith.constant 0 : i32
          %add3A_258 = arith.addi %add3A_257, %mul3A_256 : i32
          %dma_wait3A_259 = tpu.memref_slice %arg8[%add3A_258] : memref<1600000xf32, #tpu.memory_space<vmem_shared>> -> memref<6400xf32, #tpu.memory_space<vmem_shared>>
          %dma_wait3A_260 = arith.constant 0 : i32
          %dma_wait3A_261 = tpu.memref_slice %arg3[%dma_wait3A_260] : memref<83200000xf32, #tpu.memory_space<hbm>> -> memref<6400xf32, #tpu.memory_space<hbm>>
          tpu.wait_dma2 semaphore(%arg10 : memref<!tpu.dma_semaphore, #tpu.memory_space<semaphore_mem>>) src(%dma_wait3A_261 : memref<6400xf32, #tpu.memory_space<hbm>>) dst(%dma_wait3A_259 : memref<6400xf32, #tpu.memory_space<vmem_shared>>)
        } else {
        }
        %add3A_248 = arith.constant 112 : i32
        %add3A_249 = arith.addi %add3A_248, %arg1 : i32
        %lt3A_250 = arith.constant 125 : i32
        %lt3A_251 = arith.cmpi slt, %add3A_249, %lt3A_250 : i32
        %convert_element_type3A_252 = arith.extui %lt3A_251 : i1 to i32
        %cond3A_253 = arith.constant 0 : i32
        %cond3A_254 = arith.cmpi ne, %convert_element_type3A_252, %cond3A_253 : i32
        scf.if %cond3A_254 {
          %mul3A_255 = arith.constant 6400 : i32
          %mul3A_256 = arith.muli %add3A_249, %mul3A_255 : i32
          %add3A_257 = arith.constant 0 : i32
          %add3A_258 = arith.addi %add3A_257, %mul3A_256 : i32
          %dma_wait3A_259 = tpu.memref_slice %arg8[%add3A_258] : memref<1600000xf32, #tpu.memory_space<vmem_shared>> -> memref<6400xf32, #tpu.memory_space<vmem_shared>>
          %dma_wait3A_260 = arith.constant 0 : i32
          %dma_wait3A_261 = tpu.memref_slice %arg3[%dma_wait3A_260] : memref<83200000xf32, #tpu.memory_space<hbm>> -> memref<6400xf32, #tpu.memory_space<hbm>>
          tpu.wait_dma2 semaphore(%arg10 : memref<!tpu.dma_semaphore, #tpu.memory_space<semaphore_mem>>) src(%dma_wait3A_261 : memref<6400xf32, #tpu.memory_space<hbm>>) dst(%dma_wait3A_259 : memref<6400xf32, #tpu.memory_space<vmem_shared>>)
        } else {
        }
      } else {
      }
      %barrier3A_198 = arith.constant 0 : index
      tpu.barrier barrier_id(%barrier3A_198)
    }
    %scan3A_113 = arith.constant 26 : i32
    return
  }
}

</mosaic_0001>

<sc_bundles>
// kernel: kernel.3.cloned.1.call-start
scs
__scs_entry_jumppad:
0x0: {  	(pc) =	sbr.rel $0x88, $3  }
0x1: {  	(tag) =	ssettag $0x0;
	lr =	simm.s32 $0x1  }
0x2: {  	[smem:$0x3F9F] =	sst lr;
	_ =	strace $0xD0000000  }
0x3: {  	_ = 	snop  }
0x4: {  	_ = 	snop  }
0x5: {  	_ = 	snop  }
0x6: {  	_ = 	snop  }
0x7: {  	_ = 	snop  }
__scs_overlays_trampoline_lowered:
0x8: {  	[smem:$0x3FAE] =	sst s0  }
0x9: {  	[smem:$0x3FAF] =	sst s1  }
0xa: {  	[smem:$0x3FB0] =	sst s2  }
0xb: {  	[smem:$0x3FB1] =	sst s3  }
0xc: {  	[smem:$0x3FB2] =	sst s4  }
0xd: {  	[smem:$0x3FB3] =	sst s5  }
0xe: {  	[smem:$0x3FB4] =	sst s6  }
0xf: {  	[smem:$0x3FB5] =	sst s7  }
0x10: {  	[smem:$0x3FB6] =	sst s8  }
0x11: {  	[smem:$0x3FB7] =	sst s9;
	s0 =	simm.s32 @!p0 $0x0  }
0x12: {  	s1 =	sld [smem:$0x3F9D];
	s0 =	simm.s32 @p0 $0x1  }
0x13: {  	[smem:$0x3FB8] =	sst s0;
	s0 =	simm.s32 @!p1 $0x0  }
0x14: {  	s2 =	sld [smem:$0x3F9C];
	s0 =	simm.s32 @p1 $0x1  }
0x15: {  	[smem:$0x3FB9] =	sst s0;
	s0 =	simm.s32 @!p2 $0x0  }
0x16: {  	s3 =	sld [smem:$0x3FDB];
	s0 =	simm.s32 @p2 $0x1  }
0x17: {  	s4 =	simm.s32 $0x1BF5;
	[smem:$0x3FBB] =	sst s0  }
0x18: {  	s0 =	sld [smem:$0x3F9E];
	_ =	swait.ge [sflag:s4], $0x0  }
0x19: {  	s7 =	sld [smem:$0x3F9F]  }
0x1a: {  	s8 =	sadd.s32 $0xFFFFE003, lr  }
0x1b: {  	s9 =	sadd.s32 $0xFFFFFEF7, lr;
	s5 =	simm.s32 $0xFFFFFFFF;
	p2 =	slt.u32 s8, $0xFFFFF086  }
0x1c: {  	p1 =	slt.u32 s9, $0xF7A;
	s5 =	simm.s32 @!p2 $0x0  }
0x1d: {  	s5 =	simm.s32 @p1 $0x1;
	p0 =	seq.s32 s7, s2  }
0x1e: {  	s7 =	smul.u32 @!p0 $0xF7A, s2;
	p2 =	seq.s32 @!p0 s5, $0x0  }
0x1f: {  	s9 =	smul.u32 $0xF7A, s1;
	s8 =	simm.s32 @!p0 $0x1BF5;
	p2 =	por !p2, p0  }
0x20: {  	[sflag:s8] =	ssyncset.s32 @!p0 $0xFFFFF086;
	s6 =	sadd.s32 @!p0 s3, s7;
	s7 =	simm.s32 @!p0 $0x108  }
0x21: {  	s3 =	sadd.s32 s3, s9;
	s6 =	sadd.s32 @!p0 $0x88, s6;
	s7 =	simm.s32 @p2 $0x1082  }
0x22: {  	[simem:s7], [sflag:s8] =	dma.local @!p0 [hbm:s6], $0xF7A  }
0x23: {  	s9 =	sor.u32 $0xD0000000, s2;
	s6 =	simm.s32 $0x108;
	_ =	swait.ge @!p0 [sflag:s8], $0x0  }
0x24: {  	s3 =	sadd.s32 $0x88, s3;
	s6 =	simm.s32 @!p1 $0x1082;
	[sflag:s4] =	ssyncset.s32 $0xFFFFF086  }
0x25: {  	[simem:s6], [sflag:s4] =	dma.local [hbm:s3], $0xF7A  }
0x26: {  	[smem:$0x3F9F] =	sst s1;
	(tag) =	ssettag s2;
	_ =	strace s9  }
0x27: {  	s1 =	sld [smem:$0x3FAF]  }
0x28: {  	s2 =	sld [smem:$0x3FB0]  }
0x29: {  	s4 =	sld [smem:$0x3FB2]  }
0x2a: {  	p0 =	seq.s32 s5, $0x0;
	s5 =	sld [smem:$0x3FB3]  }
0x2b: {  	s6 =	sld [smem:$0x3FB4]  }
0x2c: {  	s7 =	sld [smem:$0x3FB5]  }
0x2d: {  	s3 =	simm.s32 $0x108;
	s8 =	sld [smem:$0x3FB6]  }
0x2e: {  	s3 =	simm.s32 @!p0 $0x1082;
	s9 =	sld [smem:$0x3FB7]  }
0x2f: {  	lr =	sadd.s32 s0, s3;
	s0 =	sld [smem:$0x3FAE]  }
0x30: {  	s3 =	sld [smem:$0x3FB1]  }
0x31: {  	[smem:$0x3FBA] =	sst s10  }
0x32: {  	s10 =	sld [smem:$0x3FB8];
	_ =	sdelay $0x3  }
0x33: {  	p0 =	seq.s32 s10, $0x1;
	s10 =	sld [smem:$0x3FBA];
	_ =	sdelay $0x3  }
0x34: {  	[smem:$0x3FBA] =	sst s10  }
0x35: {  	s10 =	sld [smem:$0x3FB9];
	_ =	sdelay $0x3  }
0x36: {  	p1 =	seq.s32 s10, $0x1;
	s10 =	sld [smem:$0x3FBA];
	_ =	sdelay $0x3  }
0x37: {  	[smem:$0x3FBA] =	sst s10  }
0x38: {  	s10 =	sld [smem:$0x3FBB]  }
0x39: {  	_ = 	snop;
	(pc) =	sbr.ind lr, $3  }
0x3a: {  	_ = 	snop  }
0x3b: {  	_ = 	snop  }
0x3c: {  	p2 =	seq.s32 s10, $0x1;
	s10 =	sld [smem:$0x3FBA]  }
0x3d: {  	_ =	shalt  }
0x3e: {  	_ =	shalt  }
0x3f: {  	_ =	shalt  }
0x40: {  	_ =	shalt  }
0x41: {  	_ =	shalt  }
0x42: {  	_ =	shalt  }
0x43: {  	_ =	shalt  }
0x44: {  	_ =	shalt  }
0x45: {  	_ =	shalt  }
0x46: {  	_ =	shalt  }
0x47: {  	_ =	shalt  }
0x48: {  	_ =	shalt  }
0x49: {  	_ =	shalt  }
0x4a: {  	_ =	shalt  }
0x4b: {  	_ =	shalt  }
0x4c: {  	_ =	shalt  }
0x4d: {  	_ =	shalt  }
0x4e: {  	_ =	shalt  }
0x4f: {  	_ =	shalt  }
0x50: {  	_ =	shalt  }
0x51: {  	_ =	shalt  }
0x52: {  	_ =	shalt  }
0x53: {  	_ =	shalt  }
0x54: {  	_ =	shalt  }
0x55: {  	_ =	shalt  }
0x56: {  	_ =	shalt  }
0x57: {  	_ =	shalt  }
0x58: {  	_ =	shalt  }
0x59: {  	_ =	shalt  }
0x5a: {  	_ =	shalt  }
0x5b: {  	_ =	shalt  }
0x5c: {  	_ =	shalt  }
0x5d: {  	_ =	shalt  }
0x5e: {  	_ =	shalt  }
0x5f: {  	_ =	shalt  }
0x60: {  	_ =	shalt  }
0x61: {  	_ =	shalt  }
0x62: {  	_ =	shalt  }
0x63: {  	_ =	shalt  }
0x64: {  	_ =	shalt  }
0x65: {  	_ =	shalt  }
0x66: {  	_ =	shalt  }
0x67: {  	_ =	shalt  }
0x68: {  	_ =	shalt  }
0x69: {  	_ =	shalt  }
0x6a: {  	_ =	shalt  }
0x6b: {  	_ =	shalt  }
0x6c: {  	_ =	shalt  }
0x6d: {  	_ =	shalt  }
0x6e: {  	_ =	shalt  }
0x6f: {  	_ =	shalt  }
0x70: {  	_ =	shalt  }
0x71: {  	_ =	shalt  }
0x72: {  	_ =	shalt  }
0x73: {  	_ =	shalt  }
0x74: {  	_ =	shalt  }
0x75: {  	_ =	shalt  }
0x76: {  	_ =	shalt  }
0x77: {  	_ =	shalt  }
0x78: {  	_ =	shalt  }
0x79: {  	_ =	shalt  }
0x7a: {  	_ =	shalt  }
0x7b: {  	_ =	shalt  }
0x7c: {  	_ =	shalt  }
0x7d: {  	_ =	shalt  }
0x7e: {  	_ =	shalt  }
0x7f: {  	_ =	shalt  }
0x80: {  	_ =	shalt  }
0x81: {  	_ =	shalt  }
0x82: {  	_ =	shalt  }
0x83: {  	_ =	shalt  }
0x84: {  	_ =	shalt  }
0x85: {  	_ =	shalt  }
0x86: {  	_ =	shalt  }
0x87: {  	_ =	shalt  }
.Lfunc_end0:
.L_simem_size_0:
called_computation_lowered:
.L_overlay_start_0:
0x88: {  	s2 =	sld [smem:$0x3FD9]  }
0x89: {  	s3 =	sld [smem:$0x3FFE];
	_ =	sdelay $0x1  }
0x8a: {  	s1 =	srdreg.scid  }
0x8b: {  	s0 =	sand.u32 $0x1, s1  }
0x8c: {  	s17 =	sshll.u32 s0, $0xA;
	s2 =	sadd.s32 s3, s2  }
0x8d: {  	s2 =	sadd.s32 s2, s17  }
0x8e: {  	[smem:$0x3FC6] =	sst s2  }
0x8f: {  	_ = 	snop  }
0x90: {  	s2 =	sld [smem:$0x3FD0];
	(tm) =	ssettm $0x1  }
0x91: {  	s18 =	sld [smem:$0x3FFB];
	_ =	sdelay $0x3  }
0x92: {  	_ =	strace s18  }
0x93: {  	s3 =	sld [smem:$0x3FFC];
	_ =	sdelay $0x3  }
0x94: {  	_ =	strace s3  }
0x95: {  	s3 =	sld [smem:$0x3FFD];
	_ =	sdelay $0x3  }
0x96: {  	_ =	strace s3  }
0x97: {  	_ =	strace $0x8FFFFFFF  }
0x98: {  	s19 =	sld [smem:$0x3FDB];
	_ =	sdelay $0x1  }
0x99: {  	s4 =	simm.s32 $_scs_section_size  }
0x9a: {  	s5 =	simm.s32 $_size__tile_overlayer_lowered;
	s6 =	simm.s32 $_tile_overlayer_lowered  }
0x9b: {  	s22 =	simm.s32 $0x1BFF;
	s21 =	sshll.u32 s6, $0x1;
	s3 =	sadd.s32 s4, s19  }
0x9c: {  	s7 =	simm.s32 $0x0;
	s20 =	sshll.u32 s5, $0x1;
	s5 =	sadd.s32 s21, s3  }
0x9d: {  	[timem:s7], [sflag:s22] =	dma.local [hbm:s5], s20  }
0x9e: {  	_ =	swait.ge [sflag:s22], s20  }
0x9f: {  	s4 =	ssub.s32 $0x0, s20;
	[sflag:s22] =	ssyncset.done $0x0  }
0xa0: {  	[sflag:s22] =	ssyncadd.s32 s4;
	_ =	sdelay $0x1  }
0xa1: {  	s23 =	simm.s32 $0x1B8B  }
0xa2: {  	_ =	swait.ge [sflag:s23], $0x1  }
0xa3: {  	[sflag:s23] =	ssyncset.done $0x0  }
0xa4: {  	s25 =	simm.s32 $0x1B8E;
	s24 =	sld [smem:$0x3FFE];
	[sflag:s23] =	ssyncadd.s32 $0xFFFFFFFF  }
0xa5: {  	s26 =	simm.s32 $execute0_lowered;
	[smem:$0x3FD2] =	sst s25  }
0xa6: {  	s5 =	sshll.u32 s26, $0x1;
	_ =	strace $0x80000046;
	[dreg:$0x1] =	wrdreg $0xFFFFFFFF  }
0xa7: {  	s28 =	simm.s32 $_size_execute0_lowered;
	s3 =	sadd.s32 s3, s5;
	[dreg:$0x0] =	wrdreg $0x0  }
0xa8: {  	s5 =	sshll.u32 s28, $0x1;
	[dreg:$0x2] =	wrdreg s3  }
0xa9: {  	[dreg:$0x3] =	wrdreg s5  }
0xaa: {  	[dreg:$0x4] =	wrdreg $0xC0  }
0xab: {  	_ =	task [dreg:s7], $0x5FFFF  }
0xac: {  	[dreg:$0x1] =	wrdreg $0xFFFFFFFF  }
0xad: {  	[dreg:$0x0] =	wrdreg $0x60  }
0xae: {  	[dreg:$0x2] =	wrdreg s24  }
0xaf: {  	[dreg:$0x3] =	wrdreg s2  }
0xb0: {  	[dreg:$0x4] =	wrdreg $0x44000  }
0xb1: {  	[dreg:$0x5] =	wrdreg $0x9  }
0xb2: {  	_ =	task.clear_ibuf [dreg:s7], $0x6FFFF;
	_ =	strace $0x90000046  }
0xb3: {  	s29 =	simm.s32 $0x9;
	_ =	strace $0x80000048  }
0xb4: {  	_ =	swait.ge [sflag:s29], $0x1  }
0xb5: {  	[sflag:s29] =	ssyncadd.s32 $0xFFFFFFFF  }
0xb6: {  	_ =	strace $0x90000048  }
0xb7: {  	_ =	sfence  }
0xb8: {  	s30 =	sld [smem:$0x0];
	_ =	sdelay $0x2  }
0xb9: {  	s31 =	sshll.u32 s1, $0xD;
	s1 =	sshrl.u32 s1, $0x2  }
0xba: {  	s3 =	sand.u32 $0x4000, s31;
	s1 =	sadd.s32 s1, s30  }
0xbb: {  	s0 =	sor.u32 s3, s0;
	s1 =	sshll.u32 s1, $0x11  }
0xbc: {  	s0 =	sor.u32 s1, s0  }
0xbd: {  	s0 =	sadd.s32 $0x8F2B, s0  }
0xbe: {  	[sflag:s0] =	ssyncadd.remote.s32 $0x1  }
0xbf: {  	_ =	sfence.sel $0xFFFF  }
0xc0: {  	[dreg:$0x0] =	wrdreg $0xFFFFFFFF;
	(pc) =	sbr.abs _section_cstart, $3  }
0xc1: {  	[dreg:$0x1] =	wrdreg $0xFFFFFFFF  }
0xc2: {  	_ =	task.clear_ibuf [dreg:s7], $0x2FFFF;
	_ =	strace $0x9FFFFFFF  }
0xc3: {  	(tm) =	ssettm $0x7FFFFFFF  }
tec
execute0_lowered:
.L_overlay_start_1:
0x0: {  	(tag) =	ssettag $0x1  }
0x1: {  	s0 =	rddreg [dreg:$0x0]  }
0x2: {  	s1 =	rddreg [dreg:$0x1]  }
0x3: {  	s2 =	rddreg [dreg:$0x2];
	s3 =	simm.s32 $0x0;
	s4 =	srdreg.scid  }
0x4: {  	s18 =	stileid.u32;
	s31 =	simm.s32 $0x2;
	[smem:$0x7FF] =	sst s3  }
0x5: {  	s9 =	sand.u32 $0x1, s4;
	s4 =	smul.u32 $0x1900, s18;
	s5 =	sadd.s32 $0x400, s0  }
0x6: {  	s6 =	sadd.s32 $0xD400, s0;
	s11 =	sshll.u32 s18, $0x6;
	p0 =	sgt.u32 s18, $0xC  }
0x7: {  	_ =	strace $0x80000047;
	s7 =	ssub.s32 $0x2, s9;
	s13 =	smul.u32 $0x27AC400, s9  }
0x8: {  	s17 =	sshrl.u32 s7, $0x1;
	s12 =	sadd.s32 $0x4B000, s4;
	s29 =	sadd.s32 s4, s2  }
0x9: {  	s0 =	ssub.s32 s7, s17;
	s7 =	smul.u32 $0x34, s9;
	s8 =	sadd.s32 s4, s13  }
0xa: {  	s15 =	sadd.s32 s13, s12;
	s17 =	sadd.s32 $0x7D000, s4;
	s9 =	smul.u32 $0xD0000, s9  }
0xb: {  	[dreg:$0xe] =	wrdreg s29;
	s10 =	sshrl.u32 s8, $0x3;
	s8 =	sadd.s32 $0x19000, s4  }
0xc: {  	s15 =	sshrl.u32 s15, $0x3;
	s22 =	sadd.s32 s13, s17;
	s0 =	smax.u32 s0, $0x1  }
0xd: {  	s10 =	sadd.s32 s6, s10;
	s19 =	sadd.s32 s13, s8;
	s15 =	sadd.s32 s6, s15  }
0xe: {  	s1 =	sadd.s32 s9, s1;
	s24 =	sshrl.u32 s22, $0x3;
	[dreg:$0xc] =	wrdreg s0  }
0xf: {  	s30 =	sadd.s32 s8, s2;
	s0 =	sadd.s32 $0xC3500, s29;
	[dreg:$0x4] =	wrdreg s10  }
0x10: {  	s29 =	sor.u32 $0x2, s7;
	s10 =	sor.u32 $0x1C02, s11;
	[dreg:$0x7] =	wrdreg s15  }
0x11: {  	s14 =	sshrl.u32 s19, $0x3;
	s11 =	sadd.s32 $0x32000, s4;
	[dreg:$0xf] =	wrdreg s30  }
0x12: {  	s19 =	sadd.s32 $0x96000, s4;
	s9 =	sadd.s32 s6, s24;
	[dreg:$0x1d] =	wrdreg s29  }
0x13: {  	s0 =	sshrl.u32 s0, $0x3;
	s14 =	sadd.s32 s6, s14;
	[dreg:$0x9] =	wrdreg s9  }
0x14: {  	s20 =	sadd.s32 s13, s11;
	s23 =	sadd.s32 s13, s19;
	[dreg:$0x10] =	wrdreg s0  }
0x15: {  	s24 =	sadd.s32 s19, s2;
	[dreg:$0x5] =	wrdreg s14;
	s16 =	sshrl.u32 s20, $0x3  }
0x16: {  	s14 =	sadd.s32 $0x64000, s4;
	s20 =	sadd.s32 $0xAF000, s4;
	s25 =	sshrl.u32 s23, $0x3  }
0x17: {  	s23 =	sadd.s32 s17, s2;
	[dreg:$0x19] =	wrdreg s24;
	s16 =	sadd.s32 s6, s16  }
0x18: {  	s21 =	sadd.s32 s13, s14;
	s13 =	sadd.s32 s13, s20;
	[dreg:$0x18] =	wrdreg s23  }
0x19: {  	s26 =	sadd.s32 s6, s25;
	s25 =	sshll.u32 s18, $0xA;
	[dreg:$0x6] =	wrdreg s16  }
0x1a: {  	[dreg:$0xa] =	wrdreg s26;
	s28 =	sshrl.u32 s13, $0x3;
	s13 =	sadd.s32 s11, s2  }
0x1b: {  	s15 =	sshrl.u32 s21, $0x3;
	s16 =	sadd.s32 s14, s2;
	[dreg:$0x12] =	wrdreg s13  }
0x1c: {  	s26 =	sadd.s32 s20, s2;
	s15 =	sadd.s32 s6, s15;
	[dreg:$0x17] =	wrdreg s16  }
0x1d: {  	s9 =	sadd.s32 s6, s28;
	s0 =	sadd.s32 $0xC3500, s13;
	[dreg:$0x8] =	wrdreg s15  }
0x1e: {  	s21 =	sadd.s32 $0xC3500, s16;
	[dreg:$0xb] =	wrdreg s9;
	s0 =	sshrl.u32 s0, $0x3  }
0x1f: {  	s28 =	sadd.s32 $0xC3500, s24;
	s15 =	sadd.s32 s12, s2;
	[dreg:$0x14] =	wrdreg s0  }
0x20: {  	s16 =	simm.s32 $0x80;
	s22 =	sshrl.u32 s21, $0x3;
	[dreg:$0x13] =	wrdreg s15  }
0x21: {  	s9 =	sadd.s32 s25, s1;
	s1 =	sadd.s32 $0xC3500, s30;
	[dreg:$0x16] =	wrdreg s22  }
0x22: {  	s1 =	sshrl.u32 s1, $0x3;
	s18 =	sadd.s32 $0xC3500, s15;
	[dreg:$0xd] =	wrdreg s9  }
0x23: {  	s30 =	sadd.s32 $0x4000, s9;
	[dreg:$0x11] =	wrdreg s1;
	s0 =	sshrl.u32 s18, $0x3  }
.Ltmp0:
0x24: {  	[dreg:$0x15] =	wrdreg s0;
	s0 =	sadd.s32 $0xC3500, s23;
	(pc) =	sbr.rel .LBB2_1-.Ltmp0, $4  }
0x25: {  	s15 =	simm.s32 $0x3;
	[dreg:$0x1e] =	wrdreg s30;
	s0 =	sshrl.u32 s0, $0x3  }
0x26: {  	s1 =	sadd.s32 $0xC3500, s26;
	[dreg:$0x1a] =	wrdreg s0;
	s0 =	sshrl.u32 s28, $0x3  }
0x27: {  	s18 =	simm.s32 $0x1;
	[dreg:$0x1b] =	wrdreg s0;
	s0 =	sshrl.u32 @!p0 s1, $0x3  }
0x28: {  	s23 =	smov.u32 s26;
	s1 =	simm.s32 $0x0;
	[dreg:$0x1c] =	wrdreg s0  }
.LBB2_12:
0x29: {  	s1 =	rddreg [dreg:$0x1f]  }
0x2a: {  	s0 =	rddreg [dreg:$0xc];
	s1 =	sadd.s32 $0x1, s1  }
0x2b: {  	p1 =	sne.s32 s1, s0  }
.Ltmp1:
0x2c: {  	_ = 	snop;
	(pc) =	sbr.rel @!p1 .LBB2_13-.Ltmp1, $2  }
0x2d: {  	_ =	sdelay $0x1  }
0x2e: {  	[bflag:$0x0] =	sbarrier.arrive $0xFFFF;
	_ =	sdelay $0x1  }
.LBB2_1:
0x2f: {  	[dreg:$0x1f] =	wrdreg s1  }
0x30: {  	s0 =	rddreg [dreg:$0xe]  }
0x31: {  	s30 =	rddreg [dreg:$0x4];
	s0 =	sshrl.u32 s0, $0x3  }
0x32: {  	[spmem:s0], [sflag:s10] =	dma.local [hbm:s30], $0x320  }
0x33: {  	s0 =	rddreg [dreg:$0xf]  }
0x34: {  	s1 =	rddreg [dreg:$0x5];
	s0 =	sshrl.u32 s0, $0x3  }
0x35: {  	[spmem:s0], [sflag:s10] =	dma.local [hbm:s1], $0x320  }
0x36: {  	s0 =	rddreg [dreg:$0x12]  }
0x37: {  	s1 =	rddreg [dreg:$0x6];
	s0 =	sshrl.u32 s0, $0x3  }
0x38: {  	[spmem:s0], [sflag:s10] =	dma.local [hbm:s1], $0x320  }
0x39: {  	s0 =	rddreg [dreg:$0x13]  }
0x3a: {  	s1 =	rddreg [dreg:$0x7];
	s0 =	sshrl.u32 s0, $0x3  }
0x3b: {  	[spmem:s0], [sflag:s10] =	dma.local [hbm:s1], $0x320  }
0x3c: {  	s0 =	rddreg [dreg:$0x17]  }
0x3d: {  	s1 =	rddreg [dreg:$0x8];
	s0 =	sshrl.u32 s0, $0x3  }
0x3e: {  	[spmem:s0], [sflag:s10] =	dma.local [hbm:s1], $0x320  }
0x3f: {  	s0 =	rddreg [dreg:$0x18]  }
0x40: {  	s1 =	rddreg [dreg:$0x9];
	s0 =	sshrl.u32 s0, $0x3  }
0x41: {  	[spmem:s0], [sflag:s10] =	dma.local [hbm:s1], $0x320  }
0x42: {  	s0 =	rddreg [dreg:$0x19]  }
0x43: {  	s1 =	rddreg [dreg:$0xa];
	s0 =	sshrl.u32 s0, $0x3  }
0x44: {  	[spmem:s0], [sflag:s10] =	dma.local [hbm:s1], $0x320  }
0x45: {  	s0 =	sshrl.u32 @!p0 s23, $0x3;
	s1 =	rddreg [dreg:$0xb]  }
0x46: {  	[spmem:s0], [sflag:s10] =	dma.local @!p0 [hbm:s1], $0x320  }
0x47: {  	_ =	swait.ge [sflag:s31], $0x320  }
0x48: {  	[sflag:s31] =	ssyncset.done $0x0  }
0x49: {  	[sflag:s31] =	ssyncadd.s32 $0xFFFFFCE0  }
0x4a: {  	_ =	swait.ge [sflag:s31], $0x320  }
0x4b: {  	[sflag:s31] =	ssyncset.done $0x0  }
0x4c: {  	[sflag:s31] =	ssyncadd.s32 $0xFFFFFCE0  }
0x4d: {  	_ =	swait.ge [sflag:s31], $0x320  }
0x4e: {  	[sflag:s31] =	ssyncset.done $0x0  }
0x4f: {  	[sflag:s31] =	ssyncadd.s32 $0xFFFFFCE0  }
0x50: {  	_ =	swait.ge [sflag:s31], $0x320  }
0x51: {  	[sflag:s31] =	ssyncset.done $0x0  }
0x52: {  	[sflag:s31] =	ssyncadd.s32 $0xFFFFFCE0  }
0x53: {  	_ =	swait.ge [sflag:s31], $0x320  }
0x54: {  	[sflag:s31] =	ssyncset.done $0x0  }
0x55: {  	[sflag:s31] =	ssyncadd.s32 $0xFFFFFCE0  }
0x56: {  	_ =	swait.ge [sflag:s31], $0x320  }
0x57: {  	[sflag:s31] =	ssyncset.done $0x0  }
0x58: {  	[sflag:s31] =	ssyncadd.s32 $0xFFFFFCE0  }
0x59: {  	_ =	swait.ge [sflag:s31], $0x320  }
0x5a: {  	[sflag:s31] =	ssyncset.done $0x0  }
0x5b: {  	s0 =	simm.s32 @!p0 $0x2;
	[sflag:s31] =	ssyncadd.s32 $0xFFFFFCE0  }
0x5c: {  	_ =	swait.ge @!p0 [sflag:s0], $0x320  }
0x5d: {  	[sflag:s0] =	ssyncset.done @!p0 $0x0  }
0x5e: {  	[sflag:s0] =	ssyncadd.s32 @!p0 $0xFFFFFCE0  }
0x5f: {  	[bflag:$0x0] =	sbarrier.arrive $0xFFFF  }
0x60: {  	s24 =	rddreg [dreg:$0x1e]  }
0x61: {  	s1 =	simm.s32 $0x0;
	s26 =	rddreg [dreg:$0xd]  }
.LBB2_2:
0x62: {  	s28 =	sshll.u32 s1, $0x1  }
0x63: {  	s0 =	sadd.s32 s28, s7  }
0x64: {  	s30 =	sadd.s32 $0x1, s0  }
0x65: {  	s0 =	smul.u32 $0xC3500, s30;
	_ =	sdelay $0x1  }
0x66: {  	s9 =	sadd.s32 s4, s0  }
0x67: {  	s9 =	sshrl.u32 s9, $0x3  }
0x68: {  	s13 =	rddreg [dreg:$0x10];
	s22 =	sadd.s32 s8, s0;
	s9 =	sadd.s32 s6, s9  }
0x69: {  	[spmem:s13], [sflag:s10] =	dma.local [hbm:s9], $0x320  }
0x6a: {  	s9 =	sshrl.u32 s22, $0x3  }
0x6b: {  	s9 =	sadd.s32 s6, s9;
	s13 =	rddreg [dreg:$0x11]  }
0x6c: {  	[spmem:s13], [sflag:s10] =	dma.local [hbm:s9], $0x320  }
0x6d: {  	s13 =	sadd.s32 s11, s0  }
0x6e: {  	s9 =	sshrl.u32 s13, $0x3  }
0x6f: {  	s21 =	sadd.s32 s12, s0;
	s13 =	rddreg [dreg:$0x14];
	s9 =	sadd.s32 s6, s9  }
0x70: {  	[spmem:s13], [sflag:s10] =	dma.local [hbm:s9], $0x320  }
0x71: {  	s9 =	sshrl.u32 s21, $0x3  }
0x72: {  	s22 =	sadd.s32 s14, s0;
	s9 =	sadd.s32 s6, s9;
	s13 =	rddreg [dreg:$0x15]  }
0x73: {  	[spmem:s13], [sflag:s10] =	dma.local [hbm:s9], $0x320  }
0x74: {  	s9 =	sshrl.u32 s22, $0x3  }
0x75: {  	s9 =	sadd.s32 s6, s9;
	s13 =	rddreg [dreg:$0x16]  }
0x76: {  	[spmem:s13], [sflag:s10] =	dma.local [hbm:s9], $0x320  }
0x77: {  	s13 =	sadd.s32 s17, s0  }
0x78: {  	s9 =	sshrl.u32 s13, $0x3  }
0x79: {  	s21 =	sadd.s32 s19, s0;
	s13 =	rddreg [dreg:$0x1a];
	s9 =	sadd.s32 s6, s9  }
0x7a: {  	[spmem:s13], [sflag:s10] =	dma.local [hbm:s9], $0x320  }
0x7b: {  	s0 =	sadd.s32 @!p0 s20, s0;
	s9 =	sshrl.u32 s21, $0x3  }
0x7c: {  	s0 =	sshrl.u32 @!p0 s0, $0x3;
	s9 =	sadd.s32 s6, s9;
	s13 =	rddreg [dreg:$0x1b]  }
0x7d: {  	[spmem:s13], [sflag:s10] =	dma.local [hbm:s9], $0x320  }
0x7e: {  	s22 =	sadd.s32 s7, s28;
	s0 =	sadd.s32 @!p0 s6, s0;
	s9 =	rddreg [dreg:$0x1c]  }
0x7f: {  	[spmem:s9], [sflag:s10] =	dma.local @!p0 [hbm:s0], $0x320  }
0x80: {  	s0 =	sshll.u32 s22, $0xC  }
0x81: {  	s0 =	sand.u32 $0x7C000, s0  }
0x82: {  	s0 =	sor.u32 s25, s0  }
0x83: {  	s0 =	sshrl.u32 s0, $0x3  }
0x84: {  	s29 =	simm.s32 $0x0;
	s0 =	sadd.s32 s5, s0  }
0x85: {  	[tilespmem:s29], [sflag:$0x3] =	stream.linear.gather [hbm4b:s0+s29], $0x400, $0x38;
	[tilespmem:$0x1CAA0] =	vst v63  }
0x86: {  	_ =	swait.ge [sflag:s15], $0x400  }
0x87: {  	[sflag:s15] =	ssyncset.done $0x0  }
0x88: {  	s9 =	simm.s32 $0x0;
	s0 =	simm.s32 $0x2400;
	[sflag:s15] =	ssyncadd.s32 $0xFFFFFC00  }
.LBB2_3:
0x89: {  	v0 =	vld [tilespmem:$0x0];
	_ =	sdelay $0x4  }
0x8a: {  	s13 =	sshra.s32 s9, $0x2;
	v0 =	vadd.s32 s29, v0  }
0x8b: {  	[tilespmem:s13+$0x400] =	vst v0  }
0x8c: {  	v0 =	vld [tilespmem:$0x10];
	_ =	sdelay $0x4  }
0x8d: {  	v0 =	vadd.s32 s29, v0  }
0x8e: {  	[tilespmem:s13+$0x410] =	vst v0  }
0x8f: {  	v0 =	vld [tilespmem:$0x20];
	_ =	sdelay $0x4  }
0x90: {  	v0 =	vadd.s32 s29, v0  }
0x91: {  	[tilespmem:s13+$0x420] =	vst v0  }
0x92: {  	v0 =	vld [tilespmem:$0x30];
	_ =	sdelay $0x4  }
0x93: {  	v0 =	vadd.s32 s29, v0  }
0x94: {  	[tilespmem:s13+$0x430] =	vst v0  }
0x95: {  	v0 =	vld [tilespmem:$0x40];
	_ =	sdelay $0x4  }
0x96: {  	v0 =	vadd.s32 s29, v0  }
0x97: {  	[tilespmem:s13+$0x440] =	vst v0  }
0x98: {  	v0 =	vld [tilespmem:$0x50];
	_ =	sdelay $0x4  }
0x99: {  	v0 =	vadd.s32 s29, v0  }
0x9a: {  	[tilespmem:s13+$0x450] =	vst v0  }
0x9b: {  	v0 =	vld [tilespmem:$0x60];
	_ =	sdelay $0x4  }
0x9c: {  	v0 =	vadd.s32 s29, v0  }
0x9d: {  	[tilespmem:s13+$0x460] =	vst v0  }
0x9e: {  	v0 =	vld [tilespmem:$0x70];
	_ =	sdelay $0x4  }
0x9f: {  	v0 =	vadd.s32 s29, v0  }
0xa0: {  	s21 =	sadd.s32 $0x400, s13;
	[tilespmem:s13+$0x470] =	vst v0  }
0xa1: {  	[tilespmem:s0], [sflag:$0x1] =	stream.indirect.gather [spmem:s2], $0x1, s21, s16, $0xb8;
	[tilespmem:$0x1CAA0] =	vst v63  }
0xa2: {  	v0 =	vld [tilespmem:$0x80];
	_ =	sdelay $0x4  }
0xa3: {  	v0 =	vadd.s32 s29, v0  }
0xa4: {  	[tilespmem:s13+$0x480] =	vst v0  }
0xa5: {  	v0 =	vld [tilespmem:$0x90];
	_ =	sdelay $0x4  }
0xa6: {  	v0 =	vadd.s32 s29, v0  }
0xa7: {  	[tilespmem:s13+$0x490] =	vst v0  }
0xa8: {  	v0 =	vld [tilespmem:$0xA0];
	_ =	sdelay $0x4  }
0xa9: {  	v0 =	vadd.s32 s29, v0  }
0xaa: {  	[tilespmem:s13+$0x4A0] =	vst v0  }
0xab: {  	v0 =	vld [tilespmem:$0xB0];
	_ =	sdelay $0x4  }
0xac: {  	v0 =	vadd.s32 s29, v0  }
0xad: {  	[tilespmem:s13+$0x4B0] =	vst v0  }
0xae: {  	v0 =	vld [tilespmem:$0xC0];
	_ =	sdelay $0x4  }
0xaf: {  	v0 =	vadd.s32 s29, v0  }
0xb0: {  	[tilespmem:s13+$0x4C0] =	vst v0  }
0xb1: {  	v0 =	vld [tilespmem:$0xD0];
	_ =	sdelay $0x4  }
0xb2: {  	v0 =	vadd.s32 s29, v0  }
0xb3: {  	[tilespmem:s13+$0x4D0] =	vst v0  }
0xb4: {  	v0 =	vld [tilespmem:$0xE0];
	_ =	sdelay $0x4  }
0xb5: {  	v0 =	vadd.s32 s29, v0  }
0xb6: {  	[tilespmem:s13+$0x4E0] =	vst v0  }
0xb7: {  	v0 =	vld [tilespmem:$0xF0];
	_ =	sdelay $0x4  }
0xb8: {  	v0 =	vadd.s32 s29, v0  }
0xb9: {  	s22 =	sadd.s32 $0x400, s0;
	s21 =	sadd.s32 $0x480, s13;
	[tilespmem:s13+$0x4F0] =	vst v0  }
0xba: {  	[tilespmem:s22], [sflag:$0x1] =	stream.indirect.gather [spmem:s2], $0x1, s21, s16, $0xb8;
	[tilespmem:$0x1CAA0] =	vst v63  }
0xbb: {  	v0 =	vld [tilespmem:$0x100];
	_ =	sdelay $0x4  }
0xbc: {  	v0 =	vadd.s32 s29, v0  }
0xbd: {  	[tilespmem:s13+$0x500] =	vst v0  }
0xbe: {  	v0 =	vld [tilespmem:$0x110];
	_ =	sdelay $0x4  }
0xbf: {  	v0 =	vadd.s32 s29, v0  }
0xc0: {  	[tilespmem:s13+$0x510] =	vst v0  }
0xc1: {  	v0 =	vld [tilespmem:$0x120];
	_ =	sdelay $0x4  }
0xc2: {  	v0 =	vadd.s32 s29, v0  }
0xc3: {  	[tilespmem:s13+$0x520] =	vst v0  }
0xc4: {  	v0 =	vld [tilespmem:$0x130];
	_ =	sdelay $0x4  }
0xc5: {  	v0 =	vadd.s32 s29, v0  }
0xc6: {  	[tilespmem:s13+$0x530] =	vst v0  }
0xc7: {  	v0 =	vld [tilespmem:$0x140];
	_ =	sdelay $0x4  }
0xc8: {  	v0 =	vadd.s32 s29, v0  }
0xc9: {  	[tilespmem:s13+$0x540] =	vst v0  }
0xca: {  	v0 =	vld [tilespmem:$0x150];
	_ =	sdelay $0x4  }
0xcb: {  	v0 =	vadd.s32 s29, v0  }
0xcc: {  	[tilespmem:s13+$0x550] =	vst v0  }
0xcd: {  	v0 =	vld [tilespmem:$0x160];
	_ =	sdelay $0x4  }
0xce: {  	v0 =	vadd.s32 s29, v0  }
0xcf: {  	[tilespmem:s13+$0x560] =	vst v0  }
0xd0: {  	v0 =	vld [tilespmem:$0x170];
	_ =	sdelay $0x4  }
0xd1: {  	v0 =	vadd.s32 s29, v0  }
0xd2: {  	s21 =	sadd.s32 $0x500, s13;
	s22 =	sadd.s32 $0x800, s0;
	[tilespmem:s13+$0x570] =	vst v0  }
0xd3: {  	[tilespmem:s22], [sflag:$0x1] =	stream.indirect.gather [spmem:s2], $0x1, s21, s16, $0xb8;
	[tilespmem:$0x1CAA0] =	vst v63  }
0xd4: {  	v0 =	vld [tilespmem:$0x180];
	_ =	sdelay $0x4  }
0xd5: {  	v0 =	vadd.s32 s29, v0  }
0xd6: {  	[tilespmem:s13+$0x580] =	vst v0  }
0xd7: {  	v0 =	vld [tilespmem:$0x190];
	_ =	sdelay $0x4  }
0xd8: {  	v0 =	vadd.s32 s29, v0  }
0xd9: {  	[tilespmem:s13+$0x590] =	vst v0  }
0xda: {  	v0 =	vld [tilespmem:$0x1A0];
	_ =	sdelay $0x4  }
0xdb: {  	v0 =	vadd.s32 s29, v0  }
0xdc: {  	[tilespmem:s13+$0x5A0] =	vst v0  }
0xdd: {  	v0 =	vld [tilespmem:$0x1B0];
	_ =	sdelay $0x4  }
0xde: {  	v0 =	vadd.s32 s29, v0  }
0xdf: {  	[tilespmem:s13+$0x5B0] =	vst v0  }
0xe0: {  	v0 =	vld [tilespmem:$0x1C0];
	_ =	sdelay $0x4  }
0xe1: {  	v0 =	vadd.s32 s29, v0  }
0xe2: {  	[tilespmem:s13+$0x5C0] =	vst v0  }
0xe3: {  	v0 =	vld [tilespmem:$0x1D0];
	_ =	sdelay $0x4  }
0xe4: {  	v0 =	vadd.s32 s29, v0  }
0xe5: {  	[tilespmem:s13+$0x5D0] =	vst v0  }
0xe6: {  	v0 =	vld [tilespmem:$0x1E0];
	_ =	sdelay $0x4  }
0xe7: {  	v0 =	vadd.s32 s29, v0  }
0xe8: {  	[tilespmem:s13+$0x5E0] =	vst v0  }
0xe9: {  	v0 =	vld [tilespmem:$0x1F0];
	_ =	sdelay $0x4  }
0xea: {  	v0 =	vadd.s32 s29, v0  }
0xeb: {  	s21 =	sadd.s32 $0x580, s13;
	s22 =	sadd.s32 $0xC00, s0;
	[tilespmem:s13+$0x5F0] =	vst v0  }
0xec: {  	[tilespmem:s22], [sflag:$0x1] =	stream.indirect.gather [spmem:s2], $0x1, s21, s16, $0xb8;
	[tilespmem:$0x1CAA0] =	vst v63  }
0xed: {  	v0 =	vld [tilespmem:$0x200];
	_ =	sdelay $0x4  }
0xee: {  	v0 =	vadd.s32 s29, v0  }
0xef: {  	[tilespmem:s13+$0x600] =	vst v0  }
0xf0: {  	v0 =	vld [tilespmem:$0x210];
	_ =	sdelay $0x4  }
0xf1: {  	v0 =	vadd.s32 s29, v0  }
0xf2: {  	[tilespmem:s13+$0x610] =	vst v0  }
0xf3: {  	v0 =	vld [tilespmem:$0x220];
	_ =	sdelay $0x4  }
0xf4: {  	v0 =	vadd.s32 s29, v0  }
0xf5: {  	[tilespmem:s13+$0x620] =	vst v0  }
0xf6: {  	v0 =	vld [tilespmem:$0x230];
	_ =	sdelay $0x4  }
0xf7: {  	v0 =	vadd.s32 s29, v0  }
0xf8: {  	[tilespmem:s13+$0x630] =	vst v0  }
0xf9: {  	v0 =	vld [tilespmem:$0x240];
	_ =	sdelay $0x4  }
0xfa: {  	v0 =	vadd.s32 s29, v0  }
0xfb: {  	[tilespmem:s13+$0x640] =	vst v0  }
0xfc: {  	v0 =	vld [tilespmem:$0x250];
	_ =	sdelay $0x4  }
0xfd: {  	v0 =	vadd.s32 s29, v0  }
0xfe: {  	[tilespmem:s13+$0x650] =	vst v0  }
0xff: {  	v0 =	vld [tilespmem:$0x260];
	_ =	sdelay $0x4  }
0x100: {  	v0 =	vadd.s32 s29, v0  }
0x101: {  	[tilespmem:s13+$0x660] =	vst v0  }
0x102: {  	v0 =	vld [tilespmem:$0x270];
	_ =	sdelay $0x4  }
0x103: {  	v0 =	vadd.s32 s29, v0  }
0x104: {  	s21 =	sadd.s32 $0x600, s13;
	s22 =	sadd.s32 $0x1000, s0;
	[tilespmem:s13+$0x670] =	vst v0  }
0x105: {  	[tilespmem:s22], [sflag:$0x1] =	stream.indirect.gather [spmem:s2], $0x1, s21, s16, $0xb8;
	[tilespmem:$0x1CAA0] =	vst v63  }
0x106: {  	v0 =	vld [tilespmem:$0x280];
	_ =	sdelay $0x4  }
0x107: {  	v0 =	vadd.s32 s29, v0  }
0x108: {  	[tilespmem:s13+$0x680] =	vst v0  }
0x109: {  	v0 =	vld [tilespmem:$0x290];
	_ =	sdelay $0x4  }
0x10a: {  	v0 =	vadd.s32 s29, v0  }
0x10b: {  	[tilespmem:s13+$0x690] =	vst v0  }
0x10c: {  	v0 =	vld [tilespmem:$0x2A0];
	_ =	sdelay $0x4  }
0x10d: {  	v0 =	vadd.s32 s29, v0  }
0x10e: {  	[tilespmem:s13+$0x6A0] =	vst v0  }
0x10f: {  	v0 =	vld [tilespmem:$0x2B0];
	_ =	sdelay $0x4  }
0x110: {  	v0 =	vadd.s32 s29, v0  }
0x111: {  	[tilespmem:s13+$0x6B0] =	vst v0  }
0x112: {  	v0 =	vld [tilespmem:$0x2C0];
	_ =	sdelay $0x4  }
0x113: {  	v0 =	vadd.s32 s29, v0  }
0x114: {  	[tilespmem:s13+$0x6C0] =	vst v0  }
0x115: {  	v0 =	vld [tilespmem:$0x2D0];
	_ =	sdelay $0x4  }
0x116: {  	v0 =	vadd.s32 s29, v0  }
0x117: {  	[tilespmem:s13+$0x6D0] =	vst v0  }
0x118: {  	v0 =	vld [tilespmem:$0x2E0];
	_ =	sdelay $0x4  }
0x119: {  	v0 =	vadd.s32 s29, v0  }
0x11a: {  	[tilespmem:s13+$0x6E0] =	vst v0  }
0x11b: {  	v0 =	vld [tilespmem:$0x2F0];
	_ =	sdelay $0x4  }
0x11c: {  	v0 =	vadd.s32 s29, v0  }
0x11d: {  	s21 =	sadd.s32 $0x680, s13;
	s22 =	sadd.s32 $0x1400, s0;
	[tilespmem:s13+$0x6F0] =	vst v0  }
0x11e: {  	[tilespmem:s22], [sflag:$0x1] =	stream.indirect.gather [spmem:s2], $0x1, s21, s16, $0xb8;
	[tilespmem:$0x1CAA0] =	vst v63  }
0x11f: {  	v0 =	vld [tilespmem:$0x300];
	_ =	sdelay $0x4  }
0x120: {  	v0 =	vadd.s32 s29, v0  }
0x121: {  	[tilespmem:s13+$0x700] =	vst v0  }
0x122: {  	v0 =	vld [tilespmem:$0x310];
	_ =	sdelay $0x4  }
0x123: {  	v0 =	vadd.s32 s29, v0  }
0x124: {  	[tilespmem:s13+$0x710] =	vst v0  }
0x125: {  	v0 =	vld [tilespmem:$0x320];
	_ =	sdelay $0x4  }
0x126: {  	v0 =	vadd.s32 s29, v0  }
0x127: {  	[tilespmem:s13+$0x720] =	vst v0  }
0x128: {  	v0 =	vld [tilespmem:$0x330];
	_ =	sdelay $0x4  }
0x129: {  	v0 =	vadd.s32 s29, v0  }
0x12a: {  	[tilespmem:s13+$0x730] =	vst v0  }
0x12b: {  	v0 =	vld [tilespmem:$0x340];
	_ =	sdelay $0x4  }
0x12c: {  	v0 =	vadd.s32 s29, v0  }
0x12d: {  	[tilespmem:s13+$0x740] =	vst v0  }
0x12e: {  	v0 =	vld [tilespmem:$0x350];
	_ =	sdelay $0x4  }
0x12f: {  	v0 =	vadd.s32 s29, v0  }
0x130: {  	[tilespmem:s13+$0x750] =	vst v0  }
0x131: {  	v0 =	vld [tilespmem:$0x360];
	_ =	sdelay $0x4  }
0x132: {  	v0 =	vadd.s32 s29, v0  }
0x133: {  	[tilespmem:s13+$0x760] =	vst v0  }
0x134: {  	v0 =	vld [tilespmem:$0x370];
	_ =	sdelay $0x4  }
0x135: {  	v0 =	vadd.s32 s29, v0  }
0x136: {  	s21 =	sadd.s32 $0x700, s13;
	s22 =	sadd.s32 $0x1800, s0;
	[tilespmem:s13+$0x770] =	vst v0  }
0x137: {  	[tilespmem:s22], [sflag:$0x1] =	stream.indirect.gather [spmem:s2], $0x1, s21, s16, $0xb8;
	[tilespmem:$0x1CAA0] =	vst v63  }
0x138: {  	v0 =	vld [tilespmem:$0x380];
	_ =	sdelay $0x4  }
0x139: {  	v0 =	vadd.s32 s29, v0  }
0x13a: {  	[tilespmem:s13+$0x780] =	vst v0  }
0x13b: {  	v0 =	vld [tilespmem:$0x390];
	_ =	sdelay $0x4  }
0x13c: {  	v0 =	vadd.s32 s29, v0  }
0x13d: {  	[tilespmem:s13+$0x790] =	vst v0  }
0x13e: {  	v0 =	vld [tilespmem:$0x3A0];
	_ =	sdelay $0x4  }
0x13f: {  	v0 =	vadd.s32 s29, v0  }
0x140: {  	[tilespmem:s13+$0x7A0] =	vst v0  }
0x141: {  	v0 =	vld [tilespmem:$0x3B0];
	_ =	sdelay $0x4  }
0x142: {  	v0 =	vadd.s32 s29, v0  }
0x143: {  	[tilespmem:s13+$0x7B0] =	vst v0  }
0x144: {  	v0 =	vld [tilespmem:$0x3C0];
	_ =	sdelay $0x4  }
0x145: {  	v0 =	vadd.s32 s29, v0  }
0x146: {  	[tilespmem:s13+$0x7C0] =	vst v0  }
0x147: {  	v0 =	vld [tilespmem:$0x3D0];
	_ =	sdelay $0x4  }
0x148: {  	v0 =	vadd.s32 s29, v0  }
0x149: {  	[tilespmem:s13+$0x7D0] =	vst v0  }
0x14a: {  	v0 =	vld [tilespmem:$0x3E0];
	_ =	sdelay $0x4  }
0x14b: {  	v0 =	vadd.s32 s29, v0  }
0x14c: {  	[tilespmem:s13+$0x7E0] =	vst v0  }
0x14d: {  	v0 =	vld [tilespmem:$0x3F0];
	_ =	sdelay $0x1  }
0x14e: {  	p1 =	sne.s32 s9, $0x7000  }
.Ltmp2:
0x14f: {  	_ = 	snop;
	(pc) =	sbr.rel @p1 .LBB2_3-.Ltmp2, $4  }
0x150: {  	_ = 	snop  }
0x151: {  	s9 =	sadd.s32 $0x1000, s9;
	s21 =	sadd.s32 $0x780, s13;
	v0 =	vadd.s32 s29, v0  }
0x152: {  	s22 =	sadd.s32 $0x1C00, s0;
	s0 =	sadd.s32 $0x80, s0;
	s29 =	sadd.s32 $0x186A0, s29;
	[tilespmem:s13+$0x7F0] =	vst v0  }
0x153: {  	[tilespmem:s22], [sflag:$0x1] =	stream.indirect.gather [spmem:s2], $0x1, s21, s16, $0xb8;
	[tilespmem:$0x1CAA0] =	vst v63  }
0x154: {  	_ =	swait.ge [sflag:s18], $0x2000  }
0x155: {  	[sflag:s18] =	ssyncset.done $0x0  }
0x156: {  	s0 =	simm.s32 $0x2400;
	[sflag:s18] =	ssyncadd.s32 $0xFFFFE000  }
0x157: {  	[hbm4b:s26+s3] =	stream.linear.scatter [tilespmem:s0], [sflag:$0x3], $0x80, $0x38;
	[tilespmem:$0x1CAA0] =	vst v63  }
0x158: {  	s29 =	simm.s32 $0x2800;
	s9 =	sadd.s32 $0x80, s26  }
0x159: {  	[hbm4b:s9+s3] =	stream.linear.scatter [tilespmem:s29], [sflag:$0x3], $0x80, $0x38;
	[tilespmem:$0x1CAA0] =	vst v63  }
0x15a: {  	s13 =	simm.s32 $0x2C00;
	s21 =	sadd.s32 $0x100, s26  }
0x15b: {  	[hbm4b:s21+s3] =	stream.linear.scatter [tilespmem:s13], [sflag:$0x3], $0x80, $0x38;
	[tilespmem:$0x1CAA0] =	vst v63  }
0x15c: {  	s22 =	simm.s32 $0x3000;
	s29 =	sadd.s32 $0x180, s26  }
0x15d: {  	[hbm4b:s29+s3] =	stream.linear.scatter [tilespmem:s22], [sflag:$0x3], $0x80, $0x38;
	[tilespmem:$0x1CAA0] =	vst v63  }
0x15e: {  	s13 =	simm.s32 $0x3400;
	s21 =	sadd.s32 $0x200, s26  }
0x15f: {  	[hbm4b:s21+s3] =	stream.linear.scatter [tilespmem:s13], [sflag:$0x3], $0x80, $0x38;
	[tilespmem:$0x1CAA0] =	vst v63  }
0x160: {  	s22 =	simm.s32 $0x3800;
	s29 =	sadd.s32 $0x280, s26  }
0x161: {  	[hbm4b:s29+s3] =	stream.linear.scatter [tilespmem:s22], [sflag:$0x3], $0x80, $0x38;
	[tilespmem:$0x1CAA0] =	vst v63  }
0x162: {  	s13 =	simm.s32 $0x3C00;
	s21 =	sadd.s32 $0x300, s26  }
0x163: {  	[hbm4b:s21+s3] =	stream.linear.scatter [tilespmem:s13], [sflag:$0x3], $0x80, $0x38;
	[tilespmem:$0x1CAA0] =	vst v63  }
0x164: {  	s22 =	simm.s32 $0x4000;
	s29 =	sadd.s32 $0x380, s26  }
0x165: {  	[hbm4b:s29+s3] =	stream.linear.scatter [tilespmem:s22], [sflag:$0x3], $0x80, $0x38;
	[tilespmem:$0x1CAA0] =	vst v63  }
0x166: {  	s0 =	sadd.s32 $0x10, s26;
	_ =	swait.ge [sflag:s15], $0x400  }
0x167: {  	s9 =	simm.s32 $0x200;
	s13 =	simm.s32 $0x400;
	[sflag:s15] =	ssyncset.done $0x0  }
.LBB2_5:
0x168: {  	s21 =	sshra.s32 s9, $0x2  }
0x169: {  	[sflag:s15] =	ssyncadd.s32 $0xFFFFFC00;
	s9 =	smov.u32 s13;
	s22 =	sadd.s32 $0x200, s13  }
0x16a: {  	p1 =	sne.s32 s13, $0xE00;
	s13 =	sadd.s32 $0x2400, s21  }
0x16b: {  	[hbm4b:s0+s3] =	stream.linear.scatter [tilespmem:s13], [sflag:$0x3], $0x80, $0x38;
	[tilespmem:$0x1CAA0] =	vst v63  }
0x16c: {  	s29 =	sadd.s32 $0x80, s0;
	s13 =	sadd.s32 $0x2800, s21  }
0x16d: {  	[hbm4b:s29+s3] =	stream.linear.scatter [tilespmem:s13], [sflag:$0x3], $0x80, $0x38;
	[tilespmem:$0x1CAA0] =	vst v63  }
0x16e: {  	s13 =	sadd.s32 $0x2C00, s21;
	s29 =	sadd.s32 $0x100, s0  }
0x16f: {  	[hbm4b:s29+s3] =	stream.linear.scatter [tilespmem:s13], [sflag:$0x3], $0x80, $0x38;
	[tilespmem:$0x1CAA0] =	vst v63  }
0x170: {  	s13 =	sadd.s32 $0x3000, s21;
	s29 =	sadd.s32 $0x180, s0  }
0x171: {  	[hbm4b:s29+s3] =	stream.linear.scatter [tilespmem:s13], [sflag:$0x3], $0x80, $0x38;
	[tilespmem:$0x1CAA0] =	vst v63  }
0x172: {  	s13 =	sadd.s32 $0x3400, s21;
	s29 =	sadd.s32 $0x200, s0  }
0x173: {  	[hbm4b:s29+s3] =	stream.linear.scatter [tilespmem:s13], [sflag:$0x3], $0x80, $0x38;
	[tilespmem:$0x1CAA0] =	vst v63  }
0x174: {  	s13 =	sadd.s32 $0x3800, s21;
	s29 =	sadd.s32 $0x280, s0  }
0x175: {  	[hbm4b:s29+s3] =	stream.linear.scatter [tilespmem:s13], [sflag:$0x3], $0x80, $0x38;
	[tilespmem:$0x1CAA0] =	vst v63  }
0x176: {  	s13 =	sadd.s32 $0x3C00, s21;
	s29 =	sadd.s32 $0x300, s0  }
0x177: {  	[hbm4b:s29+s3] =	stream.linear.scatter [tilespmem:s13], [sflag:$0x3], $0x80, $0x38;
	[tilespmem:$0x1CAA0] =	vst v63  }
.Ltmp3:
0x178: {  	_ = 	snop;
	(pc) =	sbr.rel @p1 .LBB2_5-.Ltmp3, $4  }
0x179: {  	s13 =	sadd.s32 $0x4000, s21;
	s21 =	sadd.s32 $0x380, s0  }
0x17a: {  	[hbm4b:s21+s3] =	stream.linear.scatter [tilespmem:s13], [sflag:$0x3], $0x80, $0x38;
	[tilespmem:$0x1CAA0] =	vst v63  }
0x17b: {  	_ =	swait.ge [sflag:s15], $0x400  }
0x17c: {  	s0 =	sadd.s32 $0x10, s0;
	s13 =	smov.u32 s22;
	[sflag:s15] =	ssyncset.done $0x0  }
0x17d: {  	s9 =	sshra.s32 s9, $0x2  }
0x17e: {  	[sflag:s15] =	ssyncadd.s32 $0xFFFFFC00;
	s13 =	sadd.s32 $0x2400, s9  }
0x17f: {  	[hbm4b:s0+s3] =	stream.linear.scatter [tilespmem:s13], [sflag:$0x3], $0x80, $0x38;
	[tilespmem:$0x1CAA0] =	vst v63  }
0x180: {  	s21 =	sadd.s32 $0x80, s0;
	s29 =	sadd.s32 $0x2800, s9  }
0x181: {  	[hbm4b:s21+s3] =	stream.linear.scatter [tilespmem:s29], [sflag:$0x3], $0x80, $0x38;
	[tilespmem:$0x1CAA0] =	vst v63  }
0x182: {  	s22 =	sadd.s32 $0x2C00, s9;
	s29 =	sadd.s32 $0x100, s0  }
0x183: {  	[hbm4b:s29+s3] =	stream.linear.scatter [tilespmem:s22], [sflag:$0x3], $0x80, $0x38;
	[tilespmem:$0x1CAA0] =	vst v63  }
0x184: {  	s22 =	sadd.s32 $0x3000, s9;
	s29 =	sadd.s32 $0x180, s0  }
0x185: {  	[hbm4b:s29+s3] =	stream.linear.scatter [tilespmem:s22], [sflag:$0x3], $0x80, $0x38;
	[tilespmem:$0x1CAA0] =	vst v63  }
0x186: {  	s22 =	sadd.s32 $0x3400, s9;
	s29 =	sadd.s32 $0x200, s0  }
0x187: {  	[hbm4b:s29+s3] =	stream.linear.scatter [tilespmem:s22], [sflag:$0x3], $0x80, $0x38;
	[tilespmem:$0x1CAA0] =	vst v63  }
0x188: {  	s22 =	sadd.s32 $0x3800, s9;
	s29 =	sadd.s32 $0x280, s0  }
0x189: {  	[hbm4b:s29+s3] =	stream.linear.scatter [tilespmem:s22], [sflag:$0x3], $0x80, $0x38;
	[tilespmem:$0x1CAA0] =	vst v63  }
0x18a: {  	s21 =	sadd.s32 $0x3C00, s9;
	s22 =	sadd.s32 $0x300, s0  }
0x18b: {  	[hbm4b:s22+s3] =	stream.linear.scatter [tilespmem:s21], [sflag:$0x3], $0x80, $0x38;
	[tilespmem:$0x1CAA0] =	vst v63  }
0x18c: {  	s9 =	sadd.s32 $0x4000, s9;
	s29 =	sadd.s32 $0x380, s0  }
0x18d: {  	[hbm4b:s29+s3] =	stream.linear.scatter [tilespmem:s9], [sflag:$0x3], $0x80, $0x38;
	[tilespmem:$0x1CAA0] =	vst v63  }
0x18e: {  	_ =	swait.ge [sflag:s15], $0x400  }
0x18f: {  	[sflag:s15] =	ssyncset.done $0x0  }
0x190: {  	[sflag:s15] =	ssyncadd.s32 $0xFFFFFC00  }
0x191: {  	_ =	swait.ge [sflag:s31], $0x320  }
0x192: {  	[sflag:s31] =	ssyncset.done $0x0  }
0x193: {  	[sflag:s31] =	ssyncadd.s32 $0xFFFFFCE0  }
0x194: {  	_ =	swait.ge [sflag:s31], $0x320  }
0x195: {  	[sflag:s31] =	ssyncset.done $0x0  }
0x196: {  	[sflag:s31] =	ssyncadd.s32 $0xFFFFFCE0  }
0x197: {  	_ =	swait.ge [sflag:s31], $0x320  }
0x198: {  	[sflag:s31] =	ssyncset.done $0x0  }
0x199: {  	[sflag:s31] =	ssyncadd.s32 $0xFFFFFCE0  }
0x19a: {  	_ =	swait.ge [sflag:s31], $0x320  }
0x19b: {  	[sflag:s31] =	ssyncset.done $0x0  }
0x19c: {  	[sflag:s31] =	ssyncadd.s32 $0xFFFFFCE0  }
0x19d: {  	_ =	swait.ge [sflag:s31], $0x320  }
0x19e: {  	[sflag:s31] =	ssyncset.done $0x0  }
0x19f: {  	[sflag:s31] =	ssyncadd.s32 $0xFFFFFCE0  }
0x1a0: {  	_ =	swait.ge [sflag:s31], $0x320  }
0x1a1: {  	[sflag:s31] =	ssyncset.done $0x0  }
0x1a2: {  	[sflag:s31] =	ssyncadd.s32 $0xFFFFFCE0  }
0x1a3: {  	_ =	swait.ge [sflag:s31], $0x320  }
0x1a4: {  	p1 =	seq.s32 s1, $0x19;
	[sflag:s31] =	ssyncset.done $0x0  }
0x1a5: {  	s9 =	simm.s32 @!p0 $0x2;
	s0 =	rddreg [dreg:$0x1d];
	[sflag:s31] =	ssyncadd.s32 $0xFFFFFCE0  }
0x1a6: {  	s0 =	sadd.s32 @!p1 s28, s0;
	_ =	swait.ge @!p0 [sflag:s9], $0x320  }
0x1a7: {  	s0 =	smul.u32 @!p1 $0xC3500, s0;
	[sflag:s9] =	ssyncset.done @!p0 $0x0  }
0x1a8: {  	[sflag:s9] =	ssyncadd.s32 @!p0 $0xFFFFFCE0  }
0x1a9: {  	s13 =	sadd.s32 @!p1 s4, s0;
	[bflag:$0x0] =	sbarrier.arrive $0xFFFF  }
0x1aa: {  	s9 =	sshrl.u32 @!p1 s13, $0x3;
	s13 =	rddreg [dreg:$0xe]  }
0x1ab: {  	s9 =	sadd.s32 @!p1 s6, s9;
	s13 =	sshrl.u32 @!p1 s13, $0x3  }
0x1ac: {  	[spmem:s13], [sflag:s10] =	dma.local @!p1 [hbm:s9], $0x320  }
0x1ad: {  	s9 =	sadd.s32 @!p1 s8, s0  }
0x1ae: {  	s9 =	sshrl.u32 @!p1 s9, $0x3;
	s13 =	rddreg [dreg:$0xf]  }
0x1af: {  	s9 =	sadd.s32 @!p1 s6, s9;
	s13 =	sshrl.u32 @!p1 s13, $0x3  }
0x1b0: {  	[spmem:s13], [sflag:s10] =	dma.local @!p1 [hbm:s9], $0x320  }
0x1b1: {  	s9 =	sadd.s32 @!p1 s11, s0  }
0x1b2: {  	s9 =	sshrl.u32 @!p1 s9, $0x3;
	s13 =	rddreg [dreg:$0x12]  }
0x1b3: {  	s9 =	sadd.s32 @!p1 s6, s9;
	s13 =	sshrl.u32 @!p1 s13, $0x3  }
0x1b4: {  	[spmem:s13], [sflag:s10] =	dma.local @!p1 [hbm:s9], $0x320  }
0x1b5: {  	s9 =	sadd.s32 @!p1 s12, s0  }
0x1b6: {  	s9 =	sshrl.u32 @!p1 s9, $0x3;
	s13 =	rddreg [dreg:$0x13]  }
0x1b7: {  	s9 =	sadd.s32 @!p1 s6, s9;
	s13 =	sshrl.u32 @!p1 s13, $0x3  }
0x1b8: {  	[spmem:s13], [sflag:s10] =	dma.local @!p1 [hbm:s9], $0x320  }
0x1b9: {  	s9 =	sadd.s32 @!p1 s14, s0  }
0x1ba: {  	s9 =	sshrl.u32 @!p1 s9, $0x3;
	s13 =	rddreg [dreg:$0x17]  }
0x1bb: {  	s9 =	sadd.s32 @!p1 s6, s9;
	s13 =	sshrl.u32 @!p1 s13, $0x3  }
0x1bc: {  	[spmem:s13], [sflag:s10] =	dma.local @!p1 [hbm:s9], $0x320  }
0x1bd: {  	s9 =	sadd.s32 @!p1 s17, s0  }
0x1be: {  	s9 =	sshrl.u32 @!p1 s9, $0x3;
	s13 =	rddreg [dreg:$0x18]  }
0x1bf: {  	s9 =	sadd.s32 @!p1 s6, s9;
	s13 =	sshrl.u32 @!p1 s13, $0x3  }
0x1c0: {  	[spmem:s13], [sflag:s10] =	dma.local @!p1 [hbm:s9], $0x320  }
0x1c1: {  	s9 =	sadd.s32 @!p1 s19, s0  }
0x1c2: {  	s9 =	sshrl.u32 @!p1 s9, $0x3;
	s13 =	rddreg [dreg:$0x19]  }
0x1c3: {  	s9 =	sadd.s32 @!p1 s6, s9;
	s13 =	sshrl.u32 @!p1 s13, $0x3  }
0x1c4: {  	[spmem:s13], [sflag:s10] =	dma.local @!p1 [hbm:s9], $0x320  }
0x1c5: {  	s9 =	stileid.u32  }
0x1c6: {  	p2 =	sgt.u32 @!p1 s9, $0xC  }
0x1c7: {  	p2 =	por p2, p1  }
0x1c8: {  	s0 =	sadd.s32 @!p2 s20, s0  }
0x1c9: {  	s0 =	sshrl.u32 @!p2 s0, $0x3  }
0x1ca: {  	s30 =	sshll.u32 s30, $0xC;
	s9 =	sshrl.u32 @!p2 s23, $0x3;
	s0 =	sadd.s32 @!p2 s6, s0  }
0x1cb: {  	[spmem:s9], [sflag:s10] =	dma.local @!p2 [hbm:s0], $0x320  }
0x1cc: {  	s0 =	sand.u32 $0x7C000, s30  }
0x1cd: {  	s0 =	sor.u32 s25, s0  }
0x1ce: {  	s0 =	sshrl.u32 s0, $0x3  }
0x1cf: {  	s28 =	simm.s32 $0x0;
	s0 =	sadd.s32 s5, s0  }
0x1d0: {  	[tilespmem:s28], [sflag:$0x3] =	stream.linear.gather [hbm4b:s0+s28], $0x400, $0x38;
	[tilespmem:$0x1CAA0] =	vst v63  }
0x1d1: {  	_ =	swait.ge [sflag:s15], $0x400  }
0x1d2: {  	[sflag:s15] =	ssyncset.done $0x0  }
0x1d3: {  	s9 =	simm.s32 $0x2400;
	s0 =	simm.s32 $0xC3500;
	[sflag:s15] =	ssyncadd.s32 $0xFFFFFC00  }
.LBB2_7:
0x1d4: {  	v0 =	vld [tilespmem:$0x0];
	_ =	sdelay $0x4  }
0x1d5: {  	s13 =	sshra.s32 s28, $0x2;
	v0 =	vadd.s32 s0, v0  }
0x1d6: {  	[tilespmem:s13+$0x400] =	vst v0  }
0x1d7: {  	v0 =	vld [tilespmem:$0x10];
	_ =	sdelay $0x4  }
0x1d8: {  	v0 =	vadd.s32 s0, v0  }
0x1d9: {  	[tilespmem:s13+$0x410] =	vst v0  }
0x1da: {  	v0 =	vld [tilespmem:$0x20];
	_ =	sdelay $0x4  }
0x1db: {  	v0 =	vadd.s32 s0, v0  }
0x1dc: {  	[tilespmem:s13+$0x420] =	vst v0  }
0x1dd: {  	v0 =	vld [tilespmem:$0x30];
	_ =	sdelay $0x4  }
0x1de: {  	v0 =	vadd.s32 s0, v0  }
0x1df: {  	[tilespmem:s13+$0x430] =	vst v0  }
0x1e0: {  	v0 =	vld [tilespmem:$0x40];
	_ =	sdelay $0x4  }
0x1e1: {  	v0 =	vadd.s32 s0, v0  }
0x1e2: {  	[tilespmem:s13+$0x440] =	vst v0  }
0x1e3: {  	v0 =	vld [tilespmem:$0x50];
	_ =	sdelay $0x4  }
0x1e4: {  	v0 =	vadd.s32 s0, v0  }
0x1e5: {  	[tilespmem:s13+$0x450] =	vst v0  }
0x1e6: {  	v0 =	vld [tilespmem:$0x60];
	_ =	sdelay $0x4  }
0x1e7: {  	v0 =	vadd.s32 s0, v0  }
0x1e8: {  	[tilespmem:s13+$0x460] =	vst v0  }
0x1e9: {  	v0 =	vld [tilespmem:$0x70];
	_ =	sdelay $0x4  }
0x1ea: {  	v0 =	vadd.s32 s0, v0  }
0x1eb: {  	s21 =	sadd.s32 $0x400, s13;
	[tilespmem:s13+$0x470] =	vst v0  }
0x1ec: {  	[tilespmem:s9], [sflag:$0x1] =	stream.indirect.gather [spmem:s2], $0x1, s21, s16, $0xb8;
	[tilespmem:$0x1CAA0] =	vst v63  }
0x1ed: {  	v0 =	vld [tilespmem:$0x80];
	_ =	sdelay $0x4  }
0x1ee: {  	v0 =	vadd.s32 s0, v0  }
0x1ef: {  	[tilespmem:s13+$0x480] =	vst v0  }
0x1f0: {  	v0 =	vld [tilespmem:$0x90];
	_ =	sdelay $0x4  }
0x1f1: {  	v0 =	vadd.s32 s0, v0  }
0x1f2: {  	[tilespmem:s13+$0x490] =	vst v0  }
0x1f3: {  	v0 =	vld [tilespmem:$0xA0];
	_ =	sdelay $0x4  }
0x1f4: {  	v0 =	vadd.s32 s0, v0  }
0x1f5: {  	[tilespmem:s13+$0x4A0] =	vst v0  }
0x1f6: {  	v0 =	vld [tilespmem:$0xB0];
	_ =	sdelay $0x4  }
0x1f7: {  	v0 =	vadd.s32 s0, v0  }
0x1f8: {  	[tilespmem:s13+$0x4B0] =	vst v0  }
0x1f9: {  	v0 =	vld [tilespmem:$0xC0];
	_ =	sdelay $0x4  }
0x1fa: {  	v0 =	vadd.s32 s0, v0  }
0x1fb: {  	[tilespmem:s13+$0x4C0] =	vst v0  }
0x1fc: {  	v0 =	vld [tilespmem:$0xD0];
	_ =	sdelay $0x4  }
0x1fd: {  	v0 =	vadd.s32 s0, v0  }
0x1fe: {  	[tilespmem:s13+$0x4D0] =	vst v0  }
0x1ff: {  	v0 =	vld [tilespmem:$0xE0];
	_ =	sdelay $0x4  }
0x200: {  	v0 =	vadd.s32 s0, v0  }
0x201: {  	[tilespmem:s13+$0x4E0] =	vst v0  }
0x202: {  	v0 =	vld [tilespmem:$0xF0];
	_ =	sdelay $0x4  }
0x203: {  	v0 =	vadd.s32 s0, v0  }
0x204: {  	s22 =	sadd.s32 $0x400, s9;
	s30 =	sadd.s32 $0x480, s13;
	[tilespmem:s13+$0x4F0] =	vst v0  }
0x205: {  	[tilespmem:s22], [sflag:$0x1] =	stream.indirect.gather [spmem:s2], $0x1, s30, s16, $0xb8;
	[tilespmem:$0x1CAA0] =	vst v63  }
0x206: {  	v0 =	vld [tilespmem:$0x100];
	_ =	sdelay $0x4  }
0x207: {  	v0 =	vadd.s32 s0, v0  }
0x208: {  	[tilespmem:s13+$0x500] =	vst v0  }
0x209: {  	v0 =	vld [tilespmem:$0x110];
	_ =	sdelay $0x4  }
0x20a: {  	v0 =	vadd.s32 s0, v0  }
0x20b: {  	[tilespmem:s13+$0x510] =	vst v0  }
0x20c: {  	v0 =	vld [tilespmem:$0x120];
	_ =	sdelay $0x4  }
0x20d: {  	v0 =	vadd.s32 s0, v0  }
0x20e: {  	[tilespmem:s13+$0x520] =	vst v0  }
0x20f: {  	v0 =	vld [tilespmem:$0x130];
	_ =	sdelay $0x4  }
0x210: {  	v0 =	vadd.s32 s0, v0  }
0x211: {  	[tilespmem:s13+$0x530] =	vst v0  }
0x212: {  	v0 =	vld [tilespmem:$0x140];
	_ =	sdelay $0x4  }
0x213: {  	v0 =	vadd.s32 s0, v0  }
0x214: {  	[tilespmem:s13+$0x540] =	vst v0  }
0x215: {  	v0 =	vld [tilespmem:$0x150];
	_ =	sdelay $0x4  }
0x216: {  	v0 =	vadd.s32 s0, v0  }
0x217: {  	[tilespmem:s13+$0x550] =	vst v0  }
0x218: {  	v0 =	vld [tilespmem:$0x160];
	_ =	sdelay $0x4  }
0x219: {  	v0 =	vadd.s32 s0, v0  }
0x21a: {  	[tilespmem:s13+$0x560] =	vst v0  }
0x21b: {  	v0 =	vld [tilespmem:$0x170];
	_ =	sdelay $0x4  }
0x21c: {  	v0 =	vadd.s32 s0, v0  }
0x21d: {  	s29 =	sadd.s32 $0x500, s13;
	s30 =	sadd.s32 $0x800, s9;
	[tilespmem:s13+$0x570] =	vst v0  }
0x21e: {  	[tilespmem:s30], [sflag:$0x1] =	stream.indirect.gather [spmem:s2], $0x1, s29, s16, $0xb8;
	[tilespmem:$0x1CAA0] =	vst v63  }
0x21f: {  	v0 =	vld [tilespmem:$0x180];
	_ =	sdelay $0x4  }
0x220: {  	v0 =	vadd.s32 s0, v0  }
0x221: {  	[tilespmem:s13+$0x580] =	vst v0  }
0x222: {  	v0 =	vld [tilespmem:$0x190];
	_ =	sdelay $0x4  }
0x223: {  	v0 =	vadd.s32 s0, v0  }
0x224: {  	[tilespmem:s13+$0x590] =	vst v0  }
0x225: {  	v0 =	vld [tilespmem:$0x1A0];
	_ =	sdelay $0x4  }
0x226: {  	v0 =	vadd.s32 s0, v0  }
0x227: {  	[tilespmem:s13+$0x5A0] =	vst v0  }
0x228: {  	v0 =	vld [tilespmem:$0x1B0];
	_ =	sdelay $0x4  }
0x229: {  	v0 =	vadd.s32 s0, v0  }
0x22a: {  	[tilespmem:s13+$0x5B0] =	vst v0  }
0x22b: {  	v0 =	vld [tilespmem:$0x1C0];
	_ =	sdelay $0x4  }
0x22c: {  	v0 =	vadd.s32 s0, v0  }
0x22d: {  	[tilespmem:s13+$0x5C0] =	vst v0  }
0x22e: {  	v0 =	vld [tilespmem:$0x1D0];
	_ =	sdelay $0x4  }
0x22f: {  	v0 =	vadd.s32 s0, v0  }
0x230: {  	[tilespmem:s13+$0x5D0] =	vst v0  }
0x231: {  	v0 =	vld [tilespmem:$0x1E0];
	_ =	sdelay $0x4  }
0x232: {  	v0 =	vadd.s32 s0, v0  }
0x233: {  	[tilespmem:s13+$0x5E0] =	vst v0  }
0x234: {  	v0 =	vld [tilespmem:$0x1F0];
	_ =	sdelay $0x4  }
0x235: {  	v0 =	vadd.s32 s0, v0  }
0x236: {  	s29 =	sadd.s32 $0x580, s13;
	s30 =	sadd.s32 $0xC00, s9;
	[tilespmem:s13+$0x5F0] =	vst v0  }
0x237: {  	[tilespmem:s30], [sflag:$0x1] =	stream.indirect.gather [spmem:s2], $0x1, s29, s16, $0xb8;
	[tilespmem:$0x1CAA0] =	vst v63  }
0x238: {  	v0 =	vld [tilespmem:$0x200];
	_ =	sdelay $0x4  }
0x239: {  	v0 =	vadd.s32 s0, v0  }
0x23a: {  	[tilespmem:s13+$0x600] =	vst v0  }
0x23b: {  	v0 =	vld [tilespmem:$0x210];
	_ =	sdelay $0x4  }
0x23c: {  	v0 =	vadd.s32 s0, v0  }
0x23d: {  	[tilespmem:s13+$0x610] =	vst v0  }
0x23e: {  	v0 =	vld [tilespmem:$0x220];
	_ =	sdelay $0x4  }
0x23f: {  	v0 =	vadd.s32 s0, v0  }
0x240: {  	[tilespmem:s13+$0x620] =	vst v0  }
0x241: {  	v0 =	vld [tilespmem:$0x230];
	_ =	sdelay $0x4  }
0x242: {  	v0 =	vadd.s32 s0, v0  }
0x243: {  	[tilespmem:s13+$0x630] =	vst v0  }
0x244: {  	v0 =	vld [tilespmem:$0x240];
	_ =	sdelay $0x4  }
0x245: {  	v0 =	vadd.s32 s0, v0  }
0x246: {  	[tilespmem:s13+$0x640] =	vst v0  }
0x247: {  	v0 =	vld [tilespmem:$0x250];
	_ =	sdelay $0x4  }
0x248: {  	v0 =	vadd.s32 s0, v0  }
0x249: {  	[tilespmem:s13+$0x650] =	vst v0  }
0x24a: {  	v0 =	vld [tilespmem:$0x260];
	_ =	sdelay $0x4  }
0x24b: {  	v0 =	vadd.s32 s0, v0  }
0x24c: {  	[tilespmem:s13+$0x660] =	vst v0  }
0x24d: {  	v0 =	vld [tilespmem:$0x270];
	_ =	sdelay $0x4  }
0x24e: {  	v0 =	vadd.s32 s0, v0  }
0x24f: {  	s29 =	sadd.s32 $0x600, s13;
	s30 =	sadd.s32 $0x1000, s9;
	[tilespmem:s13+$0x670] =	vst v0  }
0x250: {  	[tilespmem:s30], [sflag:$0x1] =	stream.indirect.gather [spmem:s2], $0x1, s29, s16, $0xb8;
	[tilespmem:$0x1CAA0] =	vst v63  }
0x251: {  	v0 =	vld [tilespmem:$0x280];
	_ =	sdelay $0x4  }
0x252: {  	v0 =	vadd.s32 s0, v0  }
0x253: {  	[tilespmem:s13+$0x680] =	vst v0  }
0x254: {  	v0 =	vld [tilespmem:$0x290];
	_ =	sdelay $0x4  }
0x255: {  	v0 =	vadd.s32 s0, v0  }
0x256: {  	[tilespmem:s13+$0x690] =	vst v0  }
0x257: {  	v0 =	vld [tilespmem:$0x2A0];
	_ =	sdelay $0x4  }
0x258: {  	v0 =	vadd.s32 s0, v0  }
0x259: {  	[tilespmem:s13+$0x6A0] =	vst v0  }
0x25a: {  	v0 =	vld [tilespmem:$0x2B0];
	_ =	sdelay $0x4  }
0x25b: {  	v0 =	vadd.s32 s0, v0  }
0x25c: {  	[tilespmem:s13+$0x6B0] =	vst v0  }
0x25d: {  	v0 =	vld [tilespmem:$0x2C0];
	_ =	sdelay $0x4  }
0x25e: {  	v0 =	vadd.s32 s0, v0  }
0x25f: {  	[tilespmem:s13+$0x6C0] =	vst v0  }
0x260: {  	v0 =	vld [tilespmem:$0x2D0];
	_ =	sdelay $0x4  }
0x261: {  	v0 =	vadd.s32 s0, v0  }
0x262: {  	[tilespmem:s13+$0x6D0] =	vst v0  }
0x263: {  	v0 =	vld [tilespmem:$0x2E0];
	_ =	sdelay $0x4  }
0x264: {  	v0 =	vadd.s32 s0, v0  }
0x265: {  	[tilespmem:s13+$0x6E0] =	vst v0  }
0x266: {  	v0 =	vld [tilespmem:$0x2F0];
	_ =	sdelay $0x4  }
0x267: {  	v0 =	vadd.s32 s0, v0  }
0x268: {  	s29 =	sadd.s32 $0x680, s13;
	s30 =	sadd.s32 $0x1400, s9;
	[tilespmem:s13+$0x6F0] =	vst v0  }
0x269: {  	[tilespmem:s30], [sflag:$0x1] =	stream.indirect.gather [spmem:s2], $0x1, s29, s16, $0xb8;
	[tilespmem:$0x1CAA0] =	vst v63  }
0x26a: {  	v0 =	vld [tilespmem:$0x300];
	_ =	sdelay $0x4  }
0x26b: {  	v0 =	vadd.s32 s0, v0  }
0x26c: {  	[tilespmem:s13+$0x700] =	vst v0  }
0x26d: {  	v0 =	vld [tilespmem:$0x310];
	_ =	sdelay $0x4  }
0x26e: {  	v0 =	vadd.s32 s0, v0  }
0x26f: {  	[tilespmem:s13+$0x710] =	vst v0  }
0x270: {  	v0 =	vld [tilespmem:$0x320];
	_ =	sdelay $0x4  }
0x271: {  	v0 =	vadd.s32 s0, v0  }
0x272: {  	[tilespmem:s13+$0x720] =	vst v0  }
0x273: {  	v0 =	vld [tilespmem:$0x330];
	_ =	sdelay $0x4  }
0x274: {  	v0 =	vadd.s32 s0, v0  }
0x275: {  	[tilespmem:s13+$0x730] =	vst v0  }
0x276: {  	v0 =	vld [tilespmem:$0x340];
	_ =	sdelay $0x4  }
0x277: {  	v0 =	vadd.s32 s0, v0  }
0x278: {  	[tilespmem:s13+$0x740] =	vst v0  }
0x279: {  	v0 =	vld [tilespmem:$0x350];
	_ =	sdelay $0x4  }
0x27a: {  	v0 =	vadd.s32 s0, v0  }
0x27b: {  	[tilespmem:s13+$0x750] =	vst v0  }
0x27c: {  	v0 =	vld [tilespmem:$0x360];
	_ =	sdelay $0x4  }
0x27d: {  	v0 =	vadd.s32 s0, v0  }
0x27e: {  	[tilespmem:s13+$0x760] =	vst v0  }
0x27f: {  	v0 =	vld [tilespmem:$0x370];
	_ =	sdelay $0x4  }
0x280: {  	v0 =	vadd.s32 s0, v0  }
0x281: {  	s29 =	sadd.s32 $0x700, s13;
	s30 =	sadd.s32 $0x1800, s9;
	[tilespmem:s13+$0x770] =	vst v0  }
0x282: {  	[tilespmem:s30], [sflag:$0x1] =	stream.indirect.gather [spmem:s2], $0x1, s29, s16, $0xb8;
	[tilespmem:$0x1CAA0] =	vst v63  }
0x283: {  	v0 =	vld [tilespmem:$0x380];
	_ =	sdelay $0x4  }
0x284: {  	v0 =	vadd.s32 s0, v0  }
0x285: {  	[tilespmem:s13+$0x780] =	vst v0  }
0x286: {  	v0 =	vld [tilespmem:$0x390];
	_ =	sdelay $0x4  }
0x287: {  	v0 =	vadd.s32 s0, v0  }
0x288: {  	[tilespmem:s13+$0x790] =	vst v0  }
0x289: {  	v0 =	vld [tilespmem:$0x3A0];
	_ =	sdelay $0x4  }
0x28a: {  	v0 =	vadd.s32 s0, v0  }
0x28b: {  	[tilespmem:s13+$0x7A0] =	vst v0  }
0x28c: {  	v0 =	vld [tilespmem:$0x3B0];
	_ =	sdelay $0x4  }
0x28d: {  	v0 =	vadd.s32 s0, v0  }
0x28e: {  	[tilespmem:s13+$0x7B0] =	vst v0  }
0x28f: {  	v0 =	vld [tilespmem:$0x3C0];
	_ =	sdelay $0x4  }
0x290: {  	v0 =	vadd.s32 s0, v0  }
0x291: {  	[tilespmem:s13+$0x7C0] =	vst v0  }
0x292: {  	v0 =	vld [tilespmem:$0x3D0];
	_ =	sdelay $0x4  }
0x293: {  	v0 =	vadd.s32 s0, v0  }
0x294: {  	[tilespmem:s13+$0x7D0] =	vst v0  }
0x295: {  	v0 =	vld [tilespmem:$0x3E0];
	_ =	sdelay $0x4  }
0x296: {  	v0 =	vadd.s32 s0, v0  }
0x297: {  	[tilespmem:s13+$0x7E0] =	vst v0  }
0x298: {  	v0 =	vld [tilespmem:$0x3F0];
	_ =	sdelay $0x1  }
0x299: {  	p2 =	sne.s32 s28, $0x7000  }
.Ltmp4:
0x29a: {  	_ = 	snop;
	(pc) =	sbr.rel @p2 .LBB2_7-.Ltmp4, $4  }
0x29b: {  	_ = 	snop  }
0x29c: {  	s28 =	sadd.s32 $0x1000, s28;
	s29 =	sadd.s32 $0x780, s13;
	v0 =	vadd.s32 s0, v0  }
0x29d: {  	s30 =	sadd.s32 $0x1C00, s9;
	s9 =	sadd.s32 $0x80, s9;
	s0 =	sadd.s32 $0x186A0, s0;
	[tilespmem:s13+$0x7F0] =	vst v0  }
0x29e: {  	[tilespmem:s30], [sflag:$0x1] =	stream.indirect.gather [spmem:s2], $0x1, s29, s16, $0xb8;
	[tilespmem:$0x1CAA0] =	vst v63  }
0x29f: {  	_ =	swait.ge [sflag:s18], $0x2000  }
0x2a0: {  	[sflag:s18] =	ssyncset.done $0x0  }
0x2a1: {  	s0 =	simm.s32 $0x2400;
	[sflag:s18] =	ssyncadd.s32 $0xFFFFE000  }
0x2a2: {  	[hbm4b:s24+s3] =	stream.linear.scatter [tilespmem:s0], [sflag:$0x3], $0x80, $0x38;
	[tilespmem:$0x1CAA0] =	vst v63  }
0x2a3: {  	s30 =	simm.s32 $0x2800;
	s9 =	sadd.s32 $0x80, s24  }
0x2a4: {  	[hbm4b:s9+s3] =	stream.linear.scatter [tilespmem:s30], [sflag:$0x3], $0x80, $0x38;
	[tilespmem:$0x1CAA0] =	vst v63  }
0x2a5: {  	s13 =	simm.s32 $0x2C00;
	s21 =	sadd.s32 $0x100, s24  }
0x2a6: {  	[hbm4b:s21+s3] =	stream.linear.scatter [tilespmem:s13], [sflag:$0x3], $0x80, $0x38;
	[tilespmem:$0x1CAA0] =	vst v63  }
0x2a7: {  	s22 =	simm.s32 $0x3000;
	s28 =	sadd.s32 $0x180, s24  }
0x2a8: {  	[hbm4b:s28+s3] =	stream.linear.scatter [tilespmem:s22], [sflag:$0x3], $0x80, $0x38;
	[tilespmem:$0x1CAA0] =	vst v63  }
0x2a9: {  	s29 =	simm.s32 $0x3400;
	s30 =	sadd.s32 $0x200, s24  }
0x2aa: {  	[hbm4b:s30+s3] =	stream.linear.scatter [tilespmem:s29], [sflag:$0x3], $0x80, $0x38;
	[tilespmem:$0x1CAA0] =	vst v63  }
0x2ab: {  	s13 =	simm.s32 $0x3800;
	s21 =	sadd.s32 $0x280, s24  }
0x2ac: {  	[hbm4b:s21+s3] =	stream.linear.scatter [tilespmem:s13], [sflag:$0x3], $0x80, $0x38;
	[tilespmem:$0x1CAA0] =	vst v63  }
0x2ad: {  	s22 =	simm.s32 $0x3C00;
	s28 =	sadd.s32 $0x300, s24  }
0x2ae: {  	[hbm4b:s28+s3] =	stream.linear.scatter [tilespmem:s22], [sflag:$0x3], $0x80, $0x38;
	[tilespmem:$0x1CAA0] =	vst v63  }
0x2af: {  	s29 =	simm.s32 $0x4000;
	s30 =	sadd.s32 $0x380, s24  }
0x2b0: {  	[hbm4b:s30+s3] =	stream.linear.scatter [tilespmem:s29], [sflag:$0x3], $0x80, $0x38;
	[tilespmem:$0x1CAA0] =	vst v63  }
0x2b1: {  	s0 =	sadd.s32 $0x10, s24;
	_ =	swait.ge [sflag:s15], $0x400  }
0x2b2: {  	s9 =	simm.s32 $0x200;
	s13 =	simm.s32 $0x400;
	[sflag:s15] =	ssyncset.done $0x0  }
.LBB2_9:
0x2b3: {  	s21 =	sshra.s32 s9, $0x2  }
0x2b4: {  	[sflag:s15] =	ssyncadd.s32 $0xFFFFFC00;
	s9 =	smov.u32 s13;
	s22 =	sadd.s32 $0x200, s13  }
0x2b5: {  	p2 =	sne.s32 s13, $0xE00;
	s13 =	sadd.s32 $0x2400, s21  }
0x2b6: {  	[hbm4b:s0+s3] =	stream.linear.scatter [tilespmem:s13], [sflag:$0x3], $0x80, $0x38;
	[tilespmem:$0x1CAA0] =	vst v63  }
0x2b7: {  	s28 =	sadd.s32 $0x80, s0;
	s13 =	sadd.s32 $0x2800, s21  }
0x2b8: {  	[hbm4b:s28+s3] =	stream.linear.scatter [tilespmem:s13], [sflag:$0x3], $0x80, $0x38;
	[tilespmem:$0x1CAA0] =	vst v63  }
0x2b9: {  	s13 =	sadd.s32 $0x2C00, s21;
	s28 =	sadd.s32 $0x100, s0  }
0x2ba: {  	[hbm4b:s28+s3] =	stream.linear.scatter [tilespmem:s13], [sflag:$0x3], $0x80, $0x38;
	[tilespmem:$0x1CAA0] =	vst v63  }
0x2bb: {  	s13 =	sadd.s32 $0x3000, s21;
	s28 =	sadd.s32 $0x180, s0  }
0x2bc: {  	[hbm4b:s28+s3] =	stream.linear.scatter [tilespmem:s13], [sflag:$0x3], $0x80, $0x38;
	[tilespmem:$0x1CAA0] =	vst v63  }
0x2bd: {  	s13 =	sadd.s32 $0x3400, s21;
	s28 =	sadd.s32 $0x200, s0  }
0x2be: {  	[hbm4b:s28+s3] =	stream.linear.scatter [tilespmem:s13], [sflag:$0x3], $0x80, $0x38;
	[tilespmem:$0x1CAA0] =	vst v63  }
0x2bf: {  	s13 =	sadd.s32 $0x3800, s21;
	s28 =	sadd.s32 $0x280, s0  }
0x2c0: {  	[hbm4b:s28+s3] =	stream.linear.scatter [tilespmem:s13], [sflag:$0x3], $0x80, $0x38;
	[tilespmem:$0x1CAA0] =	vst v63  }
0x2c1: {  	s13 =	sadd.s32 $0x3C00, s21;
	s28 =	sadd.s32 $0x300, s0  }
0x2c2: {  	[hbm4b:s28+s3] =	stream.linear.scatter [tilespmem:s13], [sflag:$0x3], $0x80, $0x38;
	[tilespmem:$0x1CAA0] =	vst v63  }
.Ltmp5:
0x2c3: {  	_ = 	snop;
	(pc) =	sbr.rel @p2 .LBB2_9-.Ltmp5, $4  }
0x2c4: {  	s13 =	sadd.s32 $0x4000, s21;
	s21 =	sadd.s32 $0x380, s0  }
0x2c5: {  	[hbm4b:s21+s3] =	stream.linear.scatter [tilespmem:s13], [sflag:$0x3], $0x80, $0x38;
	[tilespmem:$0x1CAA0] =	vst v63  }
0x2c6: {  	_ =	swait.ge [sflag:s15], $0x400  }
0x2c7: {  	s0 =	sadd.s32 $0x10, s0;
	s13 =	smov.u32 s22;
	[sflag:s15] =	ssyncset.done $0x0  }
0x2c8: {  	s9 =	sshra.s32 s9, $0x2  }
0x2c9: {  	[sflag:s15] =	ssyncadd.s32 $0xFFFFFC00;
	s13 =	sadd.s32 $0x2400, s9  }
0x2ca: {  	[hbm4b:s0+s3] =	stream.linear.scatter [tilespmem:s13], [sflag:$0x3], $0x80, $0x38;
	[tilespmem:$0x1CAA0] =	vst v63  }
0x2cb: {  	s21 =	sadd.s32 $0x80, s0;
	s28 =	sadd.s32 $0x2800, s9  }
0x2cc: {  	[hbm4b:s21+s3] =	stream.linear.scatter [tilespmem:s28], [sflag:$0x3], $0x80, $0x38;
	[tilespmem:$0x1CAA0] =	vst v63  }
0x2cd: {  	s30 =	sadd.s32 $0x100, s0;
	s29 =	sadd.s32 $0x2C00, s9  }
0x2ce: {  	[hbm4b:s30+s3] =	stream.linear.scatter [tilespmem:s29], [sflag:$0x3], $0x80, $0x38;
	[tilespmem:$0x1CAA0] =	vst v63  }
0x2cf: {  	s22 =	sadd.s32 $0x3000, s9;
	s28 =	sadd.s32 $0x180, s0  }
0x2d0: {  	[hbm4b:s28+s3] =	stream.linear.scatter [tilespmem:s22], [sflag:$0x3], $0x80, $0x38;
	[tilespmem:$0x1CAA0] =	vst v63  }
0x2d1: {  	s29 =	sadd.s32 $0x3400, s9;
	s30 =	sadd.s32 $0x200, s0  }
0x2d2: {  	[hbm4b:s30+s3] =	stream.linear.scatter [tilespmem:s29], [sflag:$0x3], $0x80, $0x38;
	[tilespmem:$0x1CAA0] =	vst v63  }
0x2d3: {  	s21 =	sadd.s32 $0x3800, s9;
	s22 =	sadd.s32 $0x280, s0  }
0x2d4: {  	[hbm4b:s22+s3] =	stream.linear.scatter [tilespmem:s21], [sflag:$0x3], $0x80, $0x38;
	[tilespmem:$0x1CAA0] =	vst v63  }
0x2d5: {  	s28 =	sadd.s32 $0x3C00, s9;
	s29 =	sadd.s32 $0x300, s0  }
0x2d6: {  	[hbm4b:s29+s3] =	stream.linear.scatter [tilespmem:s28], [sflag:$0x3], $0x80, $0x38;
	[tilespmem:$0x1CAA0] =	vst v63  }
.Ltmp6:
0x2d7: {  	s9 =	sadd.s32 $0x4000, s9;
	s30 =	sadd.s32 $0x380, s0;
	(pc) =	sbr.rel @p1 .LBB2_12-.Ltmp6, $4  }
0x2d8: {  	[hbm4b:s30+s3] =	stream.linear.scatter [tilespmem:s9], [sflag:$0x3], $0x80, $0x38;
	[tilespmem:$0x1CAA0] =	vst v63  }
0x2d9: {  	_ =	swait.ge [sflag:s15], $0x400  }
0x2da: {  	[sflag:s15] =	ssyncset.done $0x0  }
0x2db: {  	[sflag:s15] =	ssyncadd.s32 $0xFFFFFC00  }
0x2dc: {  	_ =	swait.ge [sflag:s31], $0x320  }
0x2dd: {  	[sflag:s31] =	ssyncset.done $0x0  }
0x2de: {  	[sflag:s31] =	ssyncadd.s32 $0xFFFFFCE0  }
0x2df: {  	_ =	swait.ge [sflag:s31], $0x320  }
0x2e0: {  	[sflag:s31] =	ssyncset.done $0x0  }
0x2e1: {  	[sflag:s31] =	ssyncadd.s32 $0xFFFFFCE0  }
0x2e2: {  	_ =	swait.ge [sflag:s31], $0x320  }
0x2e3: {  	[sflag:s31] =	ssyncset.done $0x0  }
0x2e4: {  	[sflag:s31] =	ssyncadd.s32 $0xFFFFFCE0  }
0x2e5: {  	_ =	swait.ge [sflag:s31], $0x320  }
0x2e6: {  	[sflag:s31] =	ssyncset.done $0x0  }
0x2e7: {  	[sflag:s31] =	ssyncadd.s32 $0xFFFFFCE0  }
0x2e8: {  	_ =	swait.ge [sflag:s31], $0x320  }
0x2e9: {  	[sflag:s31] =	ssyncset.done $0x0  }
0x2ea: {  	[sflag:s31] =	ssyncadd.s32 $0xFFFFFCE0  }
0x2eb: {  	_ =	swait.ge [sflag:s31], $0x320  }
0x2ec: {  	[sflag:s31] =	ssyncset.done $0x0  }
0x2ed: {  	[sflag:s31] =	ssyncadd.s32 $0xFFFFFCE0  }
0x2ee: {  	_ =	swait.ge [sflag:s31], $0x320  }
0x2ef: {  	[sflag:s31] =	ssyncset.done $0x0  }
0x2f0: {  	s0 =	simm.s32 @!p0 $0x2;
	[sflag:s31] =	ssyncadd.s32 $0xFFFFFCE0  }
.Ltmp7:
0x2f1: {  	_ =	swait.ge @!p0 [sflag:s0], $0x320;
	(pc) =	sbr.rel .LBB2_2-.Ltmp7, $4  }
0x2f2: {  	[sflag:s0] =	ssyncset.done @!p0 $0x0  }
0x2f3: {  	[sflag:s0] =	ssyncadd.s32 @!p0 $0xFFFFFCE0  }
0x2f4: {  	[bflag:$0x0] =	sbarrier.arrive $0xFFFF  }
0x2f5: {  	s1 =	sadd.s32 $0x1, s1;
	s26 =	sadd.s32 $0x8000, s26;
	s24 =	sadd.s32 $0x8000, s24  }
.LBB2_13:
0x2f6: {  	_ =	sfence.sel $0x180000  }
0x2f7: {  	[bflag:$0x0] =	sbarrier.arrive $0xFFFF  }
0x2f8: {  	_ =	strace $0x90000047  }
0x2f9: {  	s0 =	stileid.u32;
	[bflag:$0x2] =	sbarrier.arrive $0xFFFF  }
0x2fa: {  	p0 =	sne.s32 s0, $0x0;
	s0 =	rddreg [dreg:$0x3]  }
0x2fb: {  	s0 =	sadd.s32 @!p0 $0x100000, s0  }
0x2fc: {  	[sflag:s0] =	ssyncadd.tile.s32 @!p0 $0x1;
	_ =	shalt  }
.Lfunc_end2:
_tile_overlayer_lowered:
.L_overlay_start_2:
0x2fd: {  	(tag) =	ssettag $0x2  }
0x2fe: {  	s0 =	rddreg [dreg:$0x0];
	s2 =	stileid.u32  }
0x2ff: {  	s1 =	rddreg [dreg:$0x1];
	p0 =	sne.s32 s2, $0x0  }
0x300: {  	s3 =	rddreg [dreg:$0x2];
	[bflag:$0x3] =	sbarrier.arrive $0xFFFF;
	s2 =	simm.s32 @!p0 $0x1C03  }
0x301: {  	[timem:s3], [sflag:s2] =	dma.local @!p0 [hbm:s0], s1  }
0x302: {  	s0 =	simm.s32 @!p0 $0x3  }
0x303: {  	_ =	swait.ge @!p0 [sflag:s0], s1  }
0x304: {  	s1 =	ssub.s32 @!p0 $0x0, s1;
	[sflag:s0] =	ssyncset.done @!p0 $0x0  }
0x305: {  	[sflag:s0] =	ssyncadd.s32 @!p0 s1  }
0x306: {  	[bflag:$0x3] =	sbarrier.arrive $0xFFFF  }
0x307: {  	_ =	shalt  }

</sc_bundles>
